<compile_context>
chip_gen: v7x
topology: tpu7x:2x2x1
jax: 0.10.2.dev20260603
libtpu: 0.0.44.dev20260713+nightly
codegen_flags: <defaults>
</compile_context>

<pallas_src>
import jax
import jax.numpy as jnp
from jax import lax
from jax.experimental import pallas as pl
from jax.experimental.pallas import tpu as pltpu
from jax.experimental.pallas import tpu_sc as plsc

N = 100000
C = 128
B = 64
EPS = 1e-05

NTC = 80000
NSC = N - NTC

NW = 32
CH = 200
NCHUNK = NSC // CH
CPW = -(-NCHUNK // NW)
NFULL = NCHUNK - NW * (CPW - 1)
NCG = C // 16

BLK = 10000
TBLK = BLK
NBT = NTC // TBLK
NB = N // BLK


def _sc_stats_body(x_hbm, ids_hbm, out1, out2, outc,
                   xbuf0, xbuf1, idbuf, acc1, acc2, cnt, sem0, sem1, semi):
    w = lax.axis_index("s") * 2 + lax.axis_index("c")

    start = jnp.where(w < NFULL, w * CPW,
                      NFULL * CPW + (w - NFULL) * (CPW - 1))
    count = jnp.where(w < NFULL, CPW, CPW - 1)
    base = jnp.minimum(start, NCHUNK - CPW)
    loff = (start - base) * CH
    idcp = pltpu.make_async_copy(
        ids_hbm.at[pl.ds(NTC + base * CH, CPW * CH)],
        idbuf.at[pl.ds(0, CPW * CH)], semi)
    idcp.start()

    zeros16 = jnp.zeros((16,), jnp.float32)

    bufs = (xbuf0, xbuf1)
    sems = (sem0, sem1)

    def _copy(i, buf, sem):
        return pltpu.make_async_copy(
            x_hbm.at[pl.ds(NTC + (start + i) * CH, CH)], buf, sem)

    _copy(0, xbuf0, sem0).start()

    def _zero(g, _):
        for j in range(NCG):
            acc1[g, pl.ds(16 * j, 16)] = zeros16
            acc2[g, pl.ds(16 * j, 16)] = zeros16
        cnt[g, :] = zeros16
        return 0

    lax.fori_loop(0, B, _zero, 0)
    idcp.wait()

    for i in range(CPW):
        xb = bufs[i % 2]
        sm = sems[i % 2]
        nxb = bufs[(i + 1) % 2]
        nsm = sems[(i + 1) % 2]

        @pl.when(i < count)
        def _step(i=i, xb=xb, sm=sm, nxb=nxb, nsm=nsm):
            _copy(i, xb, sm).wait()

            @pl.when(i + 1 < count)
            def _prefetch():
                _copy(i + 1, nxb, nsm).start()

            ib = loff + i * CH
            first = idbuf[pl.ds(ib, 16)][0]
            last = idbuf[pl.ds(ib + CH - 16, 16)][15]

            @pl.when(first == last)
            def _dense():
                def _row(r, carry):
                    out = []
                    for j in range(NCG):
                        v = xb[r, pl.ds(16 * j, 16)]
                        out.append(carry[2 * j] + v)
                        out.append(carry[2 * j + 1] + v * v)
                    return tuple(out)

                init = (zeros16,) * (2 * NCG)
                sums = lax.fori_loop(0, CH, _row, init, unroll=4)
                for j in range(NCG):
                    plsc.addupdate(acc1.at[first, pl.ds(16 * j, 16)],
                                   sums[2 * j])
                    plsc.addupdate(acc2.at[first, pl.ds(16 * j, 16)],
                                   sums[2 * j + 1])
                plsc.addupdate(cnt.at[first],
                               jnp.full((16,), float(CH), jnp.float32))

            @pl.when(first != last)
            def _rowwise():
                def _row(r, _):
                    b = idbuf[pl.ds(ib + r, 16)][0]
                    for j in range(NCG):
                        v = xb[r, pl.ds(16 * j, 16)]
                        plsc.addupdate(acc1.at[b, pl.ds(16 * j, 16)], v)
                        plsc.addupdate(acc2.at[b, pl.ds(16 * j, 16)], v * v)
                    plsc.addupdate(cnt.at[b],
                                   jnp.full((16,), 1.0, jnp.float32))
                    return 0

                lax.fori_loop(0, CH, _row, 0)

    pltpu.sync_copy(acc1, out1.at[w])
    pltpu.sync_copy(acc2, out2.at[w])
    pltpu.sync_copy(cnt, outc.at[w])


def _sc_stats(x, ids):
    mesh = plsc.VectorSubcoreMesh(core_axis_name="c", subcore_axis_name="s")
    f32 = jnp.float32
    run = pl.kernel(
        _sc_stats_body,
        out_type=[
            jax.ShapeDtypeStruct((NW, B, C), f32),
            jax.ShapeDtypeStruct((NW, B, C), f32),
            jax.ShapeDtypeStruct((NW, B, 16), f32),
        ],
        mesh=mesh,
        scratch_types=[
            pltpu.VMEM((CH, C), f32),
            pltpu.VMEM((CH, C), f32),
            pltpu.VMEM((CPW * CH + 16,), jnp.int32),
            pltpu.VMEM((B, C), f32),
            pltpu.VMEM((B, C), f32),
            pltpu.VMEM((B, 16), f32),
            pltpu.SemaphoreType.DMA,
            pltpu.SemaphoreType.DMA,
            pltpu.SemaphoreType.DMA,
        ],
    )
    return run(x, ids)


def _tc_stats_kernel(x_ref, ids_ref, s1_out, s2_out, cnt_out,
                     s1_ref, s2_ref, cnt_ref):
    i = pl.program_id(0)

    @pl.when(i == 0)
    def _init():
        s1_ref[...] = jnp.zeros_like(s1_ref)
        s2_ref[...] = jnp.zeros_like(s2_ref)
        cnt_ref[...] = jnp.zeros_like(cnt_ref)

    x = x_ref[...]
    ids = ids_ref[0]
    onehot_t = (lax.broadcasted_iota(jnp.int32, (B, TBLK), 0) == ids
                ).astype(jnp.float32)
    s1_ref[...] += jnp.dot(onehot_t, x, preferred_element_type=jnp.float32)
    s2_ref[...] += jnp.dot(onehot_t, x * x,
                           preferred_element_type=jnp.float32)
    cnt_ref[...] += jnp.sum(onehot_t, axis=1, keepdims=True)

    @pl.when(i == NBT - 1)
    def _finish():
        s1_out[...] = s1_ref[...]
        s2_out[...] = s2_ref[...]
        cnt_out[...] = cnt_ref[...]


def _norm_kernel(x_ref, ids_ref, p1_ref, p2_ref, pc_ref,
                 t1_ref, t2_ref, tc_ref,
                 w_ref, b_ref, ms_ref, o_ref, a_s, b_s):
    i = pl.program_id(0)

    @pl.when(i == 0)
    def _tables():
        s1 = jnp.sum(p1_ref[...], axis=0) + t1_ref[...]
        s2 = jnp.sum(p2_ref[...], axis=0) + t2_ref[...]
        cntv = jnp.sum(pc_ref[...], axis=0)
        cnt = jnp.maximum(cntv[:, 0:1] + tc_ref[...], 1.0)
        mean = s1 / cnt
        m2 = mean * ms_ref[...]
        var = s2 / cnt - 2.0 * m2 * mean + m2 * m2
        rstd = lax.rsqrt(var + EPS)
        a = w_ref[...] * rstd
        a_s[...] = a
        b_s[...] = b_ref[...] - a * m2

    ids = ids_ref[0]
    onehot_t = (lax.broadcasted_iota(jnp.int32, (B, BLK), 0) == ids
                ).astype(jnp.float32)
    dn = (((0,), (0,)), ((), ()))
    ga = lax.dot_general(onehot_t, a_s[...], dn,
                         preferred_element_type=jnp.float32)
    gb = lax.dot_general(onehot_t, b_s[...], dn,
                         preferred_element_type=jnp.float32)
    o_ref[...] = ga * x_ref[...] + gb


@jax.jit
def kernel(x, batch, weight, bias, mean_scale):
    ids = batch.astype(jnp.int32)
    p1, p2, pc = _sc_stats(x, ids)

    ids3 = ids.reshape(N // TBLK, 1, TBLK)
    t1, t2, tc = pl.pallas_call(
        _tc_stats_kernel,
        grid=(NBT,),
        in_specs=[
            pl.BlockSpec((TBLK, C), lambda i: (i, 0)),
            pl.BlockSpec((1, 1, TBLK), lambda i: (i, 0, 0)),
        ],
        out_specs=[
            pl.BlockSpec((B, C), lambda i: (0, 0)),
            pl.BlockSpec((B, C), lambda i: (0, 0)),
            pl.BlockSpec((B, 1), lambda i: (0, 0)),
        ],
        out_shape=[
            jax.ShapeDtypeStruct((B, C), jnp.float32),
            jax.ShapeDtypeStruct((B, C), jnp.float32),
            jax.ShapeDtypeStruct((B, 1), jnp.float32),
        ],
        scratch_shapes=[
            pltpu.VMEM((B, C), jnp.float32),
            pltpu.VMEM((B, C), jnp.float32),
            pltpu.VMEM((B, 1), jnp.float32),
        ],
    )(x, ids3)

    w2 = weight.reshape(1, C)
    b2 = bias.reshape(1, C)
    ms2 = mean_scale.reshape(1, C)

    out = pl.pallas_call(
        _norm_kernel,
        grid=(NB,),
        in_specs=[
            pl.BlockSpec((BLK, C), lambda i: (i, 0)),
            pl.BlockSpec((1, 1, BLK), lambda i: (i, 0, 0)),
            pl.BlockSpec((NW, B, C), lambda i: (0, 0, 0)),
            pl.BlockSpec((NW, B, C), lambda i: (0, 0, 0)),
            pl.BlockSpec((NW, B, 16), lambda i: (0, 0, 0)),
            pl.BlockSpec((B, C), lambda i: (0, 0)),
            pl.BlockSpec((B, C), lambda i: (0, 0)),
            pl.BlockSpec((B, 1), lambda i: (0, 0)),
            pl.BlockSpec((1, C), lambda i: (0, 0)),
            pl.BlockSpec((1, C), lambda i: (0, 0)),
            pl.BlockSpec((1, C), lambda i: (0, 0)),
        ],
        out_specs=pl.BlockSpec((BLK, C), lambda i: (i, 0)),
        out_shape=jax.ShapeDtypeStruct((N, C), jnp.float32),
        scratch_shapes=[
            pltpu.VMEM((B, C), jnp.float32),
            pltpu.VMEM((B, C), jnp.float32),
        ],
    )(x, ids3, p1, p2, pc, t1, t2, tc, w2, b2, ms2)
    return out

# --- scband reference (transcript-rebuilt; emitter-appended) ---
"""Pipeline reference for scband-graph-norm-24275155157125 (READ-ONLY COPY).

The authoritative reference and input builder live on the scoring server;
editing this copy changes nothing except your own understanding.
"""

import jax, jax.numpy as jnp
import numpy as np

N = 100000
C = 128
B = 64
EPS = 1e-05


def setup_inputs(seed: int = 0) -> dict:
    key = jax.random.key(seed)
    k1, k2 = jax.random.split(key)
    x = jax.random.normal(k1, (N, C), dtype=jnp.float32)
    batch = jnp.sort(jax.random.randint(k2, (N,), 0, B).astype(jnp.int64))
    weight = jnp.ones((C,), dtype=jnp.float32)
    bias = jnp.zeros((C,), dtype=jnp.float32)
    mean_scale = jnp.ones((C,), dtype=jnp.float32)
    return {"x": x, "batch": batch, "weight": weight, "bias": bias, "mean_scale": mean_scale}


def reference(x, batch, weight, bias, mean_scale):
    batch = batch.astype(jnp.int32)
    # per-graph counts (mean reduce with include_self=False == sum / count)
    counts = jnp.bincount(batch, length=B).astype(x.dtype)
    counts = jnp.maximum(counts, 1.0)
    # scatter-mean of x over graphs
    mean = jax.ops.segment_sum(x, batch, num_segments=B) / counts[:, None]
    centered = x - jnp.take(mean, batch, axis=0) * mean_scale
    # scatter-mean of centered^2 over graphs
    var = jax.ops.segment_sum(centered * centered, batch, num_segments=B) / counts[:, None]
    std = jnp.sqrt(var + EPS)
    std_g = jnp.take(std, batch, axis=0)
    return weight * centered / std_g + bias

if __name__ == "__main__":
    import jax
    _d = setup_inputs()
    print(jax.jit(kernel)(*tuple(_d.values())))

</pallas_src>

<mosaic_0001>
#map = affine_map<(d0, d1) -> (0, 0)>
#map1 = affine_map<(d0, d1) -> (0)>
#map2 = affine_map<(d0, d1) -> (0, 0, 0)>
module attributes {stable_mosaic.version = 14 : i64} {
  func.func @_sc_stats_body(%arg0: i32, %arg1: i32, %arg2: memref<100000x128xf32, #tpu.memory_space<hbm>>, %arg3: memref<100000xi32, #tpu.memory_space<hbm>>, %arg4: memref<32x64x128xf32, #tpu.memory_space<hbm>>, %arg5: memref<32x64x128xf32, #tpu.memory_space<hbm>>, %arg6: memref<32x64x16xf32, #tpu.memory_space<hbm>>, %arg7: memref<200x128xf32, #tpu.memory_space<vmem>>, %arg8: memref<200x128xf32, #tpu.memory_space<vmem>>, %arg9: memref<816xi32, #tpu.memory_space<vmem>>, %arg10: memref<64x128xf32, #tpu.memory_space<vmem>>, %arg11: memref<64x128xf32, #tpu.memory_space<vmem>>, %arg12: memref<64x16xf32, #tpu.memory_space<vmem>>, %arg13: memref<!tpu.dma_semaphore, #tpu.memory_space<semaphore_mem>>, %arg14: memref<!tpu.dma_semaphore, #tpu.memory_space<semaphore_mem>>, %arg15: memref<!tpu.dma_semaphore, #tpu.memory_space<semaphore_mem>>) attributes {dimension_semantics = [#tpu.dimension_semantics<core_parallel>, #tpu.dimension_semantics<subcore_parallel>], iteration_bounds = array<i64: 2, 16>, scalar_prefetch = 0 : i64, scratch_operands = 9 : i64, tpu.core_type = #tpu.core_type<sc_vector_subcore>, window_params = [{transform_indices = #map}, {transform_indices = #map1}, {transform_indices = #map2}, {transform_indices = #map2}, {transform_indices = #map2}]} {
    %mul3A = arith.constant 2 : i32
    %mul3A_0 = arith.muli %arg1, %mul3A : i32
    %add3A = arith.addi %mul3A_0, %arg0 : i32
    %lt3A = arith.constant 4 : i32
    %lt3A_1 = arith.cmpi slt, %add3A, %lt3A : i32
    %mul3A_2 = arith.constant 4 : i32
    %mul3A_3 = arith.muli %add3A, %mul3A_2 : i32
    %sub3A = arith.constant 4 : i32
    %sub3A_4 = arith.subi %add3A, %sub3A : i32
    %mul3A_5 = arith.constant 3 : i32
    %mul3A_6 = arith.muli %sub3A_4, %mul3A_5 : i32
    %add3A_7 = arith.constant 16 : i32
    %add3A_8 = arith.addi %add3A_7, %mul3A_6 : i32
    %select_n3A = arith.select %lt3A_1, %mul3A_3, %add3A_8 : i32
    %lt3A_9 = arith.constant 4 : i32
    %lt3A_10 = arith.cmpi slt, %add3A, %lt3A_9 : i32
    %jit3A = arith.constant 4 : i32
    %jit3A_11 = arith.constant 3 : i32
    %select_n3A_12 = arith.select %lt3A_10, %jit3A, %jit3A_11 : i32
    %min3A = arith.constant 96 : i32
    %min3A_13 = arith.minsi %select_n3A, %min3A : i32
    %sub3A_14 = arith.subi %select_n3A, %min3A_13 : i32
    %mul3A_15 = arith.constant 200 : i32
    %mul3A_16 = arith.muli %sub3A_14, %mul3A_15 : i32
    %mul3A_17 = arith.constant 200 : i32
    %mul3A_18 = arith.muli %min3A_13, %mul3A_17 : i32
    %add3A_19 = arith.constant 80000 : i32
    %add3A_20 = arith.addi %add3A_19, %mul3A_18 : i32
    %dma_start3A = arith.constant 0 : i32
    %dma_start3A_21 = tpu.memref_slice %arg9[%dma_start3A] : memref<816xi32, #tpu.memory_space<vmem>> -> memref<800xi32, #tpu.memory_space<vmem>>
    %dma_start3A_22 = tpu.memref_slice %arg3[%add3A_20] : memref<100000xi32, #tpu.memory_space<hbm>> -> memref<800xi32, #tpu.memory_space<hbm>>
    %dma_start3A_23 = arith.constant 0 : i32
    %dma_start3A_24 = tpu.memref_slice %arg9[%dma_start3A_23] : memref<816xi32, #tpu.memory_space<vmem>> -> memref<800xi32, #tpu.memory_space<vmem>>
    %dma_start3A_25 = tpu.memref_slice %arg3[%add3A_20] : memref<100000xi32, #tpu.memory_space<hbm>> -> memref<800xi32, #tpu.memory_space<hbm>>
    tpu.enqueue_dma source(%dma_start3A_25 : memref<800xi32, #tpu.memory_space<hbm>>) target(%dma_start3A_24 : memref<800xi32, #tpu.memory_space<vmem>>) target_semaphore(%arg15 : memref<!tpu.dma_semaphore, #tpu.memory_space<semaphore_mem>>)
    %broadcast_in_dim3A = arith.constant 0.000000e+00 : f32
    %broadcast_in_dim3A_26 = vector.broadcast %broadcast_in_dim3A : f32 to vector<16xf32>
    %add3A_27 = arith.constant 0 : i32
    %add3A_28 = arith.addi %select_n3A, %add3A_27 : i32
    %mul3A_29 = arith.constant 200 : i32
    %mul3A_30 = arith.muli %add3A_28, %mul3A_29 : i32
    %add3A_31 = arith.constant 80000 : i32
    %add3A_32 = arith.addi %add3A_31, %mul3A_30 : i32
    %dma_start3A_33 = arith.constant 0 : i32
    %dma_start3A_34 = tpu.memref_slice %arg2[%add3A_32, %dma_start3A_33] : memref<100000x128xf32, #tpu.memory_space<hbm>> -> memref<200x128xf32, #tpu.memory_space<hbm>>
    %dma_start3A_35 = arith.constant 0 : i32
    %dma_start3A_36 = tpu.memref_slice %arg2[%add3A_32, %dma_start3A_35] : memref<100000x128xf32, #tpu.memory_space<hbm>> -> memref<200x128xf32, #tpu.memory_space<hbm>>
    tpu.enqueue_dma source(%dma_start3A_36 : memref<200x128xf32, #tpu.memory_space<hbm>>) target(%arg7 : memref<200x128xf32, #tpu.memory_space<vmem>>) target_semaphore(%arg13 : memref<!tpu.dma_semaphore, #tpu.memory_space<semaphore_mem>>)
    %scan3A = arith.constant 0 : i32
    %scan3A_37 = arith.constant 0 : i32
    %scan3A_38 = arith.constant 64 : i32
    %scan3A_39 = arith.addi %scan3A_37, %scan3A_38 : i32
    %scan3A_40 = arith.constant 1 : i32
    %scan3A_41 = scf.for %scan3A_65 = %scan3A_37 to %scan3A_39 step %scan3A_40 iter_args(%scan3A_66 = %scan3A) -> (i32)  : i32 {
      %swap3A = arith.index_cast %scan3A_65 : i32 to index
      %swap3A_67 = arith.constant 0 : index
      %swap3A_68 = tpu.vector_load %arg10[%swap3A, %swap3A_67] {strides = array<i32>} : memref<64x128xf32, #tpu.memory_space<vmem>>, vector<1x16xf32>,
      %swap3A_69 = vector.shape_cast %swap3A_68 : vector<1x16xf32> to vector<16xf32>
      %swap3A_70 = vector.shape_cast %broadcast_in_dim3A_26 : vector<16xf32> to vector<1x16xf32>
      tpu.vector_store %arg10[%swap3A, %swap3A_67], %swap3A_70 {strides = array<i32>} : memref<64x128xf32, #tpu.memory_space<vmem>>, vector<1x16xf32>,
      %swap3A_71 = arith.index_cast %scan3A_65 : i32 to index
      %swap3A_72 = arith.constant 0 : index
      %swap3A_73 = tpu.vector_load %arg11[%swap3A_71, %swap3A_72] {strides = array<i32>} : memref<64x128xf32, #tpu.memory_space<vmem>>, vector<1x16xf32>,
      %swap3A_74 = vector.shape_cast %swap3A_73 : vector<1x16xf32> to vector<16xf32>
      %swap3A_75 = vector.shape_cast %broadcast_in_dim3A_26 : vector<16xf32> to vector<1x16xf32>
      tpu.vector_store %arg11[%swap3A_71, %swap3A_72], %swap3A_75 {strides = array<i32>} : memref<64x128xf32, #tpu.memory_space<vmem>>, vector<1x16xf32>,
      %swap3A_76 = arith.index_cast %scan3A_65 : i32 to index
      %swap3A_77 = arith.constant 16 : index
      %swap3A_78 = tpu.vector_load %arg10[%swap3A_76, %swap3A_77] {strides = array<i32>} : memref<64x128xf32, #tpu.memory_space<vmem>>, vector<1x16xf32>,
      %swap3A_79 = vector.shape_cast %swap3A_78 : vector<1x16xf32> to vector<16xf32>
      %swap3A_80 = vector.shape_cast %broadcast_in_dim3A_26 : vector<16xf32> to vector<1x16xf32>
      tpu.vector_store %arg10[%swap3A_76, %swap3A_77], %swap3A_80 {strides = array<i32>} : memref<64x128xf32, #tpu.memory_space<vmem>>, vector<1x16xf32>,
      %swap3A_81 = arith.index_cast %scan3A_65 : i32 to index
      %swap3A_82 = arith.constant 16 : index
      %swap3A_83 = tpu.vector_load %arg11[%swap3A_81, %swap3A_82] {strides = array<i32>} : memref<64x128xf32, #tpu.memory_space<vmem>>, vector<1x16xf32>,
      %swap3A_84 = vector.shape_cast %swap3A_83 : vector<1x16xf32> to vector<16xf32>
      %swap3A_85 = vector.shape_cast %broadcast_in_dim3A_26 : vector<16xf32> to vector<1x16xf32>
      tpu.vector_store %arg11[%swap3A_81, %swap3A_82], %swap3A_85 {strides = array<i32>} : memref<64x128xf32, #tpu.memory_space<vmem>>, vector<1x16xf32>,
      %swap3A_86 = arith.index_cast %scan3A_65 : i32 to index
      %swap3A_87 = arith.constant 32 : index
      %swap3A_88 = tpu.vector_load %arg10[%swap3A_86, %swap3A_87] {strides = array<i32>} : memref<64x128xf32, #tpu.memory_space<vmem>>, vector<1x16xf32>,
      %swap3A_89 = vector.shape_cast %swap3A_88 : vector<1x16xf32> to vector<16xf32>
      %swap3A_90 = vector.shape_cast %broadcast_in_dim3A_26 : vector<16xf32> to vector<1x16xf32>
      tpu.vector_store %arg10[%swap3A_86, %swap3A_87], %swap3A_90 {strides = array<i32>} : memref<64x128xf32, #tpu.memory_space<vmem>>, vector<1x16xf32>,
      %swap3A_91 = arith.index_cast %scan3A_65 : i32 to index
      %swap3A_92 = arith.constant 32 : index
      %swap3A_93 = tpu.vector_load %arg11[%swap3A_91, %swap3A_92] {strides = array<i32>} : memref<64x128xf32, #tpu.memory_space<vmem>>, vector<1x16xf32>,
      %swap3A_94 = vector.shape_cast %swap3A_93 : vector<1x16xf32> to vector<16xf32>
      %swap3A_95 = vector.shape_cast %broadcast_in_dim3A_26 : vector<16xf32> to vector<1x16xf32>
      tpu.vector_store %arg11[%swap3A_91, %swap3A_92], %swap3A_95 {strides = array<i32>} : memref<64x128xf32, #tpu.memory_space<vmem>>, vector<1x16xf32>,
      %swap3A_96 = arith.index_cast %scan3A_65 : i32 to index
      %swap3A_97 = arith.constant 48 : index
      %swap3A_98 = tpu.vector_load %arg10[%swap3A_96, %swap3A_97] {strides = array<i32>} : memref<64x128xf32, #tpu.memory_space<vmem>>, vector<1x16xf32>,
      %swap3A_99 = vector.shape_cast %swap3A_98 : vector<1x16xf32> to vector<16xf32>
      %swap3A_100 = vector.shape_cast %broadcast_in_dim3A_26 : vector<16xf32> to vector<1x16xf32>
      tpu.vector_store %arg10[%swap3A_96, %swap3A_97], %swap3A_100 {strides = array<i32>} : memref<64x128xf32, #tpu.memory_space<vmem>>, vector<1x16xf32>,
      %swap3A_101 = arith.index_cast %scan3A_65 : i32 to index
      %swap3A_102 = arith.constant 48 : index
      %swap3A_103 = tpu.vector_load %arg11[%swap3A_101, %swap3A_102] {strides = array<i32>} : memref<64x128xf32, #tpu.memory_space<vmem>>, vector<1x16xf32>,
      %swap3A_104 = vector.shape_cast %swap3A_103 : vector<1x16xf32> to vector<16xf32>
      %swap3A_105 = vector.shape_cast %broadcast_in_dim3A_26 : vector<16xf32> to vector<1x16xf32>
      tpu.vector_store %arg11[%swap3A_101, %swap3A_102], %swap3A_105 {strides = array<i32>} : memref<64x128xf32, #tpu.memory_space<vmem>>, vector<1x16xf32>,
      %swap3A_106 = arith.index_cast %scan3A_65 : i32 to index
      %swap3A_107 = arith.constant 64 : index
      %swap3A_108 = tpu.vector_load %arg10[%swap3A_106, %swap3A_107] {strides = array<i32>} : memref<64x128xf32, #tpu.memory_space<vmem>>, vector<1x16xf32>,
      %swap3A_109 = vector.shape_cast %swap3A_108 : vector<1x16xf32> to vector<16xf32>
      %swap3A_110 = vector.shape_cast %broadcast_in_dim3A_26 : vector<16xf32> to vector<1x16xf32>
      tpu.vector_store %arg10[%swap3A_106, %swap3A_107], %swap3A_110 {strides = array<i32>} : memref<64x128xf32, #tpu.memory_space<vmem>>, vector<1x16xf32>,
      %swap3A_111 = arith.index_cast %scan3A_65 : i32 to index
      %swap3A_112 = arith.constant 64 : index
      %swap3A_113 = tpu.vector_load %arg11[%swap3A_111, %swap3A_112] {strides = array<i32>} : memref<64x128xf32, #tpu.memory_space<vmem>>, vector<1x16xf32>,
      %swap3A_114 = vector.shape_cast %swap3A_113 : vector<1x16xf32> to vector<16xf32>
      %swap3A_115 = vector.shape_cast %broadcast_in_dim3A_26 : vector<16xf32> to vector<1x16xf32>
      tpu.vector_store %arg11[%swap3A_111, %swap3A_112], %swap3A_115 {strides = array<i32>} : memref<64x128xf32, #tpu.memory_space<vmem>>, vector<1x16xf32>,
      %swap3A_116 = arith.index_cast %scan3A_65 : i32 to index
      %swap3A_117 = arith.constant 80 : index
      %swap3A_118 = tpu.vector_load %arg10[%swap3A_116, %swap3A_117] {strides = array<i32>} : memref<64x128xf32, #tpu.memory_space<vmem>>, vector<1x16xf32>,
      %swap3A_119 = vector.shape_cast %swap3A_118 : vector<1x16xf32> to vector<16xf32>
      %swap3A_120 = vector.shape_cast %broadcast_in_dim3A_26 : vector<16xf32> to vector<1x16xf32>
      tpu.vector_store %arg10[%swap3A_116, %swap3A_117], %swap3A_120 {strides = array<i32>} : memref<64x128xf32, #tpu.memory_space<vmem>>, vector<1x16xf32>,
      %swap3A_121 = arith.index_cast %scan3A_65 : i32 to index
      %swap3A_122 = arith.constant 80 : index
      %swap3A_123 = tpu.vector_load %arg11[%swap3A_121, %swap3A_122] {strides = array<i32>} : memref<64x128xf32, #tpu.memory_space<vmem>>, vector<1x16xf32>,
      %swap3A_124 = vector.shape_cast %swap3A_123 : vector<1x16xf32> to vector<16xf32>
      %swap3A_125 = vector.shape_cast %broadcast_in_dim3A_26 : vector<16xf32> to vector<1x16xf32>
      tpu.vector_store %arg11[%swap3A_121, %swap3A_122], %swap3A_125 {strides = array<i32>} : memref<64x128xf32, #tpu.memory_space<vmem>>, vector<1x16xf32>,
      %swap3A_126 = arith.index_cast %scan3A_65 : i32 to index
      %swap3A_127 = arith.constant 96 : index
      %swap3A_128 = tpu.vector_load %arg10[%swap3A_126, %swap3A_127] {strides = array<i32>} : memref<64x128xf32, #tpu.memory_space<vmem>>, vector<1x16xf32>,
      %swap3A_129 = vector.shape_cast %swap3A_128 : vector<1x16xf32> to vector<16xf32>
      %swap3A_130 = vector.shape_cast %broadcast_in_dim3A_26 : vector<16xf32> to vector<1x16xf32>
      tpu.vector_store %arg10[%swap3A_126, %swap3A_127], %swap3A_130 {strides = array<i32>} : memref<64x128xf32, #tpu.memory_space<vmem>>, vector<1x16xf32>,
      %swap3A_131 = arith.index_cast %scan3A_65 : i32 to index
      %swap3A_132 = arith.constant 96 : index
      %swap3A_133 = tpu.vector_load %arg11[%swap3A_131, %swap3A_132] {strides = array<i32>} : memref<64x128xf32, #tpu.memory_space<vmem>>, vector<1x16xf32>,
      %swap3A_134 = vector.shape_cast %swap3A_133 : vector<1x16xf32> to vector<16xf32>
      %swap3A_135 = vector.shape_cast %broadcast_in_dim3A_26 : vector<16xf32> to vector<1x16xf32>
      tpu.vector_store %arg11[%swap3A_131, %swap3A_132], %swap3A_135 {strides = array<i32>} : memref<64x128xf32, #tpu.memory_space<vmem>>, vector<1x16xf32>,
      %swap3A_136 = arith.index_cast %scan3A_65 : i32 to index
      %swap3A_137 = arith.constant 112 : index
      %swap3A_138 = tpu.vector_load %arg10[%swap3A_136, %swap3A_137] {strides = array<i32>} : memref<64x128xf32, #tpu.memory_space<vmem>>, vector<1x16xf32>,
      %swap3A_139 = vector.shape_cast %swap3A_138 : vector<1x16xf32> to vector<16xf32>
      %swap3A_140 = vector.shape_cast %broadcast_in_dim3A_26 : vector<16xf32> to vector<1x16xf32>
      tpu.vector_store %arg10[%swap3A_136, %swap3A_137], %swap3A_140 {strides = array<i32>} : memref<64x128xf32, #tpu.memory_space<vmem>>, vector<1x16xf32>,
      %swap3A_141 = arith.index_cast %scan3A_65 : i32 to index
      %swap3A_142 = arith.constant 112 : index
      %swap3A_143 = tpu.vector_load %arg11[%swap3A_141, %swap3A_142] {strides = array<i32>} : memref<64x128xf32, #tpu.memory_space<vmem>>, vector<1x16xf32>,
      %swap3A_144 = vector.shape_cast %swap3A_143 : vector<1x16xf32> to vector<16xf32>
      %swap3A_145 = vector.shape_cast %broadcast_in_dim3A_26 : vector<16xf32> to vector<1x16xf32>
      tpu.vector_store %arg11[%swap3A_141, %swap3A_142], %swap3A_145 {strides = array<i32>} : memref<64x128xf32, #tpu.memory_space<vmem>>, vector<1x16xf32>,
      %swap3A_146 = arith.index_cast %scan3A_65 : i32 to index
      %swap3A_147 = arith.constant 0 : index
      %swap3A_148 = tpu.vector_load %arg12[%swap3A_146, %swap3A_147] {strides = array<i32>} : memref<64x16xf32, #tpu.memory_space<vmem>>, vector<1x16xf32>,
      %swap3A_149 = vector.shape_cast %swap3A_148 : vector<1x16xf32> to vector<16xf32>
      %swap3A_150 = vector.shape_cast %broadcast_in_dim3A_26 : vector<16xf32> to vector<1x16xf32>
      tpu.vector_store %arg12[%swap3A_146, %swap3A_147], %swap3A_150 {strides = array<i32>} : memref<64x16xf32, #tpu.memory_space<vmem>>, vector<1x16xf32>,
      %scan3A_151 = arith.constant 0 : i32
      scf.yield %scan3A_151 : i32
    }
    %scan3A_42 = arith.constant 64 : i32
    %dma_wait3A = arith.constant 0 : i32
    %dma_wait3A_43 = tpu.memref_slice %arg9[%dma_wait3A] : memref<816xi32, #tpu.memory_space<vmem>> -> memref<800xi32, #tpu.memory_space<vmem>>
    %dma_wait3A_44 = tpu.memref_slice %arg3[%add3A_20] : memref<100000xi32, #tpu.memory_space<hbm>> -> memref<800xi32, #tpu.memory_space<hbm>>
    %dma_wait3A_45 = arith.constant 0 : i32
    %dma_wait3A_46 = tpu.memref_slice %arg9[%dma_wait3A_45] : memref<816xi32, #tpu.memory_space<vmem>> -> memref<800xi32, #tpu.memory_space<vmem>>
    %dma_wait3A_47 = tpu.memref_slice %arg3[%add3A_20] : memref<100000xi32, #tpu.memory_space<hbm>> -> memref<800xi32, #tpu.memory_space<hbm>>
    tpu.wait_dma2 semaphore(%arg15 : memref<!tpu.dma_semaphore, #tpu.memory_space<semaphore_mem>>) src(%dma_wait3A_47 : memref<800xi32, #tpu.memory_space<hbm>>) dst(%dma_wait3A_46 : memref<800xi32, #tpu.memory_space<vmem>>)
    %gt3A = arith.constant 0 : i32
    %gt3A_48 = arith.cmpi sgt, %select_n3A_12, %gt3A : i32
    %convert_element_type3A = arith.extui %gt3A_48 : i1 to i32
    %cond3A = arith.constant 0 : i32
    %cond3A_49 = arith.cmpi ne, %convert_element_type3A, %cond3A : i32
    scf.if %cond3A_49 {
      %add3A_65 = arith.constant 0 : i32
      %add3A_66 = arith.addi %select_n3A, %add3A_65 : i32
      %mul3A_67 = arith.constant 200 : i32
      %mul3A_68 = arith.muli %add3A_66, %mul3A_67 : i32
      %add3A_69 = arith.constant 80000 : i32
      %add3A_70 = arith.addi %add3A_69, %mul3A_68 : i32
      %dma_wait3A_71 = arith.constant 0 : i32
      %dma_wait3A_72 = tpu.memref_slice %arg2[%add3A_70, %dma_wait3A_71] : memref<100000x128xf32, #tpu.memory_space<hbm>> -> memref<200x128xf32, #tpu.memory_space<hbm>>
      %dma_wait3A_73 = arith.constant 0 : i32
      %dma_wait3A_74 = tpu.memref_slice %arg2[%add3A_70, %dma_wait3A_73] : memref<100000x128xf32, #tpu.memory_space<hbm>> -> memref<200x128xf32, #tpu.memory_space<hbm>>
      tpu.wait_dma2 semaphore(%arg13 : memref<!tpu.dma_semaphore, #tpu.memory_space<semaphore_mem>>) src(%dma_wait3A_74 : memref<200x128xf32, #tpu.memory_space<hbm>>) dst(%arg7 : memref<200x128xf32, #tpu.memory_space<vmem>>)
      %gt3A_75 = arith.constant 1 : i32
      %gt3A_76 = arith.cmpi sgt, %select_n3A_12, %gt3A_75 : i32
      %convert_element_type3A_77 = arith.extui %gt3A_76 : i1 to i32
      %cond3A_78 = arith.constant 0 : i32
      %cond3A_79 = arith.cmpi ne, %convert_element_type3A_77, %cond3A_78 : i32
      scf.if %cond3A_79 {
        %add3A_99 = arith.constant 1 : i32
        %add3A_100 = arith.addi %select_n3A, %add3A_99 : i32
        %mul3A_101 = arith.constant 200 : i32
        %mul3A_102 = arith.muli %add3A_100, %mul3A_101 : i32
        %add3A_103 = arith.constant 80000 : i32
        %add3A_104 = arith.addi %add3A_103, %mul3A_102 : i32
        %dma_start3A_105 = arith.constant 0 : i32
        %dma_start3A_106 = tpu.memref_slice %arg2[%add3A_104, %dma_start3A_105] : memref<100000x128xf32, #tpu.memory_space<hbm>> -> memref<200x128xf32, #tpu.memory_space<hbm>>
        %dma_start3A_107 = arith.constant 0 : i32
        %dma_start3A_108 = tpu.memref_slice %arg2[%add3A_104, %dma_start3A_107] : memref<100000x128xf32, #tpu.memory_space<hbm>> -> memref<200x128xf32, #tpu.memory_space<hbm>>
        tpu.enqueue_dma source(%dma_start3A_108 : memref<200x128xf32, #tpu.memory_space<hbm>>) target(%arg8 : memref<200x128xf32, #tpu.memory_space<vmem>>) target_semaphore(%arg14 : memref<!tpu.dma_semaphore, #tpu.memory_space<semaphore_mem>>)
      } else {
      }
      %add3A_80 = arith.constant 0 : i32
      %add3A_81 = arith.addi %mul3A_16, %add3A_80 : i32
      %get3A = arith.index_cast %add3A_81 : i32 to index
      %get3A_82 = tpu.vector_load %arg9[%get3A] {strides = array<i32>} : memref<816xi32, #tpu.memory_space<vmem>>, vector<16xi32>,
      %get3A_83 = vector.shape_cast %get3A_82 : vector<16xi32> to vector<16xi32>
      %slice3A = vector.extract_strided_slice %get3A_83 {offsets = [0], sizes = [1], strides = [1]} : vector<16xi32> to vector<1xi32>
      %squeeze3A = vector.extract %slice3A[0] : i32 from vector<1xi32>
      %add3A_84 = arith.constant 200 : i32
      %add3A_85 = arith.addi %add3A_81, %add3A_84 : i32
      %sub3A_86 = arith.constant 16 : i32
      %sub3A_87 = arith.subi %add3A_85, %sub3A_86 : i32
      %get3A_88 = arith.index_cast %sub3A_87 : i32 to index
      %get3A_89 = tpu.vector_load %arg9[%get3A_88] {strides = array<i32>} : memref<816xi32, #tpu.memory_space<vmem>>, vector<16xi32>,
      %get3A_90 = vector.shape_cast %get3A_89 : vector<16xi32> to vector<16xi32>
      %slice3A_91 = vector.extract_strided_slice %get3A_90 {offsets = [15], sizes = [1], strides = [1]} : vector<16xi32> to vector<1xi32>
      %squeeze3A_92 = vector.extract %slice3A_91[0] : i32 from vector<1xi32>
      %eq3A = arith.cmpi eq, %squeeze3A, %squeeze3A_92 : i32
      %convert_element_type3A_93 = arith.extui %eq3A : i1 to i32
      %cond3A_94 = arith.constant 0 : i32
      %cond3A_95 = arith.cmpi ne, %convert_element_type3A_93, %cond3A_94 : i32
      scf.if %cond3A_95 {
        %scan3A_99 = arith.constant 0 : i32
        %scan3A_100 = arith.constant 200 : i32
        %scan3A_101 = arith.addi %scan3A_99, %scan3A_100 : i32
        %scan3A_102 = arith.constant 4 : i32
        %scan3A_103:16 = scf.for %scan3A_191 = %scan3A_99 to %scan3A_101 step %scan3A_102 iter_args(%scan3A_192 = %broadcast_in_dim3A_26, %scan3A_193 = %broadcast_in_dim3A_26, %scan3A_194 = %broadcast_in_dim3A_26, %scan3A_195 = %broadcast_in_dim3A_26, %scan3A_196 = %broadcast_in_dim3A_26, %scan3A_197 = %broadcast_in_dim3A_26, %scan3A_198 = %broadcast_in_dim3A_26, %scan3A_199 = %broadcast_in_dim3A_26, %scan3A_200 = %broadcast_in_dim3A_26, %scan3A_201 = %broadcast_in_dim3A_26, %scan3A_202 = %broadcast_in_dim3A_26, %scan3A_203 = %broadcast_in_dim3A_26, %scan3A_204 = %broadcast_in_dim3A_26, %scan3A_205 = %broadcast_in_dim3A_26, %scan3A_206 = %broadcast_in_dim3A_26, %scan3A_207 = %broadcast_in_dim3A_26) -> (vector<16xf32>, vector<16xf32>, vector<16xf32>, vector<16xf32>, vector<16xf32>, vector<16xf32>, vector<16xf32>, vector<16xf32>, vector<16xf32>, vector<16xf32>, vector<16xf32>, vector<16xf32>, vector<16xf32>, vector<16xf32>, vector<16xf32>, vector<16xf32>)  : i32 {
          %get3A_208 = arith.index_cast %scan3A_191 : i32 to index
          %get3A_209 = arith.constant 0 : index
          %get3A_210 = tpu.vector_load %arg7[%get3A_208, %get3A_209] {strides = array<i32>} : memref<200x128xf32, #tpu.memory_space<vmem>>, vector<1x16xf32>,
          %get3A_211 = vector.shape_cast %get3A_210 : vector<1x16xf32> to vector<16xf32>
          %add3A_212 = arith.addf %scan3A_192, %get3A_211 : vector<16xf32>
          %mul3A_213 = arith.mulf %get3A_211, %get3A_211 : vector<16xf32>
          %add3A_214 = arith.addf %scan3A_193, %mul3A_213 : vector<16xf32>
          %get3A_215 = arith.index_cast %scan3A_191 : i32 to index
          %get3A_216 = arith.constant 16 : index
          %get3A_217 = tpu.vector_load %arg7[%get3A_215, %get3A_216] {strides = array<i32>} : memref<200x128xf32, #tpu.memory_space<vmem>>, vector<1x16xf32>,
          %get3A_218 = vector.shape_cast %get3A_217 : vector<1x16xf32> to vector<16xf32>
          %add3A_219 = arith.addf %scan3A_194, %get3A_218 : vector<16xf32>
          %mul3A_220 = arith.mulf %get3A_218, %get3A_218 : vector<16xf32>
          %add3A_221 = arith.addf %scan3A_195, %mul3A_220 : vector<16xf32>
          %get3A_222 = arith.index_cast %scan3A_191 : i32 to index
          %get3A_223 = arith.constant 32 : index
          %get3A_224 = tpu.vector_load %arg7[%get3A_222, %get3A_223] {strides = array<i32>} : memref<200x128xf32, #tpu.memory_space<vmem>>, vector<1x16xf32>,
          %get3A_225 = vector.shape_cast %get3A_224 : vector<1x16xf32> to vector<16xf32>
          %add3A_226 = arith.addf %scan3A_196, %get3A_225 : vector<16xf32>
          %mul3A_227 = arith.mulf %get3A_225, %get3A_225 : vector<16xf32>
          %add3A_228 = arith.addf %scan3A_197, %mul3A_227 : vector<16xf32>
          %get3A_229 = arith.index_cast %scan3A_191 : i32 to index
          %get3A_230 = arith.constant 48 : index
          %get3A_231 = tpu.vector_load %arg7[%get3A_229, %get3A_230] {strides = array<i32>} : memref<200x128xf32, #tpu.memory_space<vmem>>, vector<1x16xf32>,
          %get3A_232 = vector.shape_cast %get3A_231 : vector<1x16xf32> to vector<16xf32>
          %add3A_233 = arith.addf %scan3A_198, %get3A_232 : vector<16xf32>
          %mul3A_234 = arith.mulf %get3A_232, %get3A_232 : vector<16xf32>
          %add3A_235 = arith.addf %scan3A_199, %mul3A_234 : vector<16xf32>
          %get3A_236 = arith.index_cast %scan3A_191 : i32 to index
          %get3A_237 = arith.constant 64 : index
          %get3A_238 = tpu.vector_load %arg7[%get3A_236, %get3A_237] {strides = array<i32>} : memref<200x128xf32, #tpu.memory_space<vmem>>, vector<1x16xf32>,
          %get3A_239 = vector.shape_cast %get3A_238 : vector<1x16xf32> to vector<16xf32>
          %add3A_240 = arith.addf %scan3A_200, %get3A_239 : vector<16xf32>
          %mul3A_241 = arith.mulf %get3A_239, %get3A_239 : vector<16xf32>
          %add3A_242 = arith.addf %scan3A_201, %mul3A_241 : vector<16xf32>
          %get3A_243 = arith.index_cast %scan3A_191 : i32 to index
          %get3A_244 = arith.constant 80 : index
          %get3A_245 = tpu.vector_load %arg7[%get3A_243, %get3A_244] {strides = array<i32>} : memref<200x128xf32, #tpu.memory_space<vmem>>, vector<1x16xf32>,
          %get3A_246 = vector.shape_cast %get3A_245 : vector<1x16xf32> to vector<16xf32>
          %add3A_247 = arith.addf %scan3A_202, %get3A_246 : vector<16xf32>
          %mul3A_248 = arith.mulf %get3A_246, %get3A_246 : vector<16xf32>
          %add3A_249 = arith.addf %scan3A_203, %mul3A_248 : vector<16xf32>
          %get3A_250 = arith.index_cast %scan3A_191 : i32 to index
          %get3A_251 = arith.constant 96 : index
          %get3A_252 = tpu.vector_load %arg7[%get3A_250, %get3A_251] {strides = array<i32>} : memref<200x128xf32, #tpu.memory_space<vmem>>, vector<1x16xf32>,
          %get3A_253 = vector.shape_cast %get3A_252 : vector<1x16xf32> to vector<16xf32>
          %add3A_254 = arith.addf %scan3A_204, %get3A_253 : vector<16xf32>
          %mul3A_255 = arith.mulf %get3A_253, %get3A_253 : vector<16xf32>
          %add3A_256 = arith.addf %scan3A_205, %mul3A_255 : vector<16xf32>
          %get3A_257 = arith.index_cast %scan3A_191 : i32 to index
          %get3A_258 = arith.constant 112 : index
          %get3A_259 = tpu.vector_load %arg7[%get3A_257, %get3A_258] {strides = array<i32>} : memref<200x128xf32, #tpu.memory_space<vmem>>, vector<1x16xf32>,
          %get3A_260 = vector.shape_cast %get3A_259 : vector<1x16xf32> to vector<16xf32>
          %add3A_261 = arith.addf %scan3A_206, %get3A_260 : vector<16xf32>
          %mul3A_262 = arith.mulf %get3A_260, %get3A_260 : vector<16xf32>
          %add3A_263 = arith.addf %scan3A_207, %mul3A_262 : vector<16xf32>
          %scan3A_264 = arith.constant 1 : i32
          %scan3A_265 = arith.addi %scan3A_191, %scan3A_264 : i32
          %get3A_266 = arith.index_cast %scan3A_265 : i32 to index
          %get3A_267 = arith.constant 0 : index
          %get3A_268 = tpu.vector_load %arg7[%get3A_266, %get3A_267] {strides = array<i32>} : memref<200x128xf32, #tpu.memory_space<vmem>>, vector<1x16xf32>,
          %get3A_269 = vector.shape_cast %get3A_268 : vector<1x16xf32> to vector<16xf32>
          %add3A_270 = arith.addf %add3A_212, %get3A_269 : vector<16xf32>
          %mul3A_271 = arith.mulf %get3A_269, %get3A_269 : vector<16xf32>
          %add3A_272 = arith.addf %add3A_214, %mul3A_271 : vector<16xf32>
          %get3A_273 = arith.index_cast %scan3A_265 : i32 to index
          %get3A_274 = arith.constant 16 : index
          %get3A_275 = tpu.vector_load %arg7[%get3A_273, %get3A_274] {strides = array<i32>} : memref<200x128xf32, #tpu.memory_space<vmem>>, vector<1x16xf32>,
          %get3A_276 = vector.shape_cast %get3A_275 : vector<1x16xf32> to vector<16xf32>
          %add3A_277 = arith.addf %add3A_219, %get3A_276 : vector<16xf32>
          %mul3A_278 = arith.mulf %get3A_276, %get3A_276 : vector<16xf32>
          %add3A_279 = arith.addf %add3A_221, %mul3A_278 : vector<16xf32>
          %get3A_280 = arith.index_cast %scan3A_265 : i32 to index
          %get3A_281 = arith.constant 32 : index
          %get3A_282 = tpu.vector_load %arg7[%get3A_280, %get3A_281] {strides = array<i32>} : memref<200x128xf32, #tpu.memory_space<vmem>>, vector<1x16xf32>,
          %get3A_283 = vector.shape_cast %get3A_282 : vector<1x16xf32> to vector<16xf32>
          %add3A_284 = arith.addf %add3A_226, %get3A_283 : vector<16xf32>
          %mul3A_285 = arith.mulf %get3A_283, %get3A_283 : vector<16xf32>
          %add3A_286 = arith.addf %add3A_228, %mul3A_285 : vector<16xf32>
          %get3A_287 = arith.index_cast %scan3A_265 : i32 to index
          %get3A_288 = arith.constant 48 : index
          %get3A_289 = tpu.vector_load %arg7[%get3A_287, %get3A_288] {strides = array<i32>} : memref<200x128xf32, #tpu.memory_space<vmem>>, vector<1x16xf32>,
          %get3A_290 = vector.shape_cast %get3A_289 : vector<1x16xf32> to vector<16xf32>
          %add3A_291 = arith.addf %add3A_233, %get3A_290 : vector<16xf32>
          %mul3A_292 = arith.mulf %get3A_290, %get3A_290 : vector<16xf32>
          %add3A_293 = arith.addf %add3A_235, %mul3A_292 : vector<16xf32>
          %get3A_294 = arith.index_cast %scan3A_265 : i32 to index
          %get3A_295 = arith.constant 64 : index
          %get3A_296 = tpu.vector_load %arg7[%get3A_294, %get3A_295] {strides = array<i32>} : memref<200x128xf32, #tpu.memory_space<vmem>>, vector<1x16xf32>,
          %get3A_297 = vector.shape_cast %get3A_296 : vector<1x16xf32> to vector<16xf32>
          %add3A_298 = arith.addf %add3A_240, %get3A_297 : vector<16xf32>
          %mul3A_299 = arith.mulf %get3A_297, %get3A_297 : vector<16xf32>
          %add3A_300 = arith.addf %add3A_242, %mul3A_299 : vector<16xf32>
          %get3A_301 = arith.index_cast %scan3A_265 : i32 to index
          %get3A_302 = arith.constant 80 : index
          %get3A_303 = tpu.vector_load %arg7[%get3A_301, %get3A_302] {strides = array<i32>} : memref<200x128xf32, #tpu.memory_space<vmem>>, vector<1x16xf32>,
          %get3A_304 = vector.shape_cast %get3A_303 : vector<1x16xf32> to vector<16xf32>
          %add3A_305 = arith.addf %add3A_247, %get3A_304 : vector<16xf32>
          %mul3A_306 = arith.mulf %get3A_304, %get3A_304 : vector<16xf32>
          %add3A_307 = arith.addf %add3A_249, %mul3A_306 : vector<16xf32>
          %get3A_308 = arith.index_cast %scan3A_265 : i32 to index
          %get3A_309 = arith.constant 96 : index
          %get3A_310 = tpu.vector_load %arg7[%get3A_308, %get3A_309] {strides = array<i32>} : memref<200x128xf32, #tpu.memory_space<vmem>>, vector<1x16xf32>,
          %get3A_311 = vector.shape_cast %get3A_310 : vector<1x16xf32> to vector<16xf32>
          %add3A_312 = arith.addf %add3A_254, %get3A_311 : vector<16xf32>
          %mul3A_313 = arith.mulf %get3A_311, %get3A_311 : vector<16xf32>
          %add3A_314 = arith.addf %add3A_256, %mul3A_313 : vector<16xf32>
          %get3A_315 = arith.index_cast %scan3A_265 : i32 to index
          %get3A_316 = arith.constant 112 : index
          %get3A_317 = tpu.vector_load %arg7[%get3A_315, %get3A_316] {strides = array<i32>} : memref<200x128xf32, #tpu.memory_space<vmem>>, vector<1x16xf32>,
          %get3A_318 = vector.shape_cast %get3A_317 : vector<1x16xf32> to vector<16xf32>
          %add3A_319 = arith.addf %add3A_261, %get3A_318 : vector<16xf32>
          %mul3A_320 = arith.mulf %get3A_318, %get3A_318 : vector<16xf32>
          %add3A_321 = arith.addf %add3A_263, %mul3A_320 : vector<16xf32>
          %scan3A_322 = arith.constant 2 : i32
          %scan3A_323 = arith.addi %scan3A_191, %scan3A_322 : i32
          %get3A_324 = arith.index_cast %scan3A_323 : i32 to index
          %get3A_325 = arith.constant 0 : index
          %get3A_326 = tpu.vector_load %arg7[%get3A_324, %get3A_325] {strides = array<i32>} : memref<200x128xf32, #tpu.memory_space<vmem>>, vector<1x16xf32>,
          %get3A_327 = vector.shape_cast %get3A_326 : vector<1x16xf32> to vector<16xf32>
          %add3A_328 = arith.addf %add3A_270, %get3A_327 : vector<16xf32>
          %mul3A_329 = arith.mulf %get3A_327, %get3A_327 : vector<16xf32>
          %add3A_330 = arith.addf %add3A_272, %mul3A_329 : vector<16xf32>
          %get3A_331 = arith.index_cast %scan3A_323 : i32 to index
          %get3A_332 = arith.constant 16 : index
          %get3A_333 = tpu.vector_load %arg7[%get3A_331, %get3A_332] {strides = array<i32>} : memref<200x128xf32, #tpu.memory_space<vmem>>, vector<1x16xf32>,
          %get3A_334 = vector.shape_cast %get3A_333 : vector<1x16xf32> to vector<16xf32>
          %add3A_335 = arith.addf %add3A_277, %get3A_334 : vector<16xf32>
          %mul3A_336 = arith.mulf %get3A_334, %get3A_334 : vector<16xf32>
          %add3A_337 = arith.addf %add3A_279, %mul3A_336 : vector<16xf32>
          %get3A_338 = arith.index_cast %scan3A_323 : i32 to index
          %get3A_339 = arith.constant 32 : index
          %get3A_340 = tpu.vector_load %arg7[%get3A_338, %get3A_339] {strides = array<i32>} : memref<200x128xf32, #tpu.memory_space<vmem>>, vector<1x16xf32>,
          %get3A_341 = vector.shape_cast %get3A_340 : vector<1x16xf32> to vector<16xf32>
          %add3A_342 = arith.addf %add3A_284, %get3A_341 : vector<16xf32>
          %mul3A_343 = arith.mulf %get3A_341, %get3A_341 : vector<16xf32>
          %add3A_344 = arith.addf %add3A_286, %mul3A_343 : vector<16xf32>
          %get3A_345 = arith.index_cast %scan3A_323 : i32 to index
          %get3A_346 = arith.constant 48 : index
          %get3A_347 = tpu.vector_load %arg7[%get3A_345, %get3A_346] {strides = array<i32>} : memref<200x128xf32, #tpu.memory_space<vmem>>, vector<1x16xf32>,
          %get3A_348 = vector.shape_cast %get3A_347 : vector<1x16xf32> to vector<16xf32>
          %add3A_349 = arith.addf %add3A_291, %get3A_348 : vector<16xf32>
          %mul3A_350 = arith.mulf %get3A_348, %get3A_348 : vector<16xf32>
          %add3A_351 = arith.addf %add3A_293, %mul3A_350 : vector<16xf32>
          %get3A_352 = arith.index_cast %scan3A_323 : i32 to index
          %get3A_353 = arith.constant 64 : index
          %get3A_354 = tpu.vector_load %arg7[%get3A_352, %get3A_353] {strides = array<i32>} : memref<200x128xf32, #tpu.memory_space<vmem>>, vector<1x16xf32>,
          %get3A_355 = vector.shape_cast %get3A_354 : vector<1x16xf32> to vector<16xf32>
          %add3A_356 = arith.addf %add3A_298, %get3A_355 : vector<16xf32>
          %mul3A_357 = arith.mulf %get3A_355, %get3A_355 : vector<16xf32>
          %add3A_358 = arith.addf %add3A_300, %mul3A_357 : vector<16xf32>
          %get3A_359 = arith.index_cast %scan3A_323 : i32 to index
          %get3A_360 = arith.constant 80 : index
          %get3A_361 = tpu.vector_load %arg7[%get3A_359, %get3A_360] {strides = array<i32>} : memref<200x128xf32, #tpu.memory_space<vmem>>, vector<1x16xf32>,
          %get3A_362 = vector.shape_cast %get3A_361 : vector<1x16xf32> to vector<16xf32>
          %add3A_363 = arith.addf %add3A_305, %get3A_362 : vector<16xf32>
          %mul3A_364 = arith.mulf %get3A_362, %get3A_362 : vector<16xf32>
          %add3A_365 = arith.addf %add3A_307, %mul3A_364 : vector<16xf32>
          %get3A_366 = arith.index_cast %scan3A_323 : i32 to index
          %get3A_367 = arith.constant 96 : index
          %get3A_368 = tpu.vector_load %arg7[%get3A_366, %get3A_367] {strides = array<i32>} : memref<200x128xf32, #tpu.memory_space<vmem>>, vector<1x16xf32>,
          %get3A_369 = vector.shape_cast %get3A_368 : vector<1x16xf32> to vector<16xf32>
          %add3A_370 = arith.addf %add3A_312, %get3A_369 : vector<16xf32>
          %mul3A_371 = arith.mulf %get3A_369, %get3A_369 : vector<16xf32>
          %add3A_372 = arith.addf %add3A_314, %mul3A_371 : vector<16xf32>
          %get3A_373 = arith.index_cast %scan3A_323 : i32 to index
          %get3A_374 = arith.constant 112 : index
          %get3A_375 = tpu.vector_load %arg7[%get3A_373, %get3A_374] {strides = array<i32>} : memref<200x128xf32, #tpu.memory_space<vmem>>, vector<1x16xf32>,
          %get3A_376 = vector.shape_cast %get3A_375 : vector<1x16xf32> to vector<16xf32>
          %add3A_377 = arith.addf %add3A_319, %get3A_376 : vector<16xf32>
          %mul3A_378 = arith.mulf %get3A_376, %get3A_376 : vector<16xf32>
          %add3A_379 = arith.addf %add3A_321, %mul3A_378 : vector<16xf32>
          %scan3A_380 = arith.constant 3 : i32
          %scan3A_381 = arith.addi %scan3A_191, %scan3A_380 : i32
          %get3A_382 = arith.index_cast %scan3A_381 : i32 to index
          %get3A_383 = arith.constant 0 : index
          %get3A_384 = tpu.vector_load %arg7[%get3A_382, %get3A_383] {strides = array<i32>} : memref<200x128xf32, #tpu.memory_space<vmem>>, vector<1x16xf32>,
          %get3A_385 = vector.shape_cast %get3A_384 : vector<1x16xf32> to vector<16xf32>
          %add3A_386 = arith.addf %add3A_328, %get3A_385 : vector<16xf32>
          %mul3A_387 = arith.mulf %get3A_385, %get3A_385 : vector<16xf32>
          %add3A_388 = arith.addf %add3A_330, %mul3A_387 : vector<16xf32>
          %get3A_389 = arith.index_cast %scan3A_381 : i32 to index
          %get3A_390 = arith.constant 16 : index
          %get3A_391 = tpu.vector_load %arg7[%get3A_389, %get3A_390] {strides = array<i32>} : memref<200x128xf32, #tpu.memory_space<vmem>>, vector<1x16xf32>,
          %get3A_392 = vector.shape_cast %get3A_391 : vector<1x16xf32> to vector<16xf32>
          %add3A_393 = arith.addf %add3A_335, %get3A_392 : vector<16xf32>
          %mul3A_394 = arith.mulf %get3A_392, %get3A_392 : vector<16xf32>
          %add3A_395 = arith.addf %add3A_337, %mul3A_394 : vector<16xf32>
          %get3A_396 = arith.index_cast %scan3A_381 : i32 to index
          %get3A_397 = arith.constant 32 : index
          %get3A_398 = tpu.vector_load %arg7[%get3A_396, %get3A_397] {strides = array<i32>} : memref<200x128xf32, #tpu.memory_space<vmem>>, vector<1x16xf32>,
          %get3A_399 = vector.shape_cast %get3A_398 : vector<1x16xf32> to vector<16xf32>
          %add3A_400 = arith.addf %add3A_342, %get3A_399 : vector<16xf32>
          %mul3A_401 = arith.mulf %get3A_399, %get3A_399 : vector<16xf32>
          %add3A_402 = arith.addf %add3A_344, %mul3A_401 : vector<16xf32>
          %get3A_403 = arith.index_cast %scan3A_381 : i32 to index
          %get3A_404 = arith.constant 48 : index
          %get3A_405 = tpu.vector_load %arg7[%get3A_403, %get3A_404] {strides = array<i32>} : memref<200x128xf32, #tpu.memory_space<vmem>>, vector<1x16xf32>,
          %get3A_406 = vector.shape_cast %get3A_405 : vector<1x16xf32> to vector<16xf32>
          %add3A_407 = arith.addf %add3A_349, %get3A_406 : vector<16xf32>
          %mul3A_408 = arith.mulf %get3A_406, %get3A_406 : vector<16xf32>
          %add3A_409 = arith.addf %add3A_351, %mul3A_408 : vector<16xf32>
          %get3A_410 = arith.index_cast %scan3A_381 : i32 to index
          %get3A_411 = arith.constant 64 : index
          %get3A_412 = tpu.vector_load %arg7[%get3A_410, %get3A_411] {strides = array<i32>} : memref<200x128xf32, #tpu.memory_space<vmem>>, vector<1x16xf32>,
          %get3A_413 = vector.shape_cast %get3A_412 : vector<1x16xf32> to vector<16xf32>
          %add3A_414 = arith.addf %add3A_356, %get3A_413 : vector<16xf32>
          %mul3A_415 = arith.mulf %get3A_413, %get3A_413 : vector<16xf32>
          %add3A_416 = arith.addf %add3A_358, %mul3A_415 : vector<16xf32>
          %get3A_417 = arith.index_cast %scan3A_381 : i32 to index
          %get3A_418 = arith.constant 80 : index
          %get3A_419 = tpu.vector_load %arg7[%get3A_417, %get3A_418] {strides = array<i32>} : memref<200x128xf32, #tpu.memory_space<vmem>>, vector<1x16xf32>,
          %get3A_420 = vector.shape_cast %get3A_419 : vector<1x16xf32> to vector<16xf32>
          %add3A_421 = arith.addf %add3A_363, %get3A_420 : vector<16xf32>
          %mul3A_422 = arith.mulf %get3A_420, %get3A_420 : vector<16xf32>
          %add3A_423 = arith.addf %add3A_365, %mul3A_422 : vector<16xf32>
          %get3A_424 = arith.index_cast %scan3A_381 : i32 to index
          %get3A_425 = arith.constant 96 : index
          %get3A_426 = tpu.vector_load %arg7[%get3A_424, %get3A_425] {strides = array<i32>} : memref<200x128xf32, #tpu.memory_space<vmem>>, vector<1x16xf32>,
          %get3A_427 = vector.shape_cast %get3A_426 : vector<1x16xf32> to vector<16xf32>
          %add3A_428 = arith.addf %add3A_370, %get3A_427 : vector<16xf32>
          %mul3A_429 = arith.mulf %get3A_427, %get3A_427 : vector<16xf32>
          %add3A_430 = arith.addf %add3A_372, %mul3A_429 : vector<16xf32>
          %get3A_431 = arith.index_cast %scan3A_381 : i32 to index
          %get3A_432 = arith.constant 112 : index
          %get3A_433 = tpu.vector_load %arg7[%get3A_431, %get3A_432] {strides = array<i32>} : memref<200x128xf32, #tpu.memory_space<vmem>>, vector<1x16xf32>,
          %get3A_434 = vector.shape_cast %get3A_433 : vector<1x16xf32> to vector<16xf32>
          %add3A_435 = arith.addf %add3A_377, %get3A_434 : vector<16xf32>
          %mul3A_436 = arith.mulf %get3A_434, %get3A_434 : vector<16xf32>
          %add3A_437 = arith.addf %add3A_379, %mul3A_436 : vector<16xf32>
          scf.yield %add3A_386, %add3A_388, %add3A_393, %add3A_395, %add3A_400, %add3A_402, %add3A_407, %add3A_409, %add3A_414, %add3A_416, %add3A_421, %add3A_423, %add3A_428, %add3A_430, %add3A_435, %add3A_437 : vector<16xf32>, vector<16xf32>, vector<16xf32>, vector<16xf32>, vector<16xf32>, vector<16xf32>, vector<16xf32>, vector<16xf32>, vector<16xf32>, vector<16xf32>, vector<16xf32>, vector<16xf32>, vector<16xf32>, vector<16xf32>, vector<16xf32>, vector<16xf32>
        }
        %scan3A_104 = arith.constant 200 : i32
        %swap3A = arith.index_cast %squeeze3A : i32 to index
        %swap3A_105 = arith.constant 0 : index
        %swap3A_106 = tpu.vector_load %arg10[%swap3A, %swap3A_105] {strides = array<i32>} : memref<64x128xf32, #tpu.memory_space<vmem>>, vector<1x16xf32>,
        %swap3A_107 = vector.shape_cast %swap3A_106 : vector<1x16xf32> to vector<16xf32>
        %swap3A_108 = vector.shape_cast %scan3A_103#0 : vector<16xf32> to vector<1x16xf32>
        tpu.vector_store %arg10[%swap3A, %swap3A_105], %swap3A_108 {add = true, strides = array<i32>} : memref<64x128xf32, #tpu.memory_space<vmem>>, vector<1x16xf32>,
        %swap3A_109 = arith.index_cast %squeeze3A : i32 to index
        %swap3A_110 = arith.constant 0 : index
        %swap3A_111 = tpu.vector_load %arg11[%swap3A_109, %swap3A_110] {strides = array<i32>} : memref<64x128xf32, #tpu.memory_space<vmem>>, vector<1x16xf32>,
        %swap3A_112 = vector.shape_cast %swap3A_111 : vector<1x16xf32> to vector<16xf32>
        %swap3A_113 = vector.shape_cast %scan3A_103#1 : vector<16xf32> to vector<1x16xf32>
        tpu.vector_store %arg11[%swap3A_109, %swap3A_110], %swap3A_113 {add = true, strides = array<i32>} : memref<64x128xf32, #tpu.memory_space<vmem>>, vector<1x16xf32>,
        %swap3A_114 = arith.index_cast %squeeze3A : i32 to index
        %swap3A_115 = arith.constant 16 : index
        %swap3A_116 = tpu.vector_load %arg10[%swap3A_114, %swap3A_115] {strides = array<i32>} : memref<64x128xf32, #tpu.memory_space<vmem>>, vector<1x16xf32>,
        %swap3A_117 = vector.shape_cast %swap3A_116 : vector<1x16xf32> to vector<16xf32>
        %swap3A_118 = vector.shape_cast %scan3A_103#2 : vector<16xf32> to vector<1x16xf32>
        tpu.vector_store %arg10[%swap3A_114, %swap3A_115], %swap3A_118 {add = true, strides = array<i32>} : memref<64x128xf32, #tpu.memory_space<vmem>>, vector<1x16xf32>,
        %swap3A_119 = arith.index_cast %squeeze3A : i32 to index
        %swap3A_120 = arith.constant 16 : index
        %swap3A_121 = tpu.vector_load %arg11[%swap3A_119, %swap3A_120] {strides = array<i32>} : memref<64x128xf32, #tpu.memory_space<vmem>>, vector<1x16xf32>,
        %swap3A_122 = vector.shape_cast %swap3A_121 : vector<1x16xf32> to vector<16xf32>
        %swap3A_123 = vector.shape_cast %scan3A_103#3 : vector<16xf32> to vector<1x16xf32>
        tpu.vector_store %arg11[%swap3A_119, %swap3A_120], %swap3A_123 {add = true, strides = array<i32>} : memref<64x128xf32, #tpu.memory_space<vmem>>, vector<1x16xf32>,
        %swap3A_124 = arith.index_cast %squeeze3A : i32 to index
        %swap3A_125 = arith.constant 32 : index
        %swap3A_126 = tpu.vector_load %arg10[%swap3A_124, %swap3A_125] {strides = array<i32>} : memref<64x128xf32, #tpu.memory_space<vmem>>, vector<1x16xf32>,
        %swap3A_127 = vector.shape_cast %swap3A_126 : vector<1x16xf32> to vector<16xf32>
        %swap3A_128 = vector.shape_cast %scan3A_103#4 : vector<16xf32> to vector<1x16xf32>
        tpu.vector_store %arg10[%swap3A_124, %swap3A_125], %swap3A_128 {add = true, strides = array<i32>} : memref<64x128xf32, #tpu.memory_space<vmem>>, vector<1x16xf32>,
        %swap3A_129 = arith.index_cast %squeeze3A : i32 to index
        %swap3A_130 = arith.constant 32 : index
        %swap3A_131 = tpu.vector_load %arg11[%swap3A_129, %swap3A_130] {strides = array<i32>} : memref<64x128xf32, #tpu.memory_space<vmem>>, vector<1x16xf32>,
        %swap3A_132 = vector.shape_cast %swap3A_131 : vector<1x16xf32> to vector<16xf32>
        %swap3A_133 = vector.shape_cast %scan3A_103#5 : vector<16xf32> to vector<1x16xf32>
        tpu.vector_store %arg11[%swap3A_129, %swap3A_130], %swap3A_133 {add = true, strides = array<i32>} : memref<64x128xf32, #tpu.memory_space<vmem>>, vector<1x16xf32>,
        %swap3A_134 = arith.index_cast %squeeze3A : i32 to index
        %swap3A_135 = arith.constant 48 : index
        %swap3A_136 = tpu.vector_load %arg10[%swap3A_134, %swap3A_135] {strides = array<i32>} : memref<64x128xf32, #tpu.memory_space<vmem>>, vector<1x16xf32>,
        %swap3A_137 = vector.shape_cast %swap3A_136 : vector<1x16xf32> to vector<16xf32>
        %swap3A_138 = vector.shape_cast %scan3A_103#6 : vector<16xf32> to vector<1x16xf32>
        tpu.vector_store %arg10[%swap3A_134, %swap3A_135], %swap3A_138 {add = true, strides = array<i32>} : memref<64x128xf32, #tpu.memory_space<vmem>>, vector<1x16xf32>,
        %swap3A_139 = arith.index_cast %squeeze3A : i32 to index
        %swap3A_140 = arith.constant 48 : index
        %swap3A_141 = tpu.vector_load %arg11[%swap3A_139, %swap3A_140] {strides = array<i32>} : memref<64x128xf32, #tpu.memory_space<vmem>>, vector<1x16xf32>,
        %swap3A_142 = vector.shape_cast %swap3A_141 : vector<1x16xf32> to vector<16xf32>
        %swap3A_143 = vector.shape_cast %scan3A_103#7 : vector<16xf32> to vector<1x16xf32>
        tpu.vector_store %arg11[%swap3A_139, %swap3A_140], %swap3A_143 {add = true, strides = array<i32>} : memref<64x128xf32, #tpu.memory_space<vmem>>, vector<1x16xf32>,
        %swap3A_144 = arith.index_cast %squeeze3A : i32 to index
        %swap3A_145 = arith.constant 64 : index
        %swap3A_146 = tpu.vector_load %arg10[%swap3A_144, %swap3A_145] {strides = array<i32>} : memref<64x128xf32, #tpu.memory_space<vmem>>, vector<1x16xf32>,
        %swap3A_147 = vector.shape_cast %swap3A_146 : vector<1x16xf32> to vector<16xf32>
        %swap3A_148 = vector.shape_cast %scan3A_103#8 : vector<16xf32> to vector<1x16xf32>
        tpu.vector_store %arg10[%swap3A_144, %swap3A_145], %swap3A_148 {add = true, strides = array<i32>} : memref<64x128xf32, #tpu.memory_space<vmem>>, vector<1x16xf32>,
        %swap3A_149 = arith.index_cast %squeeze3A : i32 to index
        %swap3A_150 = arith.constant 64 : index
        %swap3A_151 = tpu.vector_load %arg11[%swap3A_149, %swap3A_150] {strides = array<i32>} : memref<64x128xf32, #tpu.memory_space<vmem>>, vector<1x16xf32>,
        %swap3A_152 = vector.shape_cast %swap3A_151 : vector<1x16xf32> to vector<16xf32>
        %swap3A_153 = vector.shape_cast %scan3A_103#9 : vector<16xf32> to vector<1x16xf32>
        tpu.vector_store %arg11[%swap3A_149, %swap3A_150], %swap3A_153 {add = true, strides = array<i32>} : memref<64x128xf32, #tpu.memory_space<vmem>>, vector<1x16xf32>,
        %swap3A_154 = arith.index_cast %squeeze3A : i32 to index
        %swap3A_155 = arith.constant 80 : index
        %swap3A_156 = tpu.vector_load %arg10[%swap3A_154, %swap3A_155] {strides = array<i32>} : memref<64x128xf32, #tpu.memory_space<vmem>>, vector<1x16xf32>,
        %swap3A_157 = vector.shape_cast %swap3A_156 : vector<1x16xf32> to vector<16xf32>
        %swap3A_158 = vector.shape_cast %scan3A_103#10 : vector<16xf32> to vector<1x16xf32>
        tpu.vector_store %arg10[%swap3A_154, %swap3A_155], %swap3A_158 {add = true, strides = array<i32>} : memref<64x128xf32, #tpu.memory_space<vmem>>, vector<1x16xf32>,
        %swap3A_159 = arith.index_cast %squeeze3A : i32 to index
        %swap3A_160 = arith.constant 80 : index
        %swap3A_161 = tpu.vector_load %arg11[%swap3A_159, %swap3A_160] {strides = array<i32>} : memref<64x128xf32, #tpu.memory_space<vmem>>, vector<1x16xf32>,
        %swap3A_162 = vector.shape_cast %swap3A_161 : vector<1x16xf32> to vector<16xf32>
        %swap3A_163 = vector.shape_cast %scan3A_103#11 : vector<16xf32> to vector<1x16xf32>
        tpu.vector_store %arg11[%swap3A_159, %swap3A_160], %swap3A_163 {add = true, strides = array<i32>} : memref<64x128xf32, #tpu.memory_space<vmem>>, vector<1x16xf32>,
        %swap3A_164 = arith.index_cast %squeeze3A : i32 to index
        %swap3A_165 = arith.constant 96 : index
        %swap3A_166 = tpu.vector_load %arg10[%swap3A_164, %swap3A_165] {strides = array<i32>} : memref<64x128xf32, #tpu.memory_space<vmem>>, vector<1x16xf32>,
        %swap3A_167 = vector.shape_cast %swap3A_166 : vector<1x16xf32> to vector<16xf32>
        %swap3A_168 = vector.shape_cast %scan3A_103#12 : vector<16xf32> to vector<1x16xf32>
        tpu.vector_store %arg10[%swap3A_164, %swap3A_165], %swap3A_168 {add = true, strides = array<i32>} : memref<64x128xf32, #tpu.memory_space<vmem>>, vector<1x16xf32>,
        %swap3A_169 = arith.index_cast %squeeze3A : i32 to index
        %swap3A_170 = arith.constant 96 : index
        %swap3A_171 = tpu.vector_load %arg11[%swap3A_169, %swap3A_170] {strides = array<i32>} : memref<64x128xf32, #tpu.memory_space<vmem>>, vector<1x16xf32>,
        %swap3A_172 = vector.shape_cast %swap3A_171 : vector<1x16xf32> to vector<16xf32>
        %swap3A_173 = vector.shape_cast %scan3A_103#13 : vector<16xf32> to vector<1x16xf32>
        tpu.vector_store %arg11[%swap3A_169, %swap3A_170], %swap3A_173 {add = true, strides = array<i32>} : memref<64x128xf32, #tpu.memory_space<vmem>>, vector<1x16xf32>,
        %swap3A_174 = arith.index_cast %squeeze3A : i32 to index
        %swap3A_175 = arith.constant 112 : index
        %swap3A_176 = tpu.vector_load %arg10[%swap3A_174, %swap3A_175] {strides = array<i32>} : memref<64x128xf32, #tpu.memory_space<vmem>>, vector<1x16xf32>,
        %swap3A_177 = vector.shape_cast %swap3A_176 : vector<1x16xf32> to vector<16xf32>
        %swap3A_178 = vector.shape_cast %scan3A_103#14 : vector<16xf32> to vector<1x16xf32>
        tpu.vector_store %arg10[%swap3A_174, %swap3A_175], %swap3A_178 {add = true, strides = array<i32>} : memref<64x128xf32, #tpu.memory_space<vmem>>, vector<1x16xf32>,
        %swap3A_179 = arith.index_cast %squeeze3A : i32 to index
        %swap3A_180 = arith.constant 112 : index
        %swap3A_181 = tpu.vector_load %arg11[%swap3A_179, %swap3A_180] {strides = array<i32>} : memref<64x128xf32, #tpu.memory_space<vmem>>, vector<1x16xf32>,
        %swap3A_182 = vector.shape_cast %swap3A_181 : vector<1x16xf32> to vector<16xf32>
        %swap3A_183 = vector.shape_cast %scan3A_103#15 : vector<16xf32> to vector<1x16xf32>
        tpu.vector_store %arg11[%swap3A_179, %swap3A_180], %swap3A_183 {add = true, strides = array<i32>} : memref<64x128xf32, #tpu.memory_space<vmem>>, vector<1x16xf32>,
        %broadcast_in_dim3A_184 = arith.constant 2.000000e+02 : f32
        %broadcast_in_dim3A_185 = vector.broadcast %broadcast_in_dim3A_184 : f32 to vector<16xf32>
        %swap3A_186 = arith.index_cast %squeeze3A : i32 to index
        %swap3A_187 = arith.constant 0 : index
        %swap3A_188 = tpu.vector_load %arg12[%swap3A_186, %swap3A_187] {strides = array<i32>} : memref<64x16xf32, #tpu.memory_space<vmem>>, vector<1x16xf32>,
        %swap3A_189 = vector.shape_cast %swap3A_188 : vector<1x16xf32> to vector<16xf32>
        %swap3A_190 = vector.shape_cast %broadcast_in_dim3A_185 : vector<16xf32> to vector<1x16xf32>
        tpu.vector_store %arg12[%swap3A_186, %swap3A_187], %swap3A_190 {add = true, strides = array<i32>} : memref<64x16xf32, #tpu.memory_space<vmem>>, vector<1x16xf32>,
      } else {
      }
      %ne3A = arith.cmpi ne, %squeeze3A, %squeeze3A_92 : i32
      %convert_element_type3A_96 = arith.extui %ne3A : i1 to i32
      %cond3A_97 = arith.constant 0 : i32
      %cond3A_98 = arith.cmpi ne, %convert_element_type3A_96, %cond3A_97 : i32
      scf.if %cond3A_98 {
        %scan3A_99 = arith.constant 0 : i32
        %scan3A_100 = arith.constant 0 : i32
        %scan3A_101 = arith.constant 200 : i32
        %scan3A_102 = arith.addi %scan3A_100, %scan3A_101 : i32
        %scan3A_103 = arith.constant 1 : i32
        %scan3A_104 = scf.for %scan3A_106 = %scan3A_100 to %scan3A_102 step %scan3A_103 iter_args(%scan3A_107 = %scan3A_99) -> (i32)  : i32 {
          %add3A_108 = arith.addi %add3A_81, %scan3A_106 : i32
          %get3A_109 = arith.index_cast %add3A_108 : i32 to index
          %get3A_110 = tpu.vector_load %arg9[%get3A_109] {strides = array<i32>} : memref<816xi32, #tpu.memory_space<vmem>>, vector<16xi32>,
          %get3A_111 = vector.shape_cast %get3A_110 : vector<16xi32> to vector<16xi32>
          %slice3A_112 = vector.extract_strided_slice %get3A_111 {offsets = [0], sizes = [1], strides = [1]} : vector<16xi32> to vector<1xi32>
          %squeeze3A_113 = vector.extract %slice3A_112[0] : i32 from vector<1xi32>
          %get3A_114 = arith.index_cast %scan3A_106 : i32 to index
          %get3A_115 = arith.constant 0 : index
          %get3A_116 = tpu.vector_load %arg7[%get3A_114, %get3A_115] {strides = array<i32>} : memref<200x128xf32, #tpu.memory_space<vmem>>, vector<1x16xf32>,
          %get3A_117 = vector.shape_cast %get3A_116 : vector<1x16xf32> to vector<16xf32>
          %swap3A = arith.index_cast %squeeze3A_113 : i32 to index
          %swap3A_118 = arith.constant 0 : index
          %swap3A_119 = tpu.vector_load %arg10[%swap3A, %swap3A_118] {strides = array<i32>} : memref<64x128xf32, #tpu.memory_space<vmem>>, vector<1x16xf32>,
          %swap3A_120 = vector.shape_cast %swap3A_119 : vector<1x16xf32> to vector<16xf32>
          %swap3A_121 = vector.shape_cast %get3A_117 : vector<16xf32> to vector<1x16xf32>
          tpu.vector_store %arg10[%swap3A, %swap3A_118], %swap3A_121 {add = true, strides = array<i32>} : memref<64x128xf32, #tpu.memory_space<vmem>>, vector<1x16xf32>,
          %mul3A_122 = arith.mulf %get3A_117, %get3A_117 : vector<16xf32>
          %swap3A_123 = arith.index_cast %squeeze3A_113 : i32 to index
          %swap3A_124 = arith.constant 0 : index
          %swap3A_125 = tpu.vector_load %arg11[%swap3A_123, %swap3A_124] {strides = array<i32>} : memref<64x128xf32, #tpu.memory_space<vmem>>, vector<1x16xf32>,
          %swap3A_126 = vector.shape_cast %swap3A_125 : vector<1x16xf32> to vector<16xf32>
          %swap3A_127 = vector.shape_cast %mul3A_122 : vector<16xf32> to vector<1x16xf32>
          tpu.vector_store %arg11[%swap3A_123, %swap3A_124], %swap3A_127 {add = true, strides = array<i32>} : memref<64x128xf32, #tpu.memory_space<vmem>>, vector<1x16xf32>,
          %get3A_128 = arith.index_cast %scan3A_106 : i32 to index
          %get3A_129 = arith.constant 16 : index
          %get3A_130 = tpu.vector_load %arg7[%get3A_128, %get3A_129] {strides = array<i32>} : memref<200x128xf32, #tpu.memory_space<vmem>>, vector<1x16xf32>,
          %get3A_131 = vector.shape_cast %get3A_130 : vector<1x16xf32> to vector<16xf32>
          %swap3A_132 = arith.index_cast %squeeze3A_113 : i32 to index
          %swap3A_133 = arith.constant 16 : index
          %swap3A_134 = tpu.vector_load %arg10[%swap3A_132, %swap3A_133] {strides = array<i32>} : memref<64x128xf32, #tpu.memory_space<vmem>>, vector<1x16xf32>,
          %swap3A_135 = vector.shape_cast %swap3A_134 : vector<1x16xf32> to vector<16xf32>
          %swap3A_136 = vector.shape_cast %get3A_131 : vector<16xf32> to vector<1x16xf32>
          tpu.vector_store %arg10[%swap3A_132, %swap3A_133], %swap3A_136 {add = true, strides = array<i32>} : memref<64x128xf32, #tpu.memory_space<vmem>>, vector<1x16xf32>,
          %mul3A_137 = arith.mulf %get3A_131, %get3A_131 : vector<16xf32>
          %swap3A_138 = arith.index_cast %squeeze3A_113 : i32 to index
          %swap3A_139 = arith.constant 16 : index
          %swap3A_140 = tpu.vector_load %arg11[%swap3A_138, %swap3A_139] {strides = array<i32>} : memref<64x128xf32, #tpu.memory_space<vmem>>, vector<1x16xf32>,
          %swap3A_141 = vector.shape_cast %swap3A_140 : vector<1x16xf32> to vector<16xf32>
          %swap3A_142 = vector.shape_cast %mul3A_137 : vector<16xf32> to vector<1x16xf32>
          tpu.vector_store %arg11[%swap3A_138, %swap3A_139], %swap3A_142 {add = true, strides = array<i32>} : memref<64x128xf32, #tpu.memory_space<vmem>>, vector<1x16xf32>,
          %get3A_143 = arith.index_cast %scan3A_106 : i32 to index
          %get3A_144 = arith.constant 32 : index
          %get3A_145 = tpu.vector_load %arg7[%get3A_143, %get3A_144] {strides = array<i32>} : memref<200x128xf32, #tpu.memory_space<vmem>>, vector<1x16xf32>,
          %get3A_146 = vector.shape_cast %get3A_145 : vector<1x16xf32> to vector<16xf32>
          %swap3A_147 = arith.index_cast %squeeze3A_113 : i32 to index
          %swap3A_148 = arith.constant 32 : index
          %swap3A_149 = tpu.vector_load %arg10[%swap3A_147, %swap3A_148] {strides = array<i32>} : memref<64x128xf32, #tpu.memory_space<vmem>>, vector<1x16xf32>,
          %swap3A_150 = vector.shape_cast %swap3A_149 : vector<1x16xf32> to vector<16xf32>
          %swap3A_151 = vector.shape_cast %get3A_146 : vector<16xf32> to vector<1x16xf32>
          tpu.vector_store %arg10[%swap3A_147, %swap3A_148], %swap3A_151 {add = true, strides = array<i32>} : memref<64x128xf32, #tpu.memory_space<vmem>>, vector<1x16xf32>,
          %mul3A_152 = arith.mulf %get3A_146, %get3A_146 : vector<16xf32>
          %swap3A_153 = arith.index_cast %squeeze3A_113 : i32 to index
          %swap3A_154 = arith.constant 32 : index
          %swap3A_155 = tpu.vector_load %arg11[%swap3A_153, %swap3A_154] {strides = array<i32>} : memref<64x128xf32, #tpu.memory_space<vmem>>, vector<1x16xf32>,
          %swap3A_156 = vector.shape_cast %swap3A_155 : vector<1x16xf32> to vector<16xf32>
          %swap3A_157 = vector.shape_cast %mul3A_152 : vector<16xf32> to vector<1x16xf32>
          tpu.vector_store %arg11[%swap3A_153, %swap3A_154], %swap3A_157 {add = true, strides = array<i32>} : memref<64x128xf32, #tpu.memory_space<vmem>>, vector<1x16xf32>,
          %get3A_158 = arith.index_cast %scan3A_106 : i32 to index
          %get3A_159 = arith.constant 48 : index
          %get3A_160 = tpu.vector_load %arg7[%get3A_158, %get3A_159] {strides = array<i32>} : memref<200x128xf32, #tpu.memory_space<vmem>>, vector<1x16xf32>,
          %get3A_161 = vector.shape_cast %get3A_160 : vector<1x16xf32> to vector<16xf32>
          %swap3A_162 = arith.index_cast %squeeze3A_113 : i32 to index
          %swap3A_163 = arith.constant 48 : index
          %swap3A_164 = tpu.vector_load %arg10[%swap3A_162, %swap3A_163] {strides = array<i32>} : memref<64x128xf32, #tpu.memory_space<vmem>>, vector<1x16xf32>,
          %swap3A_165 = vector.shape_cast %swap3A_164 : vector<1x16xf32> to vector<16xf32>
          %swap3A_166 = vector.shape_cast %get3A_161 : vector<16xf32> to vector<1x16xf32>
          tpu.vector_store %arg10[%swap3A_162, %swap3A_163], %swap3A_166 {add = true, strides = array<i32>} : memref<64x128xf32, #tpu.memory_space<vmem>>, vector<1x16xf32>,
          %mul3A_167 = arith.mulf %get3A_161, %get3A_161 : vector<16xf32>
          %swap3A_168 = arith.index_cast %squeeze3A_113 : i32 to index
          %swap3A_169 = arith.constant 48 : index
          %swap3A_170 = tpu.vector_load %arg11[%swap3A_168, %swap3A_169] {strides = array<i32>} : memref<64x128xf32, #tpu.memory_space<vmem>>, vector<1x16xf32>,
          %swap3A_171 = vector.shape_cast %swap3A_170 : vector<1x16xf32> to vector<16xf32>
          %swap3A_172 = vector.shape_cast %mul3A_167 : vector<16xf32> to vector<1x16xf32>
          tpu.vector_store %arg11[%swap3A_168, %swap3A_169], %swap3A_172 {add = true, strides = array<i32>} : memref<64x128xf32, #tpu.memory_space<vmem>>, vector<1x16xf32>,
          %get3A_173 = arith.index_cast %scan3A_106 : i32 to index
          %get3A_174 = arith.constant 64 : index
          %get3A_175 = tpu.vector_load %arg7[%get3A_173, %get3A_174] {strides = array<i32>} : memref<200x128xf32, #tpu.memory_space<vmem>>, vector<1x16xf32>,
          %get3A_176 = vector.shape_cast %get3A_175 : vector<1x16xf32> to vector<16xf32>
          %swap3A_177 = arith.index_cast %squeeze3A_113 : i32 to index
          %swap3A_178 = arith.constant 64 : index
          %swap3A_179 = tpu.vector_load %arg10[%swap3A_177, %swap3A_178] {strides = array<i32>} : memref<64x128xf32, #tpu.memory_space<vmem>>, vector<1x16xf32>,
          %swap3A_180 = vector.shape_cast %swap3A_179 : vector<1x16xf32> to vector<16xf32>
          %swap3A_181 = vector.shape_cast %get3A_176 : vector<16xf32> to vector<1x16xf32>
          tpu.vector_store %arg10[%swap3A_177, %swap3A_178], %swap3A_181 {add = true, strides = array<i32>} : memref<64x128xf32, #tpu.memory_space<vmem>>, vector<1x16xf32>,
          %mul3A_182 = arith.mulf %get3A_176, %get3A_176 : vector<16xf32>
          %swap3A_183 = arith.index_cast %squeeze3A_113 : i32 to index
          %swap3A_184 = arith.constant 64 : index
          %swap3A_185 = tpu.vector_load %arg11[%swap3A_183, %swap3A_184] {strides = array<i32>} : memref<64x128xf32, #tpu.memory_space<vmem>>, vector<1x16xf32>,
          %swap3A_186 = vector.shape_cast %swap3A_185 : vector<1x16xf32> to vector<16xf32>
          %swap3A_187 = vector.shape_cast %mul3A_182 : vector<16xf32> to vector<1x16xf32>
          tpu.vector_store %arg11[%swap3A_183, %swap3A_184], %swap3A_187 {add = true, strides = array<i32>} : memref<64x128xf32, #tpu.memory_space<vmem>>, vector<1x16xf32>,
          %get3A_188 = arith.index_cast %scan3A_106 : i32 to index
          %get3A_189 = arith.constant 80 : index
          %get3A_190 = tpu.vector_load %arg7[%get3A_188, %get3A_189] {strides = array<i32>} : memref<200x128xf32, #tpu.memory_space<vmem>>, vector<1x16xf32>,
          %get3A_191 = vector.shape_cast %get3A_190 : vector<1x16xf32> to vector<16xf32>
          %swap3A_192 = arith.index_cast %squeeze3A_113 : i32 to index
          %swap3A_193 = arith.constant 80 : index
          %swap3A_194 = tpu.vector_load %arg10[%swap3A_192, %swap3A_193] {strides = array<i32>} : memref<64x128xf32, #tpu.memory_space<vmem>>, vector<1x16xf32>,
          %swap3A_195 = vector.shape_cast %swap3A_194 : vector<1x16xf32> to vector<16xf32>
          %swap3A_196 = vector.shape_cast %get3A_191 : vector<16xf32> to vector<1x16xf32>
          tpu.vector_store %arg10[%swap3A_192, %swap3A_193], %swap3A_196 {add = true, strides = array<i32>} : memref<64x128xf32, #tpu.memory_space<vmem>>, vector<1x16xf32>,
          %mul3A_197 = arith.mulf %get3A_191, %get3A_191 : vector<16xf32>
          %swap3A_198 = arith.index_cast %squeeze3A_113 : i32 to index
          %swap3A_199 = arith.constant 80 : index
          %swap3A_200 = tpu.vector_load %arg11[%swap3A_198, %swap3A_199] {strides = array<i32>} : memref<64x128xf32, #tpu.memory_space<vmem>>, vector<1x16xf32>,
          %swap3A_201 = vector.shape_cast %swap3A_200 : vector<1x16xf32> to vector<16xf32>
          %swap3A_202 = vector.shape_cast %mul3A_197 : vector<16xf32> to vector<1x16xf32>
          tpu.vector_store %arg11[%swap3A_198, %swap3A_199], %swap3A_202 {add = true, strides = array<i32>} : memref<64x128xf32, #tpu.memory_space<vmem>>, vector<1x16xf32>,
          %get3A_203 = arith.index_cast %scan3A_106 : i32 to index
          %get3A_204 = arith.constant 96 : index
          %get3A_205 = tpu.vector_load %arg7[%get3A_203, %get3A_204] {strides = array<i32>} : memref<200x128xf32, #tpu.memory_space<vmem>>, vector<1x16xf32>,
          %get3A_206 = vector.shape_cast %get3A_205 : vector<1x16xf32> to vector<16xf32>
          %swap3A_207 = arith.index_cast %squeeze3A_113 : i32 to index
          %swap3A_208 = arith.constant 96 : index
          %swap3A_209 = tpu.vector_load %arg10[%swap3A_207, %swap3A_208] {strides = array<i32>} : memref<64x128xf32, #tpu.memory_space<vmem>>, vector<1x16xf32>,
          %swap3A_210 = vector.shape_cast %swap3A_209 : vector<1x16xf32> to vector<16xf32>
          %swap3A_211 = vector.shape_cast %get3A_206 : vector<16xf32> to vector<1x16xf32>
          tpu.vector_store %arg10[%swap3A_207, %swap3A_208], %swap3A_211 {add = true, strides = array<i32>} : memref<64x128xf32, #tpu.memory_space<vmem>>, vector<1x16xf32>,
          %mul3A_212 = arith.mulf %get3A_206, %get3A_206 : vector<16xf32>
          %swap3A_213 = arith.index_cast %squeeze3A_113 : i32 to index
          %swap3A_214 = arith.constant 96 : index
          %swap3A_215 = tpu.vector_load %arg11[%swap3A_213, %swap3A_214] {strides = array<i32>} : memref<64x128xf32, #tpu.memory_space<vmem>>, vector<1x16xf32>,
          %swap3A_216 = vector.shape_cast %swap3A_215 : vector<1x16xf32> to vector<16xf32>
          %swap3A_217 = vector.shape_cast %mul3A_212 : vector<16xf32> to vector<1x16xf32>
          tpu.vector_store %arg11[%swap3A_213, %swap3A_214], %swap3A_217 {add = true, strides = array<i32>} : memref<64x128xf32, #tpu.memory_space<vmem>>, vector<1x16xf32>,
          %get3A_218 = arith.index_cast %scan3A_106 : i32 to index
          %get3A_219 = arith.constant 112 : index
          %get3A_220 = tpu.vector_load %arg7[%get3A_218, %get3A_219] {strides = array<i32>} : memref<200x128xf32, #tpu.memory_space<vmem>>, vector<1x16xf32>,
          %get3A_221 = vector.shape_cast %get3A_220 : vector<1x16xf32> to vector<16xf32>
          %swap3A_222 = arith.index_cast %squeeze3A_113 : i32 to index
          %swap3A_223 = arith.constant 112 : index
          %swap3A_224 = tpu.vector_load %arg10[%swap3A_222, %swap3A_223] {strides = array<i32>} : memref<64x128xf32, #tpu.memory_space<vmem>>, vector<1x16xf32>,
          %swap3A_225 = vector.shape_cast %swap3A_224 : vector<1x16xf32> to vector<16xf32>
          %swap3A_226 = vector.shape_cast %get3A_221 : vector<16xf32> to vector<1x16xf32>
          tpu.vector_store %arg10[%swap3A_222, %swap3A_223], %swap3A_226 {add = true, strides = array<i32>} : memref<64x128xf32, #tpu.memory_space<vmem>>, vector<1x16xf32>,
          %mul3A_227 = arith.mulf %get3A_221, %get3A_221 : vector<16xf32>
          %swap3A_228 = arith.index_cast %squeeze3A_113 : i32 to index
          %swap3A_229 = arith.constant 112 : index
          %swap3A_230 = tpu.vector_load %arg11[%swap3A_228, %swap3A_229] {strides = array<i32>} : memref<64x128xf32, #tpu.memory_space<vmem>>, vector<1x16xf32>,
          %swap3A_231 = vector.shape_cast %swap3A_230 : vector<1x16xf32> to vector<16xf32>
          %swap3A_232 = vector.shape_cast %mul3A_227 : vector<16xf32> to vector<1x16xf32>
          tpu.vector_store %arg11[%swap3A_228, %swap3A_229], %swap3A_232 {add = true, strides = array<i32>} : memref<64x128xf32, #tpu.memory_space<vmem>>, vector<1x16xf32>,
          %broadcast_in_dim3A_233 = arith.constant 1.000000e+00 : f32
          %broadcast_in_dim3A_234 = vector.broadcast %broadcast_in_dim3A_233 : f32 to vector<16xf32>
          %swap3A_235 = arith.index_cast %squeeze3A_113 : i32 to index
          %swap3A_236 = arith.constant 0 : index
          %swap3A_237 = tpu.vector_load %arg12[%swap3A_235, %swap3A_236] {strides = array<i32>} : memref<64x16xf32, #tpu.memory_space<vmem>>, vector<1x16xf32>,
          %swap3A_238 = vector.shape_cast %swap3A_237 : vector<1x16xf32> to vector<16xf32>
          %swap3A_239 = vector.shape_cast %broadcast_in_dim3A_234 : vector<16xf32> to vector<1x16xf32>
          tpu.vector_store %arg12[%swap3A_235, %swap3A_236], %swap3A_239 {add = true, strides = array<i32>} : memref<64x16xf32, #tpu.memory_space<vmem>>, vector<1x16xf32>,
          %scan3A_240 = arith.constant 0 : i32
          scf.yield %scan3A_240 : i32
        }
        %scan3A_105 = arith.constant 200 : i32
      } else {
      }
    } else {
    }
    %gt3A_50 = arith.constant 1 : i32
    %gt3A_51 = arith.cmpi sgt, %select_n3A_12, %gt3A_50 : i32
    %convert_element_type3A_52 = arith.extui %gt3A_51 : i1 to i32
    %cond3A_53 = arith.constant 0 : i32
    %cond3A_54 = arith.cmpi ne, %convert_element_type3A_52, %cond3A_53 : i32
    scf.if %cond3A_54 {
      %add3A_65 = arith.constant 1 : i32
      %add3A_66 = arith.addi %select_n3A, %add3A_65 : i32
      %mul3A_67 = arith.constant 200 : i32
      %mul3A_68 = arith.muli %add3A_66, %mul3A_67 : i32
      %add3A_69 = arith.constant 80000 : i32
      %add3A_70 = arith.addi %add3A_69, %mul3A_68 : i32
      %dma_wait3A_71 = arith.constant 0 : i32
      %dma_wait3A_72 = tpu.memref_slice %arg2[%add3A_70, %dma_wait3A_71] : memref<100000x128xf32, #tpu.memory_space<hbm>> -> memref<200x128xf32, #tpu.memory_space<hbm>>
      %dma_wait3A_73 = arith.constant 0 : i32
      %dma_wait3A_74 = tpu.memref_slice %arg2[%add3A_70, %dma_wait3A_73] : memref<100000x128xf32, #tpu.memory_space<hbm>> -> memref<200x128xf32, #tpu.memory_space<hbm>>
      tpu.wait_dma2 semaphore(%arg14 : memref<!tpu.dma_semaphore, #tpu.memory_space<semaphore_mem>>) src(%dma_wait3A_74 : memref<200x128xf32, #tpu.memory_space<hbm>>) dst(%arg8 : memref<200x128xf32, #tpu.memory_space<vmem>>)
      %gt3A_75 = arith.constant 2 : i32
      %gt3A_76 = arith.cmpi sgt, %select_n3A_12, %gt3A_75 : i32
      %convert_element_type3A_77 = arith.extui %gt3A_76 : i1 to i32
      %cond3A_78 = arith.constant 0 : i32
      %cond3A_79 = arith.cmpi ne, %convert_element_type3A_77, %cond3A_78 : i32
      scf.if %cond3A_79 {
        %add3A_99 = arith.constant 2 : i32
        %add3A_100 = arith.addi %select_n3A, %add3A_99 : i32
        %mul3A_101 = arith.constant 200 : i32
        %mul3A_102 = arith.muli %add3A_100, %mul3A_101 : i32
        %add3A_103 = arith.constant 80000 : i32
        %add3A_104 = arith.addi %add3A_103, %mul3A_102 : i32
        %dma_start3A_105 = arith.constant 0 : i32
        %dma_start3A_106 = tpu.memref_slice %arg2[%add3A_104, %dma_start3A_105] : memref<100000x128xf32, #tpu.memory_space<hbm>> -> memref<200x128xf32, #tpu.memory_space<hbm>>
        %dma_start3A_107 = arith.constant 0 : i32
        %dma_start3A_108 = tpu.memref_slice %arg2[%add3A_104, %dma_start3A_107] : memref<100000x128xf32, #tpu.memory_space<hbm>> -> memref<200x128xf32, #tpu.memory_space<hbm>>
        tpu.enqueue_dma source(%dma_start3A_108 : memref<200x128xf32, #tpu.memory_space<hbm>>) target(%arg7 : memref<200x128xf32, #tpu.memory_space<vmem>>) target_semaphore(%arg13 : memref<!tpu.dma_semaphore, #tpu.memory_space<semaphore_mem>>)
      } else {
      }
      %add3A_80 = arith.constant 200 : i32
      %add3A_81 = arith.addi %mul3A_16, %add3A_80 : i32
      %get3A = arith.index_cast %add3A_81 : i32 to index
      %get3A_82 = tpu.vector_load %arg9[%get3A] {strides = array<i32>} : memref<816xi32, #tpu.memory_space<vmem>>, vector<16xi32>,
      %get3A_83 = vector.shape_cast %get3A_82 : vector<16xi32> to vector<16xi32>
      %slice3A = vector.extract_strided_slice %get3A_83 {offsets = [0], sizes = [1], strides = [1]} : vector<16xi32> to vector<1xi32>
      %squeeze3A = vector.extract %slice3A[0] : i32 from vector<1xi32>
      %add3A_84 = arith.constant 200 : i32
      %add3A_85 = arith.addi %add3A_81, %add3A_84 : i32
      %sub3A_86 = arith.constant 16 : i32
      %sub3A_87 = arith.subi %add3A_85, %sub3A_86 : i32
      %get3A_88 = arith.index_cast %sub3A_87 : i32 to index
      %get3A_89 = tpu.vector_load %arg9[%get3A_88] {strides = array<i32>} : memref<816xi32, #tpu.memory_space<vmem>>, vector<16xi32>,
      %get3A_90 = vector.shape_cast %get3A_89 : vector<16xi32> to vector<16xi32>
      %slice3A_91 = vector.extract_strided_slice %get3A_90 {offsets = [15], sizes = [1], strides = [1]} : vector<16xi32> to vector<1xi32>
      %squeeze3A_92 = vector.extract %slice3A_91[0] : i32 from vector<1xi32>
      %eq3A = arith.cmpi eq, %squeeze3A, %squeeze3A_92 : i32
      %convert_element_type3A_93 = arith.extui %eq3A : i1 to i32
      %cond3A_94 = arith.constant 0 : i32
      %cond3A_95 = arith.cmpi ne, %convert_element_type3A_93, %cond3A_94 : i32
      scf.if %cond3A_95 {
        %scan3A_99 = arith.constant 0 : i32
        %scan3A_100 = arith.constant 200 : i32
        %scan3A_101 = arith.addi %scan3A_99, %scan3A_100 : i32
        %scan3A_102 = arith.constant 4 : i32
        %scan3A_103:16 = scf.for %scan3A_191 = %scan3A_99 to %scan3A_101 step %scan3A_102 iter_args(%scan3A_192 = %broadcast_in_dim3A_26, %scan3A_193 = %broadcast_in_dim3A_26, %scan3A_194 = %broadcast_in_dim3A_26, %scan3A_195 = %broadcast_in_dim3A_26, %scan3A_196 = %broadcast_in_dim3A_26, %scan3A_197 = %broadcast_in_dim3A_26, %scan3A_198 = %broadcast_in_dim3A_26, %scan3A_199 = %broadcast_in_dim3A_26, %scan3A_200 = %broadcast_in_dim3A_26, %scan3A_201 = %broadcast_in_dim3A_26, %scan3A_202 = %broadcast_in_dim3A_26, %scan3A_203 = %broadcast_in_dim3A_26, %scan3A_204 = %broadcast_in_dim3A_26, %scan3A_205 = %broadcast_in_dim3A_26, %scan3A_206 = %broadcast_in_dim3A_26, %scan3A_207 = %broadcast_in_dim3A_26) -> (vector<16xf32>, vector<16xf32>, vector<16xf32>, vector<16xf32>, vector<16xf32>, vector<16xf32>, vector<16xf32>, vector<16xf32>, vector<16xf32>, vector<16xf32>, vector<16xf32>, vector<16xf32>, vector<16xf32>, vector<16xf32>, vector<16xf32>, vector<16xf32>)  : i32 {
          %get3A_208 = arith.index_cast %scan3A_191 : i32 to index
          %get3A_209 = arith.constant 0 : index
          %get3A_210 = tpu.vector_load %arg8[%get3A_208, %get3A_209] {strides = array<i32>} : memref<200x128xf32, #tpu.memory_space<vmem>>, vector<1x16xf32>,
          %get3A_211 = vector.shape_cast %get3A_210 : vector<1x16xf32> to vector<16xf32>
          %add3A_212 = arith.addf %scan3A_192, %get3A_211 : vector<16xf32>
          %mul3A_213 = arith.mulf %get3A_211, %get3A_211 : vector<16xf32>
          %add3A_214 = arith.addf %scan3A_193, %mul3A_213 : vector<16xf32>
          %get3A_215 = arith.index_cast %scan3A_191 : i32 to index
          %get3A_216 = arith.constant 16 : index
          %get3A_217 = tpu.vector_load %arg8[%get3A_215, %get3A_216] {strides = array<i32>} : memref<200x128xf32, #tpu.memory_space<vmem>>, vector<1x16xf32>,
          %get3A_218 = vector.shape_cast %get3A_217 : vector<1x16xf32> to vector<16xf32>
          %add3A_219 = arith.addf %scan3A_194, %get3A_218 : vector<16xf32>
          %mul3A_220 = arith.mulf %get3A_218, %get3A_218 : vector<16xf32>
          %add3A_221 = arith.addf %scan3A_195, %mul3A_220 : vector<16xf32>
          %get3A_222 = arith.index_cast %scan3A_191 : i32 to index
          %get3A_223 = arith.constant 32 : index
          %get3A_224 = tpu.vector_load %arg8[%get3A_222, %get3A_223] {strides = array<i32>} : memref<200x128xf32, #tpu.memory_space<vmem>>, vector<1x16xf32>,
          %get3A_225 = vector.shape_cast %get3A_224 : vector<1x16xf32> to vector<16xf32>
          %add3A_226 = arith.addf %scan3A_196, %get3A_225 : vector<16xf32>
          %mul3A_227 = arith.mulf %get3A_225, %get3A_225 : vector<16xf32>
          %add3A_228 = arith.addf %scan3A_197, %mul3A_227 : vector<16xf32>
          %get3A_229 = arith.index_cast %scan3A_191 : i32 to index
          %get3A_230 = arith.constant 48 : index
          %get3A_231 = tpu.vector_load %arg8[%get3A_229, %get3A_230] {strides = array<i32>} : memref<200x128xf32, #tpu.memory_space<vmem>>, vector<1x16xf32>,
          %get3A_232 = vector.shape_cast %get3A_231 : vector<1x16xf32> to vector<16xf32>
          %add3A_233 = arith.addf %scan3A_198, %get3A_232 : vector<16xf32>
          %mul3A_234 = arith.mulf %get3A_232, %get3A_232 : vector<16xf32>
          %add3A_235 = arith.addf %scan3A_199, %mul3A_234 : vector<16xf32>
          %get3A_236 = arith.index_cast %scan3A_191 : i32 to index
          %get3A_237 = arith.constant 64 : index
          %get3A_238 = tpu.vector_load %arg8[%get3A_236, %get3A_237] {strides = array<i32>} : memref<200x128xf32, #tpu.memory_space<vmem>>, vector<1x16xf32>,
          %get3A_239 = vector.shape_cast %get3A_238 : vector<1x16xf32> to vector<16xf32>
          %add3A_240 = arith.addf %scan3A_200, %get3A_239 : vector<16xf32>
          %mul3A_241 = arith.mulf %get3A_239, %get3A_239 : vector<16xf32>
          %add3A_242 = arith.addf %scan3A_201, %mul3A_241 : vector<16xf32>
          %get3A_243 = arith.index_cast %scan3A_191 : i32 to index
          %get3A_244 = arith.constant 80 : index
          %get3A_245 = tpu.vector_load %arg8[%get3A_243, %get3A_244] {strides = array<i32>} : memref<200x128xf32, #tpu.memory_space<vmem>>, vector<1x16xf32>,
          %get3A_246 = vector.shape_cast %get3A_245 : vector<1x16xf32> to vector<16xf32>
          %add3A_247 = arith.addf %scan3A_202, %get3A_246 : vector<16xf32>
          %mul3A_248 = arith.mulf %get3A_246, %get3A_246 : vector<16xf32>
          %add3A_249 = arith.addf %scan3A_203, %mul3A_248 : vector<16xf32>
          %get3A_250 = arith.index_cast %scan3A_191 : i32 to index
          %get3A_251 = arith.constant 96 : index
          %get3A_252 = tpu.vector_load %arg8[%get3A_250, %get3A_251] {strides = array<i32>} : memref<200x128xf32, #tpu.memory_space<vmem>>, vector<1x16xf32>,
          %get3A_253 = vector.shape_cast %get3A_252 : vector<1x16xf32> to vector<16xf32>
          %add3A_254 = arith.addf %scan3A_204, %get3A_253 : vector<16xf32>
          %mul3A_255 = arith.mulf %get3A_253, %get3A_253 : vector<16xf32>
          %add3A_256 = arith.addf %scan3A_205, %mul3A_255 : vector<16xf32>
          %get3A_257 = arith.index_cast %scan3A_191 : i32 to index
          %get3A_258 = arith.constant 112 : index
          %get3A_259 = tpu.vector_load %arg8[%get3A_257, %get3A_258] {strides = array<i32>} : memref<200x128xf32, #tpu.memory_space<vmem>>, vector<1x16xf32>,
          %get3A_260 = vector.shape_cast %get3A_259 : vector<1x16xf32> to vector<16xf32>
          %add3A_261 = arith.addf %scan3A_206, %get3A_260 : vector<16xf32>
          %mul3A_262 = arith.mulf %get3A_260, %get3A_260 : vector<16xf32>
          %add3A_263 = arith.addf %scan3A_207, %mul3A_262 : vector<16xf32>
          %scan3A_264 = arith.constant 1 : i32
          %scan3A_265 = arith.addi %scan3A_191, %scan3A_264 : i32
          %get3A_266 = arith.index_cast %scan3A_265 : i32 to index
          %get3A_267 = arith.constant 0 : index
          %get3A_268 = tpu.vector_load %arg8[%get3A_266, %get3A_267] {strides = array<i32>} : memref<200x128xf32, #tpu.memory_space<vmem>>, vector<1x16xf32>,
          %get3A_269 = vector.shape_cast %get3A_268 : vector<1x16xf32> to vector<16xf32>
          %add3A_270 = arith.addf %add3A_212, %get3A_269 : vector<16xf32>
          %mul3A_271 = arith.mulf %get3A_269, %get3A_269 : vector<16xf32>
          %add3A_272 = arith.addf %add3A_214, %mul3A_271 : vector<16xf32>
          %get3A_273 = arith.index_cast %scan3A_265 : i32 to index
          %get3A_274 = arith.constant 16 : index
          %get3A_275 = tpu.vector_load %arg8[%get3A_273, %get3A_274] {strides = array<i32>} : memref<200x128xf32, #tpu.memory_space<vmem>>, vector<1x16xf32>,
          %get3A_276 = vector.shape_cast %get3A_275 : vector<1x16xf32> to vector<16xf32>
          %add3A_277 = arith.addf %add3A_219, %get3A_276 : vector<16xf32>
          %mul3A_278 = arith.mulf %get3A_276, %get3A_276 : vector<16xf32>
          %add3A_279 = arith.addf %add3A_221, %mul3A_278 : vector<16xf32>
          %get3A_280 = arith.index_cast %scan3A_265 : i32 to index
          %get3A_281 = arith.constant 32 : index
          %get3A_282 = tpu.vector_load %arg8[%get3A_280, %get3A_281] {strides = array<i32>} : memref<200x128xf32, #tpu.memory_space<vmem>>, vector<1x16xf32>,
          %get3A_283 = vector.shape_cast %get3A_282 : vector<1x16xf32> to vector<16xf32>
          %add3A_284 = arith.addf %add3A_226, %get3A_283 : vector<16xf32>
          %mul3A_285 = arith.mulf %get3A_283, %get3A_283 : vector<16xf32>
          %add3A_286 = arith.addf %add3A_228, %mul3A_285 : vector<16xf32>
          %get3A_287 = arith.index_cast %scan3A_265 : i32 to index
          %get3A_288 = arith.constant 48 : index
          %get3A_289 = tpu.vector_load %arg8[%get3A_287, %get3A_288] {strides = array<i32>} : memref<200x128xf32, #tpu.memory_space<vmem>>, vector<1x16xf32>,
          %get3A_290 = vector.shape_cast %get3A_289 : vector<1x16xf32> to vector<16xf32>
          %add3A_291 = arith.addf %add3A_233, %get3A_290 : vector<16xf32>
          %mul3A_292 = arith.mulf %get3A_290, %get3A_290 : vector<16xf32>
          %add3A_293 = arith.addf %add3A_235, %mul3A_292 : vector<16xf32>
          %get3A_294 = arith.index_cast %scan3A_265 : i32 to index
          %get3A_295 = arith.constant 64 : index
          %get3A_296 = tpu.vector_load %arg8[%get3A_294, %get3A_295] {strides = array<i32>} : memref<200x128xf32, #tpu.memory_space<vmem>>, vector<1x16xf32>,
          %get3A_297 = vector.shape_cast %get3A_296 : vector<1x16xf32> to vector<16xf32>
          %add3A_298 = arith.addf %add3A_240, %get3A_297 : vector<16xf32>
          %mul3A_299 = arith.mulf %get3A_297, %get3A_297 : vector<16xf32>
          %add3A_300 = arith.addf %add3A_242, %mul3A_299 : vector<16xf32>
          %get3A_301 = arith.index_cast %scan3A_265 : i32 to index
          %get3A_302 = arith.constant 80 : index
          %get3A_303 = tpu.vector_load %arg8[%get3A_301, %get3A_302] {strides = array<i32>} : memref<200x128xf32, #tpu.memory_space<vmem>>, vector<1x16xf32>,
          %get3A_304 = vector.shape_cast %get3A_303 : vector<1x16xf32> to vector<16xf32>
          %add3A_305 = arith.addf %add3A_247, %get3A_304 : vector<16xf32>
          %mul3A_306 = arith.mulf %get3A_304, %get3A_304 : vector<16xf32>
          %add3A_307 = arith.addf %add3A_249, %mul3A_306 : vector<16xf32>
          %get3A_308 = arith.index_cast %scan3A_265 : i32 to index
          %get3A_309 = arith.constant 96 : index
          %get3A_310 = tpu.vector_load %arg8[%get3A_308, %get3A_309] {strides = array<i32>} : memref<200x128xf32, #tpu.memory_space<vmem>>, vector<1x16xf32>,
          %get3A_311 = vector.shape_cast %get3A_310 : vector<1x16xf32> to vector<16xf32>
          %add3A_312 = arith.addf %add3A_254, %get3A_311 : vector<16xf32>
          %mul3A_313 = arith.mulf %get3A_311, %get3A_311 : vector<16xf32>
          %add3A_314 = arith.addf %add3A_256, %mul3A_313 : vector<16xf32>
          %get3A_315 = arith.index_cast %scan3A_265 : i32 to index
          %get3A_316 = arith.constant 112 : index
          %get3A_317 = tpu.vector_load %arg8[%get3A_315, %get3A_316] {strides = array<i32>} : memref<200x128xf32, #tpu.memory_space<vmem>>, vector<1x16xf32>,
          %get3A_318 = vector.shape_cast %get3A_317 : vector<1x16xf32> to vector<16xf32>
          %add3A_319 = arith.addf %add3A_261, %get3A_318 : vector<16xf32>
          %mul3A_320 = arith.mulf %get3A_318, %get3A_318 : vector<16xf32>
          %add3A_321 = arith.addf %add3A_263, %mul3A_320 : vector<16xf32>
          %scan3A_322 = arith.constant 2 : i32
          %scan3A_323 = arith.addi %scan3A_191, %scan3A_322 : i32
          %get3A_324 = arith.index_cast %scan3A_323 : i32 to index
          %get3A_325 = arith.constant 0 : index
          %get3A_326 = tpu.vector_load %arg8[%get3A_324, %get3A_325] {strides = array<i32>} : memref<200x128xf32, #tpu.memory_space<vmem>>, vector<1x16xf32>,
          %get3A_327 = vector.shape_cast %get3A_326 : vector<1x16xf32> to vector<16xf32>
          %add3A_328 = arith.addf %add3A_270, %get3A_327 : vector<16xf32>
          %mul3A_329 = arith.mulf %get3A_327, %get3A_327 : vector<16xf32>
          %add3A_330 = arith.addf %add3A_272, %mul3A_329 : vector<16xf32>
          %get3A_331 = arith.index_cast %scan3A_323 : i32 to index
          %get3A_332 = arith.constant 16 : index
          %get3A_333 = tpu.vector_load %arg8[%get3A_331, %get3A_332] {strides = array<i32>} : memref<200x128xf32, #tpu.memory_space<vmem>>, vector<1x16xf32>,
          %get3A_334 = vector.shape_cast %get3A_333 : vector<1x16xf32> to vector<16xf32>
          %add3A_335 = arith.addf %add3A_277, %get3A_334 : vector<16xf32>
          %mul3A_336 = arith.mulf %get3A_334, %get3A_334 : vector<16xf32>
          %add3A_337 = arith.addf %add3A_279, %mul3A_336 : vector<16xf32>
          %get3A_338 = arith.index_cast %scan3A_323 : i32 to index
          %get3A_339 = arith.constant 32 : index
          %get3A_340 = tpu.vector_load %arg8[%get3A_338, %get3A_339] {strides = array<i32>} : memref<200x128xf32, #tpu.memory_space<vmem>>, vector<1x16xf32>,
          %get3A_341 = vector.shape_cast %get3A_340 : vector<1x16xf32> to vector<16xf32>
          %add3A_342 = arith.addf %add3A_284, %get3A_341 : vector<16xf32>
          %mul3A_343 = arith.mulf %get3A_341, %get3A_341 : vector<16xf32>
          %add3A_344 = arith.addf %add3A_286, %mul3A_343 : vector<16xf32>
          %get3A_345 = arith.index_cast %scan3A_323 : i32 to index
          %get3A_346 = arith.constant 48 : index
          %get3A_347 = tpu.vector_load %arg8[%get3A_345, %get3A_346] {strides = array<i32>} : memref<200x128xf32, #tpu.memory_space<vmem>>, vector<1x16xf32>,
          %get3A_348 = vector.shape_cast %get3A_347 : vector<1x16xf32> to vector<16xf32>
          %add3A_349 = arith.addf %add3A_291, %get3A_348 : vector<16xf32>
          %mul3A_350 = arith.mulf %get3A_348, %get3A_348 : vector<16xf32>
          %add3A_351 = arith.addf %add3A_293, %mul3A_350 : vector<16xf32>
          %get3A_352 = arith.index_cast %scan3A_323 : i32 to index
          %get3A_353 = arith.constant 64 : index
          %get3A_354 = tpu.vector_load %arg8[%get3A_352, %get3A_353] {strides = array<i32>} : memref<200x128xf32, #tpu.memory_space<vmem>>, vector<1x16xf32>,
          %get3A_355 = vector.shape_cast %get3A_354 : vector<1x16xf32> to vector<16xf32>
          %add3A_356 = arith.addf %add3A_298, %get3A_355 : vector<16xf32>
          %mul3A_357 = arith.mulf %get3A_355, %get3A_355 : vector<16xf32>
          %add3A_358 = arith.addf %add3A_300, %mul3A_357 : vector<16xf32>
          %get3A_359 = arith.index_cast %scan3A_323 : i32 to index
          %get3A_360 = arith.constant 80 : index
          %get3A_361 = tpu.vector_load %arg8[%get3A_359, %get3A_360] {strides = array<i32>} : memref<200x128xf32, #tpu.memory_space<vmem>>, vector<1x16xf32>,
          %get3A_362 = vector.shape_cast %get3A_361 : vector<1x16xf32> to vector<16xf32>
          %add3A_363 = arith.addf %add3A_305, %get3A_362 : vector<16xf32>
          %mul3A_364 = arith.mulf %get3A_362, %get3A_362 : vector<16xf32>
          %add3A_365 = arith.addf %add3A_307, %mul3A_364 : vector<16xf32>
          %get3A_366 = arith.index_cast %scan3A_323 : i32 to index
          %get3A_367 = arith.constant 96 : index
          %get3A_368 = tpu.vector_load %arg8[%get3A_366, %get3A_367] {strides = array<i32>} : memref<200x128xf32, #tpu.memory_space<vmem>>, vector<1x16xf32>,
          %get3A_369 = vector.shape_cast %get3A_368 : vector<1x16xf32> to vector<16xf32>
          %add3A_370 = arith.addf %add3A_312, %get3A_369 : vector<16xf32>
          %mul3A_371 = arith.mulf %get3A_369, %get3A_369 : vector<16xf32>
          %add3A_372 = arith.addf %add3A_314, %mul3A_371 : vector<16xf32>
          %get3A_373 = arith.index_cast %scan3A_323 : i32 to index
          %get3A_374 = arith.constant 112 : index
          %get3A_375 = tpu.vector_load %arg8[%get3A_373, %get3A_374] {strides = array<i32>} : memref<200x128xf32, #tpu.memory_space<vmem>>, vector<1x16xf32>,
          %get3A_376 = vector.shape_cast %get3A_375 : vector<1x16xf32> to vector<16xf32>
          %add3A_377 = arith.addf %add3A_319, %get3A_376 : vector<16xf32>
          %mul3A_378 = arith.mulf %get3A_376, %get3A_376 : vector<16xf32>
          %add3A_379 = arith.addf %add3A_321, %mul3A_378 : vector<16xf32>
          %scan3A_380 = arith.constant 3 : i32
          %scan3A_381 = arith.addi %scan3A_191, %scan3A_380 : i32
          %get3A_382 = arith.index_cast %scan3A_381 : i32 to index
          %get3A_383 = arith.constant 0 : index
          %get3A_384 = tpu.vector_load %arg8[%get3A_382, %get3A_383] {strides = array<i32>} : memref<200x128xf32, #tpu.memory_space<vmem>>, vector<1x16xf32>,
          %get3A_385 = vector.shape_cast %get3A_384 : vector<1x16xf32> to vector<16xf32>
          %add3A_386 = arith.addf %add3A_328, %get3A_385 : vector<16xf32>
          %mul3A_387 = arith.mulf %get3A_385, %get3A_385 : vector<16xf32>
          %add3A_388 = arith.addf %add3A_330, %mul3A_387 : vector<16xf32>
          %get3A_389 = arith.index_cast %scan3A_381 : i32 to index
          %get3A_390 = arith.constant 16 : index
          %get3A_391 = tpu.vector_load %arg8[%get3A_389, %get3A_390] {strides = array<i32>} : memref<200x128xf32, #tpu.memory_space<vmem>>, vector<1x16xf32>,
          %get3A_392 = vector.shape_cast %get3A_391 : vector<1x16xf32> to vector<16xf32>
          %add3A_393 = arith.addf %add3A_335, %get3A_392 : vector<16xf32>
          %mul3A_394 = arith.mulf %get3A_392, %get3A_392 : vector<16xf32>
          %add3A_395 = arith.addf %add3A_337, %mul3A_394 : vector<16xf32>
          %get3A_396 = arith.index_cast %scan3A_381 : i32 to index
          %get3A_397 = arith.constant 32 : index
          %get3A_398 = tpu.vector_load %arg8[%get3A_396, %get3A_397] {strides = array<i32>} : memref<200x128xf32, #tpu.memory_space<vmem>>, vector<1x16xf32>,
          %get3A_399 = vector.shape_cast %get3A_398 : vector<1x16xf32> to vector<16xf32>
          %add3A_400 = arith.addf %add3A_342, %get3A_399 : vector<16xf32>
          %mul3A_401 = arith.mulf %get3A_399, %get3A_399 : vector<16xf32>
          %add3A_402 = arith.addf %add3A_344, %mul3A_401 : vector<16xf32>
          %get3A_403 = arith.index_cast %scan3A_381 : i32 to index
          %get3A_404 = arith.constant 48 : index
          %get3A_405 = tpu.vector_load %arg8[%get3A_403, %get3A_404] {strides = array<i32>} : memref<200x128xf32, #tpu.memory_space<vmem>>, vector<1x16xf32>,
          %get3A_406 = vector.shape_cast %get3A_405 : vector<1x16xf32> to vector<16xf32>
          %add3A_407 = arith.addf %add3A_349, %get3A_406 : vector<16xf32>
          %mul3A_408 = arith.mulf %get3A_406, %get3A_406 : vector<16xf32>
          %add3A_409 = arith.addf %add3A_351, %mul3A_408 : vector<16xf32>
          %get3A_410 = arith.index_cast %scan3A_381 : i32 to index
          %get3A_411 = arith.constant 64 : index
          %get3A_412 = tpu.vector_load %arg8[%get3A_410, %get3A_411] {strides = array<i32>} : memref<200x128xf32, #tpu.memory_space<vmem>>, vector<1x16xf32>,
          %get3A_413 = vector.shape_cast %get3A_412 : vector<1x16xf32> to vector<16xf32>
          %add3A_414 = arith.addf %add3A_356, %get3A_413 : vector<16xf32>
          %mul3A_415 = arith.mulf %get3A_413, %get3A_413 : vector<16xf32>
          %add3A_416 = arith.addf %add3A_358, %mul3A_415 : vector<16xf32>
          %get3A_417 = arith.index_cast %scan3A_381 : i32 to index
          %get3A_418 = arith.constant 80 : index
          %get3A_419 = tpu.vector_load %arg8[%get3A_417, %get3A_418] {strides = array<i32>} : memref<200x128xf32, #tpu.memory_space<vmem>>, vector<1x16xf32>,
          %get3A_420 = vector.shape_cast %get3A_419 : vector<1x16xf32> to vector<16xf32>
          %add3A_421 = arith.addf %add3A_363, %get3A_420 : vector<16xf32>
          %mul3A_422 = arith.mulf %get3A_420, %get3A_420 : vector<16xf32>
          %add3A_423 = arith.addf %add3A_365, %mul3A_422 : vector<16xf32>
          %get3A_424 = arith.index_cast %scan3A_381 : i32 to index
          %get3A_425 = arith.constant 96 : index
          %get3A_426 = tpu.vector_load %arg8[%get3A_424, %get3A_425] {strides = array<i32>} : memref<200x128xf32, #tpu.memory_space<vmem>>, vector<1x16xf32>,
          %get3A_427 = vector.shape_cast %get3A_426 : vector<1x16xf32> to vector<16xf32>
          %add3A_428 = arith.addf %add3A_370, %get3A_427 : vector<16xf32>
          %mul3A_429 = arith.mulf %get3A_427, %get3A_427 : vector<16xf32>
          %add3A_430 = arith.addf %add3A_372, %mul3A_429 : vector<16xf32>
          %get3A_431 = arith.index_cast %scan3A_381 : i32 to index
          %get3A_432 = arith.constant 112 : index
          %get3A_433 = tpu.vector_load %arg8[%get3A_431, %get3A_432] {strides = array<i32>} : memref<200x128xf32, #tpu.memory_space<vmem>>, vector<1x16xf32>,
          %get3A_434 = vector.shape_cast %get3A_433 : vector<1x16xf32> to vector<16xf32>
          %add3A_435 = arith.addf %add3A_377, %get3A_434 : vector<16xf32>
          %mul3A_436 = arith.mulf %get3A_434, %get3A_434 : vector<16xf32>
          %add3A_437 = arith.addf %add3A_379, %mul3A_436 : vector<16xf32>
          scf.yield %add3A_386, %add3A_388, %add3A_393, %add3A_395, %add3A_400, %add3A_402, %add3A_407, %add3A_409, %add3A_414, %add3A_416, %add3A_421, %add3A_423, %add3A_428, %add3A_430, %add3A_435, %add3A_437 : vector<16xf32>, vector<16xf32>, vector<16xf32>, vector<16xf32>, vector<16xf32>, vector<16xf32>, vector<16xf32>, vector<16xf32>, vector<16xf32>, vector<16xf32>, vector<16xf32>, vector<16xf32>, vector<16xf32>, vector<16xf32>, vector<16xf32>, vector<16xf32>
        }
        %scan3A_104 = arith.constant 200 : i32
        %swap3A = arith.index_cast %squeeze3A : i32 to index
        %swap3A_105 = arith.constant 0 : index
        %swap3A_106 = tpu.vector_load %arg10[%swap3A, %swap3A_105] {strides = array<i32>} : memref<64x128xf32, #tpu.memory_space<vmem>>, vector<1x16xf32>,
        %swap3A_107 = vector.shape_cast %swap3A_106 : vector<1x16xf32> to vector<16xf32>
        %swap3A_108 = vector.shape_cast %scan3A_103#0 : vector<16xf32> to vector<1x16xf32>
        tpu.vector_store %arg10[%swap3A, %swap3A_105], %swap3A_108 {add = true, strides = array<i32>} : memref<64x128xf32, #tpu.memory_space<vmem>>, vector<1x16xf32>,
        %swap3A_109 = arith.index_cast %squeeze3A : i32 to index
        %swap3A_110 = arith.constant 0 : index
        %swap3A_111 = tpu.vector_load %arg11[%swap3A_109, %swap3A_110] {strides = array<i32>} : memref<64x128xf32, #tpu.memory_space<vmem>>, vector<1x16xf32>,
        %swap3A_112 = vector.shape_cast %swap3A_111 : vector<1x16xf32> to vector<16xf32>
        %swap3A_113 = vector.shape_cast %scan3A_103#1 : vector<16xf32> to vector<1x16xf32>
        tpu.vector_store %arg11[%swap3A_109, %swap3A_110], %swap3A_113 {add = true, strides = array<i32>} : memref<64x128xf32, #tpu.memory_space<vmem>>, vector<1x16xf32>,
        %swap3A_114 = arith.index_cast %squeeze3A : i32 to index
        %swap3A_115 = arith.constant 16 : index
        %swap3A_116 = tpu.vector_load %arg10[%swap3A_114, %swap3A_115] {strides = array<i32>} : memref<64x128xf32, #tpu.memory_space<vmem>>, vector<1x16xf32>,
        %swap3A_117 = vector.shape_cast %swap3A_116 : vector<1x16xf32> to vector<16xf32>
        %swap3A_118 = vector.shape_cast %scan3A_103#2 : vector<16xf32> to vector<1x16xf32>
        tpu.vector_store %arg10[%swap3A_114, %swap3A_115], %swap3A_118 {add = true, strides = array<i32>} : memref<64x128xf32, #tpu.memory_space<vmem>>, vector<1x16xf32>,
        %swap3A_119 = arith.index_cast %squeeze3A : i32 to index
        %swap3A_120 = arith.constant 16 : index
        %swap3A_121 = tpu.vector_load %arg11[%swap3A_119, %swap3A_120] {strides = array<i32>} : memref<64x128xf32, #tpu.memory_space<vmem>>, vector<1x16xf32>,
        %swap3A_122 = vector.shape_cast %swap3A_121 : vector<1x16xf32> to vector<16xf32>
        %swap3A_123 = vector.shape_cast %scan3A_103#3 : vector<16xf32> to vector<1x16xf32>
        tpu.vector_store %arg11[%swap3A_119, %swap3A_120], %swap3A_123 {add = true, strides = array<i32>} : memref<64x128xf32, #tpu.memory_space<vmem>>, vector<1x16xf32>,
        %swap3A_124 = arith.index_cast %squeeze3A : i32 to index
        %swap3A_125 = arith.constant 32 : index
        %swap3A_126 = tpu.vector_load %arg10[%swap3A_124, %swap3A_125] {strides = array<i32>} : memref<64x128xf32, #tpu.memory_space<vmem>>, vector<1x16xf32>,
        %swap3A_127 = vector.shape_cast %swap3A_126 : vector<1x16xf32> to vector<16xf32>
        %swap3A_128 = vector.shape_cast %scan3A_103#4 : vector<16xf32> to vector<1x16xf32>
        tpu.vector_store %arg10[%swap3A_124, %swap3A_125], %swap3A_128 {add = true, strides = array<i32>} : memref<64x128xf32, #tpu.memory_space<vmem>>, vector<1x16xf32>,
        %swap3A_129 = arith.index_cast %squeeze3A : i32 to index
        %swap3A_130 = arith.constant 32 : index
        %swap3A_131 = tpu.vector_load %arg11[%swap3A_129, %swap3A_130] {strides = array<i32>} : memref<64x128xf32, #tpu.memory_space<vmem>>, vector<1x16xf32>,
        %swap3A_132 = vector.shape_cast %swap3A_131 : vector<1x16xf32> to vector<16xf32>
        %swap3A_133 = vector.shape_cast %scan3A_103#5 : vector<16xf32> to vector<1x16xf32>
        tpu.vector_store %arg11[%swap3A_129, %swap3A_130], %swap3A_133 {add = true, strides = array<i32>} : memref<64x128xf32, #tpu.memory_space<vmem>>, vector<1x16xf32>,
        %swap3A_134 = arith.index_cast %squeeze3A : i32 to index
        %swap3A_135 = arith.constant 48 : index
        %swap3A_136 = tpu.vector_load %arg10[%swap3A_134, %swap3A_135] {strides = array<i32>} : memref<64x128xf32, #tpu.memory_space<vmem>>, vector<1x16xf32>,
        %swap3A_137 = vector.shape_cast %swap3A_136 : vector<1x16xf32> to vector<16xf32>
        %swap3A_138 = vector.shape_cast %scan3A_103#6 : vector<16xf32> to vector<1x16xf32>
        tpu.vector_store %arg10[%swap3A_134, %swap3A_135], %swap3A_138 {add = true, strides = array<i32>} : memref<64x128xf32, #tpu.memory_space<vmem>>, vector<1x16xf32>,
        %swap3A_139 = arith.index_cast %squeeze3A : i32 to index
        %swap3A_140 = arith.constant 48 : index
        %swap3A_141 = tpu.vector_load %arg11[%swap3A_139, %swap3A_140] {strides = array<i32>} : memref<64x128xf32, #tpu.memory_space<vmem>>, vector<1x16xf32>,
        %swap3A_142 = vector.shape_cast %swap3A_141 : vector<1x16xf32> to vector<16xf32>
        %swap3A_143 = vector.shape_cast %scan3A_103#7 : vector<16xf32> to vector<1x16xf32>
        tpu.vector_store %arg11[%swap3A_139, %swap3A_140], %swap3A_143 {add = true, strides = array<i32>} : memref<64x128xf32, #tpu.memory_space<vmem>>, vector<1x16xf32>,
        %swap3A_144 = arith.index_cast %squeeze3A : i32 to index
        %swap3A_145 = arith.constant 64 : index
        %swap3A_146 = tpu.vector_load %arg10[%swap3A_144, %swap3A_145] {strides = array<i32>} : memref<64x128xf32, #tpu.memory_space<vmem>>, vector<1x16xf32>,
        %swap3A_147 = vector.shape_cast %swap3A_146 : vector<1x16xf32> to vector<16xf32>
        %swap3A_148 = vector.shape_cast %scan3A_103#8 : vector<16xf32> to vector<1x16xf32>
        tpu.vector_store %arg10[%swap3A_144, %swap3A_145], %swap3A_148 {add = true, strides = array<i32>} : memref<64x128xf32, #tpu.memory_space<vmem>>, vector<1x16xf32>,
        %swap3A_149 = arith.index_cast %squeeze3A : i32 to index
        %swap3A_150 = arith.constant 64 : index
        %swap3A_151 = tpu.vector_load %arg11[%swap3A_149, %swap3A_150] {strides = array<i32>} : memref<64x128xf32, #tpu.memory_space<vmem>>, vector<1x16xf32>,
        %swap3A_152 = vector.shape_cast %swap3A_151 : vector<1x16xf32> to vector<16xf32>
        %swap3A_153 = vector.shape_cast %scan3A_103#9 : vector<16xf32> to vector<1x16xf32>
        tpu.vector_store %arg11[%swap3A_149, %swap3A_150], %swap3A_153 {add = true, strides = array<i32>} : memref<64x128xf32, #tpu.memory_space<vmem>>, vector<1x16xf32>,
        %swap3A_154 = arith.index_cast %squeeze3A : i32 to index
        %swap3A_155 = arith.constant 80 : index
        %swap3A_156 = tpu.vector_load %arg10[%swap3A_154, %swap3A_155] {strides = array<i32>} : memref<64x128xf32, #tpu.memory_space<vmem>>, vector<1x16xf32>,
        %swap3A_157 = vector.shape_cast %swap3A_156 : vector<1x16xf32> to vector<16xf32>
        %swap3A_158 = vector.shape_cast %scan3A_103#10 : vector<16xf32> to vector<1x16xf32>
        tpu.vector_store %arg10[%swap3A_154, %swap3A_155], %swap3A_158 {add = true, strides = array<i32>} : memref<64x128xf32, #tpu.memory_space<vmem>>, vector<1x16xf32>,
        %swap3A_159 = arith.index_cast %squeeze3A : i32 to index
        %swap3A_160 = arith.constant 80 : index
        %swap3A_161 = tpu.vector_load %arg11[%swap3A_159, %swap3A_160] {strides = array<i32>} : memref<64x128xf32, #tpu.memory_space<vmem>>, vector<1x16xf32>,
        %swap3A_162 = vector.shape_cast %swap3A_161 : vector<1x16xf32> to vector<16xf32>
        %swap3A_163 = vector.shape_cast %scan3A_103#11 : vector<16xf32> to vector<1x16xf32>
        tpu.vector_store %arg11[%swap3A_159, %swap3A_160], %swap3A_163 {add = true, strides = array<i32>} : memref<64x128xf32, #tpu.memory_space<vmem>>, vector<1x16xf32>,
        %swap3A_164 = arith.index_cast %squeeze3A : i32 to index
        %swap3A_165 = arith.constant 96 : index
        %swap3A_166 = tpu.vector_load %arg10[%swap3A_164, %swap3A_165] {strides = array<i32>} : memref<64x128xf32, #tpu.memory_space<vmem>>, vector<1x16xf32>,
        %swap3A_167 = vector.shape_cast %swap3A_166 : vector<1x16xf32> to vector<16xf32>
        %swap3A_168 = vector.shape_cast %scan3A_103#12 : vector<16xf32> to vector<1x16xf32>
        tpu.vector_store %arg10[%swap3A_164, %swap3A_165], %swap3A_168 {add = true, strides = array<i32>} : memref<64x128xf32, #tpu.memory_space<vmem>>, vector<1x16xf32>,
        %swap3A_169 = arith.index_cast %squeeze3A : i32 to index
        %swap3A_170 = arith.constant 96 : index
        %swap3A_171 = tpu.vector_load %arg11[%swap3A_169, %swap3A_170] {strides = array<i32>} : memref<64x128xf32, #tpu.memory_space<vmem>>, vector<1x16xf32>,
        %swap3A_172 = vector.shape_cast %swap3A_171 : vector<1x16xf32> to vector<16xf32>
        %swap3A_173 = vector.shape_cast %scan3A_103#13 : vector<16xf32> to vector<1x16xf32>
        tpu.vector_store %arg11[%swap3A_169, %swap3A_170], %swap3A_173 {add = true, strides = array<i32>} : memref<64x128xf32, #tpu.memory_space<vmem>>, vector<1x16xf32>,
        %swap3A_174 = arith.index_cast %squeeze3A : i32 to index
        %swap3A_175 = arith.constant 112 : index
        %swap3A_176 = tpu.vector_load %arg10[%swap3A_174, %swap3A_175] {strides = array<i32>} : memref<64x128xf32, #tpu.memory_space<vmem>>, vector<1x16xf32>,
        %swap3A_177 = vector.shape_cast %swap3A_176 : vector<1x16xf32> to vector<16xf32>
        %swap3A_178 = vector.shape_cast %scan3A_103#14 : vector<16xf32> to vector<1x16xf32>
        tpu.vector_store %arg10[%swap3A_174, %swap3A_175], %swap3A_178 {add = true, strides = array<i32>} : memref<64x128xf32, #tpu.memory_space<vmem>>, vector<1x16xf32>,
        %swap3A_179 = arith.index_cast %squeeze3A : i32 to index
        %swap3A_180 = arith.constant 112 : index
        %swap3A_181 = tpu.vector_load %arg11[%swap3A_179, %swap3A_180] {strides = array<i32>} : memref<64x128xf32, #tpu.memory_space<vmem>>, vector<1x16xf32>,
        %swap3A_182 = vector.shape_cast %swap3A_181 : vector<1x16xf32> to vector<16xf32>
        %swap3A_183 = vector.shape_cast %scan3A_103#15 : vector<16xf32> to vector<1x16xf32>
        tpu.vector_store %arg11[%swap3A_179, %swap3A_180], %swap3A_183 {add = true, strides = array<i32>} : memref<64x128xf32, #tpu.memory_space<vmem>>, vector<1x16xf32>,
        %broadcast_in_dim3A_184 = arith.constant 2.000000e+02 : f32
        %broadcast_in_dim3A_185 = vector.broadcast %broadcast_in_dim3A_184 : f32 to vector<16xf32>
        %swap3A_186 = arith.index_cast %squeeze3A : i32 to index
        %swap3A_187 = arith.constant 0 : index
        %swap3A_188 = tpu.vector_load %arg12[%swap3A_186, %swap3A_187] {strides = array<i32>} : memref<64x16xf32, #tpu.memory_space<vmem>>, vector<1x16xf32>,
        %swap3A_189 = vector.shape_cast %swap3A_188 : vector<1x16xf32> to vector<16xf32>
        %swap3A_190 = vector.shape_cast %broadcast_in_dim3A_185 : vector<16xf32> to vector<1x16xf32>
        tpu.vector_store %arg12[%swap3A_186, %swap3A_187], %swap3A_190 {add = true, strides = array<i32>} : memref<64x16xf32, #tpu.memory_space<vmem>>, vector<1x16xf32>,
      } else {
      }
      %ne3A = arith.cmpi ne, %squeeze3A, %squeeze3A_92 : i32
      %convert_element_type3A_96 = arith.extui %ne3A : i1 to i32
      %cond3A_97 = arith.constant 0 : i32
      %cond3A_98 = arith.cmpi ne, %convert_element_type3A_96, %cond3A_97 : i32
      scf.if %cond3A_98 {
        %scan3A_99 = arith.constant 0 : i32
        %scan3A_100 = arith.constant 0 : i32
        %scan3A_101 = arith.constant 200 : i32
        %scan3A_102 = arith.addi %scan3A_100, %scan3A_101 : i32
        %scan3A_103 = arith.constant 1 : i32
        %scan3A_104 = scf.for %scan3A_106 = %scan3A_100 to %scan3A_102 step %scan3A_103 iter_args(%scan3A_107 = %scan3A_99) -> (i32)  : i32 {
          %add3A_108 = arith.addi %add3A_81, %scan3A_106 : i32
          %get3A_109 = arith.index_cast %add3A_108 : i32 to index
          %get3A_110 = tpu.vector_load %arg9[%get3A_109] {strides = array<i32>} : memref<816xi32, #tpu.memory_space<vmem>>, vector<16xi32>,
          %get3A_111 = vector.shape_cast %get3A_110 : vector<16xi32> to vector<16xi32>
          %slice3A_112 = vector.extract_strided_slice %get3A_111 {offsets = [0], sizes = [1], strides = [1]} : vector<16xi32> to vector<1xi32>
          %squeeze3A_113 = vector.extract %slice3A_112[0] : i32 from vector<1xi32>
          %get3A_114 = arith.index_cast %scan3A_106 : i32 to index
          %get3A_115 = arith.constant 0 : index
          %get3A_116 = tpu.vector_load %arg8[%get3A_114, %get3A_115] {strides = array<i32>} : memref<200x128xf32, #tpu.memory_space<vmem>>, vector<1x16xf32>,
          %get3A_117 = vector.shape_cast %get3A_116 : vector<1x16xf32> to vector<16xf32>
          %swap3A = arith.index_cast %squeeze3A_113 : i32 to index
          %swap3A_118 = arith.constant 0 : index
          %swap3A_119 = tpu.vector_load %arg10[%swap3A, %swap3A_118] {strides = array<i32>} : memref<64x128xf32, #tpu.memory_space<vmem>>, vector<1x16xf32>,
          %swap3A_120 = vector.shape_cast %swap3A_119 : vector<1x16xf32> to vector<16xf32>
          %swap3A_121 = vector.shape_cast %get3A_117 : vector<16xf32> to vector<1x16xf32>
          tpu.vector_store %arg10[%swap3A, %swap3A_118], %swap3A_121 {add = true, strides = array<i32>} : memref<64x128xf32, #tpu.memory_space<vmem>>, vector<1x16xf32>,
          %mul3A_122 = arith.mulf %get3A_117, %get3A_117 : vector<16xf32>
          %swap3A_123 = arith.index_cast %squeeze3A_113 : i32 to index
          %swap3A_124 = arith.constant 0 : index
          %swap3A_125 = tpu.vector_load %arg11[%swap3A_123, %swap3A_124] {strides = array<i32>} : memref<64x128xf32, #tpu.memory_space<vmem>>, vector<1x16xf32>,
          %swap3A_126 = vector.shape_cast %swap3A_125 : vector<1x16xf32> to vector<16xf32>
          %swap3A_127 = vector.shape_cast %mul3A_122 : vector<16xf32> to vector<1x16xf32>
          tpu.vector_store %arg11[%swap3A_123, %swap3A_124], %swap3A_127 {add = true, strides = array<i32>} : memref<64x128xf32, #tpu.memory_space<vmem>>, vector<1x16xf32>,
          %get3A_128 = arith.index_cast %scan3A_106 : i32 to index
          %get3A_129 = arith.constant 16 : index
          %get3A_130 = tpu.vector_load %arg8[%get3A_128, %get3A_129] {strides = array<i32>} : memref<200x128xf32, #tpu.memory_space<vmem>>, vector<1x16xf32>,
          %get3A_131 = vector.shape_cast %get3A_130 : vector<1x16xf32> to vector<16xf32>
          %swap3A_132 = arith.index_cast %squeeze3A_113 : i32 to index
          %swap3A_133 = arith.constant 16 : index
          %swap3A_134 = tpu.vector_load %arg10[%swap3A_132, %swap3A_133] {strides = array<i32>} : memref<64x128xf32, #tpu.memory_space<vmem>>, vector<1x16xf32>,
          %swap3A_135 = vector.shape_cast %swap3A_134 : vector<1x16xf32> to vector<16xf32>
          %swap3A_136 = vector.shape_cast %get3A_131 : vector<16xf32> to vector<1x16xf32>
          tpu.vector_store %arg10[%swap3A_132, %swap3A_133], %swap3A_136 {add = true, strides = array<i32>} : memref<64x128xf32, #tpu.memory_space<vmem>>, vector<1x16xf32>,
          %mul3A_137 = arith.mulf %get3A_131, %get3A_131 : vector<16xf32>
          %swap3A_138 = arith.index_cast %squeeze3A_113 : i32 to index
          %swap3A_139 = arith.constant 16 : index
          %swap3A_140 = tpu.vector_load %arg11[%swap3A_138, %swap3A_139] {strides = array<i32>} : memref<64x128xf32, #tpu.memory_space<vmem>>, vector<1x16xf32>,
          %swap3A_141 = vector.shape_cast %swap3A_140 : vector<1x16xf32> to vector<16xf32>
          %swap3A_142 = vector.shape_cast %mul3A_137 : vector<16xf32> to vector<1x16xf32>
          tpu.vector_store %arg11[%swap3A_138, %swap3A_139], %swap3A_142 {add = true, strides = array<i32>} : memref<64x128xf32, #tpu.memory_space<vmem>>, vector<1x16xf32>,
          %get3A_143 = arith.index_cast %scan3A_106 : i32 to index
          %get3A_144 = arith.constant 32 : index
          %get3A_145 = tpu.vector_load %arg8[%get3A_143, %get3A_144] {strides = array<i32>} : memref<200x128xf32, #tpu.memory_space<vmem>>, vector<1x16xf32>,
          %get3A_146 = vector.shape_cast %get3A_145 : vector<1x16xf32> to vector<16xf32>
          %swap3A_147 = arith.index_cast %squeeze3A_113 : i32 to index
          %swap3A_148 = arith.constant 32 : index
          %swap3A_149 = tpu.vector_load %arg10[%swap3A_147, %swap3A_148] {strides = array<i32>} : memref<64x128xf32, #tpu.memory_space<vmem>>, vector<1x16xf32>,
          %swap3A_150 = vector.shape_cast %swap3A_149 : vector<1x16xf32> to vector<16xf32>
          %swap3A_151 = vector.shape_cast %get3A_146 : vector<16xf32> to vector<1x16xf32>
          tpu.vector_store %arg10[%swap3A_147, %swap3A_148], %swap3A_151 {add = true, strides = array<i32>} : memref<64x128xf32, #tpu.memory_space<vmem>>, vector<1x16xf32>,
          %mul3A_152 = arith.mulf %get3A_146, %get3A_146 : vector<16xf32>
          %swap3A_153 = arith.index_cast %squeeze3A_113 : i32 to index
          %swap3A_154 = arith.constant 32 : index
          %swap3A_155 = tpu.vector_load %arg11[%swap3A_153, %swap3A_154] {strides = array<i32>} : memref<64x128xf32, #tpu.memory_space<vmem>>, vector<1x16xf32>,
          %swap3A_156 = vector.shape_cast %swap3A_155 : vector<1x16xf32> to vector<16xf32>
          %swap3A_157 = vector.shape_cast %mul3A_152 : vector<16xf32> to vector<1x16xf32>
          tpu.vector_store %arg11[%swap3A_153, %swap3A_154], %swap3A_157 {add = true, strides = array<i32>} : memref<64x128xf32, #tpu.memory_space<vmem>>, vector<1x16xf32>,
          %get3A_158 = arith.index_cast %scan3A_106 : i32 to index
          %get3A_159 = arith.constant 48 : index
          %get3A_160 = tpu.vector_load %arg8[%get3A_158, %get3A_159] {strides = array<i32>} : memref<200x128xf32, #tpu.memory_space<vmem>>, vector<1x16xf32>,
          %get3A_161 = vector.shape_cast %get3A_160 : vector<1x16xf32> to vector<16xf32>
          %swap3A_162 = arith.index_cast %squeeze3A_113 : i32 to index
          %swap3A_163 = arith.constant 48 : index
          %swap3A_164 = tpu.vector_load %arg10[%swap3A_162, %swap3A_163] {strides = array<i32>} : memref<64x128xf32, #tpu.memory_space<vmem>>, vector<1x16xf32>,
          %swap3A_165 = vector.shape_cast %swap3A_164 : vector<1x16xf32> to vector<16xf32>
          %swap3A_166 = vector.shape_cast %get3A_161 : vector<16xf32> to vector<1x16xf32>
          tpu.vector_store %arg10[%swap3A_162, %swap3A_163], %swap3A_166 {add = true, strides = array<i32>} : memref<64x128xf32, #tpu.memory_space<vmem>>, vector<1x16xf32>,
          %mul3A_167 = arith.mulf %get3A_161, %get3A_161 : vector<16xf32>
          %swap3A_168 = arith.index_cast %squeeze3A_113 : i32 to index
          %swap3A_169 = arith.constant 48 : index
          %swap3A_170 = tpu.vector_load %arg11[%swap3A_168, %swap3A_169] {strides = array<i32>} : memref<64x128xf32, #tpu.memory_space<vmem>>, vector<1x16xf32>,
          %swap3A_171 = vector.shape_cast %swap3A_170 : vector<1x16xf32> to vector<16xf32>
          %swap3A_172 = vector.shape_cast %mul3A_167 : vector<16xf32> to vector<1x16xf32>
          tpu.vector_store %arg11[%swap3A_168, %swap3A_169], %swap3A_172 {add = true, strides = array<i32>} : memref<64x128xf32, #tpu.memory_space<vmem>>, vector<1x16xf32>,
          %get3A_173 = arith.index_cast %scan3A_106 : i32 to index
          %get3A_174 = arith.constant 64 : index
          %get3A_175 = tpu.vector_load %arg8[%get3A_173, %get3A_174] {strides = array<i32>} : memref<200x128xf32, #tpu.memory_space<vmem>>, vector<1x16xf32>,
          %get3A_176 = vector.shape_cast %get3A_175 : vector<1x16xf32> to vector<16xf32>
          %swap3A_177 = arith.index_cast %squeeze3A_113 : i32 to index
          %swap3A_178 = arith.constant 64 : index
          %swap3A_179 = tpu.vector_load %arg10[%swap3A_177, %swap3A_178] {strides = array<i32>} : memref<64x128xf32, #tpu.memory_space<vmem>>, vector<1x16xf32>,
          %swap3A_180 = vector.shape_cast %swap3A_179 : vector<1x16xf32> to vector<16xf32>
          %swap3A_181 = vector.shape_cast %get3A_176 : vector<16xf32> to vector<1x16xf32>
          tpu.vector_store %arg10[%swap3A_177, %swap3A_178], %swap3A_181 {add = true, strides = array<i32>} : memref<64x128xf32, #tpu.memory_space<vmem>>, vector<1x16xf32>,
          %mul3A_182 = arith.mulf %get3A_176, %get3A_176 : vector<16xf32>
          %swap3A_183 = arith.index_cast %squeeze3A_113 : i32 to index
          %swap3A_184 = arith.constant 64 : index
          %swap3A_185 = tpu.vector_load %arg11[%swap3A_183, %swap3A_184] {strides = array<i32>} : memref<64x128xf32, #tpu.memory_space<vmem>>, vector<1x16xf32>,
          %swap3A_186 = vector.shape_cast %swap3A_185 : vector<1x16xf32> to vector<16xf32>
          %swap3A_187 = vector.shape_cast %mul3A_182 : vector<16xf32> to vector<1x16xf32>
          tpu.vector_store %arg11[%swap3A_183, %swap3A_184], %swap3A_187 {add = true, strides = array<i32>} : memref<64x128xf32, #tpu.memory_space<vmem>>, vector<1x16xf32>,
          %get3A_188 = arith.index_cast %scan3A_106 : i32 to index
          %get3A_189 = arith.constant 80 : index
          %get3A_190 = tpu.vector_load %arg8[%get3A_188, %get3A_189] {strides = array<i32>} : memref<200x128xf32, #tpu.memory_space<vmem>>, vector<1x16xf32>,
          %get3A_191 = vector.shape_cast %get3A_190 : vector<1x16xf32> to vector<16xf32>
          %swap3A_192 = arith.index_cast %squeeze3A_113 : i32 to index
          %swap3A_193 = arith.constant 80 : index
          %swap3A_194 = tpu.vector_load %arg10[%swap3A_192, %swap3A_193] {strides = array<i32>} : memref<64x128xf32, #tpu.memory_space<vmem>>, vector<1x16xf32>,
          %swap3A_195 = vector.shape_cast %swap3A_194 : vector<1x16xf32> to vector<16xf32>
          %swap3A_196 = vector.shape_cast %get3A_191 : vector<16xf32> to vector<1x16xf32>
          tpu.vector_store %arg10[%swap3A_192, %swap3A_193], %swap3A_196 {add = true, strides = array<i32>} : memref<64x128xf32, #tpu.memory_space<vmem>>, vector<1x16xf32>,
          %mul3A_197 = arith.mulf %get3A_191, %get3A_191 : vector<16xf32>
          %swap3A_198 = arith.index_cast %squeeze3A_113 : i32 to index
          %swap3A_199 = arith.constant 80 : index
          %swap3A_200 = tpu.vector_load %arg11[%swap3A_198, %swap3A_199] {strides = array<i32>} : memref<64x128xf32, #tpu.memory_space<vmem>>, vector<1x16xf32>,
          %swap3A_201 = vector.shape_cast %swap3A_200 : vector<1x16xf32> to vector<16xf32>
          %swap3A_202 = vector.shape_cast %mul3A_197 : vector<16xf32> to vector<1x16xf32>
          tpu.vector_store %arg11[%swap3A_198, %swap3A_199], %swap3A_202 {add = true, strides = array<i32>} : memref<64x128xf32, #tpu.memory_space<vmem>>, vector<1x16xf32>,
          %get3A_203 = arith.index_cast %scan3A_106 : i32 to index
          %get3A_204 = arith.constant 96 : index
          %get3A_205 = tpu.vector_load %arg8[%get3A_203, %get3A_204] {strides = array<i32>} : memref<200x128xf32, #tpu.memory_space<vmem>>, vector<1x16xf32>,
          %get3A_206 = vector.shape_cast %get3A_205 : vector<1x16xf32> to vector<16xf32>
          %swap3A_207 = arith.index_cast %squeeze3A_113 : i32 to index
          %swap3A_208 = arith.constant 96 : index
          %swap3A_209 = tpu.vector_load %arg10[%swap3A_207, %swap3A_208] {strides = array<i32>} : memref<64x128xf32, #tpu.memory_space<vmem>>, vector<1x16xf32>,
          %swap3A_210 = vector.shape_cast %swap3A_209 : vector<1x16xf32> to vector<16xf32>
          %swap3A_211 = vector.shape_cast %get3A_206 : vector<16xf32> to vector<1x16xf32>
          tpu.vector_store %arg10[%swap3A_207, %swap3A_208], %swap3A_211 {add = true, strides = array<i32>} : memref<64x128xf32, #tpu.memory_space<vmem>>, vector<1x16xf32>,
          %mul3A_212 = arith.mulf %get3A_206, %get3A_206 : vector<16xf32>
          %swap3A_213 = arith.index_cast %squeeze3A_113 : i32 to index
          %swap3A_214 = arith.constant 96 : index
          %swap3A_215 = tpu.vector_load %arg11[%swap3A_213, %swap3A_214] {strides = array<i32>} : memref<64x128xf32, #tpu.memory_space<vmem>>, vector<1x16xf32>,
          %swap3A_216 = vector.shape_cast %swap3A_215 : vector<1x16xf32> to vector<16xf32>
          %swap3A_217 = vector.shape_cast %mul3A_212 : vector<16xf32> to vector<1x16xf32>
          tpu.vector_store %arg11[%swap3A_213, %swap3A_214], %swap3A_217 {add = true, strides = array<i32>} : memref<64x128xf32, #tpu.memory_space<vmem>>, vector<1x16xf32>,
          %get3A_218 = arith.index_cast %scan3A_106 : i32 to index
          %get3A_219 = arith.constant 112 : index
          %get3A_220 = tpu.vector_load %arg8[%get3A_218, %get3A_219] {strides = array<i32>} : memref<200x128xf32, #tpu.memory_space<vmem>>, vector<1x16xf32>,
          %get3A_221 = vector.shape_cast %get3A_220 : vector<1x16xf32> to vector<16xf32>
          %swap3A_222 = arith.index_cast %squeeze3A_113 : i32 to index
          %swap3A_223 = arith.constant 112 : index
          %swap3A_224 = tpu.vector_load %arg10[%swap3A_222, %swap3A_223] {strides = array<i32>} : memref<64x128xf32, #tpu.memory_space<vmem>>, vector<1x16xf32>,
          %swap3A_225 = vector.shape_cast %swap3A_224 : vector<1x16xf32> to vector<16xf32>
          %swap3A_226 = vector.shape_cast %get3A_221 : vector<16xf32> to vector<1x16xf32>
          tpu.vector_store %arg10[%swap3A_222, %swap3A_223], %swap3A_226 {add = true, strides = array<i32>} : memref<64x128xf32, #tpu.memory_space<vmem>>, vector<1x16xf32>,
          %mul3A_227 = arith.mulf %get3A_221, %get3A_221 : vector<16xf32>
          %swap3A_228 = arith.index_cast %squeeze3A_113 : i32 to index
          %swap3A_229 = arith.constant 112 : index
          %swap3A_230 = tpu.vector_load %arg11[%swap3A_228, %swap3A_229] {strides = array<i32>} : memref<64x128xf32, #tpu.memory_space<vmem>>, vector<1x16xf32>,
          %swap3A_231 = vector.shape_cast %swap3A_230 : vector<1x16xf32> to vector<16xf32>
          %swap3A_232 = vector.shape_cast %mul3A_227 : vector<16xf32> to vector<1x16xf32>
          tpu.vector_store %arg11[%swap3A_228, %swap3A_229], %swap3A_232 {add = true, strides = array<i32>} : memref<64x128xf32, #tpu.memory_space<vmem>>, vector<1x16xf32>,
          %broadcast_in_dim3A_233 = arith.constant 1.000000e+00 : f32
          %broadcast_in_dim3A_234 = vector.broadcast %broadcast_in_dim3A_233 : f32 to vector<16xf32>
          %swap3A_235 = arith.index_cast %squeeze3A_113 : i32 to index
          %swap3A_236 = arith.constant 0 : index
          %swap3A_237 = tpu.vector_load %arg12[%swap3A_235, %swap3A_236] {strides = array<i32>} : memref<64x16xf32, #tpu.memory_space<vmem>>, vector<1x16xf32>,
          %swap3A_238 = vector.shape_cast %swap3A_237 : vector<1x16xf32> to vector<16xf32>
          %swap3A_239 = vector.shape_cast %broadcast_in_dim3A_234 : vector<16xf32> to vector<1x16xf32>
          tpu.vector_store %arg12[%swap3A_235, %swap3A_236], %swap3A_239 {add = true, strides = array<i32>} : memref<64x16xf32, #tpu.memory_space<vmem>>, vector<1x16xf32>,
          %scan3A_240 = arith.constant 0 : i32
          scf.yield %scan3A_240 : i32
        }
        %scan3A_105 = arith.constant 200 : i32
      } else {
      }
    } else {
    }
    %gt3A_55 = arith.constant 2 : i32
    %gt3A_56 = arith.cmpi sgt, %select_n3A_12, %gt3A_55 : i32
    %convert_element_type3A_57 = arith.extui %gt3A_56 : i1 to i32
    %cond3A_58 = arith.constant 0 : i32
    %cond3A_59 = arith.cmpi ne, %convert_element_type3A_57, %cond3A_58 : i32
    scf.if %cond3A_59 {
      %add3A_65 = arith.constant 2 : i32
      %add3A_66 = arith.addi %select_n3A, %add3A_65 : i32
      %mul3A_67 = arith.constant 200 : i32
      %mul3A_68 = arith.muli %add3A_66, %mul3A_67 : i32
      %add3A_69 = arith.constant 80000 : i32
      %add3A_70 = arith.addi %add3A_69, %mul3A_68 : i32
      %dma_wait3A_71 = arith.constant 0 : i32
      %dma_wait3A_72 = tpu.memref_slice %arg2[%add3A_70, %dma_wait3A_71] : memref<100000x128xf32, #tpu.memory_space<hbm>> -> memref<200x128xf32, #tpu.memory_space<hbm>>
      %dma_wait3A_73 = arith.constant 0 : i32
      %dma_wait3A_74 = tpu.memref_slice %arg2[%add3A_70, %dma_wait3A_73] : memref<100000x128xf32, #tpu.memory_space<hbm>> -> memref<200x128xf32, #tpu.memory_space<hbm>>
      tpu.wait_dma2 semaphore(%arg13 : memref<!tpu.dma_semaphore, #tpu.memory_space<semaphore_mem>>) src(%dma_wait3A_74 : memref<200x128xf32, #tpu.memory_space<hbm>>) dst(%arg7 : memref<200x128xf32, #tpu.memory_space<vmem>>)
      %gt3A_75 = arith.constant 3 : i32
      %gt3A_76 = arith.cmpi sgt, %select_n3A_12, %gt3A_75 : i32
      %convert_element_type3A_77 = arith.extui %gt3A_76 : i1 to i32
      %cond3A_78 = arith.constant 0 : i32
      %cond3A_79 = arith.cmpi ne, %convert_element_type3A_77, %cond3A_78 : i32
      scf.if %cond3A_79 {
        %add3A_99 = arith.constant 3 : i32
        %add3A_100 = arith.addi %select_n3A, %add3A_99 : i32
        %mul3A_101 = arith.constant 200 : i32
        %mul3A_102 = arith.muli %add3A_100, %mul3A_101 : i32
        %add3A_103 = arith.constant 80000 : i32
        %add3A_104 = arith.addi %add3A_103, %mul3A_102 : i32
        %dma_start3A_105 = arith.constant 0 : i32
        %dma_start3A_106 = tpu.memref_slice %arg2[%add3A_104, %dma_start3A_105] : memref<100000x128xf32, #tpu.memory_space<hbm>> -> memref<200x128xf32, #tpu.memory_space<hbm>>
        %dma_start3A_107 = arith.constant 0 : i32
        %dma_start3A_108 = tpu.memref_slice %arg2[%add3A_104, %dma_start3A_107] : memref<100000x128xf32, #tpu.memory_space<hbm>> -> memref<200x128xf32, #tpu.memory_space<hbm>>
        tpu.enqueue_dma source(%dma_start3A_108 : memref<200x128xf32, #tpu.memory_space<hbm>>) target(%arg8 : memref<200x128xf32, #tpu.memory_space<vmem>>) target_semaphore(%arg14 : memref<!tpu.dma_semaphore, #tpu.memory_space<semaphore_mem>>)
      } else {
      }
      %add3A_80 = arith.constant 400 : i32
      %add3A_81 = arith.addi %mul3A_16, %add3A_80 : i32
      %get3A = arith.index_cast %add3A_81 : i32 to index
      %get3A_82 = tpu.vector_load %arg9[%get3A] {strides = array<i32>} : memref<816xi32, #tpu.memory_space<vmem>>, vector<16xi32>,
      %get3A_83 = vector.shape_cast %get3A_82 : vector<16xi32> to vector<16xi32>
      %slice3A = vector.extract_strided_slice %get3A_83 {offsets = [0], sizes = [1], strides = [1]} : vector<16xi32> to vector<1xi32>
      %squeeze3A = vector.extract %slice3A[0] : i32 from vector<1xi32>
      %add3A_84 = arith.constant 200 : i32
      %add3A_85 = arith.addi %add3A_81, %add3A_84 : i32
      %sub3A_86 = arith.constant 16 : i32
      %sub3A_87 = arith.subi %add3A_85, %sub3A_86 : i32
      %get3A_88 = arith.index_cast %sub3A_87 : i32 to index
      %get3A_89 = tpu.vector_load %arg9[%get3A_88] {strides = array<i32>} : memref<816xi32, #tpu.memory_space<vmem>>, vector<16xi32>,
      %get3A_90 = vector.shape_cast %get3A_89 : vector<16xi32> to vector<16xi32>
      %slice3A_91 = vector.extract_strided_slice %get3A_90 {offsets = [15], sizes = [1], strides = [1]} : vector<16xi32> to vector<1xi32>
      %squeeze3A_92 = vector.extract %slice3A_91[0] : i32 from vector<1xi32>
      %eq3A = arith.cmpi eq, %squeeze3A, %squeeze3A_92 : i32
      %convert_element_type3A_93 = arith.extui %eq3A : i1 to i32
      %cond3A_94 = arith.constant 0 : i32
      %cond3A_95 = arith.cmpi ne, %convert_element_type3A_93, %cond3A_94 : i32
      scf.if %cond3A_95 {
        %scan3A_99 = arith.constant 0 : i32
        %scan3A_100 = arith.constant 200 : i32
        %scan3A_101 = arith.addi %scan3A_99, %scan3A_100 : i32
        %scan3A_102 = arith.constant 4 : i32
        %scan3A_103:16 = scf.for %scan3A_191 = %scan3A_99 to %scan3A_101 step %scan3A_102 iter_args(%scan3A_192 = %broadcast_in_dim3A_26, %scan3A_193 = %broadcast_in_dim3A_26, %scan3A_194 = %broadcast_in_dim3A_26, %scan3A_195 = %broadcast_in_dim3A_26, %scan3A_196 = %broadcast_in_dim3A_26, %scan3A_197 = %broadcast_in_dim3A_26, %scan3A_198 = %broadcast_in_dim3A_26, %scan3A_199 = %broadcast_in_dim3A_26, %scan3A_200 = %broadcast_in_dim3A_26, %scan3A_201 = %broadcast_in_dim3A_26, %scan3A_202 = %broadcast_in_dim3A_26, %scan3A_203 = %broadcast_in_dim3A_26, %scan3A_204 = %broadcast_in_dim3A_26, %scan3A_205 = %broadcast_in_dim3A_26, %scan3A_206 = %broadcast_in_dim3A_26, %scan3A_207 = %broadcast_in_dim3A_26) -> (vector<16xf32>, vector<16xf32>, vector<16xf32>, vector<16xf32>, vector<16xf32>, vector<16xf32>, vector<16xf32>, vector<16xf32>, vector<16xf32>, vector<16xf32>, vector<16xf32>, vector<16xf32>, vector<16xf32>, vector<16xf32>, vector<16xf32>, vector<16xf32>)  : i32 {
          %get3A_208 = arith.index_cast %scan3A_191 : i32 to index
          %get3A_209 = arith.constant 0 : index
          %get3A_210 = tpu.vector_load %arg7[%get3A_208, %get3A_209] {strides = array<i32>} : memref<200x128xf32, #tpu.memory_space<vmem>>, vector<1x16xf32>,
          %get3A_211 = vector.shape_cast %get3A_210 : vector<1x16xf32> to vector<16xf32>
          %add3A_212 = arith.addf %scan3A_192, %get3A_211 : vector<16xf32>
          %mul3A_213 = arith.mulf %get3A_211, %get3A_211 : vector<16xf32>
          %add3A_214 = arith.addf %scan3A_193, %mul3A_213 : vector<16xf32>
          %get3A_215 = arith.index_cast %scan3A_191 : i32 to index
          %get3A_216 = arith.constant 16 : index
          %get3A_217 = tpu.vector_load %arg7[%get3A_215, %get3A_216] {strides = array<i32>} : memref<200x128xf32, #tpu.memory_space<vmem>>, vector<1x16xf32>,
          %get3A_218 = vector.shape_cast %get3A_217 : vector<1x16xf32> to vector<16xf32>
          %add3A_219 = arith.addf %scan3A_194, %get3A_218 : vector<16xf32>
          %mul3A_220 = arith.mulf %get3A_218, %get3A_218 : vector<16xf32>
          %add3A_221 = arith.addf %scan3A_195, %mul3A_220 : vector<16xf32>
          %get3A_222 = arith.index_cast %scan3A_191 : i32 to index
          %get3A_223 = arith.constant 32 : index
          %get3A_224 = tpu.vector_load %arg7[%get3A_222, %get3A_223] {strides = array<i32>} : memref<200x128xf32, #tpu.memory_space<vmem>>, vector<1x16xf32>,
          %get3A_225 = vector.shape_cast %get3A_224 : vector<1x16xf32> to vector<16xf32>
          %add3A_226 = arith.addf %scan3A_196, %get3A_225 : vector<16xf32>
          %mul3A_227 = arith.mulf %get3A_225, %get3A_225 : vector<16xf32>
          %add3A_228 = arith.addf %scan3A_197, %mul3A_227 : vector<16xf32>
          %get3A_229 = arith.index_cast %scan3A_191 : i32 to index
          %get3A_230 = arith.constant 48 : index
          %get3A_231 = tpu.vector_load %arg7[%get3A_229, %get3A_230] {strides = array<i32>} : memref<200x128xf32, #tpu.memory_space<vmem>>, vector<1x16xf32>,
          %get3A_232 = vector.shape_cast %get3A_231 : vector<1x16xf32> to vector<16xf32>
          %add3A_233 = arith.addf %scan3A_198, %get3A_232 : vector<16xf32>
          %mul3A_234 = arith.mulf %get3A_232, %get3A_232 : vector<16xf32>
          %add3A_235 = arith.addf %scan3A_199, %mul3A_234 : vector<16xf32>
          %get3A_236 = arith.index_cast %scan3A_191 : i32 to index
          %get3A_237 = arith.constant 64 : index
          %get3A_238 = tpu.vector_load %arg7[%get3A_236, %get3A_237] {strides = array<i32>} : memref<200x128xf32, #tpu.memory_space<vmem>>, vector<1x16xf32>,
          %get3A_239 = vector.shape_cast %get3A_238 : vector<1x16xf32> to vector<16xf32>
          %add3A_240 = arith.addf %scan3A_200, %get3A_239 : vector<16xf32>
          %mul3A_241 = arith.mulf %get3A_239, %get3A_239 : vector<16xf32>
          %add3A_242 = arith.addf %scan3A_201, %mul3A_241 : vector<16xf32>
          %get3A_243 = arith.index_cast %scan3A_191 : i32 to index
          %get3A_244 = arith.constant 80 : index
          %get3A_245 = tpu.vector_load %arg7[%get3A_243, %get3A_244] {strides = array<i32>} : memref<200x128xf32, #tpu.memory_space<vmem>>, vector<1x16xf32>,
          %get3A_246 = vector.shape_cast %get3A_245 : vector<1x16xf32> to vector<16xf32>
          %add3A_247 = arith.addf %scan3A_202, %get3A_246 : vector<16xf32>
          %mul3A_248 = arith.mulf %get3A_246, %get3A_246 : vector<16xf32>
          %add3A_249 = arith.addf %scan3A_203, %mul3A_248 : vector<16xf32>
          %get3A_250 = arith.index_cast %scan3A_191 : i32 to index
          %get3A_251 = arith.constant 96 : index
          %get3A_252 = tpu.vector_load %arg7[%get3A_250, %get3A_251] {strides = array<i32>} : memref<200x128xf32, #tpu.memory_space<vmem>>, vector<1x16xf32>,
          %get3A_253 = vector.shape_cast %get3A_252 : vector<1x16xf32> to vector<16xf32>
          %add3A_254 = arith.addf %scan3A_204, %get3A_253 : vector<16xf32>
          %mul3A_255 = arith.mulf %get3A_253, %get3A_253 : vector<16xf32>
          %add3A_256 = arith.addf %scan3A_205, %mul3A_255 : vector<16xf32>
          %get3A_257 = arith.index_cast %scan3A_191 : i32 to index
          %get3A_258 = arith.constant 112 : index
          %get3A_259 = tpu.vector_load %arg7[%get3A_257, %get3A_258] {strides = array<i32>} : memref<200x128xf32, #tpu.memory_space<vmem>>, vector<1x16xf32>,
          %get3A_260 = vector.shape_cast %get3A_259 : vector<1x16xf32> to vector<16xf32>
          %add3A_261 = arith.addf %scan3A_206, %get3A_260 : vector<16xf32>
          %mul3A_262 = arith.mulf %get3A_260, %get3A_260 : vector<16xf32>
          %add3A_263 = arith.addf %scan3A_207, %mul3A_262 : vector<16xf32>
          %scan3A_264 = arith.constant 1 : i32
          %scan3A_265 = arith.addi %scan3A_191, %scan3A_264 : i32
          %get3A_266 = arith.index_cast %scan3A_265 : i32 to index
          %get3A_267 = arith.constant 0 : index
          %get3A_268 = tpu.vector_load %arg7[%get3A_266, %get3A_267] {strides = array<i32>} : memref<200x128xf32, #tpu.memory_space<vmem>>, vector<1x16xf32>,
          %get3A_269 = vector.shape_cast %get3A_268 : vector<1x16xf32> to vector<16xf32>
          %add3A_270 = arith.addf %add3A_212, %get3A_269 : vector<16xf32>
          %mul3A_271 = arith.mulf %get3A_269, %get3A_269 : vector<16xf32>
          %add3A_272 = arith.addf %add3A_214, %mul3A_271 : vector<16xf32>
          %get3A_273 = arith.index_cast %scan3A_265 : i32 to index
          %get3A_274 = arith.constant 16 : index
          %get3A_275 = tpu.vector_load %arg7[%get3A_273, %get3A_274] {strides = array<i32>} : memref<200x128xf32, #tpu.memory_space<vmem>>, vector<1x16xf32>,
          %get3A_276 = vector.shape_cast %get3A_275 : vector<1x16xf32> to vector<16xf32>
          %add3A_277 = arith.addf %add3A_219, %get3A_276 : vector<16xf32>
          %mul3A_278 = arith.mulf %get3A_276, %get3A_276 : vector<16xf32>
          %add3A_279 = arith.addf %add3A_221, %mul3A_278 : vector<16xf32>
          %get3A_280 = arith.index_cast %scan3A_265 : i32 to index
          %get3A_281 = arith.constant 32 : index
          %get3A_282 = tpu.vector_load %arg7[%get3A_280, %get3A_281] {strides = array<i32>} : memref<200x128xf32, #tpu.memory_space<vmem>>, vector<1x16xf32>,
          %get3A_283 = vector.shape_cast %get3A_282 : vector<1x16xf32> to vector<16xf32>
          %add3A_284 = arith.addf %add3A_226, %get3A_283 : vector<16xf32>
          %mul3A_285 = arith.mulf %get3A_283, %get3A_283 : vector<16xf32>
          %add3A_286 = arith.addf %add3A_228, %mul3A_285 : vector<16xf32>
          %get3A_287 = arith.index_cast %scan3A_265 : i32 to index
          %get3A_288 = arith.constant 48 : index
          %get3A_289 = tpu.vector_load %arg7[%get3A_287, %get3A_288] {strides = array<i32>} : memref<200x128xf32, #tpu.memory_space<vmem>>, vector<1x16xf32>,
          %get3A_290 = vector.shape_cast %get3A_289 : vector<1x16xf32> to vector<16xf32>
          %add3A_291 = arith.addf %add3A_233, %get3A_290 : vector<16xf32>
          %mul3A_292 = arith.mulf %get3A_290, %get3A_290 : vector<16xf32>
          %add3A_293 = arith.addf %add3A_235, %mul3A_292 : vector<16xf32>
          %get3A_294 = arith.index_cast %scan3A_265 : i32 to index
          %get3A_295 = arith.constant 64 : index
          %get3A_296 = tpu.vector_load %arg7[%get3A_294, %get3A_295] {strides = array<i32>} : memref<200x128xf32, #tpu.memory_space<vmem>>, vector<1x16xf32>,
          %get3A_297 = vector.shape_cast %get3A_296 : vector<1x16xf32> to vector<16xf32>
          %add3A_298 = arith.addf %add3A_240, %get3A_297 : vector<16xf32>
          %mul3A_299 = arith.mulf %get3A_297, %get3A_297 : vector<16xf32>
          %add3A_300 = arith.addf %add3A_242, %mul3A_299 : vector<16xf32>
          %get3A_301 = arith.index_cast %scan3A_265 : i32 to index
          %get3A_302 = arith.constant 80 : index
          %get3A_303 = tpu.vector_load %arg7[%get3A_301, %get3A_302] {strides = array<i32>} : memref<200x128xf32, #tpu.memory_space<vmem>>, vector<1x16xf32>,
          %get3A_304 = vector.shape_cast %get3A_303 : vector<1x16xf32> to vector<16xf32>
          %add3A_305 = arith.addf %add3A_247, %get3A_304 : vector<16xf32>
          %mul3A_306 = arith.mulf %get3A_304, %get3A_304 : vector<16xf32>
          %add3A_307 = arith.addf %add3A_249, %mul3A_306 : vector<16xf32>
          %get3A_308 = arith.index_cast %scan3A_265 : i32 to index
          %get3A_309 = arith.constant 96 : index
          %get3A_310 = tpu.vector_load %arg7[%get3A_308, %get3A_309] {strides = array<i32>} : memref<200x128xf32, #tpu.memory_space<vmem>>, vector<1x16xf32>,
          %get3A_311 = vector.shape_cast %get3A_310 : vector<1x16xf32> to vector<16xf32>
          %add3A_312 = arith.addf %add3A_254, %get3A_311 : vector<16xf32>
          %mul3A_313 = arith.mulf %get3A_311, %get3A_311 : vector<16xf32>
          %add3A_314 = arith.addf %add3A_256, %mul3A_313 : vector<16xf32>
          %get3A_315 = arith.index_cast %scan3A_265 : i32 to index
          %get3A_316 = arith.constant 112 : index
          %get3A_317 = tpu.vector_load %arg7[%get3A_315, %get3A_316] {strides = array<i32>} : memref<200x128xf32, #tpu.memory_space<vmem>>, vector<1x16xf32>,
          %get3A_318 = vector.shape_cast %get3A_317 : vector<1x16xf32> to vector<16xf32>
          %add3A_319 = arith.addf %add3A_261, %get3A_318 : vector<16xf32>
          %mul3A_320 = arith.mulf %get3A_318, %get3A_318 : vector<16xf32>
          %add3A_321 = arith.addf %add3A_263, %mul3A_320 : vector<16xf32>
          %scan3A_322 = arith.constant 2 : i32
          %scan3A_323 = arith.addi %scan3A_191, %scan3A_322 : i32
          %get3A_324 = arith.index_cast %scan3A_323 : i32 to index
          %get3A_325 = arith.constant 0 : index
          %get3A_326 = tpu.vector_load %arg7[%get3A_324, %get3A_325] {strides = array<i32>} : memref<200x128xf32, #tpu.memory_space<vmem>>, vector<1x16xf32>,
          %get3A_327 = vector.shape_cast %get3A_326 : vector<1x16xf32> to vector<16xf32>
          %add3A_328 = arith.addf %add3A_270, %get3A_327 : vector<16xf32>
          %mul3A_329 = arith.mulf %get3A_327, %get3A_327 : vector<16xf32>
          %add3A_330 = arith.addf %add3A_272, %mul3A_329 : vector<16xf32>
          %get3A_331 = arith.index_cast %scan3A_323 : i32 to index
          %get3A_332 = arith.constant 16 : index
          %get3A_333 = tpu.vector_load %arg7[%get3A_331, %get3A_332] {strides = array<i32>} : memref<200x128xf32, #tpu.memory_space<vmem>>, vector<1x16xf32>,
          %get3A_334 = vector.shape_cast %get3A_333 : vector<1x16xf32> to vector<16xf32>
          %add3A_335 = arith.addf %add3A_277, %get3A_334 : vector<16xf32>
          %mul3A_336 = arith.mulf %get3A_334, %get3A_334 : vector<16xf32>
          %add3A_337 = arith.addf %add3A_279, %mul3A_336 : vector<16xf32>
          %get3A_338 = arith.index_cast %scan3A_323 : i32 to index
          %get3A_339 = arith.constant 32 : index
          %get3A_340 = tpu.vector_load %arg7[%get3A_338, %get3A_339] {strides = array<i32>} : memref<200x128xf32, #tpu.memory_space<vmem>>, vector<1x16xf32>,
          %get3A_341 = vector.shape_cast %get3A_340 : vector<1x16xf32> to vector<16xf32>
          %add3A_342 = arith.addf %add3A_284, %get3A_341 : vector<16xf32>
          %mul3A_343 = arith.mulf %get3A_341, %get3A_341 : vector<16xf32>
          %add3A_344 = arith.addf %add3A_286, %mul3A_343 : vector<16xf32>
          %get3A_345 = arith.index_cast %scan3A_323 : i32 to index
          %get3A_346 = arith.constant 48 : index
          %get3A_347 = tpu.vector_load %arg7[%get3A_345, %get3A_346] {strides = array<i32>} : memref<200x128xf32, #tpu.memory_space<vmem>>, vector<1x16xf32>,
          %get3A_348 = vector.shape_cast %get3A_347 : vector<1x16xf32> to vector<16xf32>
          %add3A_349 = arith.addf %add3A_291, %get3A_348 : vector<16xf32>
          %mul3A_350 = arith.mulf %get3A_348, %get3A_348 : vector<16xf32>
          %add3A_351 = arith.addf %add3A_293, %mul3A_350 : vector<16xf32>
          %get3A_352 = arith.index_cast %scan3A_323 : i32 to index
          %get3A_353 = arith.constant 64 : index
          %get3A_354 = tpu.vector_load %arg7[%get3A_352, %get3A_353] {strides = array<i32>} : memref<200x128xf32, #tpu.memory_space<vmem>>, vector<1x16xf32>,
          %get3A_355 = vector.shape_cast %get3A_354 : vector<1x16xf32> to vector<16xf32>
          %add3A_356 = arith.addf %add3A_298, %get3A_355 : vector<16xf32>
          %mul3A_357 = arith.mulf %get3A_355, %get3A_355 : vector<16xf32>
          %add3A_358 = arith.addf %add3A_300, %mul3A_357 : vector<16xf32>
          %get3A_359 = arith.index_cast %scan3A_323 : i32 to index
          %get3A_360 = arith.constant 80 : index
          %get3A_361 = tpu.vector_load %arg7[%get3A_359, %get3A_360] {strides = array<i32>} : memref<200x128xf32, #tpu.memory_space<vmem>>, vector<1x16xf32>,
          %get3A_362 = vector.shape_cast %get3A_361 : vector<1x16xf32> to vector<16xf32>
          %add3A_363 = arith.addf %add3A_305, %get3A_362 : vector<16xf32>
          %mul3A_364 = arith.mulf %get3A_362, %get3A_362 : vector<16xf32>
          %add3A_365 = arith.addf %add3A_307, %mul3A_364 : vector<16xf32>
          %get3A_366 = arith.index_cast %scan3A_323 : i32 to index
          %get3A_367 = arith.constant 96 : index
          %get3A_368 = tpu.vector_load %arg7[%get3A_366, %get3A_367] {strides = array<i32>} : memref<200x128xf32, #tpu.memory_space<vmem>>, vector<1x16xf32>,
          %get3A_369 = vector.shape_cast %get3A_368 : vector<1x16xf32> to vector<16xf32>
          %add3A_370 = arith.addf %add3A_312, %get3A_369 : vector<16xf32>
          %mul3A_371 = arith.mulf %get3A_369, %get3A_369 : vector<16xf32>
          %add3A_372 = arith.addf %add3A_314, %mul3A_371 : vector<16xf32>
          %get3A_373 = arith.index_cast %scan3A_323 : i32 to index
          %get3A_374 = arith.constant 112 : index
          %get3A_375 = tpu.vector_load %arg7[%get3A_373, %get3A_374] {strides = array<i32>} : memref<200x128xf32, #tpu.memory_space<vmem>>, vector<1x16xf32>,
          %get3A_376 = vector.shape_cast %get3A_375 : vector<1x16xf32> to vector<16xf32>
          %add3A_377 = arith.addf %add3A_319, %get3A_376 : vector<16xf32>
          %mul3A_378 = arith.mulf %get3A_376, %get3A_376 : vector<16xf32>
          %add3A_379 = arith.addf %add3A_321, %mul3A_378 : vector<16xf32>
          %scan3A_380 = arith.constant 3 : i32
          %scan3A_381 = arith.addi %scan3A_191, %scan3A_380 : i32
          %get3A_382 = arith.index_cast %scan3A_381 : i32 to index
          %get3A_383 = arith.constant 0 : index
          %get3A_384 = tpu.vector_load %arg7[%get3A_382, %get3A_383] {strides = array<i32>} : memref<200x128xf32, #tpu.memory_space<vmem>>, vector<1x16xf32>,
          %get3A_385 = vector.shape_cast %get3A_384 : vector<1x16xf32> to vector<16xf32>
          %add3A_386 = arith.addf %add3A_328, %get3A_385 : vector<16xf32>
          %mul3A_387 = arith.mulf %get3A_385, %get3A_385 : vector<16xf32>
          %add3A_388 = arith.addf %add3A_330, %mul3A_387 : vector<16xf32>
          %get3A_389 = arith.index_cast %scan3A_381 : i32 to index
          %get3A_390 = arith.constant 16 : index
          %get3A_391 = tpu.vector_load %arg7[%get3A_389, %get3A_390] {strides = array<i32>} : memref<200x128xf32, #tpu.memory_space<vmem>>, vector<1x16xf32>,
          %get3A_392 = vector.shape_cast %get3A_391 : vector<1x16xf32> to vector<16xf32>
          %add3A_393 = arith.addf %add3A_335, %get3A_392 : vector<16xf32>
          %mul3A_394 = arith.mulf %get3A_392, %get3A_392 : vector<16xf32>
          %add3A_395 = arith.addf %add3A_337, %mul3A_394 : vector<16xf32>
          %get3A_396 = arith.index_cast %scan3A_381 : i32 to index
          %get3A_397 = arith.constant 32 : index
          %get3A_398 = tpu.vector_load %arg7[%get3A_396, %get3A_397] {strides = array<i32>} : memref<200x128xf32, #tpu.memory_space<vmem>>, vector<1x16xf32>,
          %get3A_399 = vector.shape_cast %get3A_398 : vector<1x16xf32> to vector<16xf32>
          %add3A_400 = arith.addf %add3A_342, %get3A_399 : vector<16xf32>
          %mul3A_401 = arith.mulf %get3A_399, %get3A_399 : vector<16xf32>
          %add3A_402 = arith.addf %add3A_344, %mul3A_401 : vector<16xf32>
          %get3A_403 = arith.index_cast %scan3A_381 : i32 to index
          %get3A_404 = arith.constant 48 : index
          %get3A_405 = tpu.vector_load %arg7[%get3A_403, %get3A_404] {strides = array<i32>} : memref<200x128xf32, #tpu.memory_space<vmem>>, vector<1x16xf32>,
          %get3A_406 = vector.shape_cast %get3A_405 : vector<1x16xf32> to vector<16xf32>
          %add3A_407 = arith.addf %add3A_349, %get3A_406 : vector<16xf32>
          %mul3A_408 = arith.mulf %get3A_406, %get3A_406 : vector<16xf32>
          %add3A_409 = arith.addf %add3A_351, %mul3A_408 : vector<16xf32>
          %get3A_410 = arith.index_cast %scan3A_381 : i32 to index
          %get3A_411 = arith.constant 64 : index
          %get3A_412 = tpu.vector_load %arg7[%get3A_410, %get3A_411] {strides = array<i32>} : memref<200x128xf32, #tpu.memory_space<vmem>>, vector<1x16xf32>,
          %get3A_413 = vector.shape_cast %get3A_412 : vector<1x16xf32> to vector<16xf32>
          %add3A_414 = arith.addf %add3A_356, %get3A_413 : vector<16xf32>
          %mul3A_415 = arith.mulf %get3A_413, %get3A_413 : vector<16xf32>
          %add3A_416 = arith.addf %add3A_358, %mul3A_415 : vector<16xf32>
          %get3A_417 = arith.index_cast %scan3A_381 : i32 to index
          %get3A_418 = arith.constant 80 : index
          %get3A_419 = tpu.vector_load %arg7[%get3A_417, %get3A_418] {strides = array<i32>} : memref<200x128xf32, #tpu.memory_space<vmem>>, vector<1x16xf32>,
          %get3A_420 = vector.shape_cast %get3A_419 : vector<1x16xf32> to vector<16xf32>
          %add3A_421 = arith.addf %add3A_363, %get3A_420 : vector<16xf32>
          %mul3A_422 = arith.mulf %get3A_420, %get3A_420 : vector<16xf32>
          %add3A_423 = arith.addf %add3A_365, %mul3A_422 : vector<16xf32>
          %get3A_424 = arith.index_cast %scan3A_381 : i32 to index
          %get3A_425 = arith.constant 96 : index
          %get3A_426 = tpu.vector_load %arg7[%get3A_424, %get3A_425] {strides = array<i32>} : memref<200x128xf32, #tpu.memory_space<vmem>>, vector<1x16xf32>,
          %get3A_427 = vector.shape_cast %get3A_426 : vector<1x16xf32> to vector<16xf32>
          %add3A_428 = arith.addf %add3A_370, %get3A_427 : vector<16xf32>
          %mul3A_429 = arith.mulf %get3A_427, %get3A_427 : vector<16xf32>
          %add3A_430 = arith.addf %add3A_372, %mul3A_429 : vector<16xf32>
          %get3A_431 = arith.index_cast %scan3A_381 : i32 to index
          %get3A_432 = arith.constant 112 : index
          %get3A_433 = tpu.vector_load %arg7[%get3A_431, %get3A_432] {strides = array<i32>} : memref<200x128xf32, #tpu.memory_space<vmem>>, vector<1x16xf32>,
          %get3A_434 = vector.shape_cast %get3A_433 : vector<1x16xf32> to vector<16xf32>
          %add3A_435 = arith.addf %add3A_377, %get3A_434 : vector<16xf32>
          %mul3A_436 = arith.mulf %get3A_434, %get3A_434 : vector<16xf32>
          %add3A_437 = arith.addf %add3A_379, %mul3A_436 : vector<16xf32>
          scf.yield %add3A_386, %add3A_388, %add3A_393, %add3A_395, %add3A_400, %add3A_402, %add3A_407, %add3A_409, %add3A_414, %add3A_416, %add3A_421, %add3A_423, %add3A_428, %add3A_430, %add3A_435, %add3A_437 : vector<16xf32>, vector<16xf32>, vector<16xf32>, vector<16xf32>, vector<16xf32>, vector<16xf32>, vector<16xf32>, vector<16xf32>, vector<16xf32>, vector<16xf32>, vector<16xf32>, vector<16xf32>, vector<16xf32>, vector<16xf32>, vector<16xf32>, vector<16xf32>
        }
        %scan3A_104 = arith.constant 200 : i32
        %swap3A = arith.index_cast %squeeze3A : i32 to index
        %swap3A_105 = arith.constant 0 : index
        %swap3A_106 = tpu.vector_load %arg10[%swap3A, %swap3A_105] {strides = array<i32>} : memref<64x128xf32, #tpu.memory_space<vmem>>, vector<1x16xf32>,
        %swap3A_107 = vector.shape_cast %swap3A_106 : vector<1x16xf32> to vector<16xf32>
        %swap3A_108 = vector.shape_cast %scan3A_103#0 : vector<16xf32> to vector<1x16xf32>
        tpu.vector_store %arg10[%swap3A, %swap3A_105], %swap3A_108 {add = true, strides = array<i32>} : memref<64x128xf32, #tpu.memory_space<vmem>>, vector<1x16xf32>,
        %swap3A_109 = arith.index_cast %squeeze3A : i32 to index
        %swap3A_110 = arith.constant 0 : index
        %swap3A_111 = tpu.vector_load %arg11[%swap3A_109, %swap3A_110] {strides = array<i32>} : memref<64x128xf32, #tpu.memory_space<vmem>>, vector<1x16xf32>,
        %swap3A_112 = vector.shape_cast %swap3A_111 : vector<1x16xf32> to vector<16xf32>
        %swap3A_113 = vector.shape_cast %scan3A_103#1 : vector<16xf32> to vector<1x16xf32>
        tpu.vector_store %arg11[%swap3A_109, %swap3A_110], %swap3A_113 {add = true, strides = array<i32>} : memref<64x128xf32, #tpu.memory_space<vmem>>, vector<1x16xf32>,
        %swap3A_114 = arith.index_cast %squeeze3A : i32 to index
        %swap3A_115 = arith.constant 16 : index
        %swap3A_116 = tpu.vector_load %arg10[%swap3A_114, %swap3A_115] {strides = array<i32>} : memref<64x128xf32, #tpu.memory_space<vmem>>, vector<1x16xf32>,
        %swap3A_117 = vector.shape_cast %swap3A_116 : vector<1x16xf32> to vector<16xf32>
        %swap3A_118 = vector.shape_cast %scan3A_103#2 : vector<16xf32> to vector<1x16xf32>
        tpu.vector_store %arg10[%swap3A_114, %swap3A_115], %swap3A_118 {add = true, strides = array<i32>} : memref<64x128xf32, #tpu.memory_space<vmem>>, vector<1x16xf32>,
        %swap3A_119 = arith.index_cast %squeeze3A : i32 to index
        %swap3A_120 = arith.constant 16 : index
        %swap3A_121 = tpu.vector_load %arg11[%swap3A_119, %swap3A_120] {strides = array<i32>} : memref<64x128xf32, #tpu.memory_space<vmem>>, vector<1x16xf32>,
        %swap3A_122 = vector.shape_cast %swap3A_121 : vector<1x16xf32> to vector<16xf32>
        %swap3A_123 = vector.shape_cast %scan3A_103#3 : vector<16xf32> to vector<1x16xf32>
        tpu.vector_store %arg11[%swap3A_119, %swap3A_120], %swap3A_123 {add = true, strides = array<i32>} : memref<64x128xf32, #tpu.memory_space<vmem>>, vector<1x16xf32>,
        %swap3A_124 = arith.index_cast %squeeze3A : i32 to index
        %swap3A_125 = arith.constant 32 : index
        %swap3A_126 = tpu.vector_load %arg10[%swap3A_124, %swap3A_125] {strides = array<i32>} : memref<64x128xf32, #tpu.memory_space<vmem>>, vector<1x16xf32>,
        %swap3A_127 = vector.shape_cast %swap3A_126 : vector<1x16xf32> to vector<16xf32>
        %swap3A_128 = vector.shape_cast %scan3A_103#4 : vector<16xf32> to vector<1x16xf32>
        tpu.vector_store %arg10[%swap3A_124, %swap3A_125], %swap3A_128 {add = true, strides = array<i32>} : memref<64x128xf32, #tpu.memory_space<vmem>>, vector<1x16xf32>,
        %swap3A_129 = arith.index_cast %squeeze3A : i32 to index
        %swap3A_130 = arith.constant 32 : index
        %swap3A_131 = tpu.vector_load %arg11[%swap3A_129, %swap3A_130] {strides = array<i32>} : memref<64x128xf32, #tpu.memory_space<vmem>>, vector<1x16xf32>,
        %swap3A_132 = vector.shape_cast %swap3A_131 : vector<1x16xf32> to vector<16xf32>
        %swap3A_133 = vector.shape_cast %scan3A_103#5 : vector<16xf32> to vector<1x16xf32>
        tpu.vector_store %arg11[%swap3A_129, %swap3A_130], %swap3A_133 {add = true, strides = array<i32>} : memref<64x128xf32, #tpu.memory_space<vmem>>, vector<1x16xf32>,
        %swap3A_134 = arith.index_cast %squeeze3A : i32 to index
        %swap3A_135 = arith.constant 48 : index
        %swap3A_136 = tpu.vector_load %arg10[%swap3A_134, %swap3A_135] {strides = array<i32>} : memref<64x128xf32, #tpu.memory_space<vmem>>, vector<1x16xf32>,
        %swap3A_137 = vector.shape_cast %swap3A_136 : vector<1x16xf32> to vector<16xf32>
        %swap3A_138 = vector.shape_cast %scan3A_103#6 : vector<16xf32> to vector<1x16xf32>
        tpu.vector_store %arg10[%swap3A_134, %swap3A_135], %swap3A_138 {add = true, strides = array<i32>} : memref<64x128xf32, #tpu.memory_space<vmem>>, vector<1x16xf32>,
        %swap3A_139 = arith.index_cast %squeeze3A : i32 to index
        %swap3A_140 = arith.constant 48 : index
        %swap3A_141 = tpu.vector_load %arg11[%swap3A_139, %swap3A_140] {strides = array<i32>} : memref<64x128xf32, #tpu.memory_space<vmem>>, vector<1x16xf32>,
        %swap3A_142 = vector.shape_cast %swap3A_141 : vector<1x16xf32> to vector<16xf32>
        %swap3A_143 = vector.shape_cast %scan3A_103#7 : vector<16xf32> to vector<1x16xf32>
        tpu.vector_store %arg11[%swap3A_139, %swap3A_140], %swap3A_143 {add = true, strides = array<i32>} : memref<64x128xf32, #tpu.memory_space<vmem>>, vector<1x16xf32>,
        %swap3A_144 = arith.index_cast %squeeze3A : i32 to index
        %swap3A_145 = arith.constant 64 : index
        %swap3A_146 = tpu.vector_load %arg10[%swap3A_144, %swap3A_145] {strides = array<i32>} : memref<64x128xf32, #tpu.memory_space<vmem>>, vector<1x16xf32>,
        %swap3A_147 = vector.shape_cast %swap3A_146 : vector<1x16xf32> to vector<16xf32>
        %swap3A_148 = vector.shape_cast %scan3A_103#8 : vector<16xf32> to vector<1x16xf32>
        tpu.vector_store %arg10[%swap3A_144, %swap3A_145], %swap3A_148 {add = true, strides = array<i32>} : memref<64x128xf32, #tpu.memory_space<vmem>>, vector<1x16xf32>,
        %swap3A_149 = arith.index_cast %squeeze3A : i32 to index
        %swap3A_150 = arith.constant 64 : index
        %swap3A_151 = tpu.vector_load %arg11[%swap3A_149, %swap3A_150] {strides = array<i32>} : memref<64x128xf32, #tpu.memory_space<vmem>>, vector<1x16xf32>,
        %swap3A_152 = vector.shape_cast %swap3A_151 : vector<1x16xf32> to vector<16xf32>
        %swap3A_153 = vector.shape_cast %scan3A_103#9 : vector<16xf32> to vector<1x16xf32>
        tpu.vector_store %arg11[%swap3A_149, %swap3A_150], %swap3A_153 {add = true, strides = array<i32>} : memref<64x128xf32, #tpu.memory_space<vmem>>, vector<1x16xf32>,
        %swap3A_154 = arith.index_cast %squeeze3A : i32 to index
        %swap3A_155 = arith.constant 80 : index
        %swap3A_156 = tpu.vector_load %arg10[%swap3A_154, %swap3A_155] {strides = array<i32>} : memref<64x128xf32, #tpu.memory_space<vmem>>, vector<1x16xf32>,
        %swap3A_157 = vector.shape_cast %swap3A_156 : vector<1x16xf32> to vector<16xf32>
        %swap3A_158 = vector.shape_cast %scan3A_103#10 : vector<16xf32> to vector<1x16xf32>
        tpu.vector_store %arg10[%swap3A_154, %swap3A_155], %swap3A_158 {add = true, strides = array<i32>} : memref<64x128xf32, #tpu.memory_space<vmem>>, vector<1x16xf32>,
        %swap3A_159 = arith.index_cast %squeeze3A : i32 to index
        %swap3A_160 = arith.constant 80 : index
        %swap3A_161 = tpu.vector_load %arg11[%swap3A_159, %swap3A_160] {strides = array<i32>} : memref<64x128xf32, #tpu.memory_space<vmem>>, vector<1x16xf32>,
        %swap3A_162 = vector.shape_cast %swap3A_161 : vector<1x16xf32> to vector<16xf32>
        %swap3A_163 = vector.shape_cast %scan3A_103#11 : vector<16xf32> to vector<1x16xf32>
        tpu.vector_store %arg11[%swap3A_159, %swap3A_160], %swap3A_163 {add = true, strides = array<i32>} : memref<64x128xf32, #tpu.memory_space<vmem>>, vector<1x16xf32>,
        %swap3A_164 = arith.index_cast %squeeze3A : i32 to index
        %swap3A_165 = arith.constant 96 : index
        %swap3A_166 = tpu.vector_load %arg10[%swap3A_164, %swap3A_165] {strides = array<i32>} : memref<64x128xf32, #tpu.memory_space<vmem>>, vector<1x16xf32>,
        %swap3A_167 = vector.shape_cast %swap3A_166 : vector<1x16xf32> to vector<16xf32>
        %swap3A_168 = vector.shape_cast %scan3A_103#12 : vector<16xf32> to vector<1x16xf32>
        tpu.vector_store %arg10[%swap3A_164, %swap3A_165], %swap3A_168 {add = true, strides = array<i32>} : memref<64x128xf32, #tpu.memory_space<vmem>>, vector<1x16xf32>,
        %swap3A_169 = arith.index_cast %squeeze3A : i32 to index
        %swap3A_170 = arith.constant 96 : index
        %swap3A_171 = tpu.vector_load %arg11[%swap3A_169, %swap3A_170] {strides = array<i32>} : memref<64x128xf32, #tpu.memory_space<vmem>>, vector<1x16xf32>,
        %swap3A_172 = vector.shape_cast %swap3A_171 : vector<1x16xf32> to vector<16xf32>
        %swap3A_173 = vector.shape_cast %scan3A_103#13 : vector<16xf32> to vector<1x16xf32>
        tpu.vector_store %arg11[%swap3A_169, %swap3A_170], %swap3A_173 {add = true, strides = array<i32>} : memref<64x128xf32, #tpu.memory_space<vmem>>, vector<1x16xf32>,
        %swap3A_174 = arith.index_cast %squeeze3A : i32 to index
        %swap3A_175 = arith.constant 112 : index
        %swap3A_176 = tpu.vector_load %arg10[%swap3A_174, %swap3A_175] {strides = array<i32>} : memref<64x128xf32, #tpu.memory_space<vmem>>, vector<1x16xf32>,
        %swap3A_177 = vector.shape_cast %swap3A_176 : vector<1x16xf32> to vector<16xf32>
        %swap3A_178 = vector.shape_cast %scan3A_103#14 : vector<16xf32> to vector<1x16xf32>
        tpu.vector_store %arg10[%swap3A_174, %swap3A_175], %swap3A_178 {add = true, strides = array<i32>} : memref<64x128xf32, #tpu.memory_space<vmem>>, vector<1x16xf32>,
        %swap3A_179 = arith.index_cast %squeeze3A : i32 to index
        %swap3A_180 = arith.constant 112 : index
        %swap3A_181 = tpu.vector_load %arg11[%swap3A_179, %swap3A_180] {strides = array<i32>} : memref<64x128xf32, #tpu.memory_space<vmem>>, vector<1x16xf32>,
        %swap3A_182 = vector.shape_cast %swap3A_181 : vector<1x16xf32> to vector<16xf32>
        %swap3A_183 = vector.shape_cast %scan3A_103#15 : vector<16xf32> to vector<1x16xf32>
        tpu.vector_store %arg11[%swap3A_179, %swap3A_180], %swap3A_183 {add = true, strides = array<i32>} : memref<64x128xf32, #tpu.memory_space<vmem>>, vector<1x16xf32>,
        %broadcast_in_dim3A_184 = arith.constant 2.000000e+02 : f32
        %broadcast_in_dim3A_185 = vector.broadcast %broadcast_in_dim3A_184 : f32 to vector<16xf32>
        %swap3A_186 = arith.index_cast %squeeze3A : i32 to index
        %swap3A_187 = arith.constant 0 : index
        %swap3A_188 = tpu.vector_load %arg12[%swap3A_186, %swap3A_187] {strides = array<i32>} : memref<64x16xf32, #tpu.memory_space<vmem>>, vector<1x16xf32>,
        %swap3A_189 = vector.shape_cast %swap3A_188 : vector<1x16xf32> to vector<16xf32>
        %swap3A_190 = vector.shape_cast %broadcast_in_dim3A_185 : vector<16xf32> to vector<1x16xf32>
        tpu.vector_store %arg12[%swap3A_186, %swap3A_187], %swap3A_190 {add = true, strides = array<i32>} : memref<64x16xf32, #tpu.memory_space<vmem>>, vector<1x16xf32>,
      } else {
      }
      %ne3A = arith.cmpi ne, %squeeze3A, %squeeze3A_92 : i32
      %convert_element_type3A_96 = arith.extui %ne3A : i1 to i32
      %cond3A_97 = arith.constant 0 : i32
      %cond3A_98 = arith.cmpi ne, %convert_element_type3A_96, %cond3A_97 : i32
      scf.if %cond3A_98 {
        %scan3A_99 = arith.constant 0 : i32
        %scan3A_100 = arith.constant 0 : i32
        %scan3A_101 = arith.constant 200 : i32
        %scan3A_102 = arith.addi %scan3A_100, %scan3A_101 : i32
        %scan3A_103 = arith.constant 1 : i32
        %scan3A_104 = scf.for %scan3A_106 = %scan3A_100 to %scan3A_102 step %scan3A_103 iter_args(%scan3A_107 = %scan3A_99) -> (i32)  : i32 {
          %add3A_108 = arith.addi %add3A_81, %scan3A_106 : i32
          %get3A_109 = arith.index_cast %add3A_108 : i32 to index
          %get3A_110 = tpu.vector_load %arg9[%get3A_109] {strides = array<i32>} : memref<816xi32, #tpu.memory_space<vmem>>, vector<16xi32>,
          %get3A_111 = vector.shape_cast %get3A_110 : vector<16xi32> to vector<16xi32>
          %slice3A_112 = vector.extract_strided_slice %get3A_111 {offsets = [0], sizes = [1], strides = [1]} : vector<16xi32> to vector<1xi32>
          %squeeze3A_113 = vector.extract %slice3A_112[0] : i32 from vector<1xi32>
          %get3A_114 = arith.index_cast %scan3A_106 : i32 to index
          %get3A_115 = arith.constant 0 : index
          %get3A_116 = tpu.vector_load %arg7[%get3A_114, %get3A_115] {strides = array<i32>} : memref<200x128xf32, #tpu.memory_space<vmem>>, vector<1x16xf32>,
          %get3A_117 = vector.shape_cast %get3A_116 : vector<1x16xf32> to vector<16xf32>
          %swap3A = arith.index_cast %squeeze3A_113 : i32 to index
          %swap3A_118 = arith.constant 0 : index
          %swap3A_119 = tpu.vector_load %arg10[%swap3A, %swap3A_118] {strides = array<i32>} : memref<64x128xf32, #tpu.memory_space<vmem>>, vector<1x16xf32>,
          %swap3A_120 = vector.shape_cast %swap3A_119 : vector<1x16xf32> to vector<16xf32>
          %swap3A_121 = vector.shape_cast %get3A_117 : vector<16xf32> to vector<1x16xf32>
          tpu.vector_store %arg10[%swap3A, %swap3A_118], %swap3A_121 {add = true, strides = array<i32>} : memref<64x128xf32, #tpu.memory_space<vmem>>, vector<1x16xf32>,
          %mul3A_122 = arith.mulf %get3A_117, %get3A_117 : vector<16xf32>
          %swap3A_123 = arith.index_cast %squeeze3A_113 : i32 to index
          %swap3A_124 = arith.constant 0 : index
          %swap3A_125 = tpu.vector_load %arg11[%swap3A_123, %swap3A_124] {strides = array<i32>} : memref<64x128xf32, #tpu.memory_space<vmem>>, vector<1x16xf32>,
          %swap3A_126 = vector.shape_cast %swap3A_125 : vector<1x16xf32> to vector<16xf32>
          %swap3A_127 = vector.shape_cast %mul3A_122 : vector<16xf32> to vector<1x16xf32>
          tpu.vector_store %arg11[%swap3A_123, %swap3A_124], %swap3A_127 {add = true, strides = array<i32>} : memref<64x128xf32, #tpu.memory_space<vmem>>, vector<1x16xf32>,
          %get3A_128 = arith.index_cast %scan3A_106 : i32 to index
          %get3A_129 = arith.constant 16 : index
          %get3A_130 = tpu.vector_load %arg7[%get3A_128, %get3A_129] {strides = array<i32>} : memref<200x128xf32, #tpu.memory_space<vmem>>, vector<1x16xf32>,
          %get3A_131 = vector.shape_cast %get3A_130 : vector<1x16xf32> to vector<16xf32>
          %swap3A_132 = arith.index_cast %squeeze3A_113 : i32 to index
          %swap3A_133 = arith.constant 16 : index
          %swap3A_134 = tpu.vector_load %arg10[%swap3A_132, %swap3A_133] {strides = array<i32>} : memref<64x128xf32, #tpu.memory_space<vmem>>, vector<1x16xf32>,
          %swap3A_135 = vector.shape_cast %swap3A_134 : vector<1x16xf32> to vector<16xf32>
          %swap3A_136 = vector.shape_cast %get3A_131 : vector<16xf32> to vector<1x16xf32>
          tpu.vector_store %arg10[%swap3A_132, %swap3A_133], %swap3A_136 {add = true, strides = array<i32>} : memref<64x128xf32, #tpu.memory_space<vmem>>, vector<1x16xf32>,
          %mul3A_137 = arith.mulf %get3A_131, %get3A_131 : vector<16xf32>
          %swap3A_138 = arith.index_cast %squeeze3A_113 : i32 to index
          %swap3A_139 = arith.constant 16 : index
          %swap3A_140 = tpu.vector_load %arg11[%swap3A_138, %swap3A_139] {strides = array<i32>} : memref<64x128xf32, #tpu.memory_space<vmem>>, vector<1x16xf32>,
          %swap3A_141 = vector.shape_cast %swap3A_140 : vector<1x16xf32> to vector<16xf32>
          %swap3A_142 = vector.shape_cast %mul3A_137 : vector<16xf32> to vector<1x16xf32>
          tpu.vector_store %arg11[%swap3A_138, %swap3A_139], %swap3A_142 {add = true, strides = array<i32>} : memref<64x128xf32, #tpu.memory_space<vmem>>, vector<1x16xf32>,
          %get3A_143 = arith.index_cast %scan3A_106 : i32 to index
          %get3A_144 = arith.constant 32 : index
          %get3A_145 = tpu.vector_load %arg7[%get3A_143, %get3A_144] {strides = array<i32>} : memref<200x128xf32, #tpu.memory_space<vmem>>, vector<1x16xf32>,
          %get3A_146 = vector.shape_cast %get3A_145 : vector<1x16xf32> to vector<16xf32>
          %swap3A_147 = arith.index_cast %squeeze3A_113 : i32 to index
          %swap3A_148 = arith.constant 32 : index
          %swap3A_149 = tpu.vector_load %arg10[%swap3A_147, %swap3A_148] {strides = array<i32>} : memref<64x128xf32, #tpu.memory_space<vmem>>, vector<1x16xf32>,
          %swap3A_150 = vector.shape_cast %swap3A_149 : vector<1x16xf32> to vector<16xf32>
          %swap3A_151 = vector.shape_cast %get3A_146 : vector<16xf32> to vector<1x16xf32>
          tpu.vector_store %arg10[%swap3A_147, %swap3A_148], %swap3A_151 {add = true, strides = array<i32>} : memref<64x128xf32, #tpu.memory_space<vmem>>, vector<1x16xf32>,
          %mul3A_152 = arith.mulf %get3A_146, %get3A_146 : vector<16xf32>
          %swap3A_153 = arith.index_cast %squeeze3A_113 : i32 to index
          %swap3A_154 = arith.constant 32 : index
          %swap3A_155 = tpu.vector_load %arg11[%swap3A_153, %swap3A_154] {strides = array<i32>} : memref<64x128xf32, #tpu.memory_space<vmem>>, vector<1x16xf32>,
          %swap3A_156 = vector.shape_cast %swap3A_155 : vector<1x16xf32> to vector<16xf32>
          %swap3A_157 = vector.shape_cast %mul3A_152 : vector<16xf32> to vector<1x16xf32>
          tpu.vector_store %arg11[%swap3A_153, %swap3A_154], %swap3A_157 {add = true, strides = array<i32>} : memref<64x128xf32, #tpu.memory_space<vmem>>, vector<1x16xf32>,
          %get3A_158 = arith.index_cast %scan3A_106 : i32 to index
          %get3A_159 = arith.constant 48 : index
          %get3A_160 = tpu.vector_load %arg7[%get3A_158, %get3A_159] {strides = array<i32>} : memref<200x128xf32, #tpu.memory_space<vmem>>, vector<1x16xf32>,
          %get3A_161 = vector.shape_cast %get3A_160 : vector<1x16xf32> to vector<16xf32>
          %swap3A_162 = arith.index_cast %squeeze3A_113 : i32 to index
          %swap3A_163 = arith.constant 48 : index
          %swap3A_164 = tpu.vector_load %arg10[%swap3A_162, %swap3A_163] {strides = array<i32>} : memref<64x128xf32, #tpu.memory_space<vmem>>, vector<1x16xf32>,
          %swap3A_165 = vector.shape_cast %swap3A_164 : vector<1x16xf32> to vector<16xf32>
          %swap3A_166 = vector.shape_cast %get3A_161 : vector<16xf32> to vector<1x16xf32>
          tpu.vector_store %arg10[%swap3A_162, %swap3A_163], %swap3A_166 {add = true, strides = array<i32>} : memref<64x128xf32, #tpu.memory_space<vmem>>, vector<1x16xf32>,
          %mul3A_167 = arith.mulf %get3A_161, %get3A_161 : vector<16xf32>
          %swap3A_168 = arith.index_cast %squeeze3A_113 : i32 to index
          %swap3A_169 = arith.constant 48 : index
          %swap3A_170 = tpu.vector_load %arg11[%swap3A_168, %swap3A_169] {strides = array<i32>} : memref<64x128xf32, #tpu.memory_space<vmem>>, vector<1x16xf32>,
          %swap3A_171 = vector.shape_cast %swap3A_170 : vector<1x16xf32> to vector<16xf32>
          %swap3A_172 = vector.shape_cast %mul3A_167 : vector<16xf32> to vector<1x16xf32>
          tpu.vector_store %arg11[%swap3A_168, %swap3A_169], %swap3A_172 {add = true, strides = array<i32>} : memref<64x128xf32, #tpu.memory_space<vmem>>, vector<1x16xf32>,
          %get3A_173 = arith.index_cast %scan3A_106 : i32 to index
          %get3A_174 = arith.constant 64 : index
          %get3A_175 = tpu.vector_load %arg7[%get3A_173, %get3A_174] {strides = array<i32>} : memref<200x128xf32, #tpu.memory_space<vmem>>, vector<1x16xf32>,
          %get3A_176 = vector.shape_cast %get3A_175 : vector<1x16xf32> to vector<16xf32>
          %swap3A_177 = arith.index_cast %squeeze3A_113 : i32 to index
          %swap3A_178 = arith.constant 64 : index
          %swap3A_179 = tpu.vector_load %arg10[%swap3A_177, %swap3A_178] {strides = array<i32>} : memref<64x128xf32, #tpu.memory_space<vmem>>, vector<1x16xf32>,
          %swap3A_180 = vector.shape_cast %swap3A_179 : vector<1x16xf32> to vector<16xf32>
          %swap3A_181 = vector.shape_cast %get3A_176 : vector<16xf32> to vector<1x16xf32>
          tpu.vector_store %arg10[%swap3A_177, %swap3A_178], %swap3A_181 {add = true, strides = array<i32>} : memref<64x128xf32, #tpu.memory_space<vmem>>, vector<1x16xf32>,
          %mul3A_182 = arith.mulf %get3A_176, %get3A_176 : vector<16xf32>
          %swap3A_183 = arith.index_cast %squeeze3A_113 : i32 to index
          %swap3A_184 = arith.constant 64 : index
          %swap3A_185 = tpu.vector_load %arg11[%swap3A_183, %swap3A_184] {strides = array<i32>} : memref<64x128xf32, #tpu.memory_space<vmem>>, vector<1x16xf32>,
          %swap3A_186 = vector.shape_cast %swap3A_185 : vector<1x16xf32> to vector<16xf32>
          %swap3A_187 = vector.shape_cast %mul3A_182 : vector<16xf32> to vector<1x16xf32>
          tpu.vector_store %arg11[%swap3A_183, %swap3A_184], %swap3A_187 {add = true, strides = array<i32>} : memref<64x128xf32, #tpu.memory_space<vmem>>, vector<1x16xf32>,
          %get3A_188 = arith.index_cast %scan3A_106 : i32 to index
          %get3A_189 = arith.constant 80 : index
          %get3A_190 = tpu.vector_load %arg7[%get3A_188, %get3A_189] {strides = array<i32>} : memref<200x128xf32, #tpu.memory_space<vmem>>, vector<1x16xf32>,
          %get3A_191 = vector.shape_cast %get3A_190 : vector<1x16xf32> to vector<16xf32>
          %swap3A_192 = arith.index_cast %squeeze3A_113 : i32 to index
          %swap3A_193 = arith.constant 80 : index
          %swap3A_194 = tpu.vector_load %arg10[%swap3A_192, %swap3A_193] {strides = array<i32>} : memref<64x128xf32, #tpu.memory_space<vmem>>, vector<1x16xf32>,
          %swap3A_195 = vector.shape_cast %swap3A_194 : vector<1x16xf32> to vector<16xf32>
          %swap3A_196 = vector.shape_cast %get3A_191 : vector<16xf32> to vector<1x16xf32>
          tpu.vector_store %arg10[%swap3A_192, %swap3A_193], %swap3A_196 {add = true, strides = array<i32>} : memref<64x128xf32, #tpu.memory_space<vmem>>, vector<1x16xf32>,
          %mul3A_197 = arith.mulf %get3A_191, %get3A_191 : vector<16xf32>
          %swap3A_198 = arith.index_cast %squeeze3A_113 : i32 to index
          %swap3A_199 = arith.constant 80 : index
          %swap3A_200 = tpu.vector_load %arg11[%swap3A_198, %swap3A_199] {strides = array<i32>} : memref<64x128xf32, #tpu.memory_space<vmem>>, vector<1x16xf32>,
          %swap3A_201 = vector.shape_cast %swap3A_200 : vector<1x16xf32> to vector<16xf32>
          %swap3A_202 = vector.shape_cast %mul3A_197 : vector<16xf32> to vector<1x16xf32>
          tpu.vector_store %arg11[%swap3A_198, %swap3A_199], %swap3A_202 {add = true, strides = array<i32>} : memref<64x128xf32, #tpu.memory_space<vmem>>, vector<1x16xf32>,
          %get3A_203 = arith.index_cast %scan3A_106 : i32 to index
          %get3A_204 = arith.constant 96 : index
          %get3A_205 = tpu.vector_load %arg7[%get3A_203, %get3A_204] {strides = array<i32>} : memref<200x128xf32, #tpu.memory_space<vmem>>, vector<1x16xf32>,
          %get3A_206 = vector.shape_cast %get3A_205 : vector<1x16xf32> to vector<16xf32>
          %swap3A_207 = arith.index_cast %squeeze3A_113 : i32 to index
          %swap3A_208 = arith.constant 96 : index
          %swap3A_209 = tpu.vector_load %arg10[%swap3A_207, %swap3A_208] {strides = array<i32>} : memref<64x128xf32, #tpu.memory_space<vmem>>, vector<1x16xf32>,
          %swap3A_210 = vector.shape_cast %swap3A_209 : vector<1x16xf32> to vector<16xf32>
          %swap3A_211 = vector.shape_cast %get3A_206 : vector<16xf32> to vector<1x16xf32>
          tpu.vector_store %arg10[%swap3A_207, %swap3A_208], %swap3A_211 {add = true, strides = array<i32>} : memref<64x128xf32, #tpu.memory_space<vmem>>, vector<1x16xf32>,
          %mul3A_212 = arith.mulf %get3A_206, %get3A_206 : vector<16xf32>
          %swap3A_213 = arith.index_cast %squeeze3A_113 : i32 to index
          %swap3A_214 = arith.constant 96 : index
          %swap3A_215 = tpu.vector_load %arg11[%swap3A_213, %swap3A_214] {strides = array<i32>} : memref<64x128xf32, #tpu.memory_space<vmem>>, vector<1x16xf32>,
          %swap3A_216 = vector.shape_cast %swap3A_215 : vector<1x16xf32> to vector<16xf32>
          %swap3A_217 = vector.shape_cast %mul3A_212 : vector<16xf32> to vector<1x16xf32>
          tpu.vector_store %arg11[%swap3A_213, %swap3A_214], %swap3A_217 {add = true, strides = array<i32>} : memref<64x128xf32, #tpu.memory_space<vmem>>, vector<1x16xf32>,
          %get3A_218 = arith.index_cast %scan3A_106 : i32 to index
          %get3A_219 = arith.constant 112 : index
          %get3A_220 = tpu.vector_load %arg7[%get3A_218, %get3A_219] {strides = array<i32>} : memref<200x128xf32, #tpu.memory_space<vmem>>, vector<1x16xf32>,
          %get3A_221 = vector.shape_cast %get3A_220 : vector<1x16xf32> to vector<16xf32>
          %swap3A_222 = arith.index_cast %squeeze3A_113 : i32 to index
          %swap3A_223 = arith.constant 112 : index
          %swap3A_224 = tpu.vector_load %arg10[%swap3A_222, %swap3A_223] {strides = array<i32>} : memref<64x128xf32, #tpu.memory_space<vmem>>, vector<1x16xf32>,
          %swap3A_225 = vector.shape_cast %swap3A_224 : vector<1x16xf32> to vector<16xf32>
          %swap3A_226 = vector.shape_cast %get3A_221 : vector<16xf32> to vector<1x16xf32>
          tpu.vector_store %arg10[%swap3A_222, %swap3A_223], %swap3A_226 {add = true, strides = array<i32>} : memref<64x128xf32, #tpu.memory_space<vmem>>, vector<1x16xf32>,
          %mul3A_227 = arith.mulf %get3A_221, %get3A_221 : vector<16xf32>
          %swap3A_228 = arith.index_cast %squeeze3A_113 : i32 to index
          %swap3A_229 = arith.constant 112 : index
          %swap3A_230 = tpu.vector_load %arg11[%swap3A_228, %swap3A_229] {strides = array<i32>} : memref<64x128xf32, #tpu.memory_space<vmem>>, vector<1x16xf32>,
          %swap3A_231 = vector.shape_cast %swap3A_230 : vector<1x16xf32> to vector<16xf32>
          %swap3A_232 = vector.shape_cast %mul3A_227 : vector<16xf32> to vector<1x16xf32>
          tpu.vector_store %arg11[%swap3A_228, %swap3A_229], %swap3A_232 {add = true, strides = array<i32>} : memref<64x128xf32, #tpu.memory_space<vmem>>, vector<1x16xf32>,
          %broadcast_in_dim3A_233 = arith.constant 1.000000e+00 : f32
          %broadcast_in_dim3A_234 = vector.broadcast %broadcast_in_dim3A_233 : f32 to vector<16xf32>
          %swap3A_235 = arith.index_cast %squeeze3A_113 : i32 to index
          %swap3A_236 = arith.constant 0 : index
          %swap3A_237 = tpu.vector_load %arg12[%swap3A_235, %swap3A_236] {strides = array<i32>} : memref<64x16xf32, #tpu.memory_space<vmem>>, vector<1x16xf32>,
          %swap3A_238 = vector.shape_cast %swap3A_237 : vector<1x16xf32> to vector<16xf32>
          %swap3A_239 = vector.shape_cast %broadcast_in_dim3A_234 : vector<16xf32> to vector<1x16xf32>
          tpu.vector_store %arg12[%swap3A_235, %swap3A_236], %swap3A_239 {add = true, strides = array<i32>} : memref<64x16xf32, #tpu.memory_space<vmem>>, vector<1x16xf32>,
          %scan3A_240 = arith.constant 0 : i32
          scf.yield %scan3A_240 : i32
        }
        %scan3A_105 = arith.constant 200 : i32
      } else {
      }
    } else {
    }
    %gt3A_60 = arith.constant 3 : i32
    %gt3A_61 = arith.cmpi sgt, %select_n3A_12, %gt3A_60 : i32
    %convert_element_type3A_62 = arith.extui %gt3A_61 : i1 to i32
    %cond3A_63 = arith.constant 0 : i32
    %cond3A_64 = arith.cmpi ne, %convert_element_type3A_62, %cond3A_63 : i32
    scf.if %cond3A_64 {
      %add3A_65 = arith.constant 3 : i32
      %add3A_66 = arith.addi %select_n3A, %add3A_65 : i32
      %mul3A_67 = arith.constant 200 : i32
      %mul3A_68 = arith.muli %add3A_66, %mul3A_67 : i32
      %add3A_69 = arith.constant 80000 : i32
      %add3A_70 = arith.addi %add3A_69, %mul3A_68 : i32
      %dma_wait3A_71 = arith.constant 0 : i32
      %dma_wait3A_72 = tpu.memref_slice %arg2[%add3A_70, %dma_wait3A_71] : memref<100000x128xf32, #tpu.memory_space<hbm>> -> memref<200x128xf32, #tpu.memory_space<hbm>>
      %dma_wait3A_73 = arith.constant 0 : i32
      %dma_wait3A_74 = tpu.memref_slice %arg2[%add3A_70, %dma_wait3A_73] : memref<100000x128xf32, #tpu.memory_space<hbm>> -> memref<200x128xf32, #tpu.memory_space<hbm>>
      tpu.wait_dma2 semaphore(%arg14 : memref<!tpu.dma_semaphore, #tpu.memory_space<semaphore_mem>>) src(%dma_wait3A_74 : memref<200x128xf32, #tpu.memory_space<hbm>>) dst(%arg8 : memref<200x128xf32, #tpu.memory_space<vmem>>)
      %gt3A_75 = arith.constant 4 : i32
      %gt3A_76 = arith.cmpi sgt, %select_n3A_12, %gt3A_75 : i32
      %convert_element_type3A_77 = arith.extui %gt3A_76 : i1 to i32
      %cond3A_78 = arith.constant 0 : i32
      %cond3A_79 = arith.cmpi ne, %convert_element_type3A_77, %cond3A_78 : i32
      scf.if %cond3A_79 {
        %add3A_99 = arith.constant 4 : i32
        %add3A_100 = arith.addi %select_n3A, %add3A_99 : i32
        %mul3A_101 = arith.constant 200 : i32
        %mul3A_102 = arith.muli %add3A_100, %mul3A_101 : i32
        %add3A_103 = arith.constant 80000 : i32
        %add3A_104 = arith.addi %add3A_103, %mul3A_102 : i32
        %dma_start3A_105 = arith.constant 0 : i32
        %dma_start3A_106 = tpu.memref_slice %arg2[%add3A_104, %dma_start3A_105] : memref<100000x128xf32, #tpu.memory_space<hbm>> -> memref<200x128xf32, #tpu.memory_space<hbm>>
        %dma_start3A_107 = arith.constant 0 : i32
        %dma_start3A_108 = tpu.memref_slice %arg2[%add3A_104, %dma_start3A_107] : memref<100000x128xf32, #tpu.memory_space<hbm>> -> memref<200x128xf32, #tpu.memory_space<hbm>>
        tpu.enqueue_dma source(%dma_start3A_108 : memref<200x128xf32, #tpu.memory_space<hbm>>) target(%arg7 : memref<200x128xf32, #tpu.memory_space<vmem>>) target_semaphore(%arg13 : memref<!tpu.dma_semaphore, #tpu.memory_space<semaphore_mem>>)
      } else {
      }
      %add3A_80 = arith.constant 600 : i32
      %add3A_81 = arith.addi %mul3A_16, %add3A_80 : i32
      %get3A = arith.index_cast %add3A_81 : i32 to index
      %get3A_82 = tpu.vector_load %arg9[%get3A] {strides = array<i32>} : memref<816xi32, #tpu.memory_space<vmem>>, vector<16xi32>,
      %get3A_83 = vector.shape_cast %get3A_82 : vector<16xi32> to vector<16xi32>
      %slice3A = vector.extract_strided_slice %get3A_83 {offsets = [0], sizes = [1], strides = [1]} : vector<16xi32> to vector<1xi32>
      %squeeze3A = vector.extract %slice3A[0] : i32 from vector<1xi32>
      %add3A_84 = arith.constant 200 : i32
      %add3A_85 = arith.addi %add3A_81, %add3A_84 : i32
      %sub3A_86 = arith.constant 16 : i32
      %sub3A_87 = arith.subi %add3A_85, %sub3A_86 : i32
      %get3A_88 = arith.index_cast %sub3A_87 : i32 to index
      %get3A_89 = tpu.vector_load %arg9[%get3A_88] {strides = array<i32>} : memref<816xi32, #tpu.memory_space<vmem>>, vector<16xi32>,
      %get3A_90 = vector.shape_cast %get3A_89 : vector<16xi32> to vector<16xi32>
      %slice3A_91 = vector.extract_strided_slice %get3A_90 {offsets = [15], sizes = [1], strides = [1]} : vector<16xi32> to vector<1xi32>
      %squeeze3A_92 = vector.extract %slice3A_91[0] : i32 from vector<1xi32>
      %eq3A = arith.cmpi eq, %squeeze3A, %squeeze3A_92 : i32
      %convert_element_type3A_93 = arith.extui %eq3A : i1 to i32
      %cond3A_94 = arith.constant 0 : i32
      %cond3A_95 = arith.cmpi ne, %convert_element_type3A_93, %cond3A_94 : i32
      scf.if %cond3A_95 {
        %scan3A_99 = arith.constant 0 : i32
        %scan3A_100 = arith.constant 200 : i32
        %scan3A_101 = arith.addi %scan3A_99, %scan3A_100 : i32
        %scan3A_102 = arith.constant 4 : i32
        %scan3A_103:16 = scf.for %scan3A_191 = %scan3A_99 to %scan3A_101 step %scan3A_102 iter_args(%scan3A_192 = %broadcast_in_dim3A_26, %scan3A_193 = %broadcast_in_dim3A_26, %scan3A_194 = %broadcast_in_dim3A_26, %scan3A_195 = %broadcast_in_dim3A_26, %scan3A_196 = %broadcast_in_dim3A_26, %scan3A_197 = %broadcast_in_dim3A_26, %scan3A_198 = %broadcast_in_dim3A_26, %scan3A_199 = %broadcast_in_dim3A_26, %scan3A_200 = %broadcast_in_dim3A_26, %scan3A_201 = %broadcast_in_dim3A_26, %scan3A_202 = %broadcast_in_dim3A_26, %scan3A_203 = %broadcast_in_dim3A_26, %scan3A_204 = %broadcast_in_dim3A_26, %scan3A_205 = %broadcast_in_dim3A_26, %scan3A_206 = %broadcast_in_dim3A_26, %scan3A_207 = %broadcast_in_dim3A_26) -> (vector<16xf32>, vector<16xf32>, vector<16xf32>, vector<16xf32>, vector<16xf32>, vector<16xf32>, vector<16xf32>, vector<16xf32>, vector<16xf32>, vector<16xf32>, vector<16xf32>, vector<16xf32>, vector<16xf32>, vector<16xf32>, vector<16xf32>, vector<16xf32>)  : i32 {
          %get3A_208 = arith.index_cast %scan3A_191 : i32 to index
          %get3A_209 = arith.constant 0 : index
          %get3A_210 = tpu.vector_load %arg8[%get3A_208, %get3A_209] {strides = array<i32>} : memref<200x128xf32, #tpu.memory_space<vmem>>, vector<1x16xf32>,
          %get3A_211 = vector.shape_cast %get3A_210 : vector<1x16xf32> to vector<16xf32>
          %add3A_212 = arith.addf %scan3A_192, %get3A_211 : vector<16xf32>
          %mul3A_213 = arith.mulf %get3A_211, %get3A_211 : vector<16xf32>
          %add3A_214 = arith.addf %scan3A_193, %mul3A_213 : vector<16xf32>
          %get3A_215 = arith.index_cast %scan3A_191 : i32 to index
          %get3A_216 = arith.constant 16 : index
          %get3A_217 = tpu.vector_load %arg8[%get3A_215, %get3A_216] {strides = array<i32>} : memref<200x128xf32, #tpu.memory_space<vmem>>, vector<1x16xf32>,
          %get3A_218 = vector.shape_cast %get3A_217 : vector<1x16xf32> to vector<16xf32>
          %add3A_219 = arith.addf %scan3A_194, %get3A_218 : vector<16xf32>
          %mul3A_220 = arith.mulf %get3A_218, %get3A_218 : vector<16xf32>
          %add3A_221 = arith.addf %scan3A_195, %mul3A_220 : vector<16xf32>
          %get3A_222 = arith.index_cast %scan3A_191 : i32 to index
          %get3A_223 = arith.constant 32 : index
          %get3A_224 = tpu.vector_load %arg8[%get3A_222, %get3A_223] {strides = array<i32>} : memref<200x128xf32, #tpu.memory_space<vmem>>, vector<1x16xf32>,
          %get3A_225 = vector.shape_cast %get3A_224 : vector<1x16xf32> to vector<16xf32>
          %add3A_226 = arith.addf %scan3A_196, %get3A_225 : vector<16xf32>
          %mul3A_227 = arith.mulf %get3A_225, %get3A_225 : vector<16xf32>
          %add3A_228 = arith.addf %scan3A_197, %mul3A_227 : vector<16xf32>
          %get3A_229 = arith.index_cast %scan3A_191 : i32 to index
          %get3A_230 = arith.constant 48 : index
          %get3A_231 = tpu.vector_load %arg8[%get3A_229, %get3A_230] {strides = array<i32>} : memref<200x128xf32, #tpu.memory_space<vmem>>, vector<1x16xf32>,
          %get3A_232 = vector.shape_cast %get3A_231 : vector<1x16xf32> to vector<16xf32>
          %add3A_233 = arith.addf %scan3A_198, %get3A_232 : vector<16xf32>
          %mul3A_234 = arith.mulf %get3A_232, %get3A_232 : vector<16xf32>
          %add3A_235 = arith.addf %scan3A_199, %mul3A_234 : vector<16xf32>
          %get3A_236 = arith.index_cast %scan3A_191 : i32 to index
          %get3A_237 = arith.constant 64 : index
          %get3A_238 = tpu.vector_load %arg8[%get3A_236, %get3A_237] {strides = array<i32>} : memref<200x128xf32, #tpu.memory_space<vmem>>, vector<1x16xf32>,
          %get3A_239 = vector.shape_cast %get3A_238 : vector<1x16xf32> to vector<16xf32>
          %add3A_240 = arith.addf %scan3A_200, %get3A_239 : vector<16xf32>
          %mul3A_241 = arith.mulf %get3A_239, %get3A_239 : vector<16xf32>
          %add3A_242 = arith.addf %scan3A_201, %mul3A_241 : vector<16xf32>
          %get3A_243 = arith.index_cast %scan3A_191 : i32 to index
          %get3A_244 = arith.constant 80 : index
          %get3A_245 = tpu.vector_load %arg8[%get3A_243, %get3A_244] {strides = array<i32>} : memref<200x128xf32, #tpu.memory_space<vmem>>, vector<1x16xf32>,
          %get3A_246 = vector.shape_cast %get3A_245 : vector<1x16xf32> to vector<16xf32>
          %add3A_247 = arith.addf %scan3A_202, %get3A_246 : vector<16xf32>
          %mul3A_248 = arith.mulf %get3A_246, %get3A_246 : vector<16xf32>
          %add3A_249 = arith.addf %scan3A_203, %mul3A_248 : vector<16xf32>
          %get3A_250 = arith.index_cast %scan3A_191 : i32 to index
          %get3A_251 = arith.constant 96 : index
          %get3A_252 = tpu.vector_load %arg8[%get3A_250, %get3A_251] {strides = array<i32>} : memref<200x128xf32, #tpu.memory_space<vmem>>, vector<1x16xf32>,
          %get3A_253 = vector.shape_cast %get3A_252 : vector<1x16xf32> to vector<16xf32>
          %add3A_254 = arith.addf %scan3A_204, %get3A_253 : vector<16xf32>
          %mul3A_255 = arith.mulf %get3A_253, %get3A_253 : vector<16xf32>
          %add3A_256 = arith.addf %scan3A_205, %mul3A_255 : vector<16xf32>
          %get3A_257 = arith.index_cast %scan3A_191 : i32 to index
          %get3A_258 = arith.constant 112 : index
          %get3A_259 = tpu.vector_load %arg8[%get3A_257, %get3A_258] {strides = array<i32>} : memref<200x128xf32, #tpu.memory_space<vmem>>, vector<1x16xf32>,
          %get3A_260 = vector.shape_cast %get3A_259 : vector<1x16xf32> to vector<16xf32>
          %add3A_261 = arith.addf %scan3A_206, %get3A_260 : vector<16xf32>
          %mul3A_262 = arith.mulf %get3A_260, %get3A_260 : vector<16xf32>
          %add3A_263 = arith.addf %scan3A_207, %mul3A_262 : vector<16xf32>
          %scan3A_264 = arith.constant 1 : i32
          %scan3A_265 = arith.addi %scan3A_191, %scan3A_264 : i32
          %get3A_266 = arith.index_cast %scan3A_265 : i32 to index
          %get3A_267 = arith.constant 0 : index
          %get3A_268 = tpu.vector_load %arg8[%get3A_266, %get3A_267] {strides = array<i32>} : memref<200x128xf32, #tpu.memory_space<vmem>>, vector<1x16xf32>,
          %get3A_269 = vector.shape_cast %get3A_268 : vector<1x16xf32> to vector<16xf32>
          %add3A_270 = arith.addf %add3A_212, %get3A_269 : vector<16xf32>
          %mul3A_271 = arith.mulf %get3A_269, %get3A_269 : vector<16xf32>
          %add3A_272 = arith.addf %add3A_214, %mul3A_271 : vector<16xf32>
          %get3A_273 = arith.index_cast %scan3A_265 : i32 to index
          %get3A_274 = arith.constant 16 : index
          %get3A_275 = tpu.vector_load %arg8[%get3A_273, %get3A_274] {strides = array<i32>} : memref<200x128xf32, #tpu.memory_space<vmem>>, vector<1x16xf32>,
          %get3A_276 = vector.shape_cast %get3A_275 : vector<1x16xf32> to vector<16xf32>
          %add3A_277 = arith.addf %add3A_219, %get3A_276 : vector<16xf32>
          %mul3A_278 = arith.mulf %get3A_276, %get3A_276 : vector<16xf32>
          %add3A_279 = arith.addf %add3A_221, %mul3A_278 : vector<16xf32>
          %get3A_280 = arith.index_cast %scan3A_265 : i32 to index
          %get3A_281 = arith.constant 32 : index
          %get3A_282 = tpu.vector_load %arg8[%get3A_280, %get3A_281] {strides = array<i32>} : memref<200x128xf32, #tpu.memory_space<vmem>>, vector<1x16xf32>,
          %get3A_283 = vector.shape_cast %get3A_282 : vector<1x16xf32> to vector<16xf32>
          %add3A_284 = arith.addf %add3A_226, %get3A_283 : vector<16xf32>
          %mul3A_285 = arith.mulf %get3A_283, %get3A_283 : vector<16xf32>
          %add3A_286 = arith.addf %add3A_228, %mul3A_285 : vector<16xf32>
          %get3A_287 = arith.index_cast %scan3A_265 : i32 to index
          %get3A_288 = arith.constant 48 : index
          %get3A_289 = tpu.vector_load %arg8[%get3A_287, %get3A_288] {strides = array<i32>} : memref<200x128xf32, #tpu.memory_space<vmem>>, vector<1x16xf32>,
          %get3A_290 = vector.shape_cast %get3A_289 : vector<1x16xf32> to vector<16xf32>
          %add3A_291 = arith.addf %add3A_233, %get3A_290 : vector<16xf32>
          %mul3A_292 = arith.mulf %get3A_290, %get3A_290 : vector<16xf32>
          %add3A_293 = arith.addf %add3A_235, %mul3A_292 : vector<16xf32>
          %get3A_294 = arith.index_cast %scan3A_265 : i32 to index
          %get3A_295 = arith.constant 64 : index
          %get3A_296 = tpu.vector_load %arg8[%get3A_294, %get3A_295] {strides = array<i32>} : memref<200x128xf32, #tpu.memory_space<vmem>>, vector<1x16xf32>,
          %get3A_297 = vector.shape_cast %get3A_296 : vector<1x16xf32> to vector<16xf32>
          %add3A_298 = arith.addf %add3A_240, %get3A_297 : vector<16xf32>
          %mul3A_299 = arith.mulf %get3A_297, %get3A_297 : vector<16xf32>
          %add3A_300 = arith.addf %add3A_242, %mul3A_299 : vector<16xf32>
          %get3A_301 = arith.index_cast %scan3A_265 : i32 to index
          %get3A_302 = arith.constant 80 : index
          %get3A_303 = tpu.vector_load %arg8[%get3A_301, %get3A_302] {strides = array<i32>} : memref<200x128xf32, #tpu.memory_space<vmem>>, vector<1x16xf32>,
          %get3A_304 = vector.shape_cast %get3A_303 : vector<1x16xf32> to vector<16xf32>
          %add3A_305 = arith.addf %add3A_247, %get3A_304 : vector<16xf32>
          %mul3A_306 = arith.mulf %get3A_304, %get3A_304 : vector<16xf32>
          %add3A_307 = arith.addf %add3A_249, %mul3A_306 : vector<16xf32>
          %get3A_308 = arith.index_cast %scan3A_265 : i32 to index
          %get3A_309 = arith.constant 96 : index
          %get3A_310 = tpu.vector_load %arg8[%get3A_308, %get3A_309] {strides = array<i32>} : memref<200x128xf32, #tpu.memory_space<vmem>>, vector<1x16xf32>,
          %get3A_311 = vector.shape_cast %get3A_310 : vector<1x16xf32> to vector<16xf32>
          %add3A_312 = arith.addf %add3A_254, %get3A_311 : vector<16xf32>
          %mul3A_313 = arith.mulf %get3A_311, %get3A_311 : vector<16xf32>
          %add3A_314 = arith.addf %add3A_256, %mul3A_313 : vector<16xf32>
          %get3A_315 = arith.index_cast %scan3A_265 : i32 to index
          %get3A_316 = arith.constant 112 : index
          %get3A_317 = tpu.vector_load %arg8[%get3A_315, %get3A_316] {strides = array<i32>} : memref<200x128xf32, #tpu.memory_space<vmem>>, vector<1x16xf32>,
          %get3A_318 = vector.shape_cast %get3A_317 : vector<1x16xf32> to vector<16xf32>
          %add3A_319 = arith.addf %add3A_261, %get3A_318 : vector<16xf32>
          %mul3A_320 = arith.mulf %get3A_318, %get3A_318 : vector<16xf32>
          %add3A_321 = arith.addf %add3A_263, %mul3A_320 : vector<16xf32>
          %scan3A_322 = arith.constant 2 : i32
          %scan3A_323 = arith.addi %scan3A_191, %scan3A_322 : i32
          %get3A_324 = arith.index_cast %scan3A_323 : i32 to index
          %get3A_325 = arith.constant 0 : index
          %get3A_326 = tpu.vector_load %arg8[%get3A_324, %get3A_325] {strides = array<i32>} : memref<200x128xf32, #tpu.memory_space<vmem>>, vector<1x16xf32>,
          %get3A_327 = vector.shape_cast %get3A_326 : vector<1x16xf32> to vector<16xf32>
          %add3A_328 = arith.addf %add3A_270, %get3A_327 : vector<16xf32>
          %mul3A_329 = arith.mulf %get3A_327, %get3A_327 : vector<16xf32>
          %add3A_330 = arith.addf %add3A_272, %mul3A_329 : vector<16xf32>
          %get3A_331 = arith.index_cast %scan3A_323 : i32 to index
          %get3A_332 = arith.constant 16 : index
          %get3A_333 = tpu.vector_load %arg8[%get3A_331, %get3A_332] {strides = array<i32>} : memref<200x128xf32, #tpu.memory_space<vmem>>, vector<1x16xf32>,
          %get3A_334 = vector.shape_cast %get3A_333 : vector<1x16xf32> to vector<16xf32>
          %add3A_335 = arith.addf %add3A_277, %get3A_334 : vector<16xf32>
          %mul3A_336 = arith.mulf %get3A_334, %get3A_334 : vector<16xf32>
          %add3A_337 = arith.addf %add3A_279, %mul3A_336 : vector<16xf32>
          %get3A_338 = arith.index_cast %scan3A_323 : i32 to index
          %get3A_339 = arith.constant 32 : index
          %get3A_340 = tpu.vector_load %arg8[%get3A_338, %get3A_339] {strides = array<i32>} : memref<200x128xf32, #tpu.memory_space<vmem>>, vector<1x16xf32>,
          %get3A_341 = vector.shape_cast %get3A_340 : vector<1x16xf32> to vector<16xf32>
          %add3A_342 = arith.addf %add3A_284, %get3A_341 : vector<16xf32>
          %mul3A_343 = arith.mulf %get3A_341, %get3A_341 : vector<16xf32>
          %add3A_344 = arith.addf %add3A_286, %mul3A_343 : vector<16xf32>
          %get3A_345 = arith.index_cast %scan3A_323 : i32 to index
          %get3A_346 = arith.constant 48 : index
          %get3A_347 = tpu.vector_load %arg8[%get3A_345, %get3A_346] {strides = array<i32>} : memref<200x128xf32, #tpu.memory_space<vmem>>, vector<1x16xf32>,
          %get3A_348 = vector.shape_cast %get3A_347 : vector<1x16xf32> to vector<16xf32>
          %add3A_349 = arith.addf %add3A_291, %get3A_348 : vector<16xf32>
          %mul3A_350 = arith.mulf %get3A_348, %get3A_348 : vector<16xf32>
          %add3A_351 = arith.addf %add3A_293, %mul3A_350 : vector<16xf32>
          %get3A_352 = arith.index_cast %scan3A_323 : i32 to index
          %get3A_353 = arith.constant 64 : index
          %get3A_354 = tpu.vector_load %arg8[%get3A_352, %get3A_353] {strides = array<i32>} : memref<200x128xf32, #tpu.memory_space<vmem>>, vector<1x16xf32>,
          %get3A_355 = vector.shape_cast %get3A_354 : vector<1x16xf32> to vector<16xf32>
          %add3A_356 = arith.addf %add3A_298, %get3A_355 : vector<16xf32>
          %mul3A_357 = arith.mulf %get3A_355, %get3A_355 : vector<16xf32>
          %add3A_358 = arith.addf %add3A_300, %mul3A_357 : vector<16xf32>
          %get3A_359 = arith.index_cast %scan3A_323 : i32 to index
          %get3A_360 = arith.constant 80 : index
          %get3A_361 = tpu.vector_load %arg8[%get3A_359, %get3A_360] {strides = array<i32>} : memref<200x128xf32, #tpu.memory_space<vmem>>, vector<1x16xf32>,
          %get3A_362 = vector.shape_cast %get3A_361 : vector<1x16xf32> to vector<16xf32>
          %add3A_363 = arith.addf %add3A_305, %get3A_362 : vector<16xf32>
          %mul3A_364 = arith.mulf %get3A_362, %get3A_362 : vector<16xf32>
          %add3A_365 = arith.addf %add3A_307, %mul3A_364 : vector<16xf32>
          %get3A_366 = arith.index_cast %scan3A_323 : i32 to index
          %get3A_367 = arith.constant 96 : index
          %get3A_368 = tpu.vector_load %arg8[%get3A_366, %get3A_367] {strides = array<i32>} : memref<200x128xf32, #tpu.memory_space<vmem>>, vector<1x16xf32>,
          %get3A_369 = vector.shape_cast %get3A_368 : vector<1x16xf32> to vector<16xf32>
          %add3A_370 = arith.addf %add3A_312, %get3A_369 : vector<16xf32>
          %mul3A_371 = arith.mulf %get3A_369, %get3A_369 : vector<16xf32>
          %add3A_372 = arith.addf %add3A_314, %mul3A_371 : vector<16xf32>
          %get3A_373 = arith.index_cast %scan3A_323 : i32 to index
          %get3A_374 = arith.constant 112 : index
          %get3A_375 = tpu.vector_load %arg8[%get3A_373, %get3A_374] {strides = array<i32>} : memref<200x128xf32, #tpu.memory_space<vmem>>, vector<1x16xf32>,
          %get3A_376 = vector.shape_cast %get3A_375 : vector<1x16xf32> to vector<16xf32>
          %add3A_377 = arith.addf %add3A_319, %get3A_376 : vector<16xf32>
          %mul3A_378 = arith.mulf %get3A_376, %get3A_376 : vector<16xf32>
          %add3A_379 = arith.addf %add3A_321, %mul3A_378 : vector<16xf32>
          %scan3A_380 = arith.constant 3 : i32
          %scan3A_381 = arith.addi %scan3A_191, %scan3A_380 : i32
          %get3A_382 = arith.index_cast %scan3A_381 : i32 to index
          %get3A_383 = arith.constant 0 : index
          %get3A_384 = tpu.vector_load %arg8[%get3A_382, %get3A_383] {strides = array<i32>} : memref<200x128xf32, #tpu.memory_space<vmem>>, vector<1x16xf32>,
          %get3A_385 = vector.shape_cast %get3A_384 : vector<1x16xf32> to vector<16xf32>
          %add3A_386 = arith.addf %add3A_328, %get3A_385 : vector<16xf32>
          %mul3A_387 = arith.mulf %get3A_385, %get3A_385 : vector<16xf32>
          %add3A_388 = arith.addf %add3A_330, %mul3A_387 : vector<16xf32>
          %get3A_389 = arith.index_cast %scan3A_381 : i32 to index
          %get3A_390 = arith.constant 16 : index
          %get3A_391 = tpu.vector_load %arg8[%get3A_389, %get3A_390] {strides = array<i32>} : memref<200x128xf32, #tpu.memory_space<vmem>>, vector<1x16xf32>,
          %get3A_392 = vector.shape_cast %get3A_391 : vector<1x16xf32> to vector<16xf32>
          %add3A_393 = arith.addf %add3A_335, %get3A_392 : vector<16xf32>
          %mul3A_394 = arith.mulf %get3A_392, %get3A_392 : vector<16xf32>
          %add3A_395 = arith.addf %add3A_337, %mul3A_394 : vector<16xf32>
          %get3A_396 = arith.index_cast %scan3A_381 : i32 to index
          %get3A_397 = arith.constant 32 : index
          %get3A_398 = tpu.vector_load %arg8[%get3A_396, %get3A_397] {strides = array<i32>} : memref<200x128xf32, #tpu.memory_space<vmem>>, vector<1x16xf32>,
          %get3A_399 = vector.shape_cast %get3A_398 : vector<1x16xf32> to vector<16xf32>
          %add3A_400 = arith.addf %add3A_342, %get3A_399 : vector<16xf32>
          %mul3A_401 = arith.mulf %get3A_399, %get3A_399 : vector<16xf32>
          %add3A_402 = arith.addf %add3A_344, %mul3A_401 : vector<16xf32>
          %get3A_403 = arith.index_cast %scan3A_381 : i32 to index
          %get3A_404 = arith.constant 48 : index
          %get3A_405 = tpu.vector_load %arg8[%get3A_403, %get3A_404] {strides = array<i32>} : memref<200x128xf32, #tpu.memory_space<vmem>>, vector<1x16xf32>,
          %get3A_406 = vector.shape_cast %get3A_405 : vector<1x16xf32> to vector<16xf32>
          %add3A_407 = arith.addf %add3A_349, %get3A_406 : vector<16xf32>
          %mul3A_408 = arith.mulf %get3A_406, %get3A_406 : vector<16xf32>
          %add3A_409 = arith.addf %add3A_351, %mul3A_408 : vector<16xf32>
          %get3A_410 = arith.index_cast %scan3A_381 : i32 to index
          %get3A_411 = arith.constant 64 : index
          %get3A_412 = tpu.vector_load %arg8[%get3A_410, %get3A_411] {strides = array<i32>} : memref<200x128xf32, #tpu.memory_space<vmem>>, vector<1x16xf32>,
          %get3A_413 = vector.shape_cast %get3A_412 : vector<1x16xf32> to vector<16xf32>
          %add3A_414 = arith.addf %add3A_356, %get3A_413 : vector<16xf32>
          %mul3A_415 = arith.mulf %get3A_413, %get3A_413 : vector<16xf32>
          %add3A_416 = arith.addf %add3A_358, %mul3A_415 : vector<16xf32>
          %get3A_417 = arith.index_cast %scan3A_381 : i32 to index
          %get3A_418 = arith.constant 80 : index
          %get3A_419 = tpu.vector_load %arg8[%get3A_417, %get3A_418] {strides = array<i32>} : memref<200x128xf32, #tpu.memory_space<vmem>>, vector<1x16xf32>,
          %get3A_420 = vector.shape_cast %get3A_419 : vector<1x16xf32> to vector<16xf32>
          %add3A_421 = arith.addf %add3A_363, %get3A_420 : vector<16xf32>
          %mul3A_422 = arith.mulf %get3A_420, %get3A_420 : vector<16xf32>
          %add3A_423 = arith.addf %add3A_365, %mul3A_422 : vector<16xf32>
          %get3A_424 = arith.index_cast %scan3A_381 : i32 to index
          %get3A_425 = arith.constant 96 : index
          %get3A_426 = tpu.vector_load %arg8[%get3A_424, %get3A_425] {strides = array<i32>} : memref<200x128xf32, #tpu.memory_space<vmem>>, vector<1x16xf32>,
          %get3A_427 = vector.shape_cast %get3A_426 : vector<1x16xf32> to vector<16xf32>
          %add3A_428 = arith.addf %add3A_370, %get3A_427 : vector<16xf32>
          %mul3A_429 = arith.mulf %get3A_427, %get3A_427 : vector<16xf32>
          %add3A_430 = arith.addf %add3A_372, %mul3A_429 : vector<16xf32>
          %get3A_431 = arith.index_cast %scan3A_381 : i32 to index
          %get3A_432 = arith.constant 112 : index
          %get3A_433 = tpu.vector_load %arg8[%get3A_431, %get3A_432] {strides = array<i32>} : memref<200x128xf32, #tpu.memory_space<vmem>>, vector<1x16xf32>,
          %get3A_434 = vector.shape_cast %get3A_433 : vector<1x16xf32> to vector<16xf32>
          %add3A_435 = arith.addf %add3A_377, %get3A_434 : vector<16xf32>
          %mul3A_436 = arith.mulf %get3A_434, %get3A_434 : vector<16xf32>
          %add3A_437 = arith.addf %add3A_379, %mul3A_436 : vector<16xf32>
          scf.yield %add3A_386, %add3A_388, %add3A_393, %add3A_395, %add3A_400, %add3A_402, %add3A_407, %add3A_409, %add3A_414, %add3A_416, %add3A_421, %add3A_423, %add3A_428, %add3A_430, %add3A_435, %add3A_437 : vector<16xf32>, vector<16xf32>, vector<16xf32>, vector<16xf32>, vector<16xf32>, vector<16xf32>, vector<16xf32>, vector<16xf32>, vector<16xf32>, vector<16xf32>, vector<16xf32>, vector<16xf32>, vector<16xf32>, vector<16xf32>, vector<16xf32>, vector<16xf32>
        }
        %scan3A_104 = arith.constant 200 : i32
        %swap3A = arith.index_cast %squeeze3A : i32 to index
        %swap3A_105 = arith.constant 0 : index
        %swap3A_106 = tpu.vector_load %arg10[%swap3A, %swap3A_105] {strides = array<i32>} : memref<64x128xf32, #tpu.memory_space<vmem>>, vector<1x16xf32>,
        %swap3A_107 = vector.shape_cast %swap3A_106 : vector<1x16xf32> to vector<16xf32>
        %swap3A_108 = vector.shape_cast %scan3A_103#0 : vector<16xf32> to vector<1x16xf32>
        tpu.vector_store %arg10[%swap3A, %swap3A_105], %swap3A_108 {add = true, strides = array<i32>} : memref<64x128xf32, #tpu.memory_space<vmem>>, vector<1x16xf32>,
        %swap3A_109 = arith.index_cast %squeeze3A : i32 to index
        %swap3A_110 = arith.constant 0 : index
        %swap3A_111 = tpu.vector_load %arg11[%swap3A_109, %swap3A_110] {strides = array<i32>} : memref<64x128xf32, #tpu.memory_space<vmem>>, vector<1x16xf32>,
        %swap3A_112 = vector.shape_cast %swap3A_111 : vector<1x16xf32> to vector<16xf32>
        %swap3A_113 = vector.shape_cast %scan3A_103#1 : vector<16xf32> to vector<1x16xf32>
        tpu.vector_store %arg11[%swap3A_109, %swap3A_110], %swap3A_113 {add = true, strides = array<i32>} : memref<64x128xf32, #tpu.memory_space<vmem>>, vector<1x16xf32>,
        %swap3A_114 = arith.index_cast %squeeze3A : i32 to index
        %swap3A_115 = arith.constant 16 : index
        %swap3A_116 = tpu.vector_load %arg10[%swap3A_114, %swap3A_115] {strides = array<i32>} : memref<64x128xf32, #tpu.memory_space<vmem>>, vector<1x16xf32>,
        %swap3A_117 = vector.shape_cast %swap3A_116 : vector<1x16xf32> to vector<16xf32>
        %swap3A_118 = vector.shape_cast %scan3A_103#2 : vector<16xf32> to vector<1x16xf32>
        tpu.vector_store %arg10[%swap3A_114, %swap3A_115], %swap3A_118 {add = true, strides = array<i32>} : memref<64x128xf32, #tpu.memory_space<vmem>>, vector<1x16xf32>,
        %swap3A_119 = arith.index_cast %squeeze3A : i32 to index
        %swap3A_120 = arith.constant 16 : index
        %swap3A_121 = tpu.vector_load %arg11[%swap3A_119, %swap3A_120] {strides = array<i32>} : memref<64x128xf32, #tpu.memory_space<vmem>>, vector<1x16xf32>,
        %swap3A_122 = vector.shape_cast %swap3A_121 : vector<1x16xf32> to vector<16xf32>
        %swap3A_123 = vector.shape_cast %scan3A_103#3 : vector<16xf32> to vector<1x16xf32>
        tpu.vector_store %arg11[%swap3A_119, %swap3A_120], %swap3A_123 {add = true, strides = array<i32>} : memref<64x128xf32, #tpu.memory_space<vmem>>, vector<1x16xf32>,
        %swap3A_124 = arith.index_cast %squeeze3A : i32 to index
        %swap3A_125 = arith.constant 32 : index
        %swap3A_126 = tpu.vector_load %arg10[%swap3A_124, %swap3A_125] {strides = array<i32>} : memref<64x128xf32, #tpu.memory_space<vmem>>, vector<1x16xf32>,
        %swap3A_127 = vector.shape_cast %swap3A_126 : vector<1x16xf32> to vector<16xf32>
        %swap3A_128 = vector.shape_cast %scan3A_103#4 : vector<16xf32> to vector<1x16xf32>
        tpu.vector_store %arg10[%swap3A_124, %swap3A_125], %swap3A_128 {add = true, strides = array<i32>} : memref<64x128xf32, #tpu.memory_space<vmem>>, vector<1x16xf32>,
        %swap3A_129 = arith.index_cast %squeeze3A : i32 to index
        %swap3A_130 = arith.constant 32 : index
        %swap3A_131 = tpu.vector_load %arg11[%swap3A_129, %swap3A_130] {strides = array<i32>} : memref<64x128xf32, #tpu.memory_space<vmem>>, vector<1x16xf32>,
        %swap3A_132 = vector.shape_cast %swap3A_131 : vector<1x16xf32> to vector<16xf32>
        %swap3A_133 = vector.shape_cast %scan3A_103#5 : vector<16xf32> to vector<1x16xf32>
        tpu.vector_store %arg11[%swap3A_129, %swap3A_130], %swap3A_133 {add = true, strides = array<i32>} : memref<64x128xf32, #tpu.memory_space<vmem>>, vector<1x16xf32>,
        %swap3A_134 = arith.index_cast %squeeze3A : i32 to index
        %swap3A_135 = arith.constant 48 : index
        %swap3A_136 = tpu.vector_load %arg10[%swap3A_134, %swap3A_135] {strides = array<i32>} : memref<64x128xf32, #tpu.memory_space<vmem>>, vector<1x16xf32>,
        %swap3A_137 = vector.shape_cast %swap3A_136 : vector<1x16xf32> to vector<16xf32>
        %swap3A_138 = vector.shape_cast %scan3A_103#6 : vector<16xf32> to vector<1x16xf32>
        tpu.vector_store %arg10[%swap3A_134, %swap3A_135], %swap3A_138 {add = true, strides = array<i32>} : memref<64x128xf32, #tpu.memory_space<vmem>>, vector<1x16xf32>,
        %swap3A_139 = arith.index_cast %squeeze3A : i32 to index
        %swap3A_140 = arith.constant 48 : index
        %swap3A_141 = tpu.vector_load %arg11[%swap3A_139, %swap3A_140] {strides = array<i32>} : memref<64x128xf32, #tpu.memory_space<vmem>>, vector<1x16xf32>,
        %swap3A_142 = vector.shape_cast %swap3A_141 : vector<1x16xf32> to vector<16xf32>
        %swap3A_143 = vector.shape_cast %scan3A_103#7 : vector<16xf32> to vector<1x16xf32>
        tpu.vector_store %arg11[%swap3A_139, %swap3A_140], %swap3A_143 {add = true, strides = array<i32>} : memref<64x128xf32, #tpu.memory_space<vmem>>, vector<1x16xf32>,
        %swap3A_144 = arith.index_cast %squeeze3A : i32 to index
        %swap3A_145 = arith.constant 64 : index
        %swap3A_146 = tpu.vector_load %arg10[%swap3A_144, %swap3A_145] {strides = array<i32>} : memref<64x128xf32, #tpu.memory_space<vmem>>, vector<1x16xf32>,
        %swap3A_147 = vector.shape_cast %swap3A_146 : vector<1x16xf32> to vector<16xf32>
        %swap3A_148 = vector.shape_cast %scan3A_103#8 : vector<16xf32> to vector<1x16xf32>
        tpu.vector_store %arg10[%swap3A_144, %swap3A_145], %swap3A_148 {add = true, strides = array<i32>} : memref<64x128xf32, #tpu.memory_space<vmem>>, vector<1x16xf32>,
        %swap3A_149 = arith.index_cast %squeeze3A : i32 to index
        %swap3A_150 = arith.constant 64 : index
        %swap3A_151 = tpu.vector_load %arg11[%swap3A_149, %swap3A_150] {strides = array<i32>} : memref<64x128xf32, #tpu.memory_space<vmem>>, vector<1x16xf32>,
        %swap3A_152 = vector.shape_cast %swap3A_151 : vector<1x16xf32> to vector<16xf32>
        %swap3A_153 = vector.shape_cast %scan3A_103#9 : vector<16xf32> to vector<1x16xf32>
        tpu.vector_store %arg11[%swap3A_149, %swap3A_150], %swap3A_153 {add = true, strides = array<i32>} : memref<64x128xf32, #tpu.memory_space<vmem>>, vector<1x16xf32>,
        %swap3A_154 = arith.index_cast %squeeze3A : i32 to index
        %swap3A_155 = arith.constant 80 : index
        %swap3A_156 = tpu.vector_load %arg10[%swap3A_154, %swap3A_155] {strides = array<i32>} : memref<64x128xf32, #tpu.memory_space<vmem>>, vector<1x16xf32>,
        %swap3A_157 = vector.shape_cast %swap3A_156 : vector<1x16xf32> to vector<16xf32>
        %swap3A_158 = vector.shape_cast %scan3A_103#10 : vector<16xf32> to vector<1x16xf32>
        tpu.vector_store %arg10[%swap3A_154, %swap3A_155], %swap3A_158 {add = true, strides = array<i32>} : memref<64x128xf32, #tpu.memory_space<vmem>>, vector<1x16xf32>,
        %swap3A_159 = arith.index_cast %squeeze3A : i32 to index
        %swap3A_160 = arith.constant 80 : index
        %swap3A_161 = tpu.vector_load %arg11[%swap3A_159, %swap3A_160] {strides = array<i32>} : memref<64x128xf32, #tpu.memory_space<vmem>>, vector<1x16xf32>,
        %swap3A_162 = vector.shape_cast %swap3A_161 : vector<1x16xf32> to vector<16xf32>
        %swap3A_163 = vector.shape_cast %scan3A_103#11 : vector<16xf32> to vector<1x16xf32>
        tpu.vector_store %arg11[%swap3A_159, %swap3A_160], %swap3A_163 {add = true, strides = array<i32>} : memref<64x128xf32, #tpu.memory_space<vmem>>, vector<1x16xf32>,
        %swap3A_164 = arith.index_cast %squeeze3A : i32 to index
        %swap3A_165 = arith.constant 96 : index
        %swap3A_166 = tpu.vector_load %arg10[%swap3A_164, %swap3A_165] {strides = array<i32>} : memref<64x128xf32, #tpu.memory_space<vmem>>, vector<1x16xf32>,
        %swap3A_167 = vector.shape_cast %swap3A_166 : vector<1x16xf32> to vector<16xf32>
        %swap3A_168 = vector.shape_cast %scan3A_103#12 : vector<16xf32> to vector<1x16xf32>
        tpu.vector_store %arg10[%swap3A_164, %swap3A_165], %swap3A_168 {add = true, strides = array<i32>} : memref<64x128xf32, #tpu.memory_space<vmem>>, vector<1x16xf32>,
        %swap3A_169 = arith.index_cast %squeeze3A : i32 to index
        %swap3A_170 = arith.constant 96 : index
        %swap3A_171 = tpu.vector_load %arg11[%swap3A_169, %swap3A_170] {strides = array<i32>} : memref<64x128xf32, #tpu.memory_space<vmem>>, vector<1x16xf32>,
        %swap3A_172 = vector.shape_cast %swap3A_171 : vector<1x16xf32> to vector<16xf32>
        %swap3A_173 = vector.shape_cast %scan3A_103#13 : vector<16xf32> to vector<1x16xf32>
        tpu.vector_store %arg11[%swap3A_169, %swap3A_170], %swap3A_173 {add = true, strides = array<i32>} : memref<64x128xf32, #tpu.memory_space<vmem>>, vector<1x16xf32>,
        %swap3A_174 = arith.index_cast %squeeze3A : i32 to index
        %swap3A_175 = arith.constant 112 : index
        %swap3A_176 = tpu.vector_load %arg10[%swap3A_174, %swap3A_175] {strides = array<i32>} : memref<64x128xf32, #tpu.memory_space<vmem>>, vector<1x16xf32>,
        %swap3A_177 = vector.shape_cast %swap3A_176 : vector<1x16xf32> to vector<16xf32>
        %swap3A_178 = vector.shape_cast %scan3A_103#14 : vector<16xf32> to vector<1x16xf32>
        tpu.vector_store %arg10[%swap3A_174, %swap3A_175], %swap3A_178 {add = true, strides = array<i32>} : memref<64x128xf32, #tpu.memory_space<vmem>>, vector<1x16xf32>,
        %swap3A_179 = arith.index_cast %squeeze3A : i32 to index
        %swap3A_180 = arith.constant 112 : index
        %swap3A_181 = tpu.vector_load %arg11[%swap3A_179, %swap3A_180] {strides = array<i32>} : memref<64x128xf32, #tpu.memory_space<vmem>>, vector<1x16xf32>,
        %swap3A_182 = vector.shape_cast %swap3A_181 : vector<1x16xf32> to vector<16xf32>
        %swap3A_183 = vector.shape_cast %scan3A_103#15 : vector<16xf32> to vector<1x16xf32>
        tpu.vector_store %arg11[%swap3A_179, %swap3A_180], %swap3A_183 {add = true, strides = array<i32>} : memref<64x128xf32, #tpu.memory_space<vmem>>, vector<1x16xf32>,
        %broadcast_in_dim3A_184 = arith.constant 2.000000e+02 : f32
        %broadcast_in_dim3A_185 = vector.broadcast %broadcast_in_dim3A_184 : f32 to vector<16xf32>
        %swap3A_186 = arith.index_cast %squeeze3A : i32 to index
        %swap3A_187 = arith.constant 0 : index
        %swap3A_188 = tpu.vector_load %arg12[%swap3A_186, %swap3A_187] {strides = array<i32>} : memref<64x16xf32, #tpu.memory_space<vmem>>, vector<1x16xf32>,
        %swap3A_189 = vector.shape_cast %swap3A_188 : vector<1x16xf32> to vector<16xf32>
        %swap3A_190 = vector.shape_cast %broadcast_in_dim3A_185 : vector<16xf32> to vector<1x16xf32>
        tpu.vector_store %arg12[%swap3A_186, %swap3A_187], %swap3A_190 {add = true, strides = array<i32>} : memref<64x16xf32, #tpu.memory_space<vmem>>, vector<1x16xf32>,
      } else {
      }
      %ne3A = arith.cmpi ne, %squeeze3A, %squeeze3A_92 : i32
      %convert_element_type3A_96 = arith.extui %ne3A : i1 to i32
      %cond3A_97 = arith.constant 0 : i32
      %cond3A_98 = arith.cmpi ne, %convert_element_type3A_96, %cond3A_97 : i32
      scf.if %cond3A_98 {
        %scan3A_99 = arith.constant 0 : i32
        %scan3A_100 = arith.constant 0 : i32
        %scan3A_101 = arith.constant 200 : i32
        %scan3A_102 = arith.addi %scan3A_100, %scan3A_101 : i32
        %scan3A_103 = arith.constant 1 : i32
        %scan3A_104 = scf.for %scan3A_106 = %scan3A_100 to %scan3A_102 step %scan3A_103 iter_args(%scan3A_107 = %scan3A_99) -> (i32)  : i32 {
          %add3A_108 = arith.addi %add3A_81, %scan3A_106 : i32
          %get3A_109 = arith.index_cast %add3A_108 : i32 to index
          %get3A_110 = tpu.vector_load %arg9[%get3A_109] {strides = array<i32>} : memref<816xi32, #tpu.memory_space<vmem>>, vector<16xi32>,
          %get3A_111 = vector.shape_cast %get3A_110 : vector<16xi32> to vector<16xi32>
          %slice3A_112 = vector.extract_strided_slice %get3A_111 {offsets = [0], sizes = [1], strides = [1]} : vector<16xi32> to vector<1xi32>
          %squeeze3A_113 = vector.extract %slice3A_112[0] : i32 from vector<1xi32>
          %get3A_114 = arith.index_cast %scan3A_106 : i32 to index
          %get3A_115 = arith.constant 0 : index
          %get3A_116 = tpu.vector_load %arg8[%get3A_114, %get3A_115] {strides = array<i32>} : memref<200x128xf32, #tpu.memory_space<vmem>>, vector<1x16xf32>,
          %get3A_117 = vector.shape_cast %get3A_116 : vector<1x16xf32> to vector<16xf32>
          %swap3A = arith.index_cast %squeeze3A_113 : i32 to index
          %swap3A_118 = arith.constant 0 : index
          %swap3A_119 = tpu.vector_load %arg10[%swap3A, %swap3A_118] {strides = array<i32>} : memref<64x128xf32, #tpu.memory_space<vmem>>, vector<1x16xf32>,
          %swap3A_120 = vector.shape_cast %swap3A_119 : vector<1x16xf32> to vector<16xf32>
          %swap3A_121 = vector.shape_cast %get3A_117 : vector<16xf32> to vector<1x16xf32>
          tpu.vector_store %arg10[%swap3A, %swap3A_118], %swap3A_121 {add = true, strides = array<i32>} : memref<64x128xf32, #tpu.memory_space<vmem>>, vector<1x16xf32>,
          %mul3A_122 = arith.mulf %get3A_117, %get3A_117 : vector<16xf32>
          %swap3A_123 = arith.index_cast %squeeze3A_113 : i32 to index
          %swap3A_124 = arith.constant 0 : index
          %swap3A_125 = tpu.vector_load %arg11[%swap3A_123, %swap3A_124] {strides = array<i32>} : memref<64x128xf32, #tpu.memory_space<vmem>>, vector<1x16xf32>,
          %swap3A_126 = vector.shape_cast %swap3A_125 : vector<1x16xf32> to vector<16xf32>
          %swap3A_127 = vector.shape_cast %mul3A_122 : vector<16xf32> to vector<1x16xf32>
          tpu.vector_store %arg11[%swap3A_123, %swap3A_124], %swap3A_127 {add = true, strides = array<i32>} : memref<64x128xf32, #tpu.memory_space<vmem>>, vector<1x16xf32>,
          %get3A_128 = arith.index_cast %scan3A_106 : i32 to index
          %get3A_129 = arith.constant 16 : index
          %get3A_130 = tpu.vector_load %arg8[%get3A_128, %get3A_129] {strides = array<i32>} : memref<200x128xf32, #tpu.memory_space<vmem>>, vector<1x16xf32>,
          %get3A_131 = vector.shape_cast %get3A_130 : vector<1x16xf32> to vector<16xf32>
          %swap3A_132 = arith.index_cast %squeeze3A_113 : i32 to index
          %swap3A_133 = arith.constant 16 : index
          %swap3A_134 = tpu.vector_load %arg10[%swap3A_132, %swap3A_133] {strides = array<i32>} : memref<64x128xf32, #tpu.memory_space<vmem>>, vector<1x16xf32>,
          %swap3A_135 = vector.shape_cast %swap3A_134 : vector<1x16xf32> to vector<16xf32>
          %swap3A_136 = vector.shape_cast %get3A_131 : vector<16xf32> to vector<1x16xf32>
          tpu.vector_store %arg10[%swap3A_132, %swap3A_133], %swap3A_136 {add = true, strides = array<i32>} : memref<64x128xf32, #tpu.memory_space<vmem>>, vector<1x16xf32>,
          %mul3A_137 = arith.mulf %get3A_131, %get3A_131 : vector<16xf32>
          %swap3A_138 = arith.index_cast %squeeze3A_113 : i32 to index
          %swap3A_139 = arith.constant 16 : index
          %swap3A_140 = tpu.vector_load %arg11[%swap3A_138, %swap3A_139] {strides = array<i32>} : memref<64x128xf32, #tpu.memory_space<vmem>>, vector<1x16xf32>,
          %swap3A_141 = vector.shape_cast %swap3A_140 : vector<1x16xf32> to vector<16xf32>
          %swap3A_142 = vector.shape_cast %mul3A_137 : vector<16xf32> to vector<1x16xf32>
          tpu.vector_store %arg11[%swap3A_138, %swap3A_139], %swap3A_142 {add = true, strides = array<i32>} : memref<64x128xf32, #tpu.memory_space<vmem>>, vector<1x16xf32>,
          %get3A_143 = arith.index_cast %scan3A_106 : i32 to index
          %get3A_144 = arith.constant 32 : index
          %get3A_145 = tpu.vector_load %arg8[%get3A_143, %get3A_144] {strides = array<i32>} : memref<200x128xf32, #tpu.memory_space<vmem>>, vector<1x16xf32>,
          %get3A_146 = vector.shape_cast %get3A_145 : vector<1x16xf32> to vector<16xf32>
          %swap3A_147 = arith.index_cast %squeeze3A_113 : i32 to index
          %swap3A_148 = arith.constant 32 : index
          %swap3A_149 = tpu.vector_load %arg10[%swap3A_147, %swap3A_148] {strides = array<i32>} : memref<64x128xf32, #tpu.memory_space<vmem>>, vector<1x16xf32>,
          %swap3A_150 = vector.shape_cast %swap3A_149 : vector<1x16xf32> to vector<16xf32>
          %swap3A_151 = vector.shape_cast %get3A_146 : vector<16xf32> to vector<1x16xf32>
          tpu.vector_store %arg10[%swap3A_147, %swap3A_148], %swap3A_151 {add = true, strides = array<i32>} : memref<64x128xf32, #tpu.memory_space<vmem>>, vector<1x16xf32>,
          %mul3A_152 = arith.mulf %get3A_146, %get3A_146 : vector<16xf32>
          %swap3A_153 = arith.index_cast %squeeze3A_113 : i32 to index
          %swap3A_154 = arith.constant 32 : index
          %swap3A_155 = tpu.vector_load %arg11[%swap3A_153, %swap3A_154] {strides = array<i32>} : memref<64x128xf32, #tpu.memory_space<vmem>>, vector<1x16xf32>,
          %swap3A_156 = vector.shape_cast %swap3A_155 : vector<1x16xf32> to vector<16xf32>
          %swap3A_157 = vector.shape_cast %mul3A_152 : vector<16xf32> to vector<1x16xf32>
          tpu.vector_store %arg11[%swap3A_153, %swap3A_154], %swap3A_157 {add = true, strides = array<i32>} : memref<64x128xf32, #tpu.memory_space<vmem>>, vector<1x16xf32>,
          %get3A_158 = arith.index_cast %scan3A_106 : i32 to index
          %get3A_159 = arith.constant 48 : index
          %get3A_160 = tpu.vector_load %arg8[%get3A_158, %get3A_159] {strides = array<i32>} : memref<200x128xf32, #tpu.memory_space<vmem>>, vector<1x16xf32>,
          %get3A_161 = vector.shape_cast %get3A_160 : vector<1x16xf32> to vector<16xf32>
          %swap3A_162 = arith.index_cast %squeeze3A_113 : i32 to index
          %swap3A_163 = arith.constant 48 : index
          %swap3A_164 = tpu.vector_load %arg10[%swap3A_162, %swap3A_163] {strides = array<i32>} : memref<64x128xf32, #tpu.memory_space<vmem>>, vector<1x16xf32>,
          %swap3A_165 = vector.shape_cast %swap3A_164 : vector<1x16xf32> to vector<16xf32>
          %swap3A_166 = vector.shape_cast %get3A_161 : vector<16xf32> to vector<1x16xf32>
          tpu.vector_store %arg10[%swap3A_162, %swap3A_163], %swap3A_166 {add = true, strides = array<i32>} : memref<64x128xf32, #tpu.memory_space<vmem>>, vector<1x16xf32>,
          %mul3A_167 = arith.mulf %get3A_161, %get3A_161 : vector<16xf32>
          %swap3A_168 = arith.index_cast %squeeze3A_113 : i32 to index
          %swap3A_169 = arith.constant 48 : index
          %swap3A_170 = tpu.vector_load %arg11[%swap3A_168, %swap3A_169] {strides = array<i32>} : memref<64x128xf32, #tpu.memory_space<vmem>>, vector<1x16xf32>,
          %swap3A_171 = vector.shape_cast %swap3A_170 : vector<1x16xf32> to vector<16xf32>
          %swap3A_172 = vector.shape_cast %mul3A_167 : vector<16xf32> to vector<1x16xf32>
          tpu.vector_store %arg11[%swap3A_168, %swap3A_169], %swap3A_172 {add = true, strides = array<i32>} : memref<64x128xf32, #tpu.memory_space<vmem>>, vector<1x16xf32>,
          %get3A_173 = arith.index_cast %scan3A_106 : i32 to index
          %get3A_174 = arith.constant 64 : index
          %get3A_175 = tpu.vector_load %arg8[%get3A_173, %get3A_174] {strides = array<i32>} : memref<200x128xf32, #tpu.memory_space<vmem>>, vector<1x16xf32>,
          %get3A_176 = vector.shape_cast %get3A_175 : vector<1x16xf32> to vector<16xf32>
          %swap3A_177 = arith.index_cast %squeeze3A_113 : i32 to index
          %swap3A_178 = arith.constant 64 : index
          %swap3A_179 = tpu.vector_load %arg10[%swap3A_177, %swap3A_178] {strides = array<i32>} : memref<64x128xf32, #tpu.memory_space<vmem>>, vector<1x16xf32>,
          %swap3A_180 = vector.shape_cast %swap3A_179 : vector<1x16xf32> to vector<16xf32>
          %swap3A_181 = vector.shape_cast %get3A_176 : vector<16xf32> to vector<1x16xf32>
          tpu.vector_store %arg10[%swap3A_177, %swap3A_178], %swap3A_181 {add = true, strides = array<i32>} : memref<64x128xf32, #tpu.memory_space<vmem>>, vector<1x16xf32>,
          %mul3A_182 = arith.mulf %get3A_176, %get3A_176 : vector<16xf32>
          %swap3A_183 = arith.index_cast %squeeze3A_113 : i32 to index
          %swap3A_184 = arith.constant 64 : index
          %swap3A_185 = tpu.vector_load %arg11[%swap3A_183, %swap3A_184] {strides = array<i32>} : memref<64x128xf32, #tpu.memory_space<vmem>>, vector<1x16xf32>,
          %swap3A_186 = vector.shape_cast %swap3A_185 : vector<1x16xf32> to vector<16xf32>
          %swap3A_187 = vector.shape_cast %mul3A_182 : vector<16xf32> to vector<1x16xf32>
          tpu.vector_store %arg11[%swap3A_183, %swap3A_184], %swap3A_187 {add = true, strides = array<i32>} : memref<64x128xf32, #tpu.memory_space<vmem>>, vector<1x16xf32>,
          %get3A_188 = arith.index_cast %scan3A_106 : i32 to index
          %get3A_189 = arith.constant 80 : index
          %get3A_190 = tpu.vector_load %arg8[%get3A_188, %get3A_189] {strides = array<i32>} : memref<200x128xf32, #tpu.memory_space<vmem>>, vector<1x16xf32>,
          %get3A_191 = vector.shape_cast %get3A_190 : vector<1x16xf32> to vector<16xf32>
          %swap3A_192 = arith.index_cast %squeeze3A_113 : i32 to index
          %swap3A_193 = arith.constant 80 : index
          %swap3A_194 = tpu.vector_load %arg10[%swap3A_192, %swap3A_193] {strides = array<i32>} : memref<64x128xf32, #tpu.memory_space<vmem>>, vector<1x16xf32>,
          %swap3A_195 = vector.shape_cast %swap3A_194 : vector<1x16xf32> to vector<16xf32>
          %swap3A_196 = vector.shape_cast %get3A_191 : vector<16xf32> to vector<1x16xf32>
          tpu.vector_store %arg10[%swap3A_192, %swap3A_193], %swap3A_196 {add = true, strides = array<i32>} : memref<64x128xf32, #tpu.memory_space<vmem>>, vector<1x16xf32>,
          %mul3A_197 = arith.mulf %get3A_191, %get3A_191 : vector<16xf32>
          %swap3A_198 = arith.index_cast %squeeze3A_113 : i32 to index
          %swap3A_199 = arith.constant 80 : index
          %swap3A_200 = tpu.vector_load %arg11[%swap3A_198, %swap3A_199] {strides = array<i32>} : memref<64x128xf32, #tpu.memory_space<vmem>>, vector<1x16xf32>,
          %swap3A_201 = vector.shape_cast %swap3A_200 : vector<1x16xf32> to vector<16xf32>
          %swap3A_202 = vector.shape_cast %mul3A_197 : vector<16xf32> to vector<1x16xf32>
          tpu.vector_store %arg11[%swap3A_198, %swap3A_199], %swap3A_202 {add = true, strides = array<i32>} : memref<64x128xf32, #tpu.memory_space<vmem>>, vector<1x16xf32>,
          %get3A_203 = arith.index_cast %scan3A_106 : i32 to index
          %get3A_204 = arith.constant 96 : index
          %get3A_205 = tpu.vector_load %arg8[%get3A_203, %get3A_204] {strides = array<i32>} : memref<200x128xf32, #tpu.memory_space<vmem>>, vector<1x16xf32>,
          %get3A_206 = vector.shape_cast %get3A_205 : vector<1x16xf32> to vector<16xf32>
          %swap3A_207 = arith.index_cast %squeeze3A_113 : i32 to index
          %swap3A_208 = arith.constant 96 : index
          %swap3A_209 = tpu.vector_load %arg10[%swap3A_207, %swap3A_208] {strides = array<i32>} : memref<64x128xf32, #tpu.memory_space<vmem>>, vector<1x16xf32>,
          %swap3A_210 = vector.shape_cast %swap3A_209 : vector<1x16xf32> to vector<16xf32>
          %swap3A_211 = vector.shape_cast %get3A_206 : vector<16xf32> to vector<1x16xf32>
          tpu.vector_store %arg10[%swap3A_207, %swap3A_208], %swap3A_211 {add = true, strides = array<i32>} : memref<64x128xf32, #tpu.memory_space<vmem>>, vector<1x16xf32>,
          %mul3A_212 = arith.mulf %get3A_206, %get3A_206 : vector<16xf32>
          %swap3A_213 = arith.index_cast %squeeze3A_113 : i32 to index
          %swap3A_214 = arith.constant 96 : index
          %swap3A_215 = tpu.vector_load %arg11[%swap3A_213, %swap3A_214] {strides = array<i32>} : memref<64x128xf32, #tpu.memory_space<vmem>>, vector<1x16xf32>,
          %swap3A_216 = vector.shape_cast %swap3A_215 : vector<1x16xf32> to vector<16xf32>
          %swap3A_217 = vector.shape_cast %mul3A_212 : vector<16xf32> to vector<1x16xf32>
          tpu.vector_store %arg11[%swap3A_213, %swap3A_214], %swap3A_217 {add = true, strides = array<i32>} : memref<64x128xf32, #tpu.memory_space<vmem>>, vector<1x16xf32>,
          %get3A_218 = arith.index_cast %scan3A_106 : i32 to index
          %get3A_219 = arith.constant 112 : index
          %get3A_220 = tpu.vector_load %arg8[%get3A_218, %get3A_219] {strides = array<i32>} : memref<200x128xf32, #tpu.memory_space<vmem>>, vector<1x16xf32>,
          %get3A_221 = vector.shape_cast %get3A_220 : vector<1x16xf32> to vector<16xf32>
          %swap3A_222 = arith.index_cast %squeeze3A_113 : i32 to index
          %swap3A_223 = arith.constant 112 : index
          %swap3A_224 = tpu.vector_load %arg10[%swap3A_222, %swap3A_223] {strides = array<i32>} : memref<64x128xf32, #tpu.memory_space<vmem>>, vector<1x16xf32>,
          %swap3A_225 = vector.shape_cast %swap3A_224 : vector<1x16xf32> to vector<16xf32>
          %swap3A_226 = vector.shape_cast %get3A_221 : vector<16xf32> to vector<1x16xf32>
          tpu.vector_store %arg10[%swap3A_222, %swap3A_223], %swap3A_226 {add = true, strides = array<i32>} : memref<64x128xf32, #tpu.memory_space<vmem>>, vector<1x16xf32>,
          %mul3A_227 = arith.mulf %get3A_221, %get3A_221 : vector<16xf32>
          %swap3A_228 = arith.index_cast %squeeze3A_113 : i32 to index
          %swap3A_229 = arith.constant 112 : index
          %swap3A_230 = tpu.vector_load %arg11[%swap3A_228, %swap3A_229] {strides = array<i32>} : memref<64x128xf32, #tpu.memory_space<vmem>>, vector<1x16xf32>,
          %swap3A_231 = vector.shape_cast %swap3A_230 : vector<1x16xf32> to vector<16xf32>
          %swap3A_232 = vector.shape_cast %mul3A_227 : vector<16xf32> to vector<1x16xf32>
          tpu.vector_store %arg11[%swap3A_228, %swap3A_229], %swap3A_232 {add = true, strides = array<i32>} : memref<64x128xf32, #tpu.memory_space<vmem>>, vector<1x16xf32>,
          %broadcast_in_dim3A_233 = arith.constant 1.000000e+00 : f32
          %broadcast_in_dim3A_234 = vector.broadcast %broadcast_in_dim3A_233 : f32 to vector<16xf32>
          %swap3A_235 = arith.index_cast %squeeze3A_113 : i32 to index
          %swap3A_236 = arith.constant 0 : index
          %swap3A_237 = tpu.vector_load %arg12[%swap3A_235, %swap3A_236] {strides = array<i32>} : memref<64x16xf32, #tpu.memory_space<vmem>>, vector<1x16xf32>,
          %swap3A_238 = vector.shape_cast %swap3A_237 : vector<1x16xf32> to vector<16xf32>
          %swap3A_239 = vector.shape_cast %broadcast_in_dim3A_234 : vector<16xf32> to vector<1x16xf32>
          tpu.vector_store %arg12[%swap3A_235, %swap3A_236], %swap3A_239 {add = true, strides = array<i32>} : memref<64x16xf32, #tpu.memory_space<vmem>>, vector<1x16xf32>,
          %scan3A_240 = arith.constant 0 : i32
          scf.yield %scan3A_240 : i32
        }
        %scan3A_105 = arith.constant 200 : i32
      } else {
      }
    } else {
    }
    "tpu.region"() ({
      %run_scoped3A = tpu.sem_alloc : memref<!tpu.dma_semaphore, #tpu.memory_space<semaphore_mem>>
      %dma_start3A_65 = arith.constant 0 : i32
      %dma_start3A_66 = arith.constant 0 : i32
      %dma_start3A_67 = tpu.memref_slice %arg4[%add3A, %dma_start3A_65, %dma_start3A_66] : memref<32x64x128xf32, #tpu.memory_space<hbm>> -> memref<1x64x128xf32, #tpu.memory_space<hbm>>
      %dma_start3A_68 = tpu.memref_squeeze %dma_start3A_67 : memref<1x64x128xf32, #tpu.memory_space<hbm>> -> memref<64x128xf32, #tpu.memory_space<hbm>>
      %dma_start3A_69 = arith.constant 0 : i32
      %dma_start3A_70 = arith.constant 0 : i32
      %dma_start3A_71 = tpu.memref_slice %arg4[%add3A, %dma_start3A_69, %dma_start3A_70] : memref<32x64x128xf32, #tpu.memory_space<hbm>> -> memref<1x64x128xf32, #tpu.memory_space<hbm>>
      %dma_start3A_72 = tpu.memref_squeeze %dma_start3A_71 : memref<1x64x128xf32, #tpu.memory_space<hbm>> -> memref<64x128xf32, #tpu.memory_space<hbm>>
      tpu.enqueue_dma source(%arg10 : memref<64x128xf32, #tpu.memory_space<vmem>>) target(%dma_start3A_72 : memref<64x128xf32, #tpu.memory_space<hbm>>) target_semaphore(%run_scoped3A : memref<!tpu.dma_semaphore, #tpu.memory_space<semaphore_mem>>)
      %dma_wait3A_73 = arith.constant 0 : i32
      %dma_wait3A_74 = arith.constant 0 : i32
      %dma_wait3A_75 = tpu.memref_slice %arg4[%add3A, %dma_wait3A_73, %dma_wait3A_74] : memref<32x64x128xf32, #tpu.memory_space<hbm>> -> memref<1x64x128xf32, #tpu.memory_space<hbm>>
      %dma_wait3A_76 = tpu.memref_squeeze %dma_wait3A_75 : memref<1x64x128xf32, #tpu.memory_space<hbm>> -> memref<64x128xf32, #tpu.memory_space<hbm>>
      %dma_wait3A_77 = arith.constant 0 : i32
      %dma_wait3A_78 = arith.constant 0 : i32
      %dma_wait3A_79 = tpu.memref_slice %arg4[%add3A, %dma_wait3A_77, %dma_wait3A_78] : memref<32x64x128xf32, #tpu.memory_space<hbm>> -> memref<1x64x128xf32, #tpu.memory_space<hbm>>
      %dma_wait3A_80 = tpu.memref_squeeze %dma_wait3A_79 : memref<1x64x128xf32, #tpu.memory_space<hbm>> -> memref<64x128xf32, #tpu.memory_space<hbm>>
      tpu.wait_dma2 semaphore(%run_scoped3A : memref<!tpu.dma_semaphore, #tpu.memory_space<semaphore_mem>>) src(%arg10 : memref<64x128xf32, #tpu.memory_space<vmem>>) dst(%dma_wait3A_80 : memref<64x128xf32, #tpu.memory_space<hbm>>)
      tpu.yield
    }) : () -> ()
    "tpu.region"() ({
      %run_scoped3A = tpu.sem_alloc : memref<!tpu.dma_semaphore, #tpu.memory_space<semaphore_mem>>
      %dma_start3A_65 = arith.constant 0 : i32
      %dma_start3A_66 = arith.constant 0 : i32
      %dma_start3A_67 = tpu.memref_slice %arg5[%add3A, %dma_start3A_65, %dma_start3A_66] : memref<32x64x128xf32, #tpu.memory_space<hbm>> -> memref<1x64x128xf32, #tpu.memory_space<hbm>>
      %dma_start3A_68 = tpu.memref_squeeze %dma_start3A_67 : memref<1x64x128xf32, #tpu.memory_space<hbm>> -> memref<64x128xf32, #tpu.memory_space<hbm>>
      %dma_start3A_69 = arith.constant 0 : i32
      %dma_start3A_70 = arith.constant 0 : i32
      %dma_start3A_71 = tpu.memref_slice %arg5[%add3A, %dma_start3A_69, %dma_start3A_70] : memref<32x64x128xf32, #tpu.memory_space<hbm>> -> memref<1x64x128xf32, #tpu.memory_space<hbm>>
      %dma_start3A_72 = tpu.memref_squeeze %dma_start3A_71 : memref<1x64x128xf32, #tpu.memory_space<hbm>> -> memref<64x128xf32, #tpu.memory_space<hbm>>
      tpu.enqueue_dma source(%arg11 : memref<64x128xf32, #tpu.memory_space<vmem>>) target(%dma_start3A_72 : memref<64x128xf32, #tpu.memory_space<hbm>>) target_semaphore(%run_scoped3A : memref<!tpu.dma_semaphore, #tpu.memory_space<semaphore_mem>>)
      %dma_wait3A_73 = arith.constant 0 : i32
      %dma_wait3A_74 = arith.constant 0 : i32
      %dma_wait3A_75 = tpu.memref_slice %arg5[%add3A, %dma_wait3A_73, %dma_wait3A_74] : memref<32x64x128xf32, #tpu.memory_space<hbm>> -> memref<1x64x128xf32, #tpu.memory_space<hbm>>
      %dma_wait3A_76 = tpu.memref_squeeze %dma_wait3A_75 : memref<1x64x128xf32, #tpu.memory_space<hbm>> -> memref<64x128xf32, #tpu.memory_space<hbm>>
      %dma_wait3A_77 = arith.constant 0 : i32
      %dma_wait3A_78 = arith.constant 0 : i32
      %dma_wait3A_79 = tpu.memref_slice %arg5[%add3A, %dma_wait3A_77, %dma_wait3A_78] : memref<32x64x128xf32, #tpu.memory_space<hbm>> -> memref<1x64x128xf32, #tpu.memory_space<hbm>>
      %dma_wait3A_80 = tpu.memref_squeeze %dma_wait3A_79 : memref<1x64x128xf32, #tpu.memory_space<hbm>> -> memref<64x128xf32, #tpu.memory_space<hbm>>
      tpu.wait_dma2 semaphore(%run_scoped3A : memref<!tpu.dma_semaphore, #tpu.memory_space<semaphore_mem>>) src(%arg11 : memref<64x128xf32, #tpu.memory_space<vmem>>) dst(%dma_wait3A_80 : memref<64x128xf32, #tpu.memory_space<hbm>>)
      tpu.yield
    }) : () -> ()
    "tpu.region"() ({
      %run_scoped3A = tpu.sem_alloc : memref<!tpu.dma_semaphore, #tpu.memory_space<semaphore_mem>>
      %dma_start3A_65 = arith.constant 0 : i32
      %dma_start3A_66 = arith.constant 0 : i32
      %dma_start3A_67 = tpu.memref_slice %arg6[%add3A, %dma_start3A_65, %dma_start3A_66] : memref<32x64x16xf32, #tpu.memory_space<hbm>> -> memref<1x64x16xf32, #tpu.memory_space<hbm>>
      %dma_start3A_68 = tpu.memref_squeeze %dma_start3A_67 : memref<1x64x16xf32, #tpu.memory_space<hbm>> -> memref<64x16xf32, #tpu.memory_space<hbm>>
      %dma_start3A_69 = arith.constant 0 : i32
      %dma_start3A_70 = arith.constant 0 : i32
      %dma_start3A_71 = tpu.memref_slice %arg6[%add3A, %dma_start3A_69, %dma_start3A_70] : memref<32x64x16xf32, #tpu.memory_space<hbm>> -> memref<1x64x16xf32, #tpu.memory_space<hbm>>
      %dma_start3A_72 = tpu.memref_squeeze %dma_start3A_71 : memref<1x64x16xf32, #tpu.memory_space<hbm>> -> memref<64x16xf32, #tpu.memory_space<hbm>>
      tpu.enqueue_dma source(%arg12 : memref<64x16xf32, #tpu.memory_space<vmem>>) target(%dma_start3A_72 : memref<64x16xf32, #tpu.memory_space<hbm>>) target_semaphore(%run_scoped3A : memref<!tpu.dma_semaphore, #tpu.memory_space<semaphore_mem>>)
      %dma_wait3A_73 = arith.constant 0 : i32
      %dma_wait3A_74 = arith.constant 0 : i32
      %dma_wait3A_75 = tpu.memref_slice %arg6[%add3A, %dma_wait3A_73, %dma_wait3A_74] : memref<32x64x16xf32, #tpu.memory_space<hbm>> -> memref<1x64x16xf32, #tpu.memory_space<hbm>>
      %dma_wait3A_76 = tpu.memref_squeeze %dma_wait3A_75 : memref<1x64x16xf32, #tpu.memory_space<hbm>> -> memref<64x16xf32, #tpu.memory_space<hbm>>
      %dma_wait3A_77 = arith.constant 0 : i32
      %dma_wait3A_78 = arith.constant 0 : i32
      %dma_wait3A_79 = tpu.memref_slice %arg6[%add3A, %dma_wait3A_77, %dma_wait3A_78] : memref<32x64x16xf32, #tpu.memory_space<hbm>> -> memref<1x64x16xf32, #tpu.memory_space<hbm>>
      %dma_wait3A_80 = tpu.memref_squeeze %dma_wait3A_79 : memref<1x64x16xf32, #tpu.memory_space<hbm>> -> memref<64x16xf32, #tpu.memory_space<hbm>>
      tpu.wait_dma2 semaphore(%run_scoped3A : memref<!tpu.dma_semaphore, #tpu.memory_space<semaphore_mem>>) src(%arg12 : memref<64x16xf32, #tpu.memory_space<vmem>>) dst(%dma_wait3A_80 : memref<64x16xf32, #tpu.memory_space<hbm>>)
      tpu.yield
    }) : () -> ()
    return
  }
}

module attributes {stable_mosaic.version = 14 : i64} {
  func.func @_norm_kernel(%arg0: i32, %arg1: memref<10000x128xf32, #tpu.memory_space<vmem>>, %arg2: memref<1x1x10000xi32, #tpu.memory_space<vmem>>, %arg3: memref<32x64x128xf32, #tpu.memory_space<vmem>>, %arg4: memref<32x64x128xf32, #tpu.memory_space<vmem>>, %arg5: memref<32x64x16xf32, #tpu.memory_space<vmem>>, %arg6: memref<64x128xf32, #tpu.memory_space<vmem>>, %arg7: memref<64x128xf32, #tpu.memory_space<vmem>>, %arg8: memref<64x1xf32, #tpu.memory_space<vmem>>, %arg9: memref<1x128xf32, #tpu.memory_space<vmem>>, %arg10: memref<1x128xf32, #tpu.memory_space<vmem>>, %arg11: memref<1x128xf32, #tpu.memory_space<vmem>>, %arg12: memref<10000x128xf32, #tpu.memory_space<vmem>>, %arg13: memref<64x128xf32, #tpu.memory_space<vmem>>, %arg14: memref<64x128xf32, #tpu.memory_space<vmem>>) attributes {dimension_semantics = [#tpu.dimension_semantics<arbitrary>], iteration_bounds = array<i64: 10>, scalar_prefetch = 0 : i64, scratch_operands = 2 : i64, tpu.core_type = #tpu.core_type<tc>, window_params = [{transform_indices = @transform_0, window_bounds = array<i64: 10000, 128>}, {transform_indices = @transform_1, window_bounds = array<i64: 1, 1, 10000>}, {pipeline_mode = #tpu.pipeline_mode<synchronous>, transform_indices = @transform_2, window_bounds = array<i64: 32, 64, 128>}, {pipeline_mode = #tpu.pipeline_mode<synchronous>, transform_indices = @transform_3, window_bounds = array<i64: 32, 64, 128>}, {pipeline_mode = #tpu.pipeline_mode<synchronous>, transform_indices = @transform_4, window_bounds = array<i64: 32, 64, 16>}, {pipeline_mode = #tpu.pipeline_mode<synchronous>, transform_indices = @transform_5, window_bounds = array<i64: 64, 128>}, {pipeline_mode = #tpu.pipeline_mode<synchronous>, transform_indices = @transform_6, window_bounds = array<i64: 64, 128>}, {pipeline_mode = #tpu.pipeline_mode<synchronous>, transform_indices = @transform_7, window_bounds = array<i64: 64, 1>}, {pipeline_mode = #tpu.pipeline_mode<synchronous>, transform_indices = @transform_8, window_bounds = array<i64: 1, 128>}, {pipeline_mode = #tpu.pipeline_mode<synchronous>, transform_indices = @transform_9, window_bounds = array<i64: 1, 128>}, {pipeline_mode = #tpu.pipeline_mode<synchronous>, transform_indices = @transform_10, window_bounds = array<i64: 1, 128>}, {transform_indices = @transform_11, window_bounds = array<i64: 10000, 128>}]} {
    %eq3A = arith.constant 0 : i32
    %eq3A_0 = arith.cmpi eq, %arg0, %eq3A : i32
    %convert_element_type3A = arith.extui %eq3A_0 : i1 to i32
    %cond3A = arith.constant 0 : i32
    %cond3A_1 = arith.cmpi ne, %convert_element_type3A, %cond3A : i32
    scf.if %cond3A_1 {
      %get3A_24 = arith.constant 0 : index
      %get3A_25 = arith.constant 0 : index
      %get3A_26 = arith.constant 0 : index
      %get3A_27 = vector.load %arg3[%get3A_24, %get3A_25, %get3A_26] : memref<32x64x128xf32, #tpu.memory_space<vmem>>, vector<32x64x128xf32>
      %reduce_sum3A = arith.constant dense<0.000000e+00> : vector<64x128xf32>
      %reduce_sum3A_28 = vector.multi_reduction <add>, %get3A_27, %reduce_sum3A [0] : vector<32x64x128xf32> to vector<64x128xf32>
      %get3A_29 = arith.constant 0 : index
      %get3A_30 = arith.constant 0 : index
      %get3A_31 = vector.load %arg6[%get3A_29, %get3A_30] : memref<64x128xf32, #tpu.memory_space<vmem>>, vector<64x128xf32>
      %add3A_32 = arith.addf %reduce_sum3A_28, %get3A_31 : vector<64x128xf32>
      %get3A_33 = arith.constant 0 : index
      %get3A_34 = arith.constant 0 : index
      %get3A_35 = arith.constant 0 : index
      %get3A_36 = vector.load %arg4[%get3A_33, %get3A_34, %get3A_35] : memref<32x64x128xf32, #tpu.memory_space<vmem>>, vector<32x64x128xf32>
      %reduce_sum3A_37 = arith.constant dense<0.000000e+00> : vector<64x128xf32>
      %reduce_sum3A_38 = vector.multi_reduction <add>, %get3A_36, %reduce_sum3A_37 [0] : vector<32x64x128xf32> to vector<64x128xf32>
      %get3A_39 = arith.constant 0 : index
      %get3A_40 = arith.constant 0 : index
      %get3A_41 = vector.load %arg7[%get3A_39, %get3A_40] : memref<64x128xf32, #tpu.memory_space<vmem>>, vector<64x128xf32>
      %add3A_42 = arith.addf %reduce_sum3A_38, %get3A_41 : vector<64x128xf32>
      %get3A_43 = arith.constant 0 : index
      %get3A_44 = arith.constant 0 : index
      %get3A_45 = arith.constant 0 : index
      %get3A_46 = vector.load %arg5[%get3A_43, %get3A_44, %get3A_45] : memref<32x64x16xf32, #tpu.memory_space<vmem>>, vector<32x64x16xf32>
      %reduce_sum3A_47 = arith.constant dense<0.000000e+00> : vector<64x16xf32>
      %reduce_sum3A_48 = vector.multi_reduction <add>, %get3A_46, %reduce_sum3A_47 [0] : vector<32x64x16xf32> to vector<64x16xf32>
      %slice3A = vector.extract_strided_slice %reduce_sum3A_48 {offsets = [0, 0], sizes = [64, 1], strides = [1, 1]} : vector<64x16xf32> to vector<64x1xf32>
      %get3A_49 = arith.constant 0 : index
      %get3A_50 = arith.constant 0 : index
      %get3A_51 = vector.load %arg8[%get3A_49, %get3A_50] : memref<64x1xf32, #tpu.memory_space<vmem>>, vector<64x1xf32>
      %add3A_52 = arith.addf %slice3A, %get3A_51 : vector<64x1xf32>
      %max3A = arith.constant 1.000000e+00 : f32
      %max3A_53 = vector.broadcast %max3A : f32 to vector<64x1xf32>
      %max3A_54 = arith.maximumf %add3A_52, %max3A_53 : vector<64x1xf32>
      %div3A = vector.broadcast %max3A_54 : vector<64x1xf32> to vector<64x128xf32>
      %div3A_55 = arith.divf %add3A_32, %div3A : vector<64x128xf32>
      %get3A_56 = arith.constant 0 : index
      %get3A_57 = arith.constant 0 : index
      %get3A_58 = vector.load %arg11[%get3A_56, %get3A_57] : memref<1x128xf32, #tpu.memory_space<vmem>>, vector<1x128xf32>
      %mul3A_59 = vector.broadcast %get3A_58 : vector<1x128xf32> to vector<64x128xf32>
      %mul3A_60 = arith.mulf %div3A_55, %mul3A_59 : vector<64x128xf32>
      %div3A_61 = vector.broadcast %max3A_54 : vector<64x1xf32> to vector<64x128xf32>
      %div3A_62 = arith.divf %add3A_42, %div3A_61 : vector<64x128xf32>
      %mul3A_63 = arith.constant 2.000000e+00 : f32
      %mul3A_64 = vector.broadcast %mul3A_63 : f32 to vector<64x128xf32>
      %mul3A_65 = arith.mulf %mul3A_64, %mul3A_60 : vector<64x128xf32>
      %mul3A_66 = arith.mulf %mul3A_65, %div3A_55 : vector<64x128xf32>
      %sub3A = arith.subf %div3A_62, %mul3A_66 : vector<64x128xf32>
      %mul3A_67 = arith.mulf %mul3A_60, %mul3A_60 : vector<64x128xf32>
      %add3A_68 = arith.addf %sub3A, %mul3A_67 : vector<64x128xf32>
      %add3A_69 = arith.constant 9.99999974E-6 : f32
      %add3A_70 = vector.broadcast %add3A_69 : f32 to vector<64x128xf32>
      %add3A_71 = arith.addf %add3A_68, %add3A_70 : vector<64x128xf32>
      %rsqrt3A = math.rsqrt %add3A_71 : vector<64x128xf32>
      %get3A_72 = arith.constant 0 : index
      %get3A_73 = arith.constant 0 : index
      %get3A_74 = vector.load %arg9[%get3A_72, %get3A_73] : memref<1x128xf32, #tpu.memory_space<vmem>>, vector<1x128xf32>
      %mul3A_75 = vector.broadcast %get3A_74 : vector<1x128xf32> to vector<64x128xf32>
      %mul3A_76 = arith.mulf %mul3A_75, %rsqrt3A : vector<64x128xf32>
      %swap3A_77 = arith.constant 0 : index
      %swap3A_78 = arith.constant 0 : index
      %swap3A_79 = vector.load %arg13[%swap3A_77, %swap3A_78] : memref<64x128xf32, #tpu.memory_space<vmem>>, vector<64x128xf32>
      tpu.vector_store %arg13[%swap3A_77, %swap3A_78], %mul3A_76 {strides = array<i32>} : memref<64x128xf32, #tpu.memory_space<vmem>>, vector<64x128xf32>,
      %get3A_80 = arith.constant 0 : index
      %get3A_81 = arith.constant 0 : index
      %get3A_82 = vector.load %arg10[%get3A_80, %get3A_81] : memref<1x128xf32, #tpu.memory_space<vmem>>, vector<1x128xf32>
      %mul3A_83 = arith.mulf %mul3A_76, %mul3A_60 : vector<64x128xf32>
      %sub3A_84 = vector.broadcast %get3A_82 : vector<1x128xf32> to vector<64x128xf32>
      %sub3A_85 = arith.subf %sub3A_84, %mul3A_83 : vector<64x128xf32>
      %swap3A_86 = arith.constant 0 : index
      %swap3A_87 = arith.constant 0 : index
      %swap3A_88 = vector.load %arg14[%swap3A_86, %swap3A_87] : memref<64x128xf32, #tpu.memory_space<vmem>>, vector<64x128xf32>
      tpu.vector_store %arg14[%swap3A_86, %swap3A_87], %sub3A_85 {strides = array<i32>} : memref<64x128xf32, #tpu.memory_space<vmem>>, vector<64x128xf32>,
    } else {
    }
    %get3A = arith.constant 0 : index
    %get3A_2 = arith.constant 0 : index
    %get3A_3 = arith.constant 0 : index
    %get3A_4 = vector.load %arg2[%get3A, %get3A_2, %get3A_3] : memref<1x1x10000xi32, #tpu.memory_space<vmem>>, vector<1x1x10000xi32>
    %get3A_5 = vector.shape_cast %get3A_4 : vector<1x1x10000xi32> to vector<1x10000xi32>
    %iota3A = tpu.iota {dimensions = array<i32: 0>} : vector<64x10000xi32>
    %eq3A_6 = vector.broadcast %get3A_5 : vector<1x10000xi32> to vector<64x10000xi32>
    %eq3A_7 = arith.cmpi eq, %iota3A, %eq3A_6 : vector<64x10000xi32>
    %convert_element_type3A_8 = arith.extui %eq3A_7 : vector<64x10000xi1> to vector<64x10000xi32>
    %convert_element_type3A_9 = arith.sitofp %convert_element_type3A_8 : vector<64x10000xi32> to vector<64x10000xf32>
    %get3A_10 = arith.constant 0 : index
    %get3A_11 = arith.constant 0 : index
    %get3A_12 = vector.load %arg13[%get3A_10, %get3A_11] : memref<64x128xf32, #tpu.memory_space<vmem>>, vector<64x128xf32>
    %dot_general3A = arith.constant dense<0.000000e+00> : vector<10000x128xf32>
    %dot_general3A_13 = tpu.matmul %convert_element_type3A_9, %get3A_12, %dot_general3A {dimension_numbers = #tpu.dot_dimension_numbers<[0], [0], [1], [1], [0, 1, 1, 1], [], []>, transpose_lhs_hint = false} : vector<64x10000xf32>, vector<64x128xf32>, vector<10000x128xf32> -> vector<10000x128xf32>
    %get3A_14 = arith.constant 0 : index
    %get3A_15 = arith.constant 0 : index
    %get3A_16 = vector.load %arg14[%get3A_14, %get3A_15] : memref<64x128xf32, #tpu.memory_space<vmem>>, vector<64x128xf32>
    %dot_general3A_17 = arith.constant dense<0.000000e+00> : vector<10000x128xf32>
    %dot_general3A_18 = tpu.matmul %convert_element_type3A_9, %get3A_16, %dot_general3A_17 {dimension_numbers = #tpu.dot_dimension_numbers<[0], [0], [1], [1], [0, 1, 1, 1], [], []>, transpose_lhs_hint = false} : vector<64x10000xf32>, vector<64x128xf32>, vector<10000x128xf32> -> vector<10000x128xf32>
    %get3A_19 = arith.constant 0 : index
    %get3A_20 = arith.constant 0 : index
    %get3A_21 = vector.load %arg1[%get3A_19, %get3A_20] : memref<10000x128xf32, #tpu.memory_space<vmem>>, vector<10000x128xf32>
    %mul3A = arith.mulf %dot_general3A_13, %get3A_21 : vector<10000x128xf32>
    %add3A = arith.addf %mul3A, %dot_general3A_18 : vector<10000x128xf32>
    %swap3A = arith.constant 0 : index
    %swap3A_22 = arith.constant 0 : index
    %swap3A_23 = vector.load %arg12[%swap3A, %swap3A_22] : memref<10000x128xf32, #tpu.memory_space<vmem>>, vector<10000x128xf32>
    tpu.vector_store %arg12[%swap3A, %swap3A_22], %add3A {strides = array<i32>} : memref<10000x128xf32, #tpu.memory_space<vmem>>, vector<10000x128xf32>,
    return
  }
  func.func @transform_0(%arg0: i32) -> (i32, i32) {
    %c0_i32 = arith.constant 0 : i32
    %c0_i32_0 = arith.constant 0 : i32
    return %arg0, %c0_i32 : i32, i32
  }
  func.func @transform_1(%arg0: i32) -> (i32, i32, i32) {
    %c0_i32 = arith.constant 0 : i32
    %c0_i32_0 = arith.constant 0 : i32
    %c0_i32_1 = arith.constant 0 : i32
    return %arg0, %c0_i32, %c0_i32_0 : i32, i32, i32
  }
  func.func @transform_2(%arg0: i32) -> (i32, i32, i32) {
    %c0_i32 = arith.constant 0 : i32
    %c0_i32_0 = arith.constant 0 : i32
    %c0_i32_1 = arith.constant 0 : i32
    %c0_i32_2 = arith.constant 0 : i32
    return %c0_i32, %c0_i32_0, %c0_i32_1 : i32, i32, i32
  }
  func.func @transform_3(%arg0: i32) -> (i32, i32, i32) {
    %c0_i32 = arith.constant 0 : i32
    %c0_i32_0 = arith.constant 0 : i32
    %c0_i32_1 = arith.constant 0 : i32
    %c0_i32_2 = arith.constant 0 : i32
    return %c0_i32, %c0_i32_0, %c0_i32_1 : i32, i32, i32
  }
  func.func @transform_4(%arg0: i32) -> (i32, i32, i32) {
    %c0_i32 = arith.constant 0 : i32
    %c0_i32_0 = arith.constant 0 : i32
    %c0_i32_1 = arith.constant 0 : i32
    %c0_i32_2 = arith.constant 0 : i32
    return %c0_i32, %c0_i32_0, %c0_i32_1 : i32, i32, i32
  }
  func.func @transform_5(%arg0: i32) -> (i32, i32) {
    %c0_i32 = arith.constant 0 : i32
    %c0_i32_0 = arith.constant 0 : i32
    %c0_i32_1 = arith.constant 0 : i32
    return %c0_i32, %c0_i32_0 : i32, i32
  }
  func.func @transform_6(%arg0: i32) -> (i32, i32) {
    %c0_i32 = arith.constant 0 : i32
    %c0_i32_0 = arith.constant 0 : i32
    %c0_i32_1 = arith.constant 0 : i32
    return %c0_i32, %c0_i32_0 : i32, i32
  }
  func.func @transform_7(%arg0: i32) -> (i32, i32) {
    %c0_i32 = arith.constant 0 : i32
    %c0_i32_0 = arith.constant 0 : i32
    %c0_i32_1 = arith.constant 0 : i32
    return %c0_i32, %c0_i32_0 : i32, i32
  }
  func.func @transform_8(%arg0: i32) -> (i32, i32) {
    %c0_i32 = arith.constant 0 : i32
    %c0_i32_0 = arith.constant 0 : i32
    %c0_i32_1 = arith.constant 0 : i32
    return %c0_i32, %c0_i32_0 : i32, i32
  }
  func.func @transform_9(%arg0: i32) -> (i32, i32) {
    %c0_i32 = arith.constant 0 : i32
    %c0_i32_0 = arith.constant 0 : i32
    %c0_i32_1 = arith.constant 0 : i32
    return %c0_i32, %c0_i32_0 : i32, i32
  }
  func.func @transform_10(%arg0: i32) -> (i32, i32) {
    %c0_i32 = arith.constant 0 : i32
    %c0_i32_0 = arith.constant 0 : i32
    %c0_i32_1 = arith.constant 0 : i32
    return %c0_i32, %c0_i32_0 : i32, i32
  }
  func.func @transform_11(%arg0: i32) -> (i32, i32) {
    %c0_i32 = arith.constant 0 : i32
    %c0_i32_0 = arith.constant 0 : i32
    return %arg0, %c0_i32 : i32, i32
  }
}

module attributes {stable_mosaic.version = 14 : i64} {
  func.func @_tc_stats_kernel(%arg0: i32, %arg1: memref<10000x128xf32, #tpu.memory_space<vmem>>, %arg2: memref<1x1x10000xi32, #tpu.memory_space<vmem>>, %arg3: memref<64x128xf32, #tpu.memory_space<vmem>>, %arg4: memref<64x128xf32, #tpu.memory_space<vmem>>, %arg5: memref<64x1xf32, #tpu.memory_space<vmem>>, %arg6: memref<64x128xf32, #tpu.memory_space<vmem>>, %arg7: memref<64x128xf32, #tpu.memory_space<vmem>>, %arg8: memref<64x1xf32, #tpu.memory_space<vmem>>) attributes {dimension_semantics = [#tpu.dimension_semantics<arbitrary>], iteration_bounds = array<i64: 8>, scalar_prefetch = 0 : i64, scratch_operands = 3 : i64, tpu.core_type = #tpu.core_type<tc>, window_params = [{transform_indices = @transform_0, window_bounds = array<i64: 10000, 128>}, {transform_indices = @transform_1, window_bounds = array<i64: 1, 1, 10000>}, {pipeline_mode = #tpu.pipeline_mode<synchronous>, transform_indices = @transform_2, window_bounds = array<i64: 64, 128>}, {pipeline_mode = #tpu.pipeline_mode<synchronous>, transform_indices = @transform_3, window_bounds = array<i64: 64, 128>}, {pipeline_mode = #tpu.pipeline_mode<synchronous>, transform_indices = @transform_4, window_bounds = array<i64: 64, 1>}]} {
    %eq3A = arith.constant 0 : i32
    %eq3A_0 = arith.cmpi eq, %arg0, %eq3A : i32
    %convert_element_type3A = arith.extui %eq3A_0 : i1 to i32
    %cond3A = arith.constant 0 : i32
    %cond3A_1 = arith.cmpi ne, %convert_element_type3A, %cond3A : i32
    scf.if %cond3A_1 {
      %broadcast_in_dim3A_41 = arith.constant 0.000000e+00 : f32
      %broadcast_in_dim3A_42 = vector.broadcast %broadcast_in_dim3A_41 : f32 to vector<64x128xf32>
      %swap3A_43 = arith.constant 0 : index
      %swap3A_44 = arith.constant 0 : index
      %swap3A_45 = vector.load %arg6[%swap3A_43, %swap3A_44] : memref<64x128xf32, #tpu.memory_space<vmem>>, vector<64x128xf32>
      tpu.vector_store %arg6[%swap3A_43, %swap3A_44], %broadcast_in_dim3A_42 {strides = array<i32>} : memref<64x128xf32, #tpu.memory_space<vmem>>, vector<64x128xf32>,
      %broadcast_in_dim3A_46 = arith.constant 0.000000e+00 : f32
      %broadcast_in_dim3A_47 = vector.broadcast %broadcast_in_dim3A_46 : f32 to vector<64x128xf32>
      %swap3A_48 = arith.constant 0 : index
      %swap3A_49 = arith.constant 0 : index
      %swap3A_50 = vector.load %arg7[%swap3A_48, %swap3A_49] : memref<64x128xf32, #tpu.memory_space<vmem>>, vector<64x128xf32>
      tpu.vector_store %arg7[%swap3A_48, %swap3A_49], %broadcast_in_dim3A_47 {strides = array<i32>} : memref<64x128xf32, #tpu.memory_space<vmem>>, vector<64x128xf32>,
      %broadcast_in_dim3A_51 = arith.constant 0.000000e+00 : f32
      %broadcast_in_dim3A_52 = vector.broadcast %broadcast_in_dim3A_51 : f32 to vector<64x1xf32>
      %swap3A_53 = arith.constant 0 : index
      %swap3A_54 = arith.constant 0 : index
      %swap3A_55 = vector.load %arg8[%swap3A_53, %swap3A_54] : memref<64x1xf32, #tpu.memory_space<vmem>>, vector<64x1xf32>
      tpu.vector_store %arg8[%swap3A_53, %swap3A_54], %broadcast_in_dim3A_52 {strides = array<i32>} : memref<64x1xf32, #tpu.memory_space<vmem>>, vector<64x1xf32>,
    } else {
    }
    %get3A = arith.constant 0 : index
    %get3A_2 = arith.constant 0 : index
    %get3A_3 = vector.load %arg1[%get3A, %get3A_2] : memref<10000x128xf32, #tpu.memory_space<vmem>>, vector<10000x128xf32>
    %get3A_4 = arith.constant 0 : index
    %get3A_5 = arith.constant 0 : index
    %get3A_6 = arith.constant 0 : index
    %get3A_7 = vector.load %arg2[%get3A_4, %get3A_5, %get3A_6] : memref<1x1x10000xi32, #tpu.memory_space<vmem>>, vector<1x1x10000xi32>
    %get3A_8 = vector.shape_cast %get3A_7 : vector<1x1x10000xi32> to vector<1x10000xi32>
    %iota3A = tpu.iota {dimensions = array<i32: 0>} : vector<64x10000xi32>
    %eq3A_9 = vector.broadcast %get3A_8 : vector<1x10000xi32> to vector<64x10000xi32>
    %eq3A_10 = arith.cmpi eq, %iota3A, %eq3A_9 : vector<64x10000xi32>
    %convert_element_type3A_11 = arith.extui %eq3A_10 : vector<64x10000xi1> to vector<64x10000xi32>
    %convert_element_type3A_12 = arith.sitofp %convert_element_type3A_11 : vector<64x10000xi32> to vector<64x10000xf32>
    %get3A_13 = arith.constant 0 : index
    %get3A_14 = arith.constant 0 : index
    %get3A_15 = vector.load %arg6[%get3A_13, %get3A_14] : memref<64x128xf32, #tpu.memory_space<vmem>>, vector<64x128xf32>
    %dot_general3A = arith.constant dense<0.000000e+00> : vector<64x128xf32>
    %dot_general3A_16 = tpu.matmul %convert_element_type3A_12, %get3A_3, %dot_general3A {dimension_numbers = #tpu.dot_dimension_numbers<[1], [0], [0], [1], [0, 0, 1, 1], [], []>, transpose_lhs_hint = false} : vector<64x10000xf32>, vector<10000x128xf32>, vector<64x128xf32> -> vector<64x128xf32>
    %add3A = arith.addf %get3A_15, %dot_general3A_16 : vector<64x128xf32>
    %swap3A = arith.constant 0 : index
    %swap3A_17 = arith.constant 0 : index
    %swap3A_18 = vector.load %arg6[%swap3A, %swap3A_17] : memref<64x128xf32, #tpu.memory_space<vmem>>, vector<64x128xf32>
    tpu.vector_store %arg6[%swap3A, %swap3A_17], %add3A {strides = array<i32>} : memref<64x128xf32, #tpu.memory_space<vmem>>, vector<64x128xf32>,
    %get3A_19 = arith.constant 0 : index
    %get3A_20 = arith.constant 0 : index
    %get3A_21 = vector.load %arg7[%get3A_19, %get3A_20] : memref<64x128xf32, #tpu.memory_space<vmem>>, vector<64x128xf32>
    %mul3A = arith.mulf %get3A_3, %get3A_3 : vector<10000x128xf32>
    %dot_general3A_22 = arith.constant dense<0.000000e+00> : vector<64x128xf32>
    %dot_general3A_23 = tpu.matmul %convert_element_type3A_12, %mul3A, %dot_general3A_22 {dimension_numbers = #tpu.dot_dimension_numbers<[1], [0], [0], [1], [0, 0, 1, 1], [], []>, transpose_lhs_hint = false} : vector<64x10000xf32>, vector<10000x128xf32>, vector<64x128xf32> -> vector<64x128xf32>
    %add3A_24 = arith.addf %get3A_21, %dot_general3A_23 : vector<64x128xf32>
    %swap3A_25 = arith.constant 0 : index
    %swap3A_26 = arith.constant 0 : index
    %swap3A_27 = vector.load %arg7[%swap3A_25, %swap3A_26] : memref<64x128xf32, #tpu.memory_space<vmem>>, vector<64x128xf32>
    tpu.vector_store %arg7[%swap3A_25, %swap3A_26], %add3A_24 {strides = array<i32>} : memref<64x128xf32, #tpu.memory_space<vmem>>, vector<64x128xf32>,
    %get3A_28 = arith.constant 0 : index
    %get3A_29 = arith.constant 0 : index
    %get3A_30 = vector.load %arg8[%get3A_28, %get3A_29] : memref<64x1xf32, #tpu.memory_space<vmem>>, vector<64x1xf32>
    %reduce_sum3A = arith.constant dense<0.000000e+00> : vector<64xf32>
    %reduce_sum3A_31 = vector.multi_reduction <add>, %convert_element_type3A_12, %reduce_sum3A [1] : vector<64x10000xf32> to vector<64xf32>
    %broadcast_in_dim3A = vector.shape_cast %reduce_sum3A_31 : vector<64xf32> to vector<64x1xf32>
    %add3A_32 = arith.addf %get3A_30, %broadcast_in_dim3A : vector<64x1xf32>
    %swap3A_33 = arith.constant 0 : index
    %swap3A_34 = arith.constant 0 : index
    %swap3A_35 = vector.load %arg8[%swap3A_33, %swap3A_34] : memref<64x1xf32, #tpu.memory_space<vmem>>, vector<64x1xf32>
    tpu.vector_store %arg8[%swap3A_33, %swap3A_34], %add3A_32 {strides = array<i32>} : memref<64x1xf32, #tpu.memory_space<vmem>>, vector<64x1xf32>,
    %eq3A_36 = arith.constant 7 : i32
    %eq3A_37 = arith.cmpi eq, %arg0, %eq3A_36 : i32
    %convert_element_type3A_38 = arith.extui %eq3A_37 : i1 to i32
    %cond3A_39 = arith.constant 0 : i32
    %cond3A_40 = arith.cmpi ne, %convert_element_type3A_38, %cond3A_39 : i32
    scf.if %cond3A_40 {
      %get3A_41 = arith.constant 0 : index
      %get3A_42 = arith.constant 0 : index
      %get3A_43 = vector.load %arg6[%get3A_41, %get3A_42] : memref<64x128xf32, #tpu.memory_space<vmem>>, vector<64x128xf32>
      %swap3A_44 = arith.constant 0 : index
      %swap3A_45 = arith.constant 0 : index
      %swap3A_46 = vector.load %arg3[%swap3A_44, %swap3A_45] : memref<64x128xf32, #tpu.memory_space<vmem>>, vector<64x128xf32>
      tpu.vector_store %arg3[%swap3A_44, %swap3A_45], %get3A_43 {strides = array<i32>} : memref<64x128xf32, #tpu.memory_space<vmem>>, vector<64x128xf32>,
      %get3A_47 = arith.constant 0 : index
      %get3A_48 = arith.constant 0 : index
      %get3A_49 = vector.load %arg7[%get3A_47, %get3A_48] : memref<64x128xf32, #tpu.memory_space<vmem>>, vector<64x128xf32>
      %swap3A_50 = arith.constant 0 : index
      %swap3A_51 = arith.constant 0 : index
      %swap3A_52 = vector.load %arg4[%swap3A_50, %swap3A_51] : memref<64x128xf32, #tpu.memory_space<vmem>>, vector<64x128xf32>
      tpu.vector_store %arg4[%swap3A_50, %swap3A_51], %get3A_49 {strides = array<i32>} : memref<64x128xf32, #tpu.memory_space<vmem>>, vector<64x128xf32>,
      %get3A_53 = arith.constant 0 : index
      %get3A_54 = arith.constant 0 : index
      %get3A_55 = vector.load %arg8[%get3A_53, %get3A_54] : memref<64x1xf32, #tpu.memory_space<vmem>>, vector<64x1xf32>
      %swap3A_56 = arith.constant 0 : index
      %swap3A_57 = arith.constant 0 : index
      %swap3A_58 = vector.load %arg5[%swap3A_56, %swap3A_57] : memref<64x1xf32, #tpu.memory_space<vmem>>, vector<64x1xf32>
      tpu.vector_store %arg5[%swap3A_56, %swap3A_57], %get3A_55 {strides = array<i32>} : memref<64x1xf32, #tpu.memory_space<vmem>>, vector<64x1xf32>,
    } else {
    }
    return
  }
  func.func @transform_0(%arg0: i32) -> (i32, i32) {
    %c0_i32 = arith.constant 0 : i32
    %c0_i32_0 = arith.constant 0 : i32
    return %arg0, %c0_i32 : i32, i32
  }
  func.func @transform_1(%arg0: i32) -> (i32, i32, i32) {
    %c0_i32 = arith.constant 0 : i32
    %c0_i32_0 = arith.constant 0 : i32
    %c0_i32_1 = arith.constant 0 : i32
    return %arg0, %c0_i32, %c0_i32_0 : i32, i32, i32
  }
  func.func @transform_2(%arg0: i32) -> (i32, i32) {
    %c0_i32 = arith.constant 0 : i32
    %c0_i32_0 = arith.constant 0 : i32
    %c0_i32_1 = arith.constant 0 : i32
    return %c0_i32, %c0_i32_0 : i32, i32
  }
  func.func @transform_3(%arg0: i32) -> (i32, i32) {
    %c0_i32 = arith.constant 0 : i32
    %c0_i32_0 = arith.constant 0 : i32
    %c0_i32_1 = arith.constant 0 : i32
    return %c0_i32, %c0_i32_0 : i32, i32
  }
  func.func @transform_4(%arg0: i32) -> (i32, i32) {
    %c0_i32 = arith.constant 0 : i32
    %c0_i32_0 = arith.constant 0 : i32
    %c0_i32_1 = arith.constant 0 : i32
    return %c0_i32, %c0_i32_0 : i32, i32
  }
}

</mosaic_0001>

<sc_bundles>
// kernel: kernel.5.cloned.1.call-start
scs
__scs_entry_jumppad:
0x0: {  	(pc) =	sbr.rel $0x88, $3  }
0x1: {  	(tag) =	ssettag $0x0;
	lr =	simm.s32 $0x1  }
0x2: {  	[smem:$0x3F9C] =	sst lr;
	_ =	strace $0xD0000000  }
0x3: {  	_ = 	snop  }
0x4: {  	_ = 	snop  }
0x5: {  	_ = 	snop  }
0x6: {  	_ = 	snop  }
0x7: {  	_ = 	snop  }
__scs_overlays_trampoline_lowered:
0x8: {  	[smem:$0x3FAB] =	sst s0  }
0x9: {  	[smem:$0x3FAC] =	sst s1  }
0xa: {  	[smem:$0x3FAD] =	sst s2  }
0xb: {  	[smem:$0x3FAE] =	sst s3  }
0xc: {  	[smem:$0x3FAF] =	sst s4  }
0xd: {  	[smem:$0x3FB0] =	sst s5  }
0xe: {  	[smem:$0x3FB1] =	sst s6  }
0xf: {  	[smem:$0x3FB2] =	sst s7  }
0x10: {  	[smem:$0x3FB3] =	sst s8  }
0x11: {  	[smem:$0x3FB4] =	sst s9;
	s0 =	simm.s32 @!p0 $0x0  }
0x12: {  	s1 =	sld [smem:$0x3F9A];
	s0 =	simm.s32 @p0 $0x1  }
0x13: {  	[smem:$0x3FB5] =	sst s0;
	s0 =	simm.s32 @!p1 $0x0  }
0x14: {  	s2 =	sld [smem:$0x3F99];
	s0 =	simm.s32 @p1 $0x1  }
0x15: {  	[smem:$0x3FB6] =	sst s0;
	s0 =	simm.s32 @!p2 $0x0  }
0x16: {  	s3 =	sld [smem:$0x3FDB];
	s0 =	simm.s32 @p2 $0x1  }
0x17: {  	s4 =	simm.s32 $0x1BF5;
	[smem:$0x3FB8] =	sst s0  }
0x18: {  	s0 =	sld [smem:$0x3F9B];
	_ =	swait.ge [sflag:s4], $0x0  }
0x19: {  	s7 =	sld [smem:$0x3F9C]  }
0x1a: {  	s8 =	sadd.s32 $0xFFFFE003, lr  }
0x1b: {  	s9 =	sadd.s32 $0xFFFFFEF7, lr;
	s5 =	simm.s32 $0xFFFFFFFF;
	p2 =	slt.u32 s8, $0xFFFFF086  }
0x1c: {  	p1 =	slt.u32 s9, $0xF7A;
	s5 =	simm.s32 @!p2 $0x0  }
0x1d: {  	s5 =	simm.s32 @p1 $0x1;
	p0 =	seq.s32 s7, s2  }
0x1e: {  	s7 =	smul.u32 @!p0 $0xF7A, s2;
	p2 =	seq.s32 @!p0 s5, $0x0  }
0x1f: {  	s9 =	smul.u32 $0xF7A, s1;
	s8 =	simm.s32 @!p0 $0x1BF5;
	p2 =	por !p2, p0  }
0x20: {  	[sflag:s8] =	ssyncset.s32 @!p0 $0xFFFFF086;
	s6 =	sadd.s32 @!p0 s3, s7;
	s7 =	simm.s32 @!p0 $0x108  }
0x21: {  	s3 =	sadd.s32 s3, s9;
	s6 =	sadd.s32 @!p0 $0x88, s6;
	s7 =	simm.s32 @p2 $0x1082  }
0x22: {  	[simem:s7], [sflag:s8] =	dma.local @!p0 [hbm:s6], $0xF7A  }
0x23: {  	s9 =	sor.u32 $0xD0000000, s2;
	s6 =	simm.s32 $0x108;
	_ =	swait.ge @!p0 [sflag:s8], $0x0  }
0x24: {  	s3 =	sadd.s32 $0x88, s3;
	s6 =	simm.s32 @!p1 $0x1082;
	[sflag:s4] =	ssyncset.s32 $0xFFFFF086  }
0x25: {  	[simem:s6], [sflag:s4] =	dma.local [hbm:s3], $0xF7A  }
0x26: {  	[smem:$0x3F9C] =	sst s1;
	(tag) =	ssettag s2;
	_ =	strace s9  }
0x27: {  	s1 =	sld [smem:$0x3FAC]  }
0x28: {  	s2 =	sld [smem:$0x3FAD]  }
0x29: {  	s4 =	sld [smem:$0x3FAF]  }
0x2a: {  	p0 =	seq.s32 s5, $0x0;
	s5 =	sld [smem:$0x3FB0]  }
0x2b: {  	s6 =	sld [smem:$0x3FB1]  }
0x2c: {  	s7 =	sld [smem:$0x3FB2]  }
0x2d: {  	s3 =	simm.s32 $0x108;
	s8 =	sld [smem:$0x3FB3]  }
0x2e: {  	s3 =	simm.s32 @!p0 $0x1082;
	s9 =	sld [smem:$0x3FB4]  }
0x2f: {  	lr =	sadd.s32 s0, s3;
	s0 =	sld [smem:$0x3FAB]  }
0x30: {  	s3 =	sld [smem:$0x3FAE]  }
0x31: {  	[smem:$0x3FB7] =	sst s10  }
0x32: {  	s10 =	sld [smem:$0x3FB5];
	_ =	sdelay $0x3  }
0x33: {  	p0 =	seq.s32 s10, $0x1;
	s10 =	sld [smem:$0x3FB7];
	_ =	sdelay $0x3  }
0x34: {  	[smem:$0x3FB7] =	sst s10  }
0x35: {  	s10 =	sld [smem:$0x3FB6];
	_ =	sdelay $0x3  }
0x36: {  	p1 =	seq.s32 s10, $0x1;
	s10 =	sld [smem:$0x3FB7];
	_ =	sdelay $0x3  }
0x37: {  	[smem:$0x3FB7] =	sst s10  }
0x38: {  	s10 =	sld [smem:$0x3FB8]  }
0x39: {  	_ = 	snop;
	(pc) =	sbr.ind lr, $3  }
0x3a: {  	_ = 	snop  }
0x3b: {  	_ = 	snop  }
0x3c: {  	p2 =	seq.s32 s10, $0x1;
	s10 =	sld [smem:$0x3FB7]  }
0x3d: {  	_ =	shalt  }
0x3e: {  	_ =	shalt  }
0x3f: {  	_ =	shalt  }
0x40: {  	_ =	shalt  }
0x41: {  	_ =	shalt  }
0x42: {  	_ =	shalt  }
0x43: {  	_ =	shalt  }
0x44: {  	_ =	shalt  }
0x45: {  	_ =	shalt  }
0x46: {  	_ =	shalt  }
0x47: {  	_ =	shalt  }
0x48: {  	_ =	shalt  }
0x49: {  	_ =	shalt  }
0x4a: {  	_ =	shalt  }
0x4b: {  	_ =	shalt  }
0x4c: {  	_ =	shalt  }
0x4d: {  	_ =	shalt  }
0x4e: {  	_ =	shalt  }
0x4f: {  	_ =	shalt  }
0x50: {  	_ =	shalt  }
0x51: {  	_ =	shalt  }
0x52: {  	_ =	shalt  }
0x53: {  	_ =	shalt  }
0x54: {  	_ =	shalt  }
0x55: {  	_ =	shalt  }
0x56: {  	_ =	shalt  }
0x57: {  	_ =	shalt  }
0x58: {  	_ =	shalt  }
0x59: {  	_ =	shalt  }
0x5a: {  	_ =	shalt  }
0x5b: {  	_ =	shalt  }
0x5c: {  	_ =	shalt  }
0x5d: {  	_ =	shalt  }
0x5e: {  	_ =	shalt  }
0x5f: {  	_ =	shalt  }
0x60: {  	_ =	shalt  }
0x61: {  	_ =	shalt  }
0x62: {  	_ =	shalt  }
0x63: {  	_ =	shalt  }
0x64: {  	_ =	shalt  }
0x65: {  	_ =	shalt  }
0x66: {  	_ =	shalt  }
0x67: {  	_ =	shalt  }
0x68: {  	_ =	shalt  }
0x69: {  	_ =	shalt  }
0x6a: {  	_ =	shalt  }
0x6b: {  	_ =	shalt  }
0x6c: {  	_ =	shalt  }
0x6d: {  	_ =	shalt  }
0x6e: {  	_ =	shalt  }
0x6f: {  	_ =	shalt  }
0x70: {  	_ =	shalt  }
0x71: {  	_ =	shalt  }
0x72: {  	_ =	shalt  }
0x73: {  	_ =	shalt  }
0x74: {  	_ =	shalt  }
0x75: {  	_ =	shalt  }
0x76: {  	_ =	shalt  }
0x77: {  	_ =	shalt  }
0x78: {  	_ =	shalt  }
0x79: {  	_ =	shalt  }
0x7a: {  	_ =	shalt  }
0x7b: {  	_ =	shalt  }
0x7c: {  	_ =	shalt  }
0x7d: {  	_ =	shalt  }
0x7e: {  	_ =	shalt  }
0x7f: {  	_ =	shalt  }
0x80: {  	_ =	shalt  }
0x81: {  	_ =	shalt  }
0x82: {  	_ =	shalt  }
0x83: {  	_ =	shalt  }
0x84: {  	_ =	shalt  }
0x85: {  	_ =	shalt  }
0x86: {  	_ =	shalt  }
0x87: {  	_ =	shalt  }
.Lfunc_end0:
.L_simem_size_0:
called_computation_lowered:
.L_overlay_start_0:
0x88: {  	s2 =	sld [smem:$0x3FD9]  }
0x89: {  	s3 =	sld [smem:$0x3FFE];
	_ =	sdelay $0x1  }
0x8a: {  	s1 =	srdreg.scid  }
0x8b: {  	s0 =	sand.u32 $0x1, s1  }
0x8c: {  	s17 =	sshll.u32 s0, $0xA;
	s2 =	sadd.s32 s3, s2  }
0x8d: {  	s2 =	sadd.s32 s2, s17  }
0x8e: {  	[smem:$0x3FC3] =	sst s2  }
0x8f: {  	_ = 	snop  }
0x90: {  	s2 =	sld [smem:$0x3FC9]  }
0x91: {  	s18 =	sld [smem:$0x3FC8]  }
0x92: {  	s4 =	sld [smem:$0x3FD0];
	(tm) =	ssettm $0x1  }
0x93: {  	s5 =	sld [smem:$0x3FFB];
	_ =	sdelay $0x3  }
0x94: {  	_ =	strace s5  }
0x95: {  	s5 =	sld [smem:$0x3FFC];
	_ =	sdelay $0x3  }
0x96: {  	_ =	strace s5  }
0x97: {  	s5 =	sld [smem:$0x3FFD];
	_ =	sdelay $0x3  }
0x98: {  	_ =	strace s5  }
0x99: {  	_ =	strace $0x8FFFFFFF  }
0x9a: {  	s19 =	sld [smem:$0x3FDB];
	_ =	sdelay $0x1  }
0x9b: {  	s6 =	simm.s32 $_scs_section_size  }
0x9c: {  	s7 =	simm.s32 $_size__tile_overlayer_lowered;
	s8 =	simm.s32 $_tile_overlayer_lowered  }
0x9d: {  	s22 =	simm.s32 $0x1BFF;
	s21 =	sshll.u32 s8, $0x1;
	s5 =	sadd.s32 s6, s19  }
0x9e: {  	s9 =	simm.s32 $0x0;
	s20 =	sshll.u32 s7, $0x1;
	s7 =	sadd.s32 s21, s5  }
0x9f: {  	[timem:s9], [sflag:s22] =	dma.local [hbm:s7], s20  }
0xa0: {  	_ =	swait.ge [sflag:s22], s20  }
0xa1: {  	s6 =	ssub.s32 $0x0, s20;
	[sflag:s22] =	ssyncset.done $0x0  }
0xa2: {  	[sflag:s22] =	ssyncadd.s32 s6;
	_ =	sdelay $0x1  }
0xa3: {  	s23 =	simm.s32 $0x1B8B  }
0xa4: {  	_ =	swait.ge [sflag:s23], $0x1  }
0xa5: {  	[sflag:s23] =	ssyncset.done $0x0  }
0xa6: {  	s25 =	simm.s32 $0x1B8E;
	s24 =	sld [smem:$0x3FFE];
	[sflag:s23] =	ssyncadd.s32 $0xFFFFFFFF  }
0xa7: {  	s26 =	simm.s32 $execute0_lowered;
	[smem:$0x3FD2] =	sst s25  }
0xa8: {  	s7 =	sshll.u32 s26, $0x1;
	_ =	strace $0x80000046;
	[dreg:$0x1] =	wrdreg $0xFFFFFFFF  }
0xa9: {  	s28 =	simm.s32 $_size_execute0_lowered;
	s5 =	sadd.s32 s5, s7;
	[dreg:$0x0] =	wrdreg $0x0  }
0xaa: {  	s7 =	sshll.u32 s28, $0x1;
	[dreg:$0x2] =	wrdreg s5  }
0xab: {  	[dreg:$0x3] =	wrdreg s7  }
0xac: {  	[dreg:$0x4] =	wrdreg $0xC0  }
0xad: {  	_ =	task [dreg:s9], $0x5FFFF  }
0xae: {  	[dreg:$0x1] =	wrdreg $0xFFFFFFFF  }
0xaf: {  	[dreg:$0x0] =	wrdreg $0x60  }
0xb0: {  	[dreg:$0x2] =	wrdreg s2  }
0xb1: {  	[dreg:$0x3] =	wrdreg s18  }
0xb2: {  	[dreg:$0x4] =	wrdreg s4  }
0xb3: {  	[dreg:$0x5] =	wrdreg s24  }
0xb4: {  	[dreg:$0x6] =	wrdreg $0x9  }
0xb5: {  	_ =	task.clear_ibuf [dreg:s9], $0x7FFFF;
	_ =	strace $0x90000046  }
0xb6: {  	s29 =	simm.s32 $0x9;
	_ =	strace $0x80000048  }
0xb7: {  	_ =	swait.ge [sflag:s29], $0x1  }
0xb8: {  	[sflag:s29] =	ssyncadd.s32 $0xFFFFFFFF  }
0xb9: {  	_ =	strace $0x90000048  }
0xba: {  	_ =	sfence  }
0xbb: {  	s30 =	sld [smem:$0x0];
	_ =	sdelay $0x2  }
0xbc: {  	s31 =	sshll.u32 s1, $0xD;
	s1 =	sshrl.u32 s1, $0x2  }
0xbd: {  	s3 =	sand.u32 $0x4000, s31;
	s1 =	sadd.s32 s1, s30  }
0xbe: {  	s0 =	sor.u32 s3, s0;
	s1 =	sshll.u32 s1, $0x11  }
0xbf: {  	s0 =	sor.u32 s1, s0  }
0xc0: {  	s0 =	sadd.s32 $0x8F2B, s0  }
0xc1: {  	[sflag:s0] =	ssyncadd.remote.s32 $0x1  }
0xc2: {  	_ =	sfence.sel $0xFFFF  }
0xc3: {  	[dreg:$0x0] =	wrdreg $0xFFFFFFFF;
	(pc) =	sbr.abs _section_cstart, $3  }
0xc4: {  	[dreg:$0x1] =	wrdreg $0xFFFFFFFF  }
0xc5: {  	_ =	task.clear_ibuf [dreg:s9], $0x2FFFF;
	_ =	strace $0x9FFFFFFF  }
0xc6: {  	(tm) =	ssettm $0x7FFFFFFF  }
0xc7: {  	_ =	shalt  }
tec
execute0_lowered:
.L_overlay_start_1:
0x0: {  	(tag) =	ssettag $0x1  }
0x1: {  	s5 =	rddreg [dreg:$0x0]  }
0x2: {  	s6 =	rddreg [dreg:$0x1]  }
0x3: {  	s1 =	srdreg.scid;
	s10 =	rddreg [dreg:$0x2]  }
0x4: {  	s0 =	stileid.u32;
	s8 =	rddreg [dreg:$0x3];
	s15 =	simm.s32 $0x3  }
0x5: {  	s16 =	simm.s32 $0x1;
	s17 =	simm.s32 $0x6400;
	s18 =	simm.s32 $0x2  }
0x6: {  	s19 =	simm.s32 $0xCB80;
	s3 =	sand.u32 $0x1, s1;
	s26 =	sshll.u32 s0, $0x1  }
0x7: {  	p0 =	slt.u32 s0, $0x2;
	s4 =	sor.u32 s3, s26;
	s29 =	ssub.s32 $0x2, s3  }
0x8: {  	s1 =	smul.u32 $0x3, s4;
	s12 =	sshll.u32 s4, $0xA;
	s14 =	sshrl.u32 s29, $0x1  }
0x9: {  	s2 =	sshll.u32 s4, $0x2;
	s13 =	sadd.s32 s12, s8;
	s14 =	ssub.s32 s29, s14  }
0xa: {  	s10 =	sadd.s32 s10, s12;
	s7 =	sadd.s32 $0x4, s1;
	s1 =	rddreg [dreg:$0x4]  }
0xb: {  	s12 =	sadd.s32 $0x9800, s13;
	s7 =	smov.u32 @p0 s2;
	s2 =	simm.s32 $0x0  }
0xc: {  	p0 =	sgt.u32 s0, $0x1;
	s9 =	smin.u32 s7, $0x60;
	s28 =	smul.u32 $0x6400, s7  }
0xd: {  	[smem:$0x7FF] =	sst s2;
	s11 =	smul.u32 $0xC8, s9;
	s7 =	ssub.s32 s7, s9  }
0xe: {  	_ =	strace $0x80000047;
	s4 =	sshrl.u32 s28, $0x3;
	s3 =	smul.u32 $0xC8, s7  }
0xf: {  	s30 =	sshrl.u32 s11, $0x3;
	s31 =	sadd.s32 s5, s4;
	s11 =	sadd.s32 $0x1800, s13  }
0x10: {  	s13 =	smax.u32 s14, $0x1;
	s14 =	simm.s32 $0xC800;
	s5 =	sadd.s32 $0x138800, s31  }
.Ltmp0:
0x11: {  	s6 =	sadd.s32 s6, s30;
	s7 =	sadd.s32 $0x13A100, s31;
	(pc) =	sbr.rel .LBB2_1-.Ltmp0, $4  }
0x12: {  	s20 =	sadd.s32 $0xC800, s3;
	s21 =	sadd.s32 $0xC8C8, s3;
	s8 =	sand.u32 $0x7FFFFFF8, s3  }
0x13: {  	s9 =	sadd.s32 $0x13AD80, s31;
	s22 =	sadd.s32 $0xC990, s3;
	s23 =	sadd.s32 $0xCA58, s3;
	v3 =	vmov s20  }
0x14: {  	s4 =	sadd.s32 $0x2710, s6;
	s6 =	sadd.s32 $0x139480, s31;
	s20 =	simm.s32 $0x4;
	v4 =	vmov s21;
	v5 =	vmov s22;
	v6 =	vmov s23  }
0x15: {  	v0 =	vimm.f32 $0.0e+00;
	v1 =	vimm.f32 $2.000000000e+02;
	v2 =	vimm.f32 $1.000000000e+00;
	s21 =	simm.s32 $0xEB80;
	s22 =	simm.s32 $0x10B80;
	s23 =	simm.s32 $0x0  }
.LBB2_28:
0x16: {  	[tilespmem:s25+$0xEBF0] =	vst.add.f32.msk $0xffff, v7  }
.LBB2_32:
0x17: {  	[hbm4b:s10+s2] =	stream.linear.scatter [tilespmem:s19], [sflag:$0x4], $0x2000, $0x38;
	[tilespmem:$0x12B80] =	vst v63  }
0x18: {  	_ =	swait.ge [sflag:s20], $0x2000  }
0x19: {  	[sflag:s20] =	ssyncset.done $0x0  }
0x1a: {  	[sflag:s20] =	ssyncadd.s32 $0xFFFFE000  }
0x1b: {  	[hbm4b:s11+s2] =	stream.linear.scatter [tilespmem:s21], [sflag:$0x4], $0x2000, $0x38;
	[tilespmem:$0x12B80] =	vst v63  }
0x1c: {  	s23 =	sadd.s32 $0x1, s23;
	_ =	swait.ge [sflag:s20], $0x2000  }
0x1d: {  	p1 =	sne.s32 s23, s13;
	[sflag:s20] =	ssyncset.done $0x0  }
.Ltmp1:
0x1e: {  	[sflag:s20] =	ssyncadd.s32 $0xFFFFE000;
	(pc) =	sbr.rel @!p1 .LBB2_33-.Ltmp1, $4  }
0x1f: {  	[hbm4b:s12+s2] =	stream.linear.scatter [tilespmem:s22], [sflag:$0x4], $0x2000, $0x38;
	[tilespmem:$0x12B80] =	vst v63  }
0x20: {  	_ =	swait.ge [sflag:s20], $0x2000  }
0x21: {  	[sflag:s20] =	ssyncset.done $0x0  }
0x22: {  	[sflag:s20] =	ssyncadd.s32 $0xFFFFE000  }
.LBB2_1:
0x23: {  	[tilespmem:s14], [sflag:$0x3] =	stream.linear.gather [hbm4b:s4+s2], $0x320, $0x38;
	[tilespmem:$0x12B80] =	vst v63  }
0x24: {  	s24 =	simm.s32 $0x0;
	s25 =	simm.s32 $0x200  }
0x25: {  	[tilespmem:s2], [sflag:$0x1] =	stream.linear.gather [hbm4b:s5+s2], $0x6400, $0x38;
	[tilespmem:$0x12B80] =	vst v63  }
.LBB2_2:
0x26: {  	p1 =	sne.s32 s25, $0x7E00;
	[tilespmem:s24+$0x10B80] =	vst v0  }
0x27: {  	[tilespmem:s24+$0xCB80] =	vst v0  }
0x28: {  	[tilespmem:s24+$0xEB80] =	vst v0  }
0x29: {  	[tilespmem:s24+$0xCB90] =	vst v0  }
0x2a: {  	[tilespmem:s24+$0xEB90] =	vst v0  }
0x2b: {  	[tilespmem:s24+$0xCBA0] =	vst v0  }
0x2c: {  	[tilespmem:s24+$0xEBA0] =	vst v0  }
0x2d: {  	[tilespmem:s24+$0xCBB0] =	vst v0  }
0x2e: {  	[tilespmem:s24+$0xEBB0] =	vst v0  }
0x2f: {  	[tilespmem:s24+$0xCBC0] =	vst v0  }
0x30: {  	[tilespmem:s24+$0xEBC0] =	vst v0  }
0x31: {  	[tilespmem:s24+$0xCBD0] =	vst v0  }
.Ltmp2:
0x32: {  	[tilespmem:s24+$0xEBD0] =	vst v0;
	(pc) =	sbr.rel @p1 .LBB2_2-.Ltmp2, $4  }
0x33: {  	[tilespmem:s24+$0xCBE0] =	vst v0  }
0x34: {  	[tilespmem:s24+$0xEBE0] =	vst v0  }
0x35: {  	[tilespmem:s24+$0xCBF0] =	vst v0  }
0x36: {  	[tilespmem:s24+$0xEBF0] =	vst v0;
	s24 =	sshra.s32 s25, $0x2;
	s25 =	sadd.s32 $0x200, s25  }
0x37: {  	[tilespmem:s24+$0x10B80] =	vst v0  }
0x38: {  	[tilespmem:s24+$0xCB80] =	vst v0  }
0x39: {  	[tilespmem:s24+$0xEB80] =	vst v0  }
0x3a: {  	[tilespmem:s24+$0xCB90] =	vst v0  }
0x3b: {  	[tilespmem:s24+$0xEB90] =	vst v0  }
0x3c: {  	[tilespmem:s24+$0xCBA0] =	vst v0  }
0x3d: {  	[tilespmem:s24+$0xEBA0] =	vst v0  }
0x3e: {  	[tilespmem:s24+$0xCBB0] =	vst v0  }
0x3f: {  	[tilespmem:s24+$0xEBB0] =	vst v0  }
0x40: {  	[tilespmem:s24+$0xCBC0] =	vst v0  }
0x41: {  	[tilespmem:s24+$0xEBC0] =	vst v0  }
0x42: {  	[tilespmem:s24+$0xCBD0] =	vst v0  }
0x43: {  	[tilespmem:s24+$0xEBD0] =	vst v0  }
0x44: {  	[tilespmem:s24+$0xCBE0] =	vst v0  }
0x45: {  	[tilespmem:s24+$0xEBE0] =	vst v0  }
0x46: {  	[tilespmem:s24+$0xCBF0] =	vst v0  }
0x47: {  	[tilespmem:s24+$0xEBF0] =	vst v0  }
0x48: {  	_ =	swait.ge [sflag:s15], $0x320  }
0x49: {  	[sflag:s15] =	ssyncset.done $0x0  }
0x4a: {  	[sflag:s15] =	ssyncadd.s32 $0xFFFFFCE0  }
0x4b: {  	_ =	swait.ge [sflag:s16], $0x6400  }
0x4c: {  	[sflag:s16] =	ssyncset.done $0x0  }
0x4d: {  	s31 =	simm.s32 $0x0;
	[sflag:s16] =	ssyncadd.s32 $0xFFFF9C00  }
0x4e: {  	[tilespmem:s17], [sflag:$0x2] =	stream.linear.gather [hbm4b:s6+s31], $0x6400, $0x38;
	[tilespmem:$0x12B80] =	vst v63  }
0x4f: {  	v7 =	vld [tilespmem:s3+$0xC800]  }
0x50: {  	v8 =	vld [tilespmem:s3+$0xC8B8];
	_ =	sdelay $0x3  }
0x51: {  	(v2sf) =	vpush v7, $0x0  }
0x52: {  	(v2sf) =	vpush v8, $0xF;
	_ =	sdelay $0xd  }
0x53: {  	s24 =	spop (v2sf)  }
0x54: {  	s25 =	spop (v2sf)  }
0x55: {  	p1 =	sne.s32 s24, s25  }
.Ltmp3:
0x56: {  	_ = 	snop;
	(pc) =	sbr.rel @p1 .LBB2_7-.Ltmp3, $2  }
0x57: {  	_ =	sdelay $0x2  }
0x58: {  	s25 =	simm.s32 $0x40  }
0x59: {  	s26 =	simm.s32 $0x100  }
0x5a: {  	v8 =	vld [tilespmem:s26+$0xFFFFFF00]  }
0x5b: {  	v9 =	vld [tilespmem:s26+$0xFFFFFF10]  }
0x5c: {  	v10 =	vld [tilespmem:s26+$0xFFFFFF80]  }
0x5d: {  	v11 =	vld [tilespmem:s26+$0xFFFFFF90]  }
0x5e: {  	v12 =	vld [tilespmem:s26+$0x0]  }
0x5f: {  	v7 =	vimm.f32 $0.0e+00;
	v14 =	vld [tilespmem:s26+$0x10];
	v13 =	vmul.f32 v8, v8  }
0x60: {  	v16 =	vld [tilespmem:s26+$0x80];
	v15 =	vmul.f32 v9, v9;
	v8 =	vadd.f32 v8, v7  }
0x61: {  	v18 =	vld [tilespmem:s26+$0x90];
	v17 =	vmul.f32 v10, v10;
	v9 =	vadd.f32 v9, v7;
	v13 =	vadd.f32 v13, v7  }
0x62: {  	v19 =	vld [tilespmem:s26+$0xFFFFFF20];
	v20 =	vmul.f32 v11, v11;
	v15 =	vadd.f32 v15, v7;
	v8 =	vadd.f32 v10, v8  }
0x63: {  	v21 =	vld [tilespmem:s26+$0xFFFFFF30];
	v9 =	vadd.f32 v11, v9;
	v10 =	vadd.f32 v17, v13;
	v13 =	vmul.f32 v12, v12  }
0x64: {  	v11 =	vadd.f32 v20, v15;
	v15 =	vld [tilespmem:s26+$0xFFFFFFA0];
	v17 =	vmul.f32 v14, v14;
	v8 =	vadd.f32 v12, v8  }
0x65: {  	v12 =	vld [tilespmem:s26+$0xFFFFFFB0];
	v9 =	vadd.f32 v14, v9;
	v10 =	vadd.f32 v13, v10;
	v13 =	vmul.f32 v16, v16  }
0x66: {  	v14 =	vld [tilespmem:s26+$0x20];
	v11 =	vadd.f32 v17, v11;
	v17 =	vmul.f32 v18, v18;
	v8 =	vadd.f32 v16, v8  }
0x67: {  	v20 =	vld [tilespmem:s26+$0x30];
	v16 =	vmul.f32 v19, v19;
	v9 =	vadd.f32 v18, v9;
	v18 =	vadd.f32 v19, v7  }
0x68: {  	v10 =	vadd.f32 v13, v10;
	v13 =	vmul.f32 v21, v21;
	v11 =	vadd.f32 v17, v11;
	v17 =	vld [tilespmem:s26+$0xA0]  }
0x69: {  	v22 =	vld [tilespmem:s26+$0xB0];
	v16 =	vadd.f32 v16, v7;
	v21 =	vadd.f32 v21, v7;
	v19 =	vmul.f32 v15, v15  }
0x6a: {  	v23 =	vld [tilespmem:s26+$0xFFFFFF40];
	v24 =	vmul.f32 v12, v12;
	v15 =	vadd.f32 v15, v18;
	v13 =	vadd.f32 v13, v7  }
0x6b: {  	v18 =	vld [tilespmem:s26+$0xFFFFFF50];
	v12 =	vadd.f32 v12, v21;
	v16 =	vadd.f32 v19, v16;
	v19 =	vmul.f32 v14, v14  }
0x6c: {  	v21 =	vld [tilespmem:s26+$0xFFFFFFC0];
	v14 =	vadd.f32 v14, v15;
	v13 =	vadd.f32 v24, v13;
	v24 =	vmul.f32 v20, v20  }
0x6d: {  	v25 =	vld [tilespmem:s26+$0xFFFFFFD0];
	v12 =	vadd.f32 v20, v12;
	v15 =	vadd.f32 v19, v16;
	v16 =	vmul.f32 v17, v17  }
0x6e: {  	v20 =	vld [tilespmem:s26+$0x40];
	v14 =	vadd.f32 v17, v14;
	v19 =	vadd.f32 v24, v13;
	v24 =	vmul.f32 v22, v22  }
0x6f: {  	v27 =	vld [tilespmem:s26+$0x50];
	v17 =	vmul.f32 v23, v23;
	v13 =	vadd.f32 v22, v12;
	v22 =	vadd.f32 v23, v7  }
0x70: {  	v15 =	vadd.f32 v16, v15;
	v16 =	vmul.f32 v18, v18;
	v12 =	vadd.f32 v24, v19;
	v19 =	vld [tilespmem:s26+$0xC0]  }
0x71: {  	v28 =	vld [tilespmem:s26+$0xD0];
	v17 =	vadd.f32 v17, v7;
	v18 =	vadd.f32 v18, v7;
	v24 =	vmul.f32 v21, v21  }
0x72: {  	v31 =	vld [tilespmem:s26+$0xFFFFFF60];
	v26 =	vmul.f32 v25, v25;
	v21 =	vadd.f32 v21, v22;
	v16 =	vadd.f32 v16, v7  }
0x73: {  	v23 =	vld [tilespmem:s26+$0xFFFFFF70];
	v22 =	vmul.f32 v20, v20;
	v18 =	vadd.f32 v25, v18;
	v17 =	vadd.f32 v24, v17  }
0x74: {  	v25 =	vmul.f32 v27, v27;
	v20 =	vadd.f32 v20, v21;
	v16 =	vadd.f32 v26, v16;
	v26 =	vld [tilespmem:s26+$0xFFFFFFE0]  }
0x75: {  	v24 =	vld [tilespmem:s26+$0xFFFFFFF0];
	v17 =	vadd.f32 v22, v17;
	v22 =	vadd.f32 v27, v18;
	v21 =	vmul.f32 v19, v19  }
0x76: {  	v29 =	vmul.f32 v28, v28;
	v27 =	vld [tilespmem:s26+$0x60];
	v16 =	vadd.f32 v25, v16;
	v19 =	vadd.f32 v19, v20  }
0x77: {  	v20 =	vmul.f32 v31, v31;
	v25 =	vld [tilespmem:s26+$0x70];
	v18 =	vadd.f32 v21, v17;
	v17 =	vadd.f32 v28, v22  }
0x78: {  	v30 =	vmul.f32 v23, v23;
	v16 =	vadd.f32 v29, v16;
	v29 =	vld [tilespmem:s26+$0xE0];
	v21 =	vadd.f32 v31, v7  }
0x79: {  	s25 =	simm.s32 $0x0;
	v22 =	vadd.f32 v20, v7;
	v28 =	vld [tilespmem:s26+$0xF0];
	s26 =	simm.s32 $0x300;
	v20 =	vimm.f32 $0.0e+00;
	v31 =	vmul.f32 v26, v26  }
.LBB2_5:
0x7a: {  	v32 =	vld [tilespmem:s26+$0xFFFFFF00];
	v7 =	vadd.f32 v23, v7;
	v20 =	vadd.f32 v30, v20;
	v23 =	vmul.f32 v24, v24  }
0x7b: {  	v30 =	vld [tilespmem:s26+$0xFFFFFF10];
	v21 =	vadd.f32 v26, v21;
	v22 =	vadd.f32 v31, v22;
	v26 =	vmul.f32 v27, v27  }
0x7c: {  	v31 =	vld [tilespmem:s26+$0xFFFFFF80];
	v7 =	vadd.f32 v24, v7;
	v20 =	vadd.f32 v23, v20;
	v23 =	vmul.f32 v25, v25  }
0x7d: {  	v24 =	vld [tilespmem:s26+$0xFFFFFF90];
	v21 =	vadd.f32 v27, v21;
	v22 =	vadd.f32 v26, v22;
	v26 =	vmul.f32 v29, v29  }
0x7e: {  	v27 =	vld [tilespmem:s26+$0x0];
	v7 =	vadd.f32 v25, v7;
	v20 =	vadd.f32 v23, v20;
	v23 =	vmul.f32 v28, v28  }
0x7f: {  	v25 =	vmul.f32 v32, v32;
	v33 =	vld [tilespmem:s26+$0x10];
	v21 =	vadd.f32 v29, v21;
	v22 =	vadd.f32 v26, v22  }
0x80: {  	v26 =	vmul.f32 v30, v30;
	v29 =	vld [tilespmem:s26+$0x80];
	v7 =	vadd.f32 v28, v7;
	v20 =	vadd.f32 v23, v20  }
0x81: {  	v8 =	vadd.f32 v32, v8;
	v10 =	vadd.f32 v25, v10;
	v23 =	vmul.f32 v31, v31;
	v25 =	vld [tilespmem:s26+$0x90]  }
0x82: {  	v9 =	vadd.f32 v30, v9;
	v11 =	vadd.f32 v26, v11;
	v26 =	vld [tilespmem:s26+$0xFFFFFF20];
	v28 =	vmul.f32 v24, v24  }
0x83: {  	v8 =	vadd.f32 v31, v8;
	v30 =	vld [tilespmem:s26+$0xFFFFFF30];
	v10 =	vadd.f32 v23, v10;
	v23 =	vmul.f32 v27, v27  }
0x84: {  	v9 =	vadd.f32 v24, v9;
	v11 =	vadd.f32 v28, v11;
	v24 =	vld [tilespmem:s26+$0xFFFFFFA0];
	v28 =	vmul.f32 v33, v33  }
0x85: {  	v8 =	vadd.f32 v27, v8;
	v31 =	vld [tilespmem:s26+$0xFFFFFFB0];
	v10 =	vadd.f32 v23, v10;
	v23 =	vmul.f32 v29, v29  }
0x86: {  	v9 =	vadd.f32 v33, v9;
	v11 =	vadd.f32 v28, v11;
	v27 =	vld [tilespmem:s26+$0x20];
	v28 =	vmul.f32 v25, v25  }
0x87: {  	v8 =	vadd.f32 v29, v8;
	v32 =	vmul.f32 v26, v26;
	v33 =	vld [tilespmem:s26+$0x30];
	v10 =	vadd.f32 v23, v10  }
0x88: {  	v9 =	vadd.f32 v25, v9;
	v23 =	vmul.f32 v30, v30;
	v11 =	vadd.f32 v28, v11;
	v25 =	vld [tilespmem:s26+$0xA0]  }
0x89: {  	v14 =	vadd.f32 v26, v14;
	v15 =	vadd.f32 v32, v15;
	v26 =	vmul.f32 v24, v24;
	v28 =	vld [tilespmem:s26+$0xB0]  }
0x8a: {  	v13 =	vadd.f32 v30, v13;
	v12 =	vadd.f32 v23, v12;
	v23 =	vld [tilespmem:s26+$0xFFFFFF40];
	v29 =	vmul.f32 v31, v31  }
0x8b: {  	v14 =	vadd.f32 v24, v14;
	v30 =	vld [tilespmem:s26+$0xFFFFFF50];
	v15 =	vadd.f32 v26, v15;
	v24 =	vmul.f32 v27, v27  }
0x8c: {  	v13 =	vadd.f32 v31, v13;
	v12 =	vadd.f32 v29, v12;
	v26 =	vld [tilespmem:s26+$0xFFFFFFC0];
	v29 =	vmul.f32 v33, v33  }
0x8d: {  	v14 =	vadd.f32 v27, v14;
	v31 =	vld [tilespmem:s26+$0xFFFFFFD0];
	v15 =	vadd.f32 v24, v15;
	v24 =	vmul.f32 v25, v25  }
0x8e: {  	v13 =	vadd.f32 v33, v13;
	v12 =	vadd.f32 v29, v12;
	v27 =	vld [tilespmem:s26+$0x40];
	v29 =	vmul.f32 v28, v28  }
0x8f: {  	v14 =	vadd.f32 v25, v14;
	v32 =	vmul.f32 v23, v23;
	v33 =	vld [tilespmem:s26+$0x50];
	v15 =	vadd.f32 v24, v15  }
0x90: {  	v13 =	vadd.f32 v28, v13;
	v24 =	vmul.f32 v30, v30;
	v12 =	vadd.f32 v29, v12;
	v28 =	vld [tilespmem:s26+$0xC0]  }
0x91: {  	v19 =	vadd.f32 v23, v19;
	v18 =	vadd.f32 v32, v18;
	v25 =	vmul.f32 v26, v26;
	v29 =	vld [tilespmem:s26+$0xD0]  }
0x92: {  	v17 =	vadd.f32 v30, v17;
	v16 =	vadd.f32 v24, v16;
	v32 =	vld [tilespmem:s26+$0xFFFFFF60];
	v24 =	vmul.f32 v31, v31  }
0x93: {  	s25 =	sadd.s32 $0x4, s25;
	v19 =	vadd.f32 v26, v19;
	v23 =	vld [tilespmem:s26+$0xFFFFFF70];
	v18 =	vadd.f32 v25, v18;
	v25 =	vmul.f32 v27, v27  }
0x94: {  	p1 =	slt.u32 s25, $0xC4;
	v17 =	vadd.f32 v31, v17;
	v16 =	vadd.f32 v24, v16;
	v26 =	vld [tilespmem:s26+$0xFFFFFFE0];
	v30 =	vmul.f32 v33, v33  }
.Ltmp4:
0x95: {  	v19 =	vadd.f32 v27, v19;
	v24 =	vld [tilespmem:s26+$0xFFFFFFF0];
	v18 =	vadd.f32 v25, v18;
	v31 =	vmul.f32 v28, v28;
	(pc) =	sbr.rel @p1 .LBB2_5-.Ltmp4, $4  }
0x96: {  	v17 =	vadd.f32 v33, v17;
	v16 =	vadd.f32 v30, v16;
	v27 =	vld [tilespmem:s26+$0x60];
	v33 =	vmul.f32 v29, v29  }
0x97: {  	v19 =	vadd.f32 v28, v19;
	v34 =	vmul.f32 v32, v32;
	v25 =	vld [tilespmem:s26+$0x70];
	v18 =	vadd.f32 v31, v18  }
0x98: {  	v17 =	vadd.f32 v29, v17;
	v30 =	vmul.f32 v23, v23;
	v16 =	vadd.f32 v33, v16;
	v29 =	vld [tilespmem:s26+$0xE0]  }
0x99: {  	v21 =	vadd.f32 v32, v21;
	v22 =	vadd.f32 v34, v22;
	v31 =	vmul.f32 v26, v26;
	v28 =	vld [tilespmem:s26+$0xF0];
	s26 =	sadd.s32 $0x200, s26  }
0x9a: {  	s24 =	sshll.u32 s24, $0x7  }
0x9b: {  	[tilespmem:s24+$0xCB80] =	vst.add.f32.msk $0xffff, v8  }
0x9c: {  	[tilespmem:s24+$0xEB80] =	vst.add.f32.msk $0xffff, v10  }
0x9d: {  	[tilespmem:s24+$0xCB90] =	vst.add.f32.msk $0xffff, v9  }
0x9e: {  	[tilespmem:s24+$0xEB90] =	vst.add.f32.msk $0xffff, v11  }
0x9f: {  	[tilespmem:s24+$0xCBA0] =	vst.add.f32.msk $0xffff, v14  }
0xa0: {  	[tilespmem:s24+$0xEBA0] =	vst.add.f32.msk $0xffff, v15  }
0xa1: {  	[tilespmem:s24+$0xCBB0] =	vst.add.f32.msk $0xffff, v13  }
0xa2: {  	v7 =	vadd.f32 v23, v7;
	v56 =	vmul.f32 v24, v24;
	v57 =	vadd.f32 v26, v21;
	[tilespmem:s24+$0xEBB0] =	vst.add.f32.msk $0xffff, v12  }
0xa3: {  	v8 =	vadd.f32 v30, v20;
	v58 =	vadd.f32 v31, v22;
	v59 =	vmul.f32 v27, v27;
	[tilespmem:s24+$0xCBC0] =	vst.add.f32.msk $0xffff, v19  }
0xa4: {  	[tilespmem:s24+$0xEBC0] =	vst.add.f32.msk $0xffff, v18;
	v7 =	vadd.f32 v24, v7;
	v61 =	vmul.f32 v25, v25;
	v60 =	vadd.f32 v27, v57  }
0xa5: {  	[tilespmem:s24+$0xCBD0] =	vst.add.f32.msk $0xffff, v17;
	v8 =	vadd.f32 v56, v8;
	v11 =	vadd.f32 v59, v58;
	v62 =	vmul.f32 v29, v29  }
0xa6: {  	[tilespmem:s24+$0xEBD0] =	vst.add.f32.msk $0xffff, v16;
	v7 =	vadd.f32 v25, v7;
	v9 =	vadd.f32 v29, v60  }
.Ltmp5:
0xa7: {  	[tilespmem:s24+$0x10B80] =	vst.add.f32.msk $0xffff, v1;
	v63 =	vmul.f32 v28, v28;
	v8 =	vadd.f32 v61, v8;
	v11 =	vadd.f32 v62, v11;
	(pc) =	sbr.rel .LBB2_10-.Ltmp5, $4  }
0xa8: {  	v7 =	vadd.f32 v28, v7;
	[tilespmem:s24+$0xCBE0] =	vst.add.f32.msk $0xffff, v9  }
0xa9: {  	v8 =	vadd.f32 v63, v8;
	[tilespmem:s24+$0xEBE0] =	vst.add.f32.msk $0xffff, v11  }
0xaa: {  	[tilespmem:s24+$0xCBF0] =	vst.add.f32.msk $0xffff, v7  }
0xab: {  	[tilespmem:s24+$0xEBF0] =	vst.add.f32.msk $0xffff, v8  }
.LBB2_7:
0xac: {  	_ =	sdelay $0x2  }
0xad: {  	s24 =	simm.s32 $0x0  }
0xae: {  	v7 =	vld.idx.msk [tilespmem:v3+s24+$0x0 ss:$0x1], $0xffff;
	_ =	sdelay $0x4  }
0xaf: {  	(v2sf) =	vpush v7, $0x0;
	_ =	sdelay $0xa  }
0xb0: {  	v7 =	vld [tilespmem:s25+$0xFFFFFFC0];
	_ =	sdelay $0x3  }
0xb1: {  	s31 =	spop (v2sf)  }
0xb2: {  	v8 =	vmul.f32 v7, v7;
	s24 =	sshll.u32 s31, $0x7  }
0xb3: {  	[tilespmem:s24+$0xCB80] =	vst.add.f32.msk $0xffff, v7  }
0xb4: {  	[tilespmem:s24+$0xEB80] =	vst.add.f32.msk $0xffff, v8  }
0xb5: {  	v7 =	vld [tilespmem:s25+$0xFFFFFFD0];
	_ =	sdelay $0x4  }
0xb6: {  	v8 =	vmul.f32 v7, v7  }
0xb7: {  	[tilespmem:s24+$0xCB90] =	vst.add.f32.msk $0xffff, v7  }
0xb8: {  	[tilespmem:s24+$0xEB90] =	vst.add.f32.msk $0xffff, v8  }
0xb9: {  	v7 =	vld [tilespmem:s25+$0xFFFFFFE0];
	_ =	sdelay $0x4  }
0xba: {  	v8 =	vmul.f32 v7, v7  }
0xbb: {  	[tilespmem:s24+$0xCBA0] =	vst.add.f32.msk $0xffff, v7  }
0xbc: {  	[tilespmem:s24+$0xEBA0] =	vst.add.f32.msk $0xffff, v8  }
0xbd: {  	v7 =	vld [tilespmem:s25+$0xFFFFFFF0];
	_ =	sdelay $0x4  }
0xbe: {  	v8 =	vmul.f32 v7, v7  }
0xbf: {  	[tilespmem:s24+$0xCBB0] =	vst.add.f32.msk $0xffff, v7  }
0xc0: {  	[tilespmem:s24+$0xEBB0] =	vst.add.f32.msk $0xffff, v8  }
0xc1: {  	v7 =	vld [tilespmem:s25+$0x0];
	_ =	sdelay $0x4  }
0xc2: {  	v8 =	vmul.f32 v7, v7  }
0xc3: {  	[tilespmem:s24+$0xCBC0] =	vst.add.f32.msk $0xffff, v7  }
0xc4: {  	[tilespmem:s24+$0xEBC0] =	vst.add.f32.msk $0xffff, v8  }
0xc5: {  	v7 =	vld [tilespmem:s25+$0x10];
	_ =	sdelay $0x4  }
0xc6: {  	v8 =	vmul.f32 v7, v7  }
0xc7: {  	[tilespmem:s24+$0xCBD0] =	vst.add.f32.msk $0xffff, v7  }
0xc8: {  	[tilespmem:s24+$0xEBD0] =	vst.add.f32.msk $0xffff, v8  }
0xc9: {  	v7 =	vld [tilespmem:s25+$0x20];
	_ =	sdelay $0x4  }
0xca: {  	v8 =	vmul.f32 v7, v7  }
0xcb: {  	[tilespmem:s24+$0xCBE0] =	vst.add.f32.msk $0xffff, v7  }
0xcc: {  	[tilespmem:s24+$0xEBE0] =	vst.add.f32.msk $0xffff, v8  }
0xcd: {  	v7 =	vld [tilespmem:s25+$0x30];
	_ =	sdelay $0x3  }
0xce: {  	[tilespmem:s24+$0x10B80] =	vst.add.f32.msk $0xffff, v2  }
0xcf: {  	s26 =	simm.s32 $0x4;
	[tilespmem:s24+$0xCBF0] =	vst.add.f32.msk $0xffff, v7;
	v7 =	vmul.f32 v7, v7  }
.LBB2_8:
0xd0: {  	p1 =	sne.s32 s26, $0x31C  }
0xd1: {  	s25 =	sadd.s32 $0x80, s25;
	s28 =	smov.u32 s26;
	s26 =	sadd.s32 $0x4, s26  }
0xd2: {  	s28 =	sshra.s32 s28, $0x2;
	[tilespmem:s24+$0xEBF0] =	vst.add.f32.msk $0xffff, v7  }
0xd3: {  	v7 =	vld.idx.msk [tilespmem:v3+s28+$0x0 ss:$0x1], $0xffff;
	_ =	sdelay $0x5  }
0xd4: {  	(v2sf) =	vpush v7, $0x0;
	_ =	sdelay $0x9  }
0xd5: {  	v7 =	vld [tilespmem:s25+$0xFFFFFFC0];
	_ =	sdelay $0x4  }
0xd6: {  	v8 =	vmul.f32 v7, v7;
	s24 =	spop (v2sf)  }
0xd7: {  	s24 =	sshll.u32 s24, $0x7  }
0xd8: {  	[tilespmem:s24+$0xCB80] =	vst.add.f32.msk $0xffff, v7  }
0xd9: {  	[tilespmem:s24+$0xEB80] =	vst.add.f32.msk $0xffff, v8  }
0xda: {  	v7 =	vld [tilespmem:s25+$0xFFFFFFD0];
	_ =	sdelay $0x4  }
0xdb: {  	v8 =	vmul.f32 v7, v7  }
0xdc: {  	[tilespmem:s24+$0xCB90] =	vst.add.f32.msk $0xffff, v7  }
0xdd: {  	[tilespmem:s24+$0xEB90] =	vst.add.f32.msk $0xffff, v8  }
0xde: {  	v7 =	vld [tilespmem:s25+$0xFFFFFFE0];
	_ =	sdelay $0x4  }
0xdf: {  	v8 =	vmul.f32 v7, v7  }
0xe0: {  	[tilespmem:s24+$0xCBA0] =	vst.add.f32.msk $0xffff, v7  }
0xe1: {  	[tilespmem:s24+$0xEBA0] =	vst.add.f32.msk $0xffff, v8  }
0xe2: {  	v7 =	vld [tilespmem:s25+$0xFFFFFFF0];
	_ =	sdelay $0x4  }
0xe3: {  	[tilespmem:s24+$0xCBB0] =	vst.add.f32.msk $0xffff, v7;
	v7 =	vmul.f32 v7, v7;
	_ =	sdelay $0x1  }
0xe4: {  	[tilespmem:s24+$0xEBB0] =	vst.add.f32.msk $0xffff, v7  }
0xe5: {  	v7 =	vld [tilespmem:s25+$0x0];
	_ =	sdelay $0x4  }
0xe6: {  	[tilespmem:s24+$0xCBC0] =	vst.add.f32.msk $0xffff, v7;
	v7 =	vmul.f32 v7, v7;
	_ =	sdelay $0x1  }
0xe7: {  	[tilespmem:s24+$0xEBC0] =	vst.add.f32.msk $0xffff, v7  }
0xe8: {  	v7 =	vld [tilespmem:s25+$0x10];
	_ =	sdelay $0x4  }
0xe9: {  	[tilespmem:s24+$0xCBD0] =	vst.add.f32.msk $0xffff, v7;
	v7 =	vmul.f32 v7, v7;
	_ =	sdelay $0x1  }
0xea: {  	[tilespmem:s24+$0xEBD0] =	vst.add.f32.msk $0xffff, v7  }
0xeb: {  	v7 =	vld [tilespmem:s25+$0x20];
	_ =	sdelay $0x4  }
0xec: {  	[tilespmem:s24+$0xCBE0] =	vst.add.f32.msk $0xffff, v7;
	v7 =	vmul.f32 v7, v7;
	_ =	sdelay $0x1  }
0xed: {  	[tilespmem:s24+$0xEBE0] =	vst.add.f32.msk $0xffff, v7  }
0xee: {  	v7 =	vld [tilespmem:s25+$0x30]  }
.Ltmp6:
0xef: {  	[tilespmem:s24+$0x10B80] =	vst.add.f32.msk $0xffff, v2;
	(pc) =	sbr.rel @p1 .LBB2_8-.Ltmp6, $2  }
0xf0: {  	_ =	sdelay $0x2  }
0xf1: {  	[tilespmem:s24+$0xCBF0] =	vst.add.f32.msk $0xffff, v7;
	v7 =	vmul.f32 v7, v7  }
0xf2: {  	_ = 	snop  }
0xf3: {  	[tilespmem:s24+$0xEBF0] =	vst.add.f32.msk $0xffff, v7  }
.LBB2_10:
0xf4: {  	_ =	swait.ge [sflag:s18], $0x6400  }
0xf5: {  	[sflag:s18] =	ssyncset.done $0x0  }
0xf6: {  	s24 =	simm.s32 $0x0;
	[sflag:s18] =	ssyncadd.s32 $0xFFFF9C00  }
0xf7: {  	[tilespmem:s24], [sflag:$0x1] =	stream.linear.gather [hbm4b:s7+s24], $0x6400, $0x38;
	[tilespmem:$0x12B80] =	vst v63  }
0xf8: {  	v7 =	vld [tilespmem:s3+$0xC8C8]  }
0xf9: {  	v8 =	vld [tilespmem:s8+$0xC980];
	_ =	sdelay $0x3  }
0xfa: {  	(v2sf) =	vpush v7, $0x0  }
0xfb: {  	(v2sf) =	vpush v8, $0xF;
	_ =	sdelay $0xd  }
0xfc: {  	s24 =	spop (v2sf)  }
0xfd: {  	s25 =	spop (v2sf)  }
0xfe: {  	p1 =	sne.s32 s24, s25  }
.Ltmp7:
0xff: {  	_ = 	snop;
	(pc) =	sbr.rel @p1 .LBB2_14-.Ltmp7, $2  }
0x100: {  	_ =	sdelay $0x2  }
0x101: {  	s25 =	simm.s32 $0x6440  }
0x102: {  	s26 =	simm.s32 $0x6500  }
0x103: {  	v8 =	vld [tilespmem:s26+$0xFFFFFF00]  }
0x104: {  	v9 =	vld [tilespmem:s26+$0xFFFFFF10]  }
0x105: {  	v10 =	vld [tilespmem:s26+$0xFFFFFF80]  }
0x106: {  	v11 =	vld [tilespmem:s26+$0xFFFFFF90]  }
0x107: {  	v12 =	vld [tilespmem:s26+$0x0]  }
0x108: {  	v7 =	vimm.f32 $0.0e+00;
	v14 =	vld [tilespmem:s26+$0x10];
	v13 =	vmul.f32 v8, v8  }
0x109: {  	v16 =	vld [tilespmem:s26+$0x80];
	v15 =	vmul.f32 v9, v9;
	v8 =	vadd.f32 v8, v7  }
0x10a: {  	v18 =	vld [tilespmem:s26+$0x90];
	v17 =	vmul.f32 v10, v10;
	v9 =	vadd.f32 v9, v7;
	v13 =	vadd.f32 v13, v7  }
0x10b: {  	v19 =	vld [tilespmem:s26+$0xFFFFFF20];
	v20 =	vmul.f32 v11, v11;
	v15 =	vadd.f32 v15, v7;
	v8 =	vadd.f32 v10, v8  }
0x10c: {  	v21 =	vld [tilespmem:s26+$0xFFFFFF30];
	v9 =	vadd.f32 v11, v9;
	v10 =	vadd.f32 v17, v13;
	v13 =	vmul.f32 v12, v12  }
0x10d: {  	v11 =	vadd.f32 v20, v15;
	v15 =	vld [tilespmem:s26+$0xFFFFFFA0];
	v17 =	vmul.f32 v14, v14;
	v8 =	vadd.f32 v12, v8  }
0x10e: {  	v12 =	vld [tilespmem:s26+$0xFFFFFFB0];
	v9 =	vadd.f32 v14, v9;
	v10 =	vadd.f32 v13, v10;
	v13 =	vmul.f32 v16, v16  }
0x10f: {  	v14 =	vld [tilespmem:s26+$0x20];
	v11 =	vadd.f32 v17, v11;
	v17 =	vmul.f32 v18, v18;
	v8 =	vadd.f32 v16, v8  }
0x110: {  	v20 =	vld [tilespmem:s26+$0x30];
	v16 =	vmul.f32 v19, v19;
	v9 =	vadd.f32 v18, v9;
	v18 =	vadd.f32 v19, v7  }
0x111: {  	v10 =	vadd.f32 v13, v10;
	v13 =	vmul.f32 v21, v21;
	v11 =	vadd.f32 v17, v11;
	v17 =	vld [tilespmem:s26+$0xA0]  }
0x112: {  	v22 =	vld [tilespmem:s26+$0xB0];
	v16 =	vadd.f32 v16, v7;
	v21 =	vadd.f32 v21, v7;
	v19 =	vmul.f32 v15, v15  }
0x113: {  	v23 =	vld [tilespmem:s26+$0xFFFFFF40];
	v24 =	vmul.f32 v12, v12;
	v15 =	vadd.f32 v15, v18;
	v13 =	vadd.f32 v13, v7  }
0x114: {  	v18 =	vld [tilespmem:s26+$0xFFFFFF50];
	v12 =	vadd.f32 v12, v21;
	v16 =	vadd.f32 v19, v16;
	v19 =	vmul.f32 v14, v14  }
0x115: {  	v21 =	vld [tilespmem:s26+$0xFFFFFFC0];
	v14 =	vadd.f32 v14, v15;
	v13 =	vadd.f32 v24, v13;
	v24 =	vmul.f32 v20, v20  }
0x116: {  	v25 =	vld [tilespmem:s26+$0xFFFFFFD0];
	v12 =	vadd.f32 v20, v12;
	v15 =	vadd.f32 v19, v16;
	v16 =	vmul.f32 v17, v17  }
0x117: {  	v20 =	vld [tilespmem:s26+$0x40];
	v14 =	vadd.f32 v17, v14;
	v19 =	vadd.f32 v24, v13;
	v24 =	vmul.f32 v22, v22  }
0x118: {  	v27 =	vld [tilespmem:s26+$0x50];
	v17 =	vmul.f32 v23, v23;
	v13 =	vadd.f32 v22, v12;
	v22 =	vadd.f32 v23, v7  }
0x119: {  	v15 =	vadd.f32 v16, v15;
	v16 =	vmul.f32 v18, v18;
	v12 =	vadd.f32 v24, v19;
	v19 =	vld [tilespmem:s26+$0xC0]  }
0x11a: {  	v28 =	vld [tilespmem:s26+$0xD0];
	v17 =	vadd.f32 v17, v7;
	v18 =	vadd.f32 v18, v7;
	v24 =	vmul.f32 v21, v21  }
0x11b: {  	v31 =	vld [tilespmem:s26+$0xFFFFFF60];
	v26 =	vmul.f32 v25, v25;
	v21 =	vadd.f32 v21, v22;
	v16 =	vadd.f32 v16, v7  }
0x11c: {  	v23 =	vld [tilespmem:s26+$0xFFFFFF70];
	v22 =	vmul.f32 v20, v20;
	v18 =	vadd.f32 v25, v18;
	v17 =	vadd.f32 v24, v17  }
0x11d: {  	v25 =	vmul.f32 v27, v27;
	v20 =	vadd.f32 v20, v21;
	v16 =	vadd.f32 v26, v16;
	v26 =	vld [tilespmem:s26+$0xFFFFFFE0]  }
0x11e: {  	v24 =	vld [tilespmem:s26+$0xFFFFFFF0];
	v17 =	vadd.f32 v22, v17;
	v22 =	vadd.f32 v27, v18;
	v21 =	vmul.f32 v19, v19  }
0x11f: {  	v29 =	vmul.f32 v28, v28;
	v27 =	vld [tilespmem:s26+$0x60];
	v16 =	vadd.f32 v25, v16;
	v19 =	vadd.f32 v19, v20  }
0x120: {  	v20 =	vmul.f32 v31, v31;
	v25 =	vld [tilespmem:s26+$0x70];
	v18 =	vadd.f32 v21, v17;
	v17 =	vadd.f32 v28, v22  }
0x121: {  	v30 =	vmul.f32 v23, v23;
	v16 =	vadd.f32 v29, v16;
	v29 =	vld [tilespmem:s26+$0xE0];
	v21 =	vadd.f32 v31, v7  }
0x122: {  	s25 =	simm.s32 $0x0;
	v22 =	vadd.f32 v20, v7;
	v28 =	vld [tilespmem:s26+$0xF0];
	s26 =	simm.s32 $0x6700;
	v20 =	vimm.f32 $0.0e+00;
	v31 =	vmul.f32 v26, v26  }
.LBB2_12:
0x123: {  	v32 =	vld [tilespmem:s26+$0xFFFFFF00];
	v7 =	vadd.f32 v23, v7;
	v20 =	vadd.f32 v30, v20;
	v23 =	vmul.f32 v24, v24  }
0x124: {  	v30 =	vld [tilespmem:s26+$0xFFFFFF10];
	v21 =	vadd.f32 v26, v21;
	v22 =	vadd.f32 v31, v22;
	v26 =	vmul.f32 v27, v27  }
0x125: {  	v31 =	vld [tilespmem:s26+$0xFFFFFF80];
	v7 =	vadd.f32 v24, v7;
	v20 =	vadd.f32 v23, v20;
	v23 =	vmul.f32 v25, v25  }
0x126: {  	v24 =	vld [tilespmem:s26+$0xFFFFFF90];
	v21 =	vadd.f32 v27, v21;
	v22 =	vadd.f32 v26, v22;
	v26 =	vmul.f32 v29, v29  }
0x127: {  	v27 =	vld [tilespmem:s26+$0x0];
	v7 =	vadd.f32 v25, v7;
	v20 =	vadd.f32 v23, v20;
	v23 =	vmul.f32 v28, v28  }
0x128: {  	v25 =	vmul.f32 v32, v32;
	v33 =	vld [tilespmem:s26+$0x10];
	v21 =	vadd.f32 v29, v21;
	v22 =	vadd.f32 v26, v22  }
0x129: {  	v26 =	vmul.f32 v30, v30;
	v29 =	vld [tilespmem:s26+$0x80];
	v7 =	vadd.f32 v28, v7;
	v20 =	vadd.f32 v23, v20  }
0x12a: {  	v8 =	vadd.f32 v32, v8;
	v10 =	vadd.f32 v25, v10;
	v23 =	vmul.f32 v31, v31;
	v25 =	vld [tilespmem:s26+$0x90]  }
0x12b: {  	v9 =	vadd.f32 v30, v9;
	v11 =	vadd.f32 v26, v11;
	v26 =	vld [tilespmem:s26+$0xFFFFFF20];
	v28 =	vmul.f32 v24, v24  }
0x12c: {  	v8 =	vadd.f32 v31, v8;
	v30 =	vld [tilespmem:s26+$0xFFFFFF30];
	v10 =	vadd.f32 v23, v10;
	v23 =	vmul.f32 v27, v27  }
0x12d: {  	v9 =	vadd.f32 v24, v9;
	v11 =	vadd.f32 v28, v11;
	v24 =	vld [tilespmem:s26+$0xFFFFFFA0];
	v28 =	vmul.f32 v33, v33  }
0x12e: {  	v8 =	vadd.f32 v27, v8;
	v31 =	vld [tilespmem:s26+$0xFFFFFFB0];
	v10 =	vadd.f32 v23, v10;
	v23 =	vmul.f32 v29, v29  }
0x12f: {  	v9 =	vadd.f32 v33, v9;
	v11 =	vadd.f32 v28, v11;
	v27 =	vld [tilespmem:s26+$0x20];
	v28 =	vmul.f32 v25, v25  }
0x130: {  	v8 =	vadd.f32 v29, v8;
	v32 =	vmul.f32 v26, v26;
	v33 =	vld [tilespmem:s26+$0x30];
	v10 =	vadd.f32 v23, v10  }
0x131: {  	v9 =	vadd.f32 v25, v9;
	v23 =	vmul.f32 v30, v30;
	v11 =	vadd.f32 v28, v11;
	v25 =	vld [tilespmem:s26+$0xA0]  }
0x132: {  	v14 =	vadd.f32 v26, v14;
	v15 =	vadd.f32 v32, v15;
	v26 =	vmul.f32 v24, v24;
	v28 =	vld [tilespmem:s26+$0xB0]  }
0x133: {  	v13 =	vadd.f32 v30, v13;
	v12 =	vadd.f32 v23, v12;
	v23 =	vld [tilespmem:s26+$0xFFFFFF40];
	v29 =	vmul.f32 v31, v31  }
0x134: {  	v14 =	vadd.f32 v24, v14;
	v30 =	vld [tilespmem:s26+$0xFFFFFF50];
	v15 =	vadd.f32 v26, v15;
	v24 =	vmul.f32 v27, v27  }
0x135: {  	v13 =	vadd.f32 v31, v13;
	v12 =	vadd.f32 v29, v12;
	v26 =	vld [tilespmem:s26+$0xFFFFFFC0];
	v29 =	vmul.f32 v33, v33  }
0x136: {  	v14 =	vadd.f32 v27, v14;
	v31 =	vld [tilespmem:s26+$0xFFFFFFD0];
	v15 =	vadd.f32 v24, v15;
	v24 =	vmul.f32 v25, v25  }
0x137: {  	v13 =	vadd.f32 v33, v13;
	v12 =	vadd.f32 v29, v12;
	v27 =	vld [tilespmem:s26+$0x40];
	v29 =	vmul.f32 v28, v28  }
0x138: {  	v14 =	vadd.f32 v25, v14;
	v32 =	vmul.f32 v23, v23;
	v33 =	vld [tilespmem:s26+$0x50];
	v15 =	vadd.f32 v24, v15  }
0x139: {  	v13 =	vadd.f32 v28, v13;
	v24 =	vmul.f32 v30, v30;
	v12 =	vadd.f32 v29, v12;
	v28 =	vld [tilespmem:s26+$0xC0]  }
0x13a: {  	v19 =	vadd.f32 v23, v19;
	v18 =	vadd.f32 v32, v18;
	v25 =	vmul.f32 v26, v26;
	v29 =	vld [tilespmem:s26+$0xD0]  }
0x13b: {  	v17 =	vadd.f32 v30, v17;
	v16 =	vadd.f32 v24, v16;
	v32 =	vld [tilespmem:s26+$0xFFFFFF60];
	v24 =	vmul.f32 v31, v31  }
0x13c: {  	s25 =	sadd.s32 $0x4, s25;
	v19 =	vadd.f32 v26, v19;
	v23 =	vld [tilespmem:s26+$0xFFFFFF70];
	v18 =	vadd.f32 v25, v18;
	v25 =	vmul.f32 v27, v27  }
0x13d: {  	p1 =	slt.u32 s25, $0xC4;
	v17 =	vadd.f32 v31, v17;
	v16 =	vadd.f32 v24, v16;
	v26 =	vld [tilespmem:s26+$0xFFFFFFE0];
	v30 =	vmul.f32 v33, v33  }
.Ltmp8:
0x13e: {  	v19 =	vadd.f32 v27, v19;
	v24 =	vld [tilespmem:s26+$0xFFFFFFF0];
	v18 =	vadd.f32 v25, v18;
	v31 =	vmul.f32 v28, v28;
	(pc) =	sbr.rel @p1 .LBB2_12-.Ltmp8, $4  }
0x13f: {  	v17 =	vadd.f32 v33, v17;
	v16 =	vadd.f32 v30, v16;
	v27 =	vld [tilespmem:s26+$0x60];
	v33 =	vmul.f32 v29, v29  }
0x140: {  	v19 =	vadd.f32 v28, v19;
	v34 =	vmul.f32 v32, v32;
	v25 =	vld [tilespmem:s26+$0x70];
	v18 =	vadd.f32 v31, v18  }
0x141: {  	v17 =	vadd.f32 v29, v17;
	v30 =	vmul.f32 v23, v23;
	v16 =	vadd.f32 v33, v16;
	v29 =	vld [tilespmem:s26+$0xE0]  }
0x142: {  	v21 =	vadd.f32 v32, v21;
	v22 =	vadd.f32 v34, v22;
	v31 =	vmul.f32 v26, v26;
	v28 =	vld [tilespmem:s26+$0xF0];
	s26 =	sadd.s32 $0x200, s26  }
0x143: {  	s24 =	sshll.u32 s24, $0x7  }
0x144: {  	[tilespmem:s24+$0xCB80] =	vst.add.f32.msk $0xffff, v8  }
0x145: {  	[tilespmem:s24+$0xEB80] =	vst.add.f32.msk $0xffff, v10  }
0x146: {  	[tilespmem:s24+$0xCB90] =	vst.add.f32.msk $0xffff, v9  }
0x147: {  	[tilespmem:s24+$0xEB90] =	vst.add.f32.msk $0xffff, v11  }
0x148: {  	[tilespmem:s24+$0xCBA0] =	vst.add.f32.msk $0xffff, v14  }
0x149: {  	[tilespmem:s24+$0xEBA0] =	vst.add.f32.msk $0xffff, v15  }
0x14a: {  	[tilespmem:s24+$0xCBB0] =	vst.add.f32.msk $0xffff, v13  }
0x14b: {  	v7 =	vadd.f32 v23, v7;
	v56 =	vmul.f32 v24, v24;
	v57 =	vadd.f32 v26, v21;
	[tilespmem:s24+$0xEBB0] =	vst.add.f32.msk $0xffff, v12  }
0x14c: {  	v8 =	vadd.f32 v30, v20;
	v58 =	vadd.f32 v31, v22;
	v59 =	vmul.f32 v27, v27;
	[tilespmem:s24+$0xCBC0] =	vst.add.f32.msk $0xffff, v19  }
0x14d: {  	[tilespmem:s24+$0xEBC0] =	vst.add.f32.msk $0xffff, v18;
	v7 =	vadd.f32 v24, v7;
	v61 =	vmul.f32 v25, v25;
	v60 =	vadd.f32 v27, v57  }
0x14e: {  	[tilespmem:s24+$0xCBD0] =	vst.add.f32.msk $0xffff, v17;
	v8 =	vadd.f32 v56, v8;
	v11 =	vadd.f32 v59, v58;
	v62 =	vmul.f32 v29, v29  }
0x14f: {  	[tilespmem:s24+$0xEBD0] =	vst.add.f32.msk $0xffff, v16;
	v7 =	vadd.f32 v25, v7;
	v9 =	vadd.f32 v29, v60  }
.Ltmp9:
0x150: {  	[tilespmem:s24+$0x10B80] =	vst.add.f32.msk $0xffff, v1;
	v63 =	vmul.f32 v28, v28;
	v8 =	vadd.f32 v61, v8;
	v11 =	vadd.f32 v62, v11;
	(pc) =	sbr.rel .LBB2_17-.Ltmp9, $4  }
0x151: {  	v7 =	vadd.f32 v28, v7;
	[tilespmem:s24+$0xCBE0] =	vst.add.f32.msk $0xffff, v9  }
0x152: {  	v8 =	vadd.f32 v63, v8;
	[tilespmem:s24+$0xEBE0] =	vst.add.f32.msk $0xffff, v11  }
0x153: {  	[tilespmem:s24+$0xCBF0] =	vst.add.f32.msk $0xffff, v7  }
0x154: {  	[tilespmem:s24+$0xEBF0] =	vst.add.f32.msk $0xffff, v8  }
.LBB2_14:
0x155: {  	_ =	sdelay $0x2  }
0x156: {  	s24 =	simm.s32 $0x0  }
0x157: {  	v7 =	vld.idx.msk [tilespmem:v4+s24+$0x0 ss:$0x1], $0xffff;
	_ =	sdelay $0x4  }
0x158: {  	(v2sf) =	vpush v7, $0x0;
	_ =	sdelay $0xa  }
0x159: {  	v7 =	vld [tilespmem:s25+$0xFFFFFFC0];
	_ =	sdelay $0x3  }
0x15a: {  	s31 =	spop (v2sf)  }
0x15b: {  	v8 =	vmul.f32 v7, v7;
	s24 =	sshll.u32 s31, $0x7  }
0x15c: {  	[tilespmem:s24+$0xCB80] =	vst.add.f32.msk $0xffff, v7  }
0x15d: {  	[tilespmem:s24+$0xEB80] =	vst.add.f32.msk $0xffff, v8  }
0x15e: {  	v7 =	vld [tilespmem:s25+$0xFFFFFFD0];
	_ =	sdelay $0x4  }
0x15f: {  	v8 =	vmul.f32 v7, v7  }
0x160: {  	[tilespmem:s24+$0xCB90] =	vst.add.f32.msk $0xffff, v7  }
0x161: {  	[tilespmem:s24+$0xEB90] =	vst.add.f32.msk $0xffff, v8  }
0x162: {  	v7 =	vld [tilespmem:s25+$0xFFFFFFE0];
	_ =	sdelay $0x4  }
0x163: {  	v8 =	vmul.f32 v7, v7  }
0x164: {  	[tilespmem:s24+$0xCBA0] =	vst.add.f32.msk $0xffff, v7  }
0x165: {  	[tilespmem:s24+$0xEBA0] =	vst.add.f32.msk $0xffff, v8  }
0x166: {  	v7 =	vld [tilespmem:s25+$0xFFFFFFF0];
	_ =	sdelay $0x4  }
0x167: {  	v8 =	vmul.f32 v7, v7  }
0x168: {  	[tilespmem:s24+$0xCBB0] =	vst.add.f32.msk $0xffff, v7  }
0x169: {  	[tilespmem:s24+$0xEBB0] =	vst.add.f32.msk $0xffff, v8  }
0x16a: {  	v7 =	vld [tilespmem:s25+$0x0];
	_ =	sdelay $0x4  }
0x16b: {  	v8 =	vmul.f32 v7, v7  }
0x16c: {  	[tilespmem:s24+$0xCBC0] =	vst.add.f32.msk $0xffff, v7  }
0x16d: {  	[tilespmem:s24+$0xEBC0] =	vst.add.f32.msk $0xffff, v8  }
0x16e: {  	v7 =	vld [tilespmem:s25+$0x10];
	_ =	sdelay $0x4  }
0x16f: {  	v8 =	vmul.f32 v7, v7  }
0x170: {  	[tilespmem:s24+$0xCBD0] =	vst.add.f32.msk $0xffff, v7  }
0x171: {  	[tilespmem:s24+$0xEBD0] =	vst.add.f32.msk $0xffff, v8  }
0x172: {  	v7 =	vld [tilespmem:s25+$0x20];
	_ =	sdelay $0x4  }
0x173: {  	v8 =	vmul.f32 v7, v7  }
0x174: {  	[tilespmem:s24+$0xCBE0] =	vst.add.f32.msk $0xffff, v7  }
0x175: {  	[tilespmem:s24+$0xEBE0] =	vst.add.f32.msk $0xffff, v8  }
0x176: {  	v7 =	vld [tilespmem:s25+$0x30];
	_ =	sdelay $0x3  }
0x177: {  	[tilespmem:s24+$0x10B80] =	vst.add.f32.msk $0xffff, v2  }
0x178: {  	s26 =	simm.s32 $0x4;
	[tilespmem:s24+$0xCBF0] =	vst.add.f32.msk $0xffff, v7;
	v7 =	vmul.f32 v7, v7  }
.LBB2_15:
0x179: {  	p1 =	sne.s32 s26, $0x31C  }
0x17a: {  	s25 =	sadd.s32 $0x80, s25;
	s28 =	smov.u32 s26;
	s26 =	sadd.s32 $0x4, s26  }
0x17b: {  	s28 =	sshra.s32 s28, $0x2;
	[tilespmem:s24+$0xEBF0] =	vst.add.f32.msk $0xffff, v7  }
0x17c: {  	v7 =	vld.idx.msk [tilespmem:v4+s28+$0x0 ss:$0x1], $0xffff;
	_ =	sdelay $0x5  }
0x17d: {  	(v2sf) =	vpush v7, $0x0;
	_ =	sdelay $0x9  }
0x17e: {  	v7 =	vld [tilespmem:s25+$0xFFFFFFC0];
	_ =	sdelay $0x4  }
0x17f: {  	v8 =	vmul.f32 v7, v7;
	s24 =	spop (v2sf)  }
0x180: {  	s24 =	sshll.u32 s24, $0x7  }
0x181: {  	[tilespmem:s24+$0xCB80] =	vst.add.f32.msk $0xffff, v7  }
0x182: {  	[tilespmem:s24+$0xEB80] =	vst.add.f32.msk $0xffff, v8  }
0x183: {  	v7 =	vld [tilespmem:s25+$0xFFFFFFD0];
	_ =	sdelay $0x4  }
0x184: {  	v8 =	vmul.f32 v7, v7  }
0x185: {  	[tilespmem:s24+$0xCB90] =	vst.add.f32.msk $0xffff, v7  }
0x186: {  	[tilespmem:s24+$0xEB90] =	vst.add.f32.msk $0xffff, v8  }
0x187: {  	v7 =	vld [tilespmem:s25+$0xFFFFFFE0];
	_ =	sdelay $0x4  }
0x188: {  	v8 =	vmul.f32 v7, v7  }
0x189: {  	[tilespmem:s24+$0xCBA0] =	vst.add.f32.msk $0xffff, v7  }
0x18a: {  	[tilespmem:s24+$0xEBA0] =	vst.add.f32.msk $0xffff, v8  }
0x18b: {  	v7 =	vld [tilespmem:s25+$0xFFFFFFF0];
	_ =	sdelay $0x4  }
0x18c: {  	[tilespmem:s24+$0xCBB0] =	vst.add.f32.msk $0xffff, v7;
	v7 =	vmul.f32 v7, v7;
	_ =	sdelay $0x1  }
0x18d: {  	[tilespmem:s24+$0xEBB0] =	vst.add.f32.msk $0xffff, v7  }
0x18e: {  	v7 =	vld [tilespmem:s25+$0x0];
	_ =	sdelay $0x4  }
0x18f: {  	[tilespmem:s24+$0xCBC0] =	vst.add.f32.msk $0xffff, v7;
	v7 =	vmul.f32 v7, v7;
	_ =	sdelay $0x1  }
0x190: {  	[tilespmem:s24+$0xEBC0] =	vst.add.f32.msk $0xffff, v7  }
0x191: {  	v7 =	vld [tilespmem:s25+$0x10];
	_ =	sdelay $0x4  }
0x192: {  	[tilespmem:s24+$0xCBD0] =	vst.add.f32.msk $0xffff, v7;
	v7 =	vmul.f32 v7, v7;
	_ =	sdelay $0x1  }
0x193: {  	[tilespmem:s24+$0xEBD0] =	vst.add.f32.msk $0xffff, v7  }
0x194: {  	v7 =	vld [tilespmem:s25+$0x20];
	_ =	sdelay $0x4  }
0x195: {  	[tilespmem:s24+$0xCBE0] =	vst.add.f32.msk $0xffff, v7;
	v7 =	vmul.f32 v7, v7;
	_ =	sdelay $0x1  }
0x196: {  	[tilespmem:s24+$0xEBE0] =	vst.add.f32.msk $0xffff, v7  }
0x197: {  	v7 =	vld [tilespmem:s25+$0x30]  }
.Ltmp10:
0x198: {  	[tilespmem:s24+$0x10B80] =	vst.add.f32.msk $0xffff, v2;
	(pc) =	sbr.rel @p1 .LBB2_15-.Ltmp10, $2  }
0x199: {  	_ =	sdelay $0x2  }
0x19a: {  	[tilespmem:s24+$0xCBF0] =	vst.add.f32.msk $0xffff, v7;
	v7 =	vmul.f32 v7, v7  }
0x19b: {  	_ = 	snop  }
0x19c: {  	[tilespmem:s24+$0xEBF0] =	vst.add.f32.msk $0xffff, v7  }
.LBB2_17:
0x19d: {  	_ =	swait.ge [sflag:s16], $0x6400  }
0x19e: {  	[sflag:s16] =	ssyncset.done $0x0  }
0x19f: {  	s24 =	simm.s32 @!p0 $0x0;
	s25 =	simm.s32 @!p0 $0x6400;
	[sflag:s16] =	ssyncadd.s32 $0xFFFF9C00  }
0x1a0: {  	[tilespmem:s25], [sflag:$0x2] =	stream.linear.gather @!p0 [hbm4b:s9+s24], $0x6400, $0x38;
	[tilespmem:$0x12B80] =	vst v63  }
0x1a1: {  	v7 =	vld [tilespmem:s3+$0xC990]  }
0x1a2: {  	v8 =	vld [tilespmem:s3+$0xCA48];
	_ =	sdelay $0x3  }
0x1a3: {  	(v2sf) =	vpush v7, $0x0  }
0x1a4: {  	(v2sf) =	vpush v8, $0xF;
	_ =	sdelay $0xd  }
0x1a5: {  	s24 =	spop (v2sf)  }
0x1a6: {  	s31 =	spop (v2sf)  }
0x1a7: {  	p1 =	sne.s32 s24, s31  }
.Ltmp11:
0x1a8: {  	_ = 	snop;
	(pc) =	sbr.rel @p1 .LBB2_18-.Ltmp11, $1  }
0x1a9: {  	_ =	sdelay $0x3  }
0x1aa: {  	s26 =	simm.s32 $0x100  }
0x1ab: {  	v8 =	vld [tilespmem:s26+$0xFFFFFF00]  }
0x1ac: {  	v9 =	vld [tilespmem:s26+$0xFFFFFF10]  }
0x1ad: {  	v10 =	vld [tilespmem:s26+$0xFFFFFF80]  }
0x1ae: {  	v11 =	vld [tilespmem:s26+$0xFFFFFF90]  }
0x1af: {  	v12 =	vld [tilespmem:s26+$0x0]  }
0x1b0: {  	v7 =	vimm.f32 $0.0e+00;
	v14 =	vld [tilespmem:s26+$0x10];
	v13 =	vmul.f32 v8, v8  }
0x1b1: {  	v16 =	vld [tilespmem:s26+$0x80];
	v15 =	vmul.f32 v9, v9;
	v8 =	vadd.f32 v8, v7  }
0x1b2: {  	v18 =	vld [tilespmem:s26+$0x90];
	v17 =	vmul.f32 v10, v10;
	v9 =	vadd.f32 v9, v7;
	v13 =	vadd.f32 v13, v7  }
0x1b3: {  	v19 =	vld [tilespmem:s26+$0xFFFFFF20];
	v20 =	vmul.f32 v11, v11;
	v15 =	vadd.f32 v15, v7;
	v8 =	vadd.f32 v10, v8  }
0x1b4: {  	v21 =	vld [tilespmem:s26+$0xFFFFFF30];
	v9 =	vadd.f32 v11, v9;
	v10 =	vadd.f32 v17, v13;
	v13 =	vmul.f32 v12, v12  }
0x1b5: {  	v11 =	vadd.f32 v20, v15;
	v15 =	vld [tilespmem:s26+$0xFFFFFFA0];
	v17 =	vmul.f32 v14, v14;
	v8 =	vadd.f32 v12, v8  }
0x1b6: {  	v12 =	vld [tilespmem:s26+$0xFFFFFFB0];
	v9 =	vadd.f32 v14, v9;
	v10 =	vadd.f32 v13, v10;
	v13 =	vmul.f32 v16, v16  }
0x1b7: {  	v14 =	vld [tilespmem:s26+$0x20];
	v11 =	vadd.f32 v17, v11;
	v17 =	vmul.f32 v18, v18;
	v8 =	vadd.f32 v16, v8  }
0x1b8: {  	v20 =	vld [tilespmem:s26+$0x30];
	v16 =	vmul.f32 v19, v19;
	v9 =	vadd.f32 v18, v9;
	v18 =	vadd.f32 v19, v7  }
0x1b9: {  	v10 =	vadd.f32 v13, v10;
	v13 =	vmul.f32 v21, v21;
	v11 =	vadd.f32 v17, v11;
	v17 =	vld [tilespmem:s26+$0xA0]  }
0x1ba: {  	v22 =	vld [tilespmem:s26+$0xB0];
	v16 =	vadd.f32 v16, v7;
	v21 =	vadd.f32 v21, v7;
	v19 =	vmul.f32 v15, v15  }
0x1bb: {  	v23 =	vld [tilespmem:s26+$0xFFFFFF40];
	v24 =	vmul.f32 v12, v12;
	v15 =	vadd.f32 v15, v18;
	v13 =	vadd.f32 v13, v7  }
0x1bc: {  	v18 =	vld [tilespmem:s26+$0xFFFFFF50];
	v12 =	vadd.f32 v12, v21;
	v16 =	vadd.f32 v19, v16;
	v19 =	vmul.f32 v14, v14  }
0x1bd: {  	v21 =	vld [tilespmem:s26+$0xFFFFFFC0];
	v14 =	vadd.f32 v14, v15;
	v13 =	vadd.f32 v24, v13;
	v24 =	vmul.f32 v20, v20  }
0x1be: {  	v25 =	vld [tilespmem:s26+$0xFFFFFFD0];
	v12 =	vadd.f32 v20, v12;
	v15 =	vadd.f32 v19, v16;
	v16 =	vmul.f32 v17, v17  }
0x1bf: {  	v20 =	vld [tilespmem:s26+$0x40];
	v14 =	vadd.f32 v17, v14;
	v19 =	vadd.f32 v24, v13;
	v24 =	vmul.f32 v22, v22  }
0x1c0: {  	v27 =	vld [tilespmem:s26+$0x50];
	v17 =	vmul.f32 v23, v23;
	v13 =	vadd.f32 v22, v12;
	v22 =	vadd.f32 v23, v7  }
0x1c1: {  	v15 =	vadd.f32 v16, v15;
	v16 =	vmul.f32 v18, v18;
	v12 =	vadd.f32 v24, v19;
	v19 =	vld [tilespmem:s26+$0xC0]  }
0x1c2: {  	v28 =	vld [tilespmem:s26+$0xD0];
	v17 =	vadd.f32 v17, v7;
	v18 =	vadd.f32 v18, v7;
	v24 =	vmul.f32 v21, v21  }
0x1c3: {  	v31 =	vld [tilespmem:s26+$0xFFFFFF60];
	v26 =	vmul.f32 v25, v25;
	v21 =	vadd.f32 v21, v22;
	v16 =	vadd.f32 v16, v7  }
0x1c4: {  	v23 =	vld [tilespmem:s26+$0xFFFFFF70];
	v22 =	vmul.f32 v20, v20;
	v18 =	vadd.f32 v25, v18;
	v17 =	vadd.f32 v24, v17  }
0x1c5: {  	v25 =	vmul.f32 v27, v27;
	v20 =	vadd.f32 v20, v21;
	v16 =	vadd.f32 v26, v16;
	v26 =	vld [tilespmem:s26+$0xFFFFFFE0]  }
0x1c6: {  	v24 =	vld [tilespmem:s26+$0xFFFFFFF0];
	v17 =	vadd.f32 v22, v17;
	v22 =	vadd.f32 v27, v18;
	v21 =	vmul.f32 v19, v19  }
0x1c7: {  	v29 =	vmul.f32 v28, v28;
	v27 =	vld [tilespmem:s26+$0x60];
	v16 =	vadd.f32 v25, v16;
	v19 =	vadd.f32 v19, v20  }
0x1c8: {  	v20 =	vmul.f32 v31, v31;
	v25 =	vld [tilespmem:s26+$0x70];
	v18 =	vadd.f32 v21, v17;
	v17 =	vadd.f32 v28, v22  }
0x1c9: {  	v30 =	vmul.f32 v23, v23;
	v16 =	vadd.f32 v29, v16;
	v29 =	vld [tilespmem:s26+$0xE0];
	v21 =	vadd.f32 v31, v7  }
0x1ca: {  	s25 =	simm.s32 $0x0;
	v22 =	vadd.f32 v20, v7;
	v28 =	vld [tilespmem:s26+$0xF0];
	s26 =	simm.s32 $0x300;
	v20 =	vimm.f32 $0.0e+00;
	v31 =	vmul.f32 v26, v26  }
.LBB2_22:
0x1cb: {  	v32 =	vld [tilespmem:s26+$0xFFFFFF00];
	v7 =	vadd.f32 v23, v7;
	v20 =	vadd.f32 v30, v20;
	v23 =	vmul.f32 v24, v24  }
0x1cc: {  	v30 =	vld [tilespmem:s26+$0xFFFFFF10];
	v21 =	vadd.f32 v26, v21;
	v22 =	vadd.f32 v31, v22;
	v26 =	vmul.f32 v27, v27  }
0x1cd: {  	v31 =	vld [tilespmem:s26+$0xFFFFFF80];
	v7 =	vadd.f32 v24, v7;
	v20 =	vadd.f32 v23, v20;
	v23 =	vmul.f32 v25, v25  }
0x1ce: {  	v24 =	vld [tilespmem:s26+$0xFFFFFF90];
	v21 =	vadd.f32 v27, v21;
	v22 =	vadd.f32 v26, v22;
	v26 =	vmul.f32 v29, v29  }
0x1cf: {  	v27 =	vld [tilespmem:s26+$0x0];
	v7 =	vadd.f32 v25, v7;
	v20 =	vadd.f32 v23, v20;
	v23 =	vmul.f32 v28, v28  }
0x1d0: {  	v25 =	vmul.f32 v32, v32;
	v33 =	vld [tilespmem:s26+$0x10];
	v21 =	vadd.f32 v29, v21;
	v22 =	vadd.f32 v26, v22  }
0x1d1: {  	v26 =	vmul.f32 v30, v30;
	v29 =	vld [tilespmem:s26+$0x80];
	v7 =	vadd.f32 v28, v7;
	v20 =	vadd.f32 v23, v20  }
0x1d2: {  	v8 =	vadd.f32 v32, v8;
	v10 =	vadd.f32 v25, v10;
	v23 =	vmul.f32 v31, v31;
	v25 =	vld [tilespmem:s26+$0x90]  }
0x1d3: {  	v9 =	vadd.f32 v30, v9;
	v11 =	vadd.f32 v26, v11;
	v26 =	vld [tilespmem:s26+$0xFFFFFF20];
	v28 =	vmul.f32 v24, v24  }
0x1d4: {  	v8 =	vadd.f32 v31, v8;
	v30 =	vld [tilespmem:s26+$0xFFFFFF30];
	v10 =	vadd.f32 v23, v10;
	v23 =	vmul.f32 v27, v27  }
0x1d5: {  	v9 =	vadd.f32 v24, v9;
	v11 =	vadd.f32 v28, v11;
	v24 =	vld [tilespmem:s26+$0xFFFFFFA0];
	v28 =	vmul.f32 v33, v33  }
0x1d6: {  	v8 =	vadd.f32 v27, v8;
	v31 =	vld [tilespmem:s26+$0xFFFFFFB0];
	v10 =	vadd.f32 v23, v10;
	v23 =	vmul.f32 v29, v29  }
0x1d7: {  	v9 =	vadd.f32 v33, v9;
	v11 =	vadd.f32 v28, v11;
	v27 =	vld [tilespmem:s26+$0x20];
	v28 =	vmul.f32 v25, v25  }
0x1d8: {  	v8 =	vadd.f32 v29, v8;
	v32 =	vmul.f32 v26, v26;
	v33 =	vld [tilespmem:s26+$0x30];
	v10 =	vadd.f32 v23, v10  }
0x1d9: {  	v9 =	vadd.f32 v25, v9;
	v23 =	vmul.f32 v30, v30;
	v11 =	vadd.f32 v28, v11;
	v25 =	vld [tilespmem:s26+$0xA0]  }
0x1da: {  	v14 =	vadd.f32 v26, v14;
	v15 =	vadd.f32 v32, v15;
	v26 =	vmul.f32 v24, v24;
	v28 =	vld [tilespmem:s26+$0xB0]  }
0x1db: {  	v13 =	vadd.f32 v30, v13;
	v12 =	vadd.f32 v23, v12;
	v23 =	vld [tilespmem:s26+$0xFFFFFF40];
	v29 =	vmul.f32 v31, v31  }
0x1dc: {  	v14 =	vadd.f32 v24, v14;
	v30 =	vld [tilespmem:s26+$0xFFFFFF50];
	v15 =	vadd.f32 v26, v15;
	v24 =	vmul.f32 v27, v27  }
0x1dd: {  	v13 =	vadd.f32 v31, v13;
	v12 =	vadd.f32 v29, v12;
	v26 =	vld [tilespmem:s26+$0xFFFFFFC0];
	v29 =	vmul.f32 v33, v33  }
0x1de: {  	v14 =	vadd.f32 v27, v14;
	v31 =	vld [tilespmem:s26+$0xFFFFFFD0];
	v15 =	vadd.f32 v24, v15;
	v24 =	vmul.f32 v25, v25  }
0x1df: {  	v13 =	vadd.f32 v33, v13;
	v12 =	vadd.f32 v29, v12;
	v27 =	vld [tilespmem:s26+$0x40];
	v29 =	vmul.f32 v28, v28  }
0x1e0: {  	v14 =	vadd.f32 v25, v14;
	v32 =	vmul.f32 v23, v23;
	v33 =	vld [tilespmem:s26+$0x50];
	v15 =	vadd.f32 v24, v15  }
0x1e1: {  	v13 =	vadd.f32 v28, v13;
	v24 =	vmul.f32 v30, v30;
	v12 =	vadd.f32 v29, v12;
	v28 =	vld [tilespmem:s26+$0xC0]  }
0x1e2: {  	v19 =	vadd.f32 v23, v19;
	v18 =	vadd.f32 v32, v18;
	v25 =	vmul.f32 v26, v26;
	v29 =	vld [tilespmem:s26+$0xD0]  }
0x1e3: {  	v17 =	vadd.f32 v30, v17;
	v16 =	vadd.f32 v24, v16;
	v32 =	vld [tilespmem:s26+$0xFFFFFF60];
	v24 =	vmul.f32 v31, v31  }
0x1e4: {  	s25 =	sadd.s32 $0x4, s25;
	v19 =	vadd.f32 v26, v19;
	v23 =	vld [tilespmem:s26+$0xFFFFFF70];
	v18 =	vadd.f32 v25, v18;
	v25 =	vmul.f32 v27, v27  }
0x1e5: {  	p1 =	slt.u32 s25, $0xC4;
	v17 =	vadd.f32 v31, v17;
	v16 =	vadd.f32 v24, v16;
	v26 =	vld [tilespmem:s26+$0xFFFFFFE0];
	v30 =	vmul.f32 v33, v33  }
.Ltmp12:
0x1e6: {  	v19 =	vadd.f32 v27, v19;
	v24 =	vld [tilespmem:s26+$0xFFFFFFF0];
	v18 =	vadd.f32 v25, v18;
	v31 =	vmul.f32 v28, v28;
	(pc) =	sbr.rel @p1 .LBB2_22-.Ltmp12, $4  }
0x1e7: {  	v17 =	vadd.f32 v33, v17;
	v16 =	vadd.f32 v30, v16;
	v27 =	vld [tilespmem:s26+$0x60];
	v33 =	vmul.f32 v29, v29  }
0x1e8: {  	v19 =	vadd.f32 v28, v19;
	v34 =	vmul.f32 v32, v32;
	v25 =	vld [tilespmem:s26+$0x70];
	v18 =	vadd.f32 v31, v18  }
0x1e9: {  	v17 =	vadd.f32 v29, v17;
	v30 =	vmul.f32 v23, v23;
	v16 =	vadd.f32 v33, v16;
	v29 =	vld [tilespmem:s26+$0xE0]  }
0x1ea: {  	v21 =	vadd.f32 v32, v21;
	v22 =	vadd.f32 v34, v22;
	v31 =	vmul.f32 v26, v26;
	v28 =	vld [tilespmem:s26+$0xF0];
	s26 =	sadd.s32 $0x200, s26  }
0x1eb: {  	s24 =	sshll.u32 s24, $0x7  }
0x1ec: {  	[tilespmem:s24+$0xCB80] =	vst.add.f32.msk $0xffff, v8  }
0x1ed: {  	[tilespmem:s24+$0xEB80] =	vst.add.f32.msk $0xffff, v10  }
0x1ee: {  	[tilespmem:s24+$0xCB90] =	vst.add.f32.msk $0xffff, v9  }
0x1ef: {  	[tilespmem:s24+$0xEB90] =	vst.add.f32.msk $0xffff, v11  }
0x1f0: {  	[tilespmem:s24+$0xCBA0] =	vst.add.f32.msk $0xffff, v14  }
0x1f1: {  	[tilespmem:s24+$0xEBA0] =	vst.add.f32.msk $0xffff, v15  }
0x1f2: {  	[tilespmem:s24+$0xCBB0] =	vst.add.f32.msk $0xffff, v13  }
0x1f3: {  	v7 =	vadd.f32 v23, v7;
	v56 =	vmul.f32 v24, v24;
	v57 =	vadd.f32 v26, v21;
	[tilespmem:s24+$0xEBB0] =	vst.add.f32.msk $0xffff, v12  }
0x1f4: {  	v8 =	vadd.f32 v30, v20;
	v58 =	vadd.f32 v31, v22;
	v59 =	vmul.f32 v27, v27;
	[tilespmem:s24+$0xCBC0] =	vst.add.f32.msk $0xffff, v19  }
0x1f5: {  	[tilespmem:s24+$0xEBC0] =	vst.add.f32.msk $0xffff, v18;
	v7 =	vadd.f32 v24, v7;
	v61 =	vmul.f32 v25, v25;
	v60 =	vadd.f32 v27, v57  }
0x1f6: {  	[tilespmem:s24+$0xCBD0] =	vst.add.f32.msk $0xffff, v17;
	v8 =	vadd.f32 v56, v8;
	v11 =	vadd.f32 v59, v58;
	v62 =	vmul.f32 v29, v29  }
0x1f7: {  	[tilespmem:s24+$0xEBD0] =	vst.add.f32.msk $0xffff, v16;
	v7 =	vadd.f32 v25, v7;
	v9 =	vadd.f32 v29, v60  }
.Ltmp13:
0x1f8: {  	[tilespmem:s24+$0x10B80] =	vst.add.f32.msk $0xffff, v1;
	v63 =	vmul.f32 v28, v28;
	v8 =	vadd.f32 v61, v8;
	v11 =	vadd.f32 v62, v11;
	(pc) =	sbr.rel .LBB2_24-.Ltmp13, $4  }
0x1f9: {  	v7 =	vadd.f32 v28, v7;
	[tilespmem:s24+$0xCBE0] =	vst.add.f32.msk $0xffff, v9  }
0x1fa: {  	v8 =	vadd.f32 v63, v8;
	[tilespmem:s24+$0xEBE0] =	vst.add.f32.msk $0xffff, v11  }
0x1fb: {  	[tilespmem:s24+$0xCBF0] =	vst.add.f32.msk $0xffff, v7  }
0x1fc: {  	[tilespmem:s24+$0xEBF0] =	vst.add.f32.msk $0xffff, v8  }
.LBB2_18:
0x1fd: {  	_ =	sdelay $0x2  }
0x1fe: {  	s25 =	simm.s32 $0x0  }
0x1ff: {  	v7 =	vld.idx.msk [tilespmem:v5+s25+$0x0 ss:$0x1], $0xffff;
	_ =	sdelay $0x4  }
0x200: {  	(v2sf) =	vpush v7, $0x0;
	_ =	sdelay $0x9  }
0x201: {  	s24 =	simm.s32 $0x40  }
0x202: {  	v7 =	vld [tilespmem:s24+$0xFFFFFFC0];
	_ =	sdelay $0x3  }
0x203: {  	s31 =	spop (v2sf)  }
0x204: {  	v8 =	vmul.f32 v7, v7;
	s25 =	sshll.u32 s31, $0x7  }
0x205: {  	[tilespmem:s25+$0xCB80] =	vst.add.f32.msk $0xffff, v7  }
0x206: {  	[tilespmem:s25+$0xEB80] =	vst.add.f32.msk $0xffff, v8  }
0x207: {  	v7 =	vld [tilespmem:s24+$0xFFFFFFD0];
	_ =	sdelay $0x4  }
0x208: {  	v8 =	vmul.f32 v7, v7  }
0x209: {  	[tilespmem:s25+$0xCB90] =	vst.add.f32.msk $0xffff, v7  }
0x20a: {  	[tilespmem:s25+$0xEB90] =	vst.add.f32.msk $0xffff, v8  }
0x20b: {  	v7 =	vld [tilespmem:s24+$0xFFFFFFE0];
	_ =	sdelay $0x4  }
0x20c: {  	v8 =	vmul.f32 v7, v7  }
0x20d: {  	[tilespmem:s25+$0xCBA0] =	vst.add.f32.msk $0xffff, v7  }
0x20e: {  	[tilespmem:s25+$0xEBA0] =	vst.add.f32.msk $0xffff, v8  }
0x20f: {  	v7 =	vld [tilespmem:s24+$0xFFFFFFF0];
	_ =	sdelay $0x4  }
0x210: {  	v8 =	vmul.f32 v7, v7  }
0x211: {  	[tilespmem:s25+$0xCBB0] =	vst.add.f32.msk $0xffff, v7  }
0x212: {  	[tilespmem:s25+$0xEBB0] =	vst.add.f32.msk $0xffff, v8  }
0x213: {  	v7 =	vld [tilespmem:s24+$0x0];
	_ =	sdelay $0x4  }
0x214: {  	v8 =	vmul.f32 v7, v7  }
0x215: {  	[tilespmem:s25+$0xCBC0] =	vst.add.f32.msk $0xffff, v7  }
0x216: {  	[tilespmem:s25+$0xEBC0] =	vst.add.f32.msk $0xffff, v8  }
0x217: {  	v7 =	vld [tilespmem:s24+$0x10];
	_ =	sdelay $0x4  }
0x218: {  	v8 =	vmul.f32 v7, v7  }
0x219: {  	[tilespmem:s25+$0xCBD0] =	vst.add.f32.msk $0xffff, v7  }
0x21a: {  	[tilespmem:s25+$0xEBD0] =	vst.add.f32.msk $0xffff, v8  }
0x21b: {  	v7 =	vld [tilespmem:s24+$0x20];
	_ =	sdelay $0x4  }
0x21c: {  	v8 =	vmul.f32 v7, v7  }
0x21d: {  	[tilespmem:s25+$0xCBE0] =	vst.add.f32.msk $0xffff, v7  }
0x21e: {  	[tilespmem:s25+$0xEBE0] =	vst.add.f32.msk $0xffff, v8  }
0x21f: {  	v7 =	vld [tilespmem:s24+$0x30];
	_ =	sdelay $0x3  }
0x220: {  	[tilespmem:s25+$0x10B80] =	vst.add.f32.msk $0xffff, v2  }
0x221: {  	s26 =	simm.s32 $0x4;
	[tilespmem:s25+$0xCBF0] =	vst.add.f32.msk $0xffff, v7;
	v7 =	vmul.f32 v7, v7  }
.LBB2_19:
0x222: {  	p1 =	sne.s32 s26, $0x31C  }
0x223: {  	s24 =	sadd.s32 $0x80, s24;
	s28 =	smov.u32 s26;
	s26 =	sadd.s32 $0x4, s26  }
0x224: {  	s28 =	sshra.s32 s28, $0x2;
	[tilespmem:s25+$0xEBF0] =	vst.add.f32.msk $0xffff, v7  }
0x225: {  	v7 =	vld.idx.msk [tilespmem:v5+s28+$0x0 ss:$0x1], $0xffff;
	_ =	sdelay $0x5  }
0x226: {  	(v2sf) =	vpush v7, $0x0;
	_ =	sdelay $0x9  }
0x227: {  	v7 =	vld [tilespmem:s24+$0xFFFFFFC0];
	_ =	sdelay $0x4  }
0x228: {  	v8 =	vmul.f32 v7, v7;
	s25 =	spop (v2sf)  }
0x229: {  	s25 =	sshll.u32 s25, $0x7  }
0x22a: {  	[tilespmem:s25+$0xCB80] =	vst.add.f32.msk $0xffff, v7  }
0x22b: {  	[tilespmem:s25+$0xEB80] =	vst.add.f32.msk $0xffff, v8  }
0x22c: {  	v7 =	vld [tilespmem:s24+$0xFFFFFFD0];
	_ =	sdelay $0x4  }
0x22d: {  	v8 =	vmul.f32 v7, v7  }
0x22e: {  	[tilespmem:s25+$0xCB90] =	vst.add.f32.msk $0xffff, v7  }
0x22f: {  	[tilespmem:s25+$0xEB90] =	vst.add.f32.msk $0xffff, v8  }
0x230: {  	v7 =	vld [tilespmem:s24+$0xFFFFFFE0];
	_ =	sdelay $0x4  }
0x231: {  	v8 =	vmul.f32 v7, v7  }
0x232: {  	[tilespmem:s25+$0xCBA0] =	vst.add.f32.msk $0xffff, v7  }
0x233: {  	[tilespmem:s25+$0xEBA0] =	vst.add.f32.msk $0xffff, v8  }
0x234: {  	v7 =	vld [tilespmem:s24+$0xFFFFFFF0];
	_ =	sdelay $0x4  }
0x235: {  	[tilespmem:s25+$0xCBB0] =	vst.add.f32.msk $0xffff, v7;
	v7 =	vmul.f32 v7, v7;
	_ =	sdelay $0x1  }
0x236: {  	[tilespmem:s25+$0xEBB0] =	vst.add.f32.msk $0xffff, v7  }
0x237: {  	v7 =	vld [tilespmem:s24+$0x0];
	_ =	sdelay $0x4  }
0x238: {  	[tilespmem:s25+$0xCBC0] =	vst.add.f32.msk $0xffff, v7;
	v7 =	vmul.f32 v7, v7;
	_ =	sdelay $0x1  }
0x239: {  	[tilespmem:s25+$0xEBC0] =	vst.add.f32.msk $0xffff, v7  }
0x23a: {  	v7 =	vld [tilespmem:s24+$0x10];
	_ =	sdelay $0x4  }
0x23b: {  	[tilespmem:s25+$0xCBD0] =	vst.add.f32.msk $0xffff, v7;
	v7 =	vmul.f32 v7, v7;
	_ =	sdelay $0x1  }
0x23c: {  	[tilespmem:s25+$0xEBD0] =	vst.add.f32.msk $0xffff, v7  }
0x23d: {  	v7 =	vld [tilespmem:s24+$0x20];
	_ =	sdelay $0x4  }
0x23e: {  	[tilespmem:s25+$0xCBE0] =	vst.add.f32.msk $0xffff, v7;
	v7 =	vmul.f32 v7, v7;
	_ =	sdelay $0x1  }
0x23f: {  	[tilespmem:s25+$0xEBE0] =	vst.add.f32.msk $0xffff, v7  }
0x240: {  	v7 =	vld [tilespmem:s24+$0x30]  }
.Ltmp14:
0x241: {  	[tilespmem:s25+$0x10B80] =	vst.add.f32.msk $0xffff, v2;
	(pc) =	sbr.rel @p1 .LBB2_19-.Ltmp14, $2  }
0x242: {  	_ =	sdelay $0x2  }
0x243: {  	[tilespmem:s25+$0xCBF0] =	vst.add.f32.msk $0xffff, v7;
	v7 =	vmul.f32 v7, v7  }
0x244: {  	_ = 	snop  }
0x245: {  	[tilespmem:s25+$0xEBF0] =	vst.add.f32.msk $0xffff, v7  }
.LBB2_24:
.Ltmp15:
0x246: {  	(pc) =	sbr.rel @p0 .LBB2_32-.Ltmp15, $1  }
0x247: {  	_ =	sdelay $0x3  }
0x248: {  	_ =	swait.ge [sflag:s18], $0x6400  }
0x249: {  	[sflag:s18] =	ssyncset.done $0x0  }
0x24a: {  	[sflag:s18] =	ssyncadd.s32 $0xFFFF9C00  }
0x24b: {  	v7 =	vld [tilespmem:s3+$0xCA58]  }
0x24c: {  	v8 =	vld [tilespmem:s3+$0xCB10];
	_ =	sdelay $0x3  }
0x24d: {  	(v2sf) =	vpush v7, $0x0  }
0x24e: {  	(v2sf) =	vpush v8, $0xF;
	_ =	sdelay $0xd  }
0x24f: {  	s24 =	spop (v2sf)  }
0x250: {  	s25 =	spop (v2sf)  }
0x251: {  	p1 =	sne.s32 s24, s25  }
.Ltmp16:
0x252: {  	_ = 	snop;
	(pc) =	sbr.rel @p1 .LBB2_26-.Ltmp16, $1  }
0x253: {  	_ =	sdelay $0x3  }
0x254: {  	s26 =	simm.s32 $0x6500  }
0x255: {  	v8 =	vld [tilespmem:s26+$0xFFFFFF00]  }
0x256: {  	v9 =	vld [tilespmem:s26+$0xFFFFFF10]  }
0x257: {  	v10 =	vld [tilespmem:s26+$0xFFFFFF80]  }
0x258: {  	v11 =	vld [tilespmem:s26+$0xFFFFFF90]  }
0x259: {  	v12 =	vld [tilespmem:s26+$0x0]  }
0x25a: {  	v7 =	vimm.f32 $0.0e+00;
	v14 =	vld [tilespmem:s26+$0x10];
	v13 =	vmul.f32 v8, v8  }
0x25b: {  	v16 =	vld [tilespmem:s26+$0x80];
	v15 =	vmul.f32 v9, v9;
	v8 =	vadd.f32 v8, v7  }
0x25c: {  	v18 =	vld [tilespmem:s26+$0x90];
	v17 =	vmul.f32 v10, v10;
	v9 =	vadd.f32 v9, v7;
	v13 =	vadd.f32 v13, v7  }
0x25d: {  	v19 =	vld [tilespmem:s26+$0xFFFFFF20];
	v20 =	vmul.f32 v11, v11;
	v15 =	vadd.f32 v15, v7;
	v8 =	vadd.f32 v10, v8  }
0x25e: {  	v21 =	vld [tilespmem:s26+$0xFFFFFF30];
	v9 =	vadd.f32 v11, v9;
	v10 =	vadd.f32 v17, v13;
	v13 =	vmul.f32 v12, v12  }
0x25f: {  	v11 =	vadd.f32 v20, v15;
	v15 =	vld [tilespmem:s26+$0xFFFFFFA0];
	v17 =	vmul.f32 v14, v14;
	v8 =	vadd.f32 v12, v8  }
0x260: {  	v12 =	vld [tilespmem:s26+$0xFFFFFFB0];
	v9 =	vadd.f32 v14, v9;
	v10 =	vadd.f32 v13, v10;
	v13 =	vmul.f32 v16, v16  }
0x261: {  	v14 =	vld [tilespmem:s26+$0x20];
	v11 =	vadd.f32 v17, v11;
	v17 =	vmul.f32 v18, v18;
	v8 =	vadd.f32 v16, v8  }
0x262: {  	v20 =	vld [tilespmem:s26+$0x30];
	v16 =	vmul.f32 v19, v19;
	v9 =	vadd.f32 v18, v9;
	v18 =	vadd.f32 v19, v7  }
0x263: {  	v10 =	vadd.f32 v13, v10;
	v13 =	vmul.f32 v21, v21;
	v11 =	vadd.f32 v17, v11;
	v17 =	vld [tilespmem:s26+$0xA0]  }
0x264: {  	v22 =	vld [tilespmem:s26+$0xB0];
	v16 =	vadd.f32 v16, v7;
	v21 =	vadd.f32 v21, v7;
	v19 =	vmul.f32 v15, v15  }
0x265: {  	v23 =	vld [tilespmem:s26+$0xFFFFFF40];
	v24 =	vmul.f32 v12, v12;
	v15 =	vadd.f32 v15, v18;
	v13 =	vadd.f32 v13, v7  }
0x266: {  	v18 =	vld [tilespmem:s26+$0xFFFFFF50];
	v12 =	vadd.f32 v12, v21;
	v16 =	vadd.f32 v19, v16;
	v19 =	vmul.f32 v14, v14  }
0x267: {  	v21 =	vld [tilespmem:s26+$0xFFFFFFC0];
	v14 =	vadd.f32 v14, v15;
	v13 =	vadd.f32 v24, v13;
	v24 =	vmul.f32 v20, v20  }
0x268: {  	v25 =	vld [tilespmem:s26+$0xFFFFFFD0];
	v12 =	vadd.f32 v20, v12;
	v15 =	vadd.f32 v19, v16;
	v16 =	vmul.f32 v17, v17  }
0x269: {  	v20 =	vld [tilespmem:s26+$0x40];
	v14 =	vadd.f32 v17, v14;
	v19 =	vadd.f32 v24, v13;
	v24 =	vmul.f32 v22, v22  }
0x26a: {  	v27 =	vld [tilespmem:s26+$0x50];
	v17 =	vmul.f32 v23, v23;
	v13 =	vadd.f32 v22, v12;
	v22 =	vadd.f32 v23, v7  }
0x26b: {  	v15 =	vadd.f32 v16, v15;
	v16 =	vmul.f32 v18, v18;
	v12 =	vadd.f32 v24, v19;
	v19 =	vld [tilespmem:s26+$0xC0]  }
0x26c: {  	v28 =	vld [tilespmem:s26+$0xD0];
	v17 =	vadd.f32 v17, v7;
	v18 =	vadd.f32 v18, v7;
	v24 =	vmul.f32 v21, v21  }
0x26d: {  	v31 =	vld [tilespmem:s26+$0xFFFFFF60];
	v26 =	vmul.f32 v25, v25;
	v21 =	vadd.f32 v21, v22;
	v16 =	vadd.f32 v16, v7  }
0x26e: {  	v23 =	vld [tilespmem:s26+$0xFFFFFF70];
	v22 =	vmul.f32 v20, v20;
	v18 =	vadd.f32 v25, v18;
	v17 =	vadd.f32 v24, v17  }
0x26f: {  	v25 =	vmul.f32 v27, v27;
	v20 =	vadd.f32 v20, v21;
	v16 =	vadd.f32 v26, v16;
	v26 =	vld [tilespmem:s26+$0xFFFFFFE0]  }
0x270: {  	v24 =	vld [tilespmem:s26+$0xFFFFFFF0];
	v17 =	vadd.f32 v22, v17;
	v22 =	vadd.f32 v27, v18;
	v21 =	vmul.f32 v19, v19  }
0x271: {  	v29 =	vmul.f32 v28, v28;
	v27 =	vld [tilespmem:s26+$0x60];
	v16 =	vadd.f32 v25, v16;
	v19 =	vadd.f32 v19, v20  }
0x272: {  	v20 =	vmul.f32 v31, v31;
	v25 =	vld [tilespmem:s26+$0x70];
	v18 =	vadd.f32 v21, v17;
	v17 =	vadd.f32 v28, v22  }
0x273: {  	v30 =	vmul.f32 v23, v23;
	v16 =	vadd.f32 v29, v16;
	v29 =	vld [tilespmem:s26+$0xE0];
	v21 =	vadd.f32 v31, v7  }
0x274: {  	s25 =	simm.s32 $0x0;
	v22 =	vadd.f32 v20, v7;
	v28 =	vld [tilespmem:s26+$0xF0];
	s26 =	simm.s32 $0x6700;
	v20 =	vimm.f32 $0.0e+00;
	v31 =	vmul.f32 v26, v26  }
.LBB2_30:
0x275: {  	v32 =	vld [tilespmem:s26+$0xFFFFFF00];
	v7 =	vadd.f32 v23, v7;
	v20 =	vadd.f32 v30, v20;
	v23 =	vmul.f32 v24, v24  }
0x276: {  	v30 =	vld [tilespmem:s26+$0xFFFFFF10];
	v21 =	vadd.f32 v26, v21;
	v22 =	vadd.f32 v31, v22;
	v26 =	vmul.f32 v27, v27  }
0x277: {  	v31 =	vld [tilespmem:s26+$0xFFFFFF80];
	v7 =	vadd.f32 v24, v7;
	v20 =	vadd.f32 v23, v20;
	v23 =	vmul.f32 v25, v25  }
0x278: {  	v24 =	vld [tilespmem:s26+$0xFFFFFF90];
	v21 =	vadd.f32 v27, v21;
	v22 =	vadd.f32 v26, v22;
	v26 =	vmul.f32 v29, v29  }
0x279: {  	v27 =	vld [tilespmem:s26+$0x0];
	v7 =	vadd.f32 v25, v7;
	v20 =	vadd.f32 v23, v20;
	v23 =	vmul.f32 v28, v28  }
0x27a: {  	v25 =	vmul.f32 v32, v32;
	v33 =	vld [tilespmem:s26+$0x10];
	v21 =	vadd.f32 v29, v21;
	v22 =	vadd.f32 v26, v22  }
0x27b: {  	v26 =	vmul.f32 v30, v30;
	v29 =	vld [tilespmem:s26+$0x80];
	v7 =	vadd.f32 v28, v7;
	v20 =	vadd.f32 v23, v20  }
0x27c: {  	v8 =	vadd.f32 v32, v8;
	v10 =	vadd.f32 v25, v10;
	v23 =	vmul.f32 v31, v31;
	v25 =	vld [tilespmem:s26+$0x90]  }
0x27d: {  	v9 =	vadd.f32 v30, v9;
	v11 =	vadd.f32 v26, v11;
	v26 =	vld [tilespmem:s26+$0xFFFFFF20];
	v28 =	vmul.f32 v24, v24  }
0x27e: {  	v8 =	vadd.f32 v31, v8;
	v30 =	vld [tilespmem:s26+$0xFFFFFF30];
	v10 =	vadd.f32 v23, v10;
	v23 =	vmul.f32 v27, v27  }
0x27f: {  	v9 =	vadd.f32 v24, v9;
	v11 =	vadd.f32 v28, v11;
	v24 =	vld [tilespmem:s26+$0xFFFFFFA0];
	v28 =	vmul.f32 v33, v33  }
0x280: {  	v8 =	vadd.f32 v27, v8;
	v31 =	vld [tilespmem:s26+$0xFFFFFFB0];
	v10 =	vadd.f32 v23, v10;
	v23 =	vmul.f32 v29, v29  }
0x281: {  	v9 =	vadd.f32 v33, v9;
	v11 =	vadd.f32 v28, v11;
	v27 =	vld [tilespmem:s26+$0x20];
	v28 =	vmul.f32 v25, v25  }
0x282: {  	v8 =	vadd.f32 v29, v8;
	v32 =	vmul.f32 v26, v26;
	v33 =	vld [tilespmem:s26+$0x30];
	v10 =	vadd.f32 v23, v10  }
0x283: {  	v9 =	vadd.f32 v25, v9;
	v23 =	vmul.f32 v30, v30;
	v11 =	vadd.f32 v28, v11;
	v25 =	vld [tilespmem:s26+$0xA0]  }
0x284: {  	v14 =	vadd.f32 v26, v14;
	v15 =	vadd.f32 v32, v15;
	v26 =	vmul.f32 v24, v24;
	v28 =	vld [tilespmem:s26+$0xB0]  }
0x285: {  	v13 =	vadd.f32 v30, v13;
	v12 =	vadd.f32 v23, v12;
	v23 =	vld [tilespmem:s26+$0xFFFFFF40];
	v29 =	vmul.f32 v31, v31  }
0x286: {  	v14 =	vadd.f32 v24, v14;
	v30 =	vld [tilespmem:s26+$0xFFFFFF50];
	v15 =	vadd.f32 v26, v15;
	v24 =	vmul.f32 v27, v27  }
0x287: {  	v13 =	vadd.f32 v31, v13;
	v12 =	vadd.f32 v29, v12;
	v26 =	vld [tilespmem:s26+$0xFFFFFFC0];
	v29 =	vmul.f32 v33, v33  }
0x288: {  	v14 =	vadd.f32 v27, v14;
	v31 =	vld [tilespmem:s26+$0xFFFFFFD0];
	v15 =	vadd.f32 v24, v15;
	v24 =	vmul.f32 v25, v25  }
0x289: {  	v13 =	vadd.f32 v33, v13;
	v12 =	vadd.f32 v29, v12;
	v27 =	vld [tilespmem:s26+$0x40];
	v29 =	vmul.f32 v28, v28  }
0x28a: {  	v14 =	vadd.f32 v25, v14;
	v32 =	vmul.f32 v23, v23;
	v33 =	vld [tilespmem:s26+$0x50];
	v15 =	vadd.f32 v24, v15  }
0x28b: {  	v13 =	vadd.f32 v28, v13;
	v24 =	vmul.f32 v30, v30;
	v12 =	vadd.f32 v29, v12;
	v28 =	vld [tilespmem:s26+$0xC0]  }
0x28c: {  	v19 =	vadd.f32 v23, v19;
	v18 =	vadd.f32 v32, v18;
	v25 =	vmul.f32 v26, v26;
	v29 =	vld [tilespmem:s26+$0xD0]  }
0x28d: {  	v17 =	vadd.f32 v30, v17;
	v16 =	vadd.f32 v24, v16;
	v32 =	vld [tilespmem:s26+$0xFFFFFF60];
	v24 =	vmul.f32 v31, v31  }
0x28e: {  	s25 =	sadd.s32 $0x4, s25;
	v19 =	vadd.f32 v26, v19;
	v23 =	vld [tilespmem:s26+$0xFFFFFF70];
	v18 =	vadd.f32 v25, v18;
	v25 =	vmul.f32 v27, v27  }
0x28f: {  	p1 =	slt.u32 s25, $0xC4;
	v17 =	vadd.f32 v31, v17;
	v16 =	vadd.f32 v24, v16;
	v26 =	vld [tilespmem:s26+$0xFFFFFFE0];
	v30 =	vmul.f32 v33, v33  }
.Ltmp17:
0x290: {  	v19 =	vadd.f32 v27, v19;
	v24 =	vld [tilespmem:s26+$0xFFFFFFF0];
	v18 =	vadd.f32 v25, v18;
	v31 =	vmul.f32 v28, v28;
	(pc) =	sbr.rel @p1 .LBB2_30-.Ltmp17, $4  }
0x291: {  	v17 =	vadd.f32 v33, v17;
	v16 =	vadd.f32 v30, v16;
	v27 =	vld [tilespmem:s26+$0x60];
	v33 =	vmul.f32 v29, v29  }
0x292: {  	v19 =	vadd.f32 v28, v19;
	v34 =	vmul.f32 v32, v32;
	v25 =	vld [tilespmem:s26+$0x70];
	v18 =	vadd.f32 v31, v18  }
0x293: {  	v17 =	vadd.f32 v29, v17;
	v30 =	vmul.f32 v23, v23;
	v16 =	vadd.f32 v33, v16;
	v29 =	vld [tilespmem:s26+$0xE0]  }
0x294: {  	v21 =	vadd.f32 v32, v21;
	v22 =	vadd.f32 v34, v22;
	v31 =	vmul.f32 v26, v26;
	v28 =	vld [tilespmem:s26+$0xF0];
	s26 =	sadd.s32 $0x200, s26  }
0x295: {  	s24 =	sshll.u32 s24, $0x7  }
0x296: {  	[tilespmem:s24+$0xCB80] =	vst.add.f32.msk $0xffff, v8  }
0x297: {  	[tilespmem:s24+$0xEB80] =	vst.add.f32.msk $0xffff, v10  }
0x298: {  	[tilespmem:s24+$0xCB90] =	vst.add.f32.msk $0xffff, v9  }
0x299: {  	[tilespmem:s24+$0xEB90] =	vst.add.f32.msk $0xffff, v11  }
0x29a: {  	[tilespmem:s24+$0xCBA0] =	vst.add.f32.msk $0xffff, v14  }
0x29b: {  	[tilespmem:s24+$0xEBA0] =	vst.add.f32.msk $0xffff, v15  }
0x29c: {  	[tilespmem:s24+$0xCBB0] =	vst.add.f32.msk $0xffff, v13  }
0x29d: {  	v7 =	vadd.f32 v23, v7;
	v56 =	vmul.f32 v24, v24;
	v57 =	vadd.f32 v26, v21;
	[tilespmem:s24+$0xEBB0] =	vst.add.f32.msk $0xffff, v12  }
0x29e: {  	v8 =	vadd.f32 v30, v20;
	v58 =	vadd.f32 v31, v22;
	v59 =	vmul.f32 v27, v27;
	[tilespmem:s24+$0xCBC0] =	vst.add.f32.msk $0xffff, v19  }
0x29f: {  	[tilespmem:s24+$0xEBC0] =	vst.add.f32.msk $0xffff, v18;
	v7 =	vadd.f32 v24, v7;
	v61 =	vmul.f32 v25, v25;
	v60 =	vadd.f32 v27, v57  }
0x2a0: {  	[tilespmem:s24+$0xCBD0] =	vst.add.f32.msk $0xffff, v17;
	v8 =	vadd.f32 v56, v8;
	v11 =	vadd.f32 v59, v58;
	v62 =	vmul.f32 v29, v29  }
0x2a1: {  	[tilespmem:s24+$0xEBD0] =	vst.add.f32.msk $0xffff, v16;
	v7 =	vadd.f32 v25, v7;
	v9 =	vadd.f32 v29, v60  }
.Ltmp18:
0x2a2: {  	[tilespmem:s24+$0x10B80] =	vst.add.f32.msk $0xffff, v1;
	v63 =	vmul.f32 v28, v28;
	v8 =	vadd.f32 v61, v8;
	v11 =	vadd.f32 v62, v11;
	(pc) =	sbr.rel .LBB2_32-.Ltmp18, $4  }
0x2a3: {  	v7 =	vadd.f32 v28, v7;
	[tilespmem:s24+$0xCBE0] =	vst.add.f32.msk $0xffff, v9  }
0x2a4: {  	v8 =	vadd.f32 v63, v8;
	[tilespmem:s24+$0xEBE0] =	vst.add.f32.msk $0xffff, v11  }
0x2a5: {  	[tilespmem:s24+$0xCBF0] =	vst.add.f32.msk $0xffff, v7  }
0x2a6: {  	[tilespmem:s24+$0xEBF0] =	vst.add.f32.msk $0xffff, v8  }
.LBB2_26:
0x2a7: {  	_ =	sdelay $0x2  }
0x2a8: {  	s25 =	simm.s32 $0x0  }
0x2a9: {  	v7 =	vld.idx.msk [tilespmem:v6+s25+$0x0 ss:$0x1], $0xffff;
	_ =	sdelay $0x4  }
0x2aa: {  	(v2sf) =	vpush v7, $0x0;
	_ =	sdelay $0x9  }
0x2ab: {  	s24 =	simm.s32 $0x6440  }
0x2ac: {  	v7 =	vld [tilespmem:s24+$0xFFFFFFC0];
	_ =	sdelay $0x3  }
0x2ad: {  	s31 =	spop (v2sf)  }
0x2ae: {  	v8 =	vmul.f32 v7, v7;
	s25 =	sshll.u32 s31, $0x7  }
0x2af: {  	[tilespmem:s25+$0xCB80] =	vst.add.f32.msk $0xffff, v7  }
0x2b0: {  	[tilespmem:s25+$0xEB80] =	vst.add.f32.msk $0xffff, v8  }
0x2b1: {  	v7 =	vld [tilespmem:s24+$0xFFFFFFD0];
	_ =	sdelay $0x4  }
0x2b2: {  	v8 =	vmul.f32 v7, v7  }
0x2b3: {  	[tilespmem:s25+$0xCB90] =	vst.add.f32.msk $0xffff, v7  }
0x2b4: {  	[tilespmem:s25+$0xEB90] =	vst.add.f32.msk $0xffff, v8  }
0x2b5: {  	v7 =	vld [tilespmem:s24+$0xFFFFFFE0];
	_ =	sdelay $0x4  }
0x2b6: {  	v8 =	vmul.f32 v7, v7  }
0x2b7: {  	[tilespmem:s25+$0xCBA0] =	vst.add.f32.msk $0xffff, v7  }
0x2b8: {  	[tilespmem:s25+$0xEBA0] =	vst.add.f32.msk $0xffff, v8  }
0x2b9: {  	v7 =	vld [tilespmem:s24+$0xFFFFFFF0];
	_ =	sdelay $0x4  }
0x2ba: {  	v8 =	vmul.f32 v7, v7  }
0x2bb: {  	[tilespmem:s25+$0xCBB0] =	vst.add.f32.msk $0xffff, v7  }
0x2bc: {  	[tilespmem:s25+$0xEBB0] =	vst.add.f32.msk $0xffff, v8  }
0x2bd: {  	v7 =	vld [tilespmem:s24+$0x0];
	_ =	sdelay $0x4  }
0x2be: {  	v8 =	vmul.f32 v7, v7  }
0x2bf: {  	[tilespmem:s25+$0xCBC0] =	vst.add.f32.msk $0xffff, v7  }
0x2c0: {  	[tilespmem:s25+$0xEBC0] =	vst.add.f32.msk $0xffff, v8  }
0x2c1: {  	v7 =	vld [tilespmem:s24+$0x10];
	_ =	sdelay $0x4  }
0x2c2: {  	v8 =	vmul.f32 v7, v7  }
0x2c3: {  	[tilespmem:s25+$0xCBD0] =	vst.add.f32.msk $0xffff, v7  }
0x2c4: {  	[tilespmem:s25+$0xEBD0] =	vst.add.f32.msk $0xffff, v8  }
0x2c5: {  	v7 =	vld [tilespmem:s24+$0x20];
	_ =	sdelay $0x4  }
0x2c6: {  	v8 =	vmul.f32 v7, v7  }
0x2c7: {  	[tilespmem:s25+$0xCBE0] =	vst.add.f32.msk $0xffff, v7  }
0x2c8: {  	[tilespmem:s25+$0xEBE0] =	vst.add.f32.msk $0xffff, v8  }
0x2c9: {  	v7 =	vld [tilespmem:s24+$0x30];
	_ =	sdelay $0x3  }
0x2ca: {  	[tilespmem:s25+$0x10B80] =	vst.add.f32.msk $0xffff, v2  }
0x2cb: {  	s26 =	simm.s32 $0x4;
	[tilespmem:s25+$0xCBF0] =	vst.add.f32.msk $0xffff, v7;
	v7 =	vmul.f32 v7, v7  }
.LBB2_27:
0x2cc: {  	p1 =	sne.s32 s26, $0x31C  }
0x2cd: {  	s24 =	sadd.s32 $0x80, s24;
	s28 =	smov.u32 s26;
	s26 =	sadd.s32 $0x4, s26  }
0x2ce: {  	s28 =	sshra.s32 s28, $0x2;
	[tilespmem:s25+$0xEBF0] =	vst.add.f32.msk $0xffff, v7  }
0x2cf: {  	v7 =	vld.idx.msk [tilespmem:v6+s28+$0x0 ss:$0x1], $0xffff;
	_ =	sdelay $0x5  }
0x2d0: {  	(v2sf) =	vpush v7, $0x0;
	_ =	sdelay $0x9  }
0x2d1: {  	v7 =	vld [tilespmem:s24+$0xFFFFFFC0];
	_ =	sdelay $0x4  }
0x2d2: {  	v8 =	vmul.f32 v7, v7;
	s25 =	spop (v2sf)  }
0x2d3: {  	s25 =	sshll.u32 s25, $0x7  }
0x2d4: {  	[tilespmem:s25+$0xCB80] =	vst.add.f32.msk $0xffff, v7  }
0x2d5: {  	[tilespmem:s25+$0xEB80] =	vst.add.f32.msk $0xffff, v8  }
0x2d6: {  	v7 =	vld [tilespmem:s24+$0xFFFFFFD0];
	_ =	sdelay $0x4  }
0x2d7: {  	v8 =	vmul.f32 v7, v7  }
0x2d8: {  	[tilespmem:s25+$0xCB90] =	vst.add.f32.msk $0xffff, v7  }
0x2d9: {  	[tilespmem:s25+$0xEB90] =	vst.add.f32.msk $0xffff, v8  }
0x2da: {  	v7 =	vld [tilespmem:s24+$0xFFFFFFE0];
	_ =	sdelay $0x4  }
0x2db: {  	v8 =	vmul.f32 v7, v7  }
0x2dc: {  	[tilespmem:s25+$0xCBA0] =	vst.add.f32.msk $0xffff, v7  }
0x2dd: {  	[tilespmem:s25+$0xEBA0] =	vst.add.f32.msk $0xffff, v8  }
0x2de: {  	v7 =	vld [tilespmem:s24+$0xFFFFFFF0];
	_ =	sdelay $0x4  }
0x2df: {  	[tilespmem:s25+$0xCBB0] =	vst.add.f32.msk $0xffff, v7;
	v7 =	vmul.f32 v7, v7;
	_ =	sdelay $0x1  }
0x2e0: {  	[tilespmem:s25+$0xEBB0] =	vst.add.f32.msk $0xffff, v7  }
0x2e1: {  	v7 =	vld [tilespmem:s24+$0x0];
	_ =	sdelay $0x4  }
0x2e2: {  	[tilespmem:s25+$0xCBC0] =	vst.add.f32.msk $0xffff, v7;
	v7 =	vmul.f32 v7, v7;
	_ =	sdelay $0x1  }
0x2e3: {  	[tilespmem:s25+$0xEBC0] =	vst.add.f32.msk $0xffff, v7  }
0x2e4: {  	v7 =	vld [tilespmem:s24+$0x10];
	_ =	sdelay $0x4  }
0x2e5: {  	[tilespmem:s25+$0xCBD0] =	vst.add.f32.msk $0xffff, v7;
	v7 =	vmul.f32 v7, v7;
	_ =	sdelay $0x1  }
0x2e6: {  	[tilespmem:s25+$0xEBD0] =	vst.add.f32.msk $0xffff, v7  }
0x2e7: {  	v7 =	vld [tilespmem:s24+$0x20];
	_ =	sdelay $0x4  }
0x2e8: {  	[tilespmem:s25+$0xCBE0] =	vst.add.f32.msk $0xffff, v7;
	v7 =	vmul.f32 v7, v7;
	_ =	sdelay $0x1  }
0x2e9: {  	[tilespmem:s25+$0xEBE0] =	vst.add.f32.msk $0xffff, v7  }
0x2ea: {  	v7 =	vld [tilespmem:s24+$0x30]  }
.Ltmp19:
0x2eb: {  	[tilespmem:s25+$0x10B80] =	vst.add.f32.msk $0xffff, v2;
	(pc) =	sbr.rel @p1 .LBB2_27-.Ltmp19, $2  }
0x2ec: {  	_ =	sdelay $0x2  }
0x2ed: {  	[tilespmem:s25+$0xCBF0] =	vst.add.f32.msk $0xffff, v7;
	v7 =	vmul.f32 v7, v7  }
.Ltmp20:
0x2ee: {  	_ = 	snop;
	(pc) =	sbr.rel .LBB2_28-.Ltmp20, $1  }
0x2ef: {  	_ =	sdelay $0x3  }
.LBB2_33:
0x2f0: {  	_ =	sfence.sel $0x180000  }
0x2f1: {  	[bflag:$0x0] =	sbarrier.arrive $0xFFFF  }
0x2f2: {  	p0 =	sne.s32 s0, $0x0;
	_ =	strace $0x90000047  }
0x2f3: {  	s0 =	sadd.s32 @!p0 $0x100000, s1;
	[bflag:$0x2] =	sbarrier.arrive $0xFFFF  }
0x2f4: {  	[sflag:s0] =	ssyncadd.tile.s32 @!p0 $0x1;
	_ =	shalt  }
.Lfunc_end2:
_tile_overlayer_lowered:
.L_overlay_start_2:
0x2f5: {  	(tag) =	ssettag $0x2  }
0x2f6: {  	s0 =	rddreg [dreg:$0x0];
	s2 =	stileid.u32  }
0x2f7: {  	s1 =	rddreg [dreg:$0x1];
	p0 =	sne.s32 s2, $0x0  }
0x2f8: {  	s3 =	rddreg [dreg:$0x2];
	[bflag:$0x3] =	sbarrier.arrive $0xFFFF;
	s2 =	simm.s32 @!p0 $0x1C04  }
0x2f9: {  	[timem:s3], [sflag:s2] =	dma.local @!p0 [hbm:s0], s1  }
0x2fa: {  	s0 =	simm.s32 @!p0 $0x4  }
0x2fb: {  	_ =	swait.ge @!p0 [sflag:s0], s1  }
0x2fc: {  	s1 =	ssub.s32 @!p0 $0x0, s1;
	[sflag:s0] =	ssyncset.done @!p0 $0x0  }
0x2fd: {  	[sflag:s0] =	ssyncadd.s32 @!p0 s1  }
0x2fe: {  	[bflag:$0x3] =	sbarrier.arrive $0xFFFF  }
0x2ff: {  	_ =	shalt  }

</sc_bundles>
